<compile_context>
chip_gen: v7x
topology: tpu7x:2x2x1
jax: 0.10.2.dev20260603
libtpu: 0.0.44.dev20260713+nightly
codegen_flags: <defaults>
</compile_context>

<pallas_src>
import functools

import jax
import jax.numpy as jnp
from jax import lax
from jax.experimental import pallas as pl
from jax.experimental.pallas import tpu as pltpu
from jax.experimental.pallas import tpu_sc as plsc

N = 10000
E = 320000
D = 128
EPS = 1e-5

NC = 2
NS = 16
HALF = 5120
HROWS = 5248
RPT = HROWS // NS

NPAD = 10240


def _zero_2d(buf, rows, cols):
    z16 = jnp.zeros((16,), jnp.float32)

    def zr(r, carry):
        for c8 in range(cols // 16):
            buf[r, pl.ds(c8 * 16, 16)] = z16
        return carry

    lax.fori_loop(0, rows, zr, 0)


def _zero_1d(buf, n):
    z16 = jnp.zeros((16,), jnp.float32)

    def zr(r, carry):
        buf[pl.ds(r * 16, 16)] = z16
        return carry

    lax.fori_loop(0, n // 16, zr, 0)


_MESH = plsc.VectorSubcoreMesh(core_axis_name="c", subcore_axis_name="s")

NW = NC * NS
EPW = E // NW
BC = 128
CAP = 10256


@functools.partial(
    pl.kernel,
    out_type=(jax.ShapeDtypeStruct((2 * NW * CAP,), jnp.int32),
              jax.ShapeDtypeStruct((2 * NW * CAP,), jnp.int32),
              jax.ShapeDtypeStruct((2 * NW * 16,), jnp.int32)),
    mesh=_MESH,
    scratch_types=(
        pltpu.VMEM((EPW,), jnp.int32),
        pltpu.VMEM((EPW,), jnp.int32),
        pltpu.VMEM((CAP,), jnp.int32),
        pltpu.VMEM((CAP,), jnp.int32),
        pltpu.VMEM((CAP,), jnp.int32),
        pltpu.VMEM((CAP,), jnp.int32),
        pltpu.VMEM((16,), jnp.int32),
        pltpu.SemaphoreType.DMA,
    ),
    compiler_params=pltpu.CompilerParams(needs_layout_passes=False),
)
def _sc_partition(src_hbm, dst_hbm, srcs_out, dsts_out, cnts_out,
                  src_v, dst_v, srcA, dstA, srcB, dstB, cnt_v, sem):
    c = lax.axis_index("c")
    s = lax.axis_index("s")
    w = c * NS + s
    e0 = w * EPW
    lane = lax.iota(jnp.int32, 16)
    trash = jnp.int32(CAP - 16)

    pltpu.sync_copy(src_hbm.at[pl.ds(e0, EPW)], src_v)
    pltpu.sync_copy(dst_hbm.at[pl.ds(e0, EPW)], dst_v)

    def step(i, cnts):
        ca, cb = cnts
        j = i * 16
        s16 = src_v[pl.ds(j, 16)]
        d16 = dst_v[pl.ds(j, 16)]
        mA = d16 < HALF
        miA = jnp.where(mA, jnp.int32(1), jnp.int32(0))
        posA = jnp.cumsum(miA) - miA
        idxA = jnp.where(mA, ca + posA, trash + lane)
        plsc.store_scatter(srcA, [idxA], s16)
        plsc.store_scatter(dstA, [idxA], d16)
        ca = ca + jnp.sum(miA)
        miB = jnp.int32(1) - miA
        posB = jnp.cumsum(miB) - miB
        idxB = jnp.where(mA, trash + lane, cb + posB)
        plsc.store_scatter(srcB, [idxB], s16)
        plsc.store_scatter(dstB, [idxB], d16 - HALF)
        cb = cb + jnp.sum(miB)
        return ca, cb

    ca, cb = lax.fori_loop(0, EPW // 16, step, (jnp.int32(0), jnp.int32(0)))

    zero16 = jnp.zeros((16,), jnp.int32)
    garb16 = jnp.full((16,), HALF, jnp.int32)
    for k in range(BC // 16):
        srcA[pl.ds(ca + k * 16, 16)] = zero16
        dstA[pl.ds(ca + k * 16, 16)] = garb16
        srcB[pl.ds(cb + k * 16, 16)] = zero16
        dstB[pl.ds(cb + k * 16, 16)] = garb16
    ca = ((ca + (BC - 1)) // BC) * BC
    cb = ((cb + (BC - 1)) // BC) * BC

    oA = w * CAP
    oB = (NW + w) * CAP
    pltpu.sync_copy(srcA, srcs_out.at[pl.ds(oA, CAP)])
    pltpu.sync_copy(dstA, dsts_out.at[pl.ds(oA, CAP)])
    pltpu.sync_copy(srcB, srcs_out.at[pl.ds(oB, CAP)])
    pltpu.sync_copy(dstB, dsts_out.at[pl.ds(oB, CAP)])
    cnt_v[pl.ds(0, 16)] = zero16 + ca
    pltpu.sync_copy(cnt_v, cnts_out.at[pl.ds(w * 16, 16)])
    cnt_v[pl.ds(0, 16)] = zero16 + cb
    pltpu.sync_copy(cnt_v, cnts_out.at[pl.ds((NW + w) * 16, 16)])


def _make_sc_agg(with_deg):
    out_type = [jax.ShapeDtypeStruct((NC * HROWS, D), jnp.float32)]
    scratch = [
        pltpu.VMEM((CAP,), jnp.int32),
        pltpu.VMEM((BC,), jnp.int32),
        pltpu.VMEM((BC,), jnp.int32),
        pltpu.VMEM((BC, D), jnp.float32),
        pltpu.VMEM((BC, D), jnp.float32),
        pltpu.VMEM((RPT, D), jnp.float32),
        pltpu.VMEM((16,), jnp.int32),
        pltpu.VMEM_SHARED((HROWS, D), jnp.float32),
        pltpu.SemaphoreType.DMA,
        pltpu.SemaphoreType.DMA,
        pltpu.SemaphoreType.DMA,
    ]
    if with_deg:
        out_type.append(jax.ShapeDtypeStruct((NC * HROWS,), jnp.float32))
        scratch += [
            pltpu.VMEM((BC,), jnp.float32),
            pltpu.VMEM((336,), jnp.float32),
            pltpu.VMEM_SHARED((HROWS,), jnp.float32),
            pltpu.SemaphoreType.DMA,
            pltpu.SemaphoreType.DMA,
        ]

    @functools.partial(
        pl.kernel,
        out_type=tuple(out_type) if with_deg else out_type[0],
        mesh=_MESH,
        scratch_types=tuple(scratch),
        compiler_params=pltpu.CompilerParams(needs_layout_passes=False),
    )
    def agg(*refs):
        if with_deg:
            (h_hbm, srcs_hbm, dsts_hbm, cnts_hbm, out_hbm, deg_hbm,
             src_v, dst0_v, dst1_v, rows0_v, rows1_v, zbuf_v, cnt_v, acc_sh,
             sem, semS0, semS1,
             ones_v, dzero_v, deg_sh, semD0, semD1) = refs
        else:
            (h_hbm, srcs_hbm, dsts_hbm, cnts_hbm, out_hbm,
             src_v, dst0_v, dst1_v, rows0_v, rows1_v, zbuf_v, cnt_v, acc_sh,
             sem, semS0, semS1) = refs
        c = lax.axis_index("c")
        s = lax.axis_index("s")
        r0 = s * RPT

        _zero_2d(zbuf_v, RPT, D)
        pltpu.sync_copy(zbuf_v, acc_sh.at[pl.ds(r0, RPT)])
        if with_deg:
            _zero_1d(dzero_v, 336)
            one16 = jnp.full((16,), 1.0, jnp.float32)
            for k in range(BC // 16):
                ones_v[pl.ds(k * 16, 16)] = one16
            pltpu.sync_copy(dzero_v.at[pl.ds(0, RPT)],
                            deg_sh.at[pl.ds(r0, RPT)])
        plsc.subcore_barrier()

        for j in range(2):
            w = s * 2 + j
            region = (c * NW + w) * CAP
            pltpu.sync_copy(cnts_hbm.at[pl.ds((c * NW + w) * 16, 16)], cnt_v)
            cnt = jnp.max(cnt_v[pl.ds(0, 16)])
            pltpu.sync_copy(srcs_hbm.at[pl.ds(region, CAP)], src_v)
            nb = cnt // BC
            npairs = nb // 2
            odd = nb - 2 * npairs

            def halfstep(i, dst_v, rows_v, semS, semD, first):
                @pl.when(jnp.logical_not(first))
                def _():
                    pltpu.make_async_copy(rows_v, acc_sh.at[dst_v],
                                          semS).wait()
                    if with_deg:
                        pltpu.make_async_copy(ones_v, deg_sh.at[dst_v],
                                              semD).wait()
                b0 = region + i * BC
                pltpu.sync_copy(dsts_hbm.at[pl.ds(b0, BC)], dst_v)
                pltpu.async_copy(h_hbm.at[src_v.at[pl.ds(i * BC, BC)]],
                                 rows_v, sem).wait()
                pltpu.async_copy(rows_v, acc_sh.at[dst_v], semS, add=True)
                if with_deg:
                    pltpu.async_copy(ones_v, deg_sh.at[dst_v], semD, add=True)

            def pair(p, carry):
                halfstep(2 * p, dst0_v, rows0_v, semS0,
                         semD0 if with_deg else None, p == 0)
                halfstep(2 * p + 1, dst1_v, rows1_v, semS1,
                         semD1 if with_deg else None, p == 0)
                return carry

            lax.fori_loop(0, npairs, pair, 0)

            @pl.when(npairs > 0)
            def _():
                pltpu.make_async_copy(rows0_v, acc_sh.at[dst0_v],
                                      semS0).wait()
                pltpu.make_async_copy(rows1_v, acc_sh.at[dst1_v],
                                      semS1).wait()
                if with_deg:
                    pltpu.make_async_copy(ones_v, deg_sh.at[dst0_v],
                                          semD0).wait()
                    pltpu.make_async_copy(ones_v, deg_sh.at[dst1_v],
                                          semD1).wait()

            @pl.when(odd > 0)
            def _():
                b0 = region + 2 * npairs * BC
                pltpu.sync_copy(dsts_hbm.at[pl.ds(b0, BC)], dst0_v)
                pltpu.async_copy(
                    h_hbm.at[src_v.at[pl.ds(2 * npairs * BC, BC)]],
                    rows0_v, sem).wait()
                pltpu.sync_copy(rows0_v, acc_sh.at[dst0_v], add=True)
                if with_deg:
                    pltpu.sync_copy(ones_v, deg_sh.at[dst0_v], add=True)
        plsc.subcore_barrier()

        o0 = c * HROWS + r0
        pltpu.sync_copy(acc_sh.at[pl.ds(r0, RPT)], zbuf_v)
        pltpu.sync_copy(zbuf_v, out_hbm.at[pl.ds(o0, RPT)])
        if with_deg:
            pltpu.sync_copy(deg_sh.at[pl.ds(r0, RPT)],
                            dzero_v.at[pl.ds(0, RPT)])
            pltpu.sync_copy(dzero_v.at[pl.ds(0, RPT)],
                            deg_hbm.at[pl.ds(o0, RPT)])

    return agg


_sc_agg_deg = _make_sc_agg(True)
_sc_agg_nodeg = _make_sc_agg(False)


@functools.partial(
    pl.kernel,
    out_type=jax.ShapeDtypeStruct((NW * NPAD,), jnp.float32),
    mesh=_MESH,
    scratch_types=(
        pltpu.VMEM((EPW,), jnp.int32),
        pltpu.VMEM((EPW,), jnp.int32),
        pltpu.VMEM((NPAD,), jnp.float32),
        pltpu.VMEM((NPAD,), jnp.float32),
        pltpu.SemaphoreType.DMA,
    ),
    compiler_params=pltpu.CompilerParams(needs_layout_passes=False),
)
def _sc_agg_scalar(t_hbm, src_hbm, dst_hbm, out_hbm,
                   src_v, dst_v, tloc_v, hist_v, sem):
    c = lax.axis_index("c")
    s = lax.axis_index("s")
    w = c * NS + s
    e0 = w * EPW

    _zero_1d(hist_v, NPAD)
    pltpu.sync_copy(t_hbm, tloc_v.at[pl.ds(0, N)])
    pltpu.sync_copy(src_hbm.at[pl.ds(e0, EPW)], src_v)
    pltpu.sync_copy(dst_hbm.at[pl.ds(e0, EPW)], dst_v)

    def step(i, carry):
        j = i * 16
        s16 = src_v[pl.ds(j, 16)]
        d16 = dst_v[pl.ds(j, 16)]
        vals = plsc.load_gather(tloc_v, [s16])
        plsc.addupdate_scatter(hist_v, [d16], vals)
        return carry

    lax.fori_loop(0, EPW // 16, step, 0)
    pltpu.sync_copy(hist_v, out_hbm.at[pl.ds(w * NPAD, NPAD)])


def _dense_layer(agg, deg, h, Wn, Ws, b, g, be):

    def body(agg_ref, deg_ref, h_ref, Wn_ref, Ws_ref, b_ref, g_ref, be_ref,
             o_ref):
        deg = jnp.maximum(deg_ref[...], 1.0)
        agg_m = agg_ref[...] / deg
        lin = (jnp.dot(agg_m, Wn_ref[...], preferred_element_type=jnp.float32)
               + jnp.dot(h_ref[...], Ws_ref[...],
                         preferred_element_type=jnp.float32)
               + b_ref[...])
        mu = jnp.mean(lin, axis=0, keepdims=True)
        cen = lin - mu
        var = jnp.mean(cen * cen, axis=0, keepdims=True)
        y = cen * lax.rsqrt(var + EPS) * g_ref[...] + be_ref[...]
        o_ref[...] = jnp.maximum(y, 0.0)

    return pl.pallas_call(
        body,
        out_shape=jax.ShapeDtypeStruct((N, D), jnp.float32),
    )(agg, deg, h, Wn, Ws, b, g, be)


def _dense_layer2(agg, deg, h, Wn, Ws, b, g, be, W3):

    def body(agg_ref, deg_ref, h_ref, Wn_ref, Ws_ref, b_ref, g_ref, be_ref,
             W3_ref, ts_ref):
        deg = jnp.maximum(deg_ref[...], 1.0)
        agg_m = agg_ref[...] / deg
        lin = (jnp.dot(agg_m, Wn_ref[...], preferred_element_type=jnp.float32)
               + jnp.dot(h_ref[...], Ws_ref[...],
                         preferred_element_type=jnp.float32)
               + b_ref[...])
        mu = jnp.mean(lin, axis=0, keepdims=True)
        cen = lin - mu
        var = jnp.mean(cen * cen, axis=0, keepdims=True)
        h2 = jnp.maximum(cen * lax.rsqrt(var + EPS) * g_ref[...] + be_ref[...],
                         0.0)
        ts_ref[...] = jnp.dot(h2, W3_ref[...],
                              preferred_element_type=jnp.float32)

    return pl.pallas_call(
        body,
        out_shape=jax.ShapeDtypeStruct((N, 2), jnp.float32),
    )(agg, deg, h, Wn, Ws, b, g, be, W3)


def _final_layer(agg3p, deg, s, b3):

    def body(agg3p_ref, deg_ref, s_ref, b3_ref, o_ref):
        deg = jnp.maximum(deg_ref[...], 1.0)
        agg3 = jnp.sum(agg3p_ref[...], axis=1, keepdims=True)
        lin = agg3 / deg + s_ref[...] + b3_ref[...]
        o_ref[...] = jax.nn.sigmoid(lin)

    return pl.pallas_call(
        body,
        out_shape=jax.ShapeDtypeStruct((N, 1), jnp.float32),
    )(agg3p, deg, s, b3)


def _agg_full(table):
    halves = table.reshape(NC, HROWS, D)[:, :HALF]
    return halves.reshape(NC * HALF, D)[:N]


def _deg_full(degh):
    halves = degh.reshape(NC, HROWS)[:, :HALF]
    return halves.reshape(NC * HALF)[:N].reshape(N, 1)


def kernel(x, edge_index, Wn1, Ws1, b1, g1, be1, Wn2, Ws2, b2, g2, be2,
           Wn3, Ws3, b3):
    src = edge_index[0].astype(jnp.int32)
    dst = edge_index[1].astype(jnp.int32)

    srcs_p, dsts_p, cnts_p = _sc_partition(src, dst)

    agg1_raw, deg_raw = _sc_agg_deg(x, srcs_p, dsts_p, cnts_p)
    agg1 = _agg_full(agg1_raw)
    deg = _deg_full(deg_raw)
    h1 = _dense_layer(agg1, deg, x, Wn1, Ws1, b1.reshape(1, D),
                      g1.reshape(1, D), be1.reshape(1, D))

    agg2_raw = _sc_agg_nodeg(h1, srcs_p, dsts_p, cnts_p)
    agg2 = _agg_full(agg2_raw)
    W3 = jnp.concatenate([Wn3, Ws3], axis=1)
    ts = _dense_layer2(agg2, deg, h1, Wn2, Ws2, b2.reshape(1, D),
                       g2.reshape(1, D), be2.reshape(1, D), W3)
    t = ts[:, 0:1].reshape(N)
    s = ts[:, 1:2]

    agg3p = _sc_agg_scalar(t, src, dst).reshape(NW, NPAD)[:, :N].T

    out = _final_layer(agg3p, deg, s, b3.reshape(1, 1))
    return out.reshape(N)

# --- scband reference (transcript-rebuilt; emitter-appended) ---
"""Pipeline reference for scband-hybrid-ghost-gnn-40450001994225 (READ-ONLY COPY).

The authoritative reference and input builder live on the scoring server;
editing this copy changes nothing except your own understanding.
"""

import jax, jax.numpy as jnp
import numpy as np

N_NODES = 10000
N_EDGES = 320000
D_IN = 128
D_HID = 128
EPS = 1e-5


def _glorot(key, shape):
    fan_in, fan_out = shape[0], shape[1]
    limit = np.sqrt(6.0 / (fan_in + fan_out))
    return jax.random.uniform(key, shape, jnp.float32, -limit, limit)


def setup_inputs(seed: int = 0) -> dict:
    key = jax.random.key(seed)
    ks = jax.random.split(key, 16)
    x = jax.random.normal(ks[0], (N_NODES, D_IN), jnp.float32)
    edge_index = jax.random.randint(ks[1], (2, N_EDGES), 0, N_NODES, jnp.int64)
    inp = {
        "x": x,
        "edge_index": edge_index,
        # layer 1: SAGEConv(128 -> 128)
        "Wn1": _glorot(ks[2], (D_IN, D_HID)),
        "Ws1": _glorot(ks[3], (D_IN, D_HID)),
        "b1": jnp.zeros((D_HID,), jnp.float32),
        "g1": jnp.ones((D_HID,), jnp.float32),
        "be1": jnp.zeros((D_HID,), jnp.float32),
        # layer 2: SAGEConv(128 -> 128)
        "Wn2": _glorot(ks[4], (D_HID, D_HID)),
        "Ws2": _glorot(ks[5], (D_HID, D_HID)),
        "b2": jnp.zeros((D_HID,), jnp.float32),
        "g2": jnp.ones((D_HID,), jnp.float32),
        "be2": jnp.zeros((D_HID,), jnp.float32),
        # layer 3: SAGEConv(128 -> 1)
        "Wn3": _glorot(ks[6], (D_HID, 1)),
        "Ws3": _glorot(ks[7], (D_HID, 1)),
        "b3": jnp.zeros((1,), jnp.float32),
    }
    return inp


def _sage_conv(x, src, dst, Wn, Ws, b):
    # mean aggregation of source-node features onto destination nodes
    msgs = jnp.take(x, src, axis=0)
    agg = jax.ops.segment_sum(msgs, dst, num_segments=N_NODES)
    deg = jax.ops.segment_sum(jnp.ones((src.shape[0],), jnp.float32), dst,
                              num_segments=N_NODES)
    agg = agg / jnp.clip(deg, 1.0, None)[:, None]
    return agg @ Wn + x @ Ws + b


def _batch_norm(x, gamma, beta):
    mu = jnp.mean(x, axis=0, keepdims=True)
    var = jnp.var(x, axis=0, keepdims=True)
    return (x - mu) / jnp.sqrt(var + EPS) * gamma + beta


def reference(x, edge_index, Wn1, Ws1, b1, g1, be1, Wn2, Ws2, b2, g2, be2,
              Wn3, Ws3, b3):
    src = edge_index[0]
    dst = edge_index[1]
    h = _sage_conv(x, src, dst, Wn1, Ws1, b1)
    h = _batch_norm(h, g1, be1)
    h = jax.nn.relu(h)
    h = _sage_conv(h, src, dst, Wn2, Ws2, b2)
    h = _batch_norm(h, g2, be2)
    h = jax.nn.relu(h)
    h = _sage_conv(h, src, dst, Wn3, Ws3, b3)
    h = jax.nn.sigmoid(h)
    return jnp.squeeze(h, axis=-1)

if __name__ == "__main__":
    import jax
    _d = setup_inputs()
    print(jax.jit(kernel)(*tuple(_d.values())))

</pallas_src>

<mosaic_0001>
#map = affine_map<(d0, d1) -> (0)>
module attributes {stable_mosaic.version = 14 : i64} {
  func.func @_sc_partition(%arg0: i32, %arg1: i32, %arg2: memref<320000xi32, #tpu.memory_space<hbm>>, %arg3: memref<320000xi32, #tpu.memory_space<hbm>>, %arg4: memref<656384xi32, #tpu.memory_space<hbm>>, %arg5: memref<656384xi32, #tpu.memory_space<hbm>>, %arg6: memref<1024xi32, #tpu.memory_space<hbm>>, %arg7: memref<10000xi32, #tpu.memory_space<vmem>>, %arg8: memref<10000xi32, #tpu.memory_space<vmem>>, %arg9: memref<10256xi32, #tpu.memory_space<vmem>>, %arg10: memref<10256xi32, #tpu.memory_space<vmem>>, %arg11: memref<10256xi32, #tpu.memory_space<vmem>>, %arg12: memref<10256xi32, #tpu.memory_space<vmem>>, %arg13: memref<16xi32, #tpu.memory_space<vmem>>, %arg14: memref<!tpu.dma_semaphore, #tpu.memory_space<semaphore_mem>>) attributes {dimension_semantics = [#tpu.dimension_semantics<core_parallel>, #tpu.dimension_semantics<subcore_parallel>], iteration_bounds = array<i64: 2, 16>, scalar_prefetch = 0 : i64, scratch_operands = 8 : i64, tpu.core_type = #tpu.core_type<sc_vector_subcore>, window_params = [{transform_indices = #map}, {transform_indices = #map}, {transform_indices = #map}, {transform_indices = #map}, {transform_indices = #map}]} {
    %mul3A = arith.constant 16 : i32
    %mul3A_0 = arith.muli %arg0, %mul3A : i32
    %add3A = arith.addi %mul3A_0, %arg1 : i32
    %mul3A_1 = arith.constant 10000 : i32
    %mul3A_2 = arith.muli %add3A, %mul3A_1 : i32
    %iota3A = tpu.iota {dimensions = array<i32: 0>} : vector<16xi32>
    "tpu.region"() ({
      %run_scoped3A = tpu.sem_alloc : memref<!tpu.dma_semaphore, #tpu.memory_space<semaphore_mem>>
      %dma_start3A = tpu.memref_slice %arg2[%mul3A_2] : memref<320000xi32, #tpu.memory_space<hbm>> -> memref<10000xi32, #tpu.memory_space<hbm>>
      %dma_start3A_209 = tpu.memref_slice %arg2[%mul3A_2] : memref<320000xi32, #tpu.memory_space<hbm>> -> memref<10000xi32, #tpu.memory_space<hbm>>
      tpu.enqueue_dma source(%dma_start3A_209 : memref<10000xi32, #tpu.memory_space<hbm>>) target(%arg7 : memref<10000xi32, #tpu.memory_space<vmem>>) target_semaphore(%run_scoped3A : memref<!tpu.dma_semaphore, #tpu.memory_space<semaphore_mem>>)
      %dma_wait3A = tpu.memref_slice %arg2[%mul3A_2] : memref<320000xi32, #tpu.memory_space<hbm>> -> memref<10000xi32, #tpu.memory_space<hbm>>
      %dma_wait3A_210 = tpu.memref_slice %arg2[%mul3A_2] : memref<320000xi32, #tpu.memory_space<hbm>> -> memref<10000xi32, #tpu.memory_space<hbm>>
      tpu.wait_dma2 semaphore(%run_scoped3A : memref<!tpu.dma_semaphore, #tpu.memory_space<semaphore_mem>>) src(%dma_wait3A_210 : memref<10000xi32, #tpu.memory_space<hbm>>) dst(%arg7 : memref<10000xi32, #tpu.memory_space<vmem>>)
      tpu.yield
    }) : () -> ()
    "tpu.region"() ({
      %run_scoped3A = tpu.sem_alloc : memref<!tpu.dma_semaphore, #tpu.memory_space<semaphore_mem>>
      %dma_start3A = tpu.memref_slice %arg3[%mul3A_2] : memref<320000xi32, #tpu.memory_space<hbm>> -> memref<10000xi32, #tpu.memory_space<hbm>>
      %dma_start3A_209 = tpu.memref_slice %arg3[%mul3A_2] : memref<320000xi32, #tpu.memory_space<hbm>> -> memref<10000xi32, #tpu.memory_space<hbm>>
      tpu.enqueue_dma source(%dma_start3A_209 : memref<10000xi32, #tpu.memory_space<hbm>>) target(%arg8 : memref<10000xi32, #tpu.memory_space<vmem>>) target_semaphore(%run_scoped3A : memref<!tpu.dma_semaphore, #tpu.memory_space<semaphore_mem>>)
      %dma_wait3A = tpu.memref_slice %arg3[%mul3A_2] : memref<320000xi32, #tpu.memory_space<hbm>> -> memref<10000xi32, #tpu.memory_space<hbm>>
      %dma_wait3A_210 = tpu.memref_slice %arg3[%mul3A_2] : memref<320000xi32, #tpu.memory_space<hbm>> -> memref<10000xi32, #tpu.memory_space<hbm>>
      tpu.wait_dma2 semaphore(%run_scoped3A : memref<!tpu.dma_semaphore, #tpu.memory_space<semaphore_mem>>) src(%dma_wait3A_210 : memref<10000xi32, #tpu.memory_space<hbm>>) dst(%arg8 : memref<10000xi32, #tpu.memory_space<vmem>>)
      tpu.yield
    }) : () -> ()
    %scan3A = arith.constant 10240 : i32
    %scan3A_3 = arith.constant 0 : i32
    %scan3A_4 = arith.constant 0 : i32
    %scan3A_5 = arith.constant 0 : i32
    %scan3A_6 = arith.constant 625 : i32
    %scan3A_7 = arith.addi %scan3A_5, %scan3A_6 : i32
    %scan3A_8 = arith.constant 1 : i32
    %scan3A_9:2 = scf.for %scan3A_209 = %scan3A_5 to %scan3A_7 step %scan3A_8 iter_args(%scan3A_210 = %scan3A_3, %scan3A_211 = %scan3A_4) -> (i32, i32)  : i32 {
      %mul3A_212 = arith.constant 16 : i32
      %mul3A_213 = arith.muli %scan3A_209, %mul3A_212 : i32
      %get3A = arith.index_cast %mul3A_213 : i32 to index
      %get3A_214 = tpu.vector_load %arg7[%get3A] {strides = array<i32>} : memref<10000xi32, #tpu.memory_space<vmem>>, vector<16xi32>,
      %get3A_215 = arith.index_cast %mul3A_213 : i32 to index
      %get3A_216 = tpu.vector_load %arg8[%get3A_215] {strides = array<i32>} : memref<10000xi32, #tpu.memory_space<vmem>>, vector<16xi32>,
      %lt3A = arith.constant 5120 : i32
      %lt3A_217 = vector.broadcast %lt3A : i32 to vector<16xi32>
      %lt3A_218 = arith.cmpi slt, %get3A_216, %lt3A_217 : vector<16xi32>
      %jit3A_219 = arith.constant 1 : i32
      %jit3A_220 = arith.constant 0 : i32
      %broadcast_in_dim3A_221 = vector.broadcast %jit3A_219 : i32 to vector<16xi32>
      %broadcast_in_dim3A_222 = vector.broadcast %jit3A_220 : i32 to vector<16xi32>
      %select_n3A_223 = arith.select %lt3A_218, %broadcast_in_dim3A_221, %broadcast_in_dim3A_222 : vector<16xi1>, vector<16xi32>
      %cumsum3A = arith.constant true
      %cumsum3A_224 = vector.broadcast %cumsum3A : i1 to vector<16xi1>
      %cumsum3A_225 = tpu.scan <sum>, %select_n3A_223 masked %cumsum3A_224 : vector<16xi32>, vector<16xi1> -> vector<16xi32>
      %sub3A_226 = arith.subi %cumsum3A_225, %select_n3A_223 : vector<16xi32>
      %add3A_227 = vector.broadcast %scan3A_210 : i32 to vector<16xi32>
      %add3A_228 = arith.addi %add3A_227, %sub3A_226 : vector<16xi32>
      %add3A_229 = vector.broadcast %scan3A : i32 to vector<16xi32>
      %add3A_230 = arith.addi %add3A_229, %iota3A : vector<16xi32>
      %select_n3A_231 = arith.select %lt3A_218, %add3A_228, %add3A_230 : vector<16xi1>, vector<16xi32>
      tpu.vector_store_idx %arg9[%select_n3A_231], %get3A_214 : memref<10256xi32, #tpu.memory_space<vmem>>[vector<16xi32>], vector<16xi32>,
      tpu.vector_store_idx %arg10[%select_n3A_231], %get3A_216 : memref<10256xi32, #tpu.memory_space<vmem>>[vector<16xi32>], vector<16xi32>,
      %reduce_sum3A = arith.constant true
      %reduce_sum3A_232 = vector.broadcast %reduce_sum3A : i1 to vector<16xi1>
      %reduce_sum3A_233 = tpu.scan <sum>, %select_n3A_223 masked %reduce_sum3A_232 : vector<16xi32>, vector<16xi1> -> vector<16xi32>
      %reduce_sum3A_234 = vector.extract %reduce_sum3A_233[15] : i32 from vector<16xi32>
      %add3A_235 = arith.addi %scan3A_210, %reduce_sum3A_234 : i32
      %sub3A_236 = arith.constant 1 : i32
      %sub3A_237 = vector.broadcast %sub3A_236 : i32 to vector<16xi32>
      %sub3A_238 = arith.subi %sub3A_237, %select_n3A_223 : vector<16xi32>
      %cumsum3A_239 = arith.constant true
      %cumsum3A_240 = vector.broadcast %cumsum3A_239 : i1 to vector<16xi1>
      %cumsum3A_241 = tpu.scan <sum>, %sub3A_238 masked %cumsum3A_240 : vector<16xi32>, vector<16xi1> -> vector<16xi32>
      %sub3A_242 = arith.subi %cumsum3A_241, %sub3A_238 : vector<16xi32>
      %add3A_243 = vector.broadcast %scan3A : i32 to vector<16xi32>
      %add3A_244 = arith.addi %add3A_243, %iota3A : vector<16xi32>
      %add3A_245 = vector.broadcast %scan3A_211 : i32 to vector<16xi32>
      %add3A_246 = arith.addi %add3A_245, %sub3A_242 : vector<16xi32>
      %select_n3A_247 = arith.select %lt3A_218, %add3A_244, %add3A_246 : vector<16xi1>, vector<16xi32>
      tpu.vector_store_idx %arg11[%select_n3A_247], %get3A_214 : memref<10256xi32, #tpu.memory_space<vmem>>[vector<16xi32>], vector<16xi32>,
      %sub3A_248 = arith.constant 5120 : i32
      %sub3A_249 = vector.broadcast %sub3A_248 : i32 to vector<16xi32>
      %sub3A_250 = arith.subi %get3A_216, %sub3A_249 : vector<16xi32>
      tpu.vector_store_idx %arg12[%select_n3A_247], %sub3A_250 : memref<10256xi32, #tpu.memory_space<vmem>>[vector<16xi32>], vector<16xi32>,
      %reduce_sum3A_251 = arith.constant true
      %reduce_sum3A_252 = vector.broadcast %reduce_sum3A_251 : i1 to vector<16xi1>
      %reduce_sum3A_253 = tpu.scan <sum>, %sub3A_238 masked %reduce_sum3A_252 : vector<16xi32>, vector<16xi1> -> vector<16xi32>
      %reduce_sum3A_254 = vector.extract %reduce_sum3A_253[15] : i32 from vector<16xi32>
      %add3A_255 = arith.addi %scan3A_211, %reduce_sum3A_254 : i32
      scf.yield %add3A_235, %add3A_255 : i32, i32
    }
    %scan3A_10 = arith.constant 625 : i32
    %broadcast_in_dim3A = arith.constant 0 : i32
    %broadcast_in_dim3A_11 = vector.broadcast %broadcast_in_dim3A : i32 to vector<16xi32>
    %broadcast_in_dim3A_12 = arith.constant 5120 : i32
    %broadcast_in_dim3A_13 = vector.broadcast %broadcast_in_dim3A_12 : i32 to vector<16xi32>
    %add3A_14 = arith.constant 0 : i32
    %add3A_15 = arith.addi %scan3A_9#0, %add3A_14 : i32
    %swap3A = arith.index_cast %add3A_15 : i32 to index
    %swap3A_16 = tpu.vector_load %arg9[%swap3A] {strides = array<i32>} : memref<10256xi32, #tpu.memory_space<vmem>>, vector<16xi32>,
    tpu.vector_store %arg9[%swap3A], %broadcast_in_dim3A_11 {strides = array<i32>} : memref<10256xi32, #tpu.memory_space<vmem>>, vector<16xi32>,
    %add3A_17 = arith.constant 0 : i32
    %add3A_18 = arith.addi %scan3A_9#0, %add3A_17 : i32
    %swap3A_19 = arith.index_cast %add3A_18 : i32 to index
    %swap3A_20 = tpu.vector_load %arg10[%swap3A_19] {strides = array<i32>} : memref<10256xi32, #tpu.memory_space<vmem>>, vector<16xi32>,
    tpu.vector_store %arg10[%swap3A_19], %broadcast_in_dim3A_13 {strides = array<i32>} : memref<10256xi32, #tpu.memory_space<vmem>>, vector<16xi32>,
    %add3A_21 = arith.constant 0 : i32
    %add3A_22 = arith.addi %scan3A_9#1, %add3A_21 : i32
    %swap3A_23 = arith.index_cast %add3A_22 : i32 to index
    %swap3A_24 = tpu.vector_load %arg11[%swap3A_23] {strides = array<i32>} : memref<10256xi32, #tpu.memory_space<vmem>>, vector<16xi32>,
    tpu.vector_store %arg11[%swap3A_23], %broadcast_in_dim3A_11 {strides = array<i32>} : memref<10256xi32, #tpu.memory_space<vmem>>, vector<16xi32>,
    %add3A_25 = arith.constant 0 : i32
    %add3A_26 = arith.addi %scan3A_9#1, %add3A_25 : i32
    %swap3A_27 = arith.index_cast %add3A_26 : i32 to index
    %swap3A_28 = tpu.vector_load %arg12[%swap3A_27] {strides = array<i32>} : memref<10256xi32, #tpu.memory_space<vmem>>, vector<16xi32>,
    tpu.vector_store %arg12[%swap3A_27], %broadcast_in_dim3A_13 {strides = array<i32>} : memref<10256xi32, #tpu.memory_space<vmem>>, vector<16xi32>,
    %add3A_29 = arith.constant 16 : i32
    %add3A_30 = arith.addi %scan3A_9#0, %add3A_29 : i32
    %swap3A_31 = arith.index_cast %add3A_30 : i32 to index
    %swap3A_32 = tpu.vector_load %arg9[%swap3A_31] {strides = array<i32>} : memref<10256xi32, #tpu.memory_space<vmem>>, vector<16xi32>,
    tpu.vector_store %arg9[%swap3A_31], %broadcast_in_dim3A_11 {strides = array<i32>} : memref<10256xi32, #tpu.memory_space<vmem>>, vector<16xi32>,
    %add3A_33 = arith.constant 16 : i32
    %add3A_34 = arith.addi %scan3A_9#0, %add3A_33 : i32
    %swap3A_35 = arith.index_cast %add3A_34 : i32 to index
    %swap3A_36 = tpu.vector_load %arg10[%swap3A_35] {strides = array<i32>} : memref<10256xi32, #tpu.memory_space<vmem>>, vector<16xi32>,
    tpu.vector_store %arg10[%swap3A_35], %broadcast_in_dim3A_13 {strides = array<i32>} : memref<10256xi32, #tpu.memory_space<vmem>>, vector<16xi32>,
    %add3A_37 = arith.constant 16 : i32
    %add3A_38 = arith.addi %scan3A_9#1, %add3A_37 : i32
    %swap3A_39 = arith.index_cast %add3A_38 : i32 to index
    %swap3A_40 = tpu.vector_load %arg11[%swap3A_39] {strides = array<i32>} : memref<10256xi32, #tpu.memory_space<vmem>>, vector<16xi32>,
    tpu.vector_store %arg11[%swap3A_39], %broadcast_in_dim3A_11 {strides = array<i32>} : memref<10256xi32, #tpu.memory_space<vmem>>, vector<16xi32>,
    %add3A_41 = arith.constant 16 : i32
    %add3A_42 = arith.addi %scan3A_9#1, %add3A_41 : i32
    %swap3A_43 = arith.index_cast %add3A_42 : i32 to index
    %swap3A_44 = tpu.vector_load %arg12[%swap3A_43] {strides = array<i32>} : memref<10256xi32, #tpu.memory_space<vmem>>, vector<16xi32>,
    tpu.vector_store %arg12[%swap3A_43], %broadcast_in_dim3A_13 {strides = array<i32>} : memref<10256xi32, #tpu.memory_space<vmem>>, vector<16xi32>,
    %add3A_45 = arith.constant 32 : i32
    %add3A_46 = arith.addi %scan3A_9#0, %add3A_45 : i32
    %swap3A_47 = arith.index_cast %add3A_46 : i32 to index
    %swap3A_48 = tpu.vector_load %arg9[%swap3A_47] {strides = array<i32>} : memref<10256xi32, #tpu.memory_space<vmem>>, vector<16xi32>,
    tpu.vector_store %arg9[%swap3A_47], %broadcast_in_dim3A_11 {strides = array<i32>} : memref<10256xi32, #tpu.memory_space<vmem>>, vector<16xi32>,
    %add3A_49 = arith.constant 32 : i32
    %add3A_50 = arith.addi %scan3A_9#0, %add3A_49 : i32
    %swap3A_51 = arith.index_cast %add3A_50 : i32 to index
    %swap3A_52 = tpu.vector_load %arg10[%swap3A_51] {strides = array<i32>} : memref<10256xi32, #tpu.memory_space<vmem>>, vector<16xi32>,
    tpu.vector_store %arg10[%swap3A_51], %broadcast_in_dim3A_13 {strides = array<i32>} : memref<10256xi32, #tpu.memory_space<vmem>>, vector<16xi32>,
    %add3A_53 = arith.constant 32 : i32
    %add3A_54 = arith.addi %scan3A_9#1, %add3A_53 : i32
    %swap3A_55 = arith.index_cast %add3A_54 : i32 to index
    %swap3A_56 = tpu.vector_load %arg11[%swap3A_55] {strides = array<i32>} : memref<10256xi32, #tpu.memory_space<vmem>>, vector<16xi32>,
    tpu.vector_store %arg11[%swap3A_55], %broadcast_in_dim3A_11 {strides = array<i32>} : memref<10256xi32, #tpu.memory_space<vmem>>, vector<16xi32>,
    %add3A_57 = arith.constant 32 : i32
    %add3A_58 = arith.addi %scan3A_9#1, %add3A_57 : i32
    %swap3A_59 = arith.index_cast %add3A_58 : i32 to index
    %swap3A_60 = tpu.vector_load %arg12[%swap3A_59] {strides = array<i32>} : memref<10256xi32, #tpu.memory_space<vmem>>, vector<16xi32>,
    tpu.vector_store %arg12[%swap3A_59], %broadcast_in_dim3A_13 {strides = array<i32>} : memref<10256xi32, #tpu.memory_space<vmem>>, vector<16xi32>,
    %add3A_61 = arith.constant 48 : i32
    %add3A_62 = arith.addi %scan3A_9#0, %add3A_61 : i32
    %swap3A_63 = arith.index_cast %add3A_62 : i32 to index
    %swap3A_64 = tpu.vector_load %arg9[%swap3A_63] {strides = array<i32>} : memref<10256xi32, #tpu.memory_space<vmem>>, vector<16xi32>,
    tpu.vector_store %arg9[%swap3A_63], %broadcast_in_dim3A_11 {strides = array<i32>} : memref<10256xi32, #tpu.memory_space<vmem>>, vector<16xi32>,
    %add3A_65 = arith.constant 48 : i32
    %add3A_66 = arith.addi %scan3A_9#0, %add3A_65 : i32
    %swap3A_67 = arith.index_cast %add3A_66 : i32 to index
    %swap3A_68 = tpu.vector_load %arg10[%swap3A_67] {strides = array<i32>} : memref<10256xi32, #tpu.memory_space<vmem>>, vector<16xi32>,
    tpu.vector_store %arg10[%swap3A_67], %broadcast_in_dim3A_13 {strides = array<i32>} : memref<10256xi32, #tpu.memory_space<vmem>>, vector<16xi32>,
    %add3A_69 = arith.constant 48 : i32
    %add3A_70 = arith.addi %scan3A_9#1, %add3A_69 : i32
    %swap3A_71 = arith.index_cast %add3A_70 : i32 to index
    %swap3A_72 = tpu.vector_load %arg11[%swap3A_71] {strides = array<i32>} : memref<10256xi32, #tpu.memory_space<vmem>>, vector<16xi32>,
    tpu.vector_store %arg11[%swap3A_71], %broadcast_in_dim3A_11 {strides = array<i32>} : memref<10256xi32, #tpu.memory_space<vmem>>, vector<16xi32>,
    %add3A_73 = arith.constant 48 : i32
    %add3A_74 = arith.addi %scan3A_9#1, %add3A_73 : i32
    %swap3A_75 = arith.index_cast %add3A_74 : i32 to index
    %swap3A_76 = tpu.vector_load %arg12[%swap3A_75] {strides = array<i32>} : memref<10256xi32, #tpu.memory_space<vmem>>, vector<16xi32>,
    tpu.vector_store %arg12[%swap3A_75], %broadcast_in_dim3A_13 {strides = array<i32>} : memref<10256xi32, #tpu.memory_space<vmem>>, vector<16xi32>,
    %add3A_77 = arith.constant 64 : i32
    %add3A_78 = arith.addi %scan3A_9#0, %add3A_77 : i32
    %swap3A_79 = arith.index_cast %add3A_78 : i32 to index
    %swap3A_80 = tpu.vector_load %arg9[%swap3A_79] {strides = array<i32>} : memref<10256xi32, #tpu.memory_space<vmem>>, vector<16xi32>,
    tpu.vector_store %arg9[%swap3A_79], %broadcast_in_dim3A_11 {strides = array<i32>} : memref<10256xi32, #tpu.memory_space<vmem>>, vector<16xi32>,
    %add3A_81 = arith.constant 64 : i32
    %add3A_82 = arith.addi %scan3A_9#0, %add3A_81 : i32
    %swap3A_83 = arith.index_cast %add3A_82 : i32 to index
    %swap3A_84 = tpu.vector_load %arg10[%swap3A_83] {strides = array<i32>} : memref<10256xi32, #tpu.memory_space<vmem>>, vector<16xi32>,
    tpu.vector_store %arg10[%swap3A_83], %broadcast_in_dim3A_13 {strides = array<i32>} : memref<10256xi32, #tpu.memory_space<vmem>>, vector<16xi32>,
    %add3A_85 = arith.constant 64 : i32
    %add3A_86 = arith.addi %scan3A_9#1, %add3A_85 : i32
    %swap3A_87 = arith.index_cast %add3A_86 : i32 to index
    %swap3A_88 = tpu.vector_load %arg11[%swap3A_87] {strides = array<i32>} : memref<10256xi32, #tpu.memory_space<vmem>>, vector<16xi32>,
    tpu.vector_store %arg11[%swap3A_87], %broadcast_in_dim3A_11 {strides = array<i32>} : memref<10256xi32, #tpu.memory_space<vmem>>, vector<16xi32>,
    %add3A_89 = arith.constant 64 : i32
    %add3A_90 = arith.addi %scan3A_9#1, %add3A_89 : i32
    %swap3A_91 = arith.index_cast %add3A_90 : i32 to index
    %swap3A_92 = tpu.vector_load %arg12[%swap3A_91] {strides = array<i32>} : memref<10256xi32, #tpu.memory_space<vmem>>, vector<16xi32>,
    tpu.vector_store %arg12[%swap3A_91], %broadcast_in_dim3A_13 {strides = array<i32>} : memref<10256xi32, #tpu.memory_space<vmem>>, vector<16xi32>,
    %add3A_93 = arith.constant 80 : i32
    %add3A_94 = arith.addi %scan3A_9#0, %add3A_93 : i32
    %swap3A_95 = arith.index_cast %add3A_94 : i32 to index
    %swap3A_96 = tpu.vector_load %arg9[%swap3A_95] {strides = array<i32>} : memref<10256xi32, #tpu.memory_space<vmem>>, vector<16xi32>,
    tpu.vector_store %arg9[%swap3A_95], %broadcast_in_dim3A_11 {strides = array<i32>} : memref<10256xi32, #tpu.memory_space<vmem>>, vector<16xi32>,
    %add3A_97 = arith.constant 80 : i32
    %add3A_98 = arith.addi %scan3A_9#0, %add3A_97 : i32
    %swap3A_99 = arith.index_cast %add3A_98 : i32 to index
    %swap3A_100 = tpu.vector_load %arg10[%swap3A_99] {strides = array<i32>} : memref<10256xi32, #tpu.memory_space<vmem>>, vector<16xi32>,
    tpu.vector_store %arg10[%swap3A_99], %broadcast_in_dim3A_13 {strides = array<i32>} : memref<10256xi32, #tpu.memory_space<vmem>>, vector<16xi32>,
    %add3A_101 = arith.constant 80 : i32
    %add3A_102 = arith.addi %scan3A_9#1, %add3A_101 : i32
    %swap3A_103 = arith.index_cast %add3A_102 : i32 to index
    %swap3A_104 = tpu.vector_load %arg11[%swap3A_103] {strides = array<i32>} : memref<10256xi32, #tpu.memory_space<vmem>>, vector<16xi32>,
    tpu.vector_store %arg11[%swap3A_103], %broadcast_in_dim3A_11 {strides = array<i32>} : memref<10256xi32, #tpu.memory_space<vmem>>, vector<16xi32>,
    %add3A_105 = arith.constant 80 : i32
    %add3A_106 = arith.addi %scan3A_9#1, %add3A_105 : i32
    %swap3A_107 = arith.index_cast %add3A_106 : i32 to index
    %swap3A_108 = tpu.vector_load %arg12[%swap3A_107] {strides = array<i32>} : memref<10256xi32, #tpu.memory_space<vmem>>, vector<16xi32>,
    tpu.vector_store %arg12[%swap3A_107], %broadcast_in_dim3A_13 {strides = array<i32>} : memref<10256xi32, #tpu.memory_space<vmem>>, vector<16xi32>,
    %add3A_109 = arith.constant 96 : i32
    %add3A_110 = arith.addi %scan3A_9#0, %add3A_109 : i32
    %swap3A_111 = arith.index_cast %add3A_110 : i32 to index
    %swap3A_112 = tpu.vector_load %arg9[%swap3A_111] {strides = array<i32>} : memref<10256xi32, #tpu.memory_space<vmem>>, vector<16xi32>,
    tpu.vector_store %arg9[%swap3A_111], %broadcast_in_dim3A_11 {strides = array<i32>} : memref<10256xi32, #tpu.memory_space<vmem>>, vector<16xi32>,
    %add3A_113 = arith.constant 96 : i32
    %add3A_114 = arith.addi %scan3A_9#0, %add3A_113 : i32
    %swap3A_115 = arith.index_cast %add3A_114 : i32 to index
    %swap3A_116 = tpu.vector_load %arg10[%swap3A_115] {strides = array<i32>} : memref<10256xi32, #tpu.memory_space<vmem>>, vector<16xi32>,
    tpu.vector_store %arg10[%swap3A_115], %broadcast_in_dim3A_13 {strides = array<i32>} : memref<10256xi32, #tpu.memory_space<vmem>>, vector<16xi32>,
    %add3A_117 = arith.constant 96 : i32
    %add3A_118 = arith.addi %scan3A_9#1, %add3A_117 : i32
    %swap3A_119 = arith.index_cast %add3A_118 : i32 to index
    %swap3A_120 = tpu.vector_load %arg11[%swap3A_119] {strides = array<i32>} : memref<10256xi32, #tpu.memory_space<vmem>>, vector<16xi32>,
    tpu.vector_store %arg11[%swap3A_119], %broadcast_in_dim3A_11 {strides = array<i32>} : memref<10256xi32, #tpu.memory_space<vmem>>, vector<16xi32>,
    %add3A_121 = arith.constant 96 : i32
    %add3A_122 = arith.addi %scan3A_9#1, %add3A_121 : i32
    %swap3A_123 = arith.index_cast %add3A_122 : i32 to index
    %swap3A_124 = tpu.vector_load %arg12[%swap3A_123] {strides = array<i32>} : memref<10256xi32, #tpu.memory_space<vmem>>, vector<16xi32>,
    tpu.vector_store %arg12[%swap3A_123], %broadcast_in_dim3A_13 {strides = array<i32>} : memref<10256xi32, #tpu.memory_space<vmem>>, vector<16xi32>,
    %add3A_125 = arith.constant 112 : i32
    %add3A_126 = arith.addi %scan3A_9#0, %add3A_125 : i32
    %swap3A_127 = arith.index_cast %add3A_126 : i32 to index
    %swap3A_128 = tpu.vector_load %arg9[%swap3A_127] {strides = array<i32>} : memref<10256xi32, #tpu.memory_space<vmem>>, vector<16xi32>,
    tpu.vector_store %arg9[%swap3A_127], %broadcast_in_dim3A_11 {strides = array<i32>} : memref<10256xi32, #tpu.memory_space<vmem>>, vector<16xi32>,
    %add3A_129 = arith.constant 112 : i32
    %add3A_130 = arith.addi %scan3A_9#0, %add3A_129 : i32
    %swap3A_131 = arith.index_cast %add3A_130 : i32 to index
    %swap3A_132 = tpu.vector_load %arg10[%swap3A_131] {strides = array<i32>} : memref<10256xi32, #tpu.memory_space<vmem>>, vector<16xi32>,
    tpu.vector_store %arg10[%swap3A_131], %broadcast_in_dim3A_13 {strides = array<i32>} : memref<10256xi32, #tpu.memory_space<vmem>>, vector<16xi32>,
    %add3A_133 = arith.constant 112 : i32
    %add3A_134 = arith.addi %scan3A_9#1, %add3A_133 : i32
    %swap3A_135 = arith.index_cast %add3A_134 : i32 to index
    %swap3A_136 = tpu.vector_load %arg11[%swap3A_135] {strides = array<i32>} : memref<10256xi32, #tpu.memory_space<vmem>>, vector<16xi32>,
    tpu.vector_store %arg11[%swap3A_135], %broadcast_in_dim3A_11 {strides = array<i32>} : memref<10256xi32, #tpu.memory_space<vmem>>, vector<16xi32>,
    %add3A_137 = arith.constant 112 : i32
    %add3A_138 = arith.addi %scan3A_9#1, %add3A_137 : i32
    %swap3A_139 = arith.index_cast %add3A_138 : i32 to index
    %swap3A_140 = tpu.vector_load %arg12[%swap3A_139] {strides = array<i32>} : memref<10256xi32, #tpu.memory_space<vmem>>, vector<16xi32>,
    tpu.vector_store %arg12[%swap3A_139], %broadcast_in_dim3A_13 {strides = array<i32>} : memref<10256xi32, #tpu.memory_space<vmem>>, vector<16xi32>,
    %add3A_141 = arith.constant 127 : i32
    %add3A_142 = arith.addi %scan3A_9#0, %add3A_141 : i32
    %jit3A = arith.constant 128 : i32
    %div3A = arith.divsi %add3A_142, %jit3A : i32
    %sign3A = arith.constant 0 : i32
    %sign3A_143 = arith.cmpi sgt, %add3A_142, %sign3A : i32
    %sign3A_144 = arith.extui %sign3A_143 : i1 to i32
    %sign3A_145 = arith.constant 0 : i32
    %sign3A_146 = arith.cmpi slt, %add3A_142, %sign3A_145 : i32
    %sign3A_147 = arith.extui %sign3A_146 : i1 to i32
    %sign3A_148 = arith.subi %sign3A_144, %sign3A_147 : i32
    %sign3A_149 = arith.constant 0 : i32
    %sign3A_150 = arith.cmpi sgt, %jit3A, %sign3A_149 : i32
    %sign3A_151 = arith.extui %sign3A_150 : i1 to i32
    %sign3A_152 = arith.constant 0 : i32
    %sign3A_153 = arith.cmpi slt, %jit3A, %sign3A_152 : i32
    %sign3A_154 = arith.extui %sign3A_153 : i1 to i32
    %sign3A_155 = arith.subi %sign3A_151, %sign3A_154 : i32
    %ne3A = arith.cmpi ne, %sign3A_148, %sign3A_155 : i32
    %rem3A = arith.remsi %add3A_142, %jit3A : i32
    %ne3A_156 = arith.constant 0 : i32
    %ne3A_157 = arith.cmpi ne, %rem3A, %ne3A_156 : i32
    %and3A = arith.andi %ne3A, %ne3A_157 : i1
    %sub3A = arith.constant 1 : i32
    %sub3A_158 = arith.subi %div3A, %sub3A : i32
    %select_n3A = arith.select %and3A, %sub3A_158, %div3A : i32
    %mul3A_159 = arith.constant 128 : i32
    %mul3A_160 = arith.muli %select_n3A, %mul3A_159 : i32
    %add3A_161 = arith.constant 127 : i32
    %add3A_162 = arith.addi %scan3A_9#1, %add3A_161 : i32
    %jit3A_163 = arith.constant 128 : i32
    %div3A_164 = arith.divsi %add3A_162, %jit3A_163 : i32
    %sign3A_165 = arith.constant 0 : i32
    %sign3A_166 = arith.cmpi sgt, %add3A_162, %sign3A_165 : i32
    %sign3A_167 = arith.extui %sign3A_166 : i1 to i32
    %sign3A_168 = arith.constant 0 : i32
    %sign3A_169 = arith.cmpi slt, %add3A_162, %sign3A_168 : i32
    %sign3A_170 = arith.extui %sign3A_169 : i1 to i32
    %sign3A_171 = arith.subi %sign3A_167, %sign3A_170 : i32
    %sign3A_172 = arith.constant 0 : i32
    %sign3A_173 = arith.cmpi sgt, %jit3A_163, %sign3A_172 : i32
    %sign3A_174 = arith.extui %sign3A_173 : i1 to i32
    %sign3A_175 = arith.constant 0 : i32
    %sign3A_176 = arith.cmpi slt, %jit3A_163, %sign3A_175 : i32
    %sign3A_177 = arith.extui %sign3A_176 : i1 to i32
    %sign3A_178 = arith.subi %sign3A_174, %sign3A_177 : i32
    %ne3A_179 = arith.cmpi ne, %sign3A_171, %sign3A_178 : i32
    %rem3A_180 = arith.remsi %add3A_162, %jit3A_163 : i32
    %ne3A_181 = arith.constant 0 : i32
    %ne3A_182 = arith.cmpi ne, %rem3A_180, %ne3A_181 : i32
    %and3A_183 = arith.andi %ne3A_179, %ne3A_182 : i1
    %sub3A_184 = arith.constant 1 : i32
    %sub3A_185 = arith.subi %div3A_164, %sub3A_184 : i32
    %select_n3A_186 = arith.select %and3A_183, %sub3A_185, %div3A_164 : i32
    %mul3A_187 = arith.constant 128 : i32
    %mul3A_188 = arith.muli %select_n3A_186, %mul3A_187 : i32
    %mul3A_189 = arith.constant 10256 : i32
    %mul3A_190 = arith.muli %add3A, %mul3A_189 : i32
    %add3A_191 = arith.constant 32 : i32
    %add3A_192 = arith.addi %add3A_191, %add3A : i32
    %mul3A_193 = arith.constant 10256 : i32
    %mul3A_194 = arith.muli %add3A_192, %mul3A_193 : i32
    "tpu.region"() ({
      %run_scoped3A = tpu.sem_alloc : memref<!tpu.dma_semaphore, #tpu.memory_space<semaphore_mem>>
      %dma_start3A = tpu.memref_slice %arg4[%mul3A_190] : memref<656384xi32, #tpu.memory_space<hbm>> -> memref<10256xi32, #tpu.memory_space<hbm>>
      %dma_start3A_209 = tpu.memref_slice %arg4[%mul3A_190] : memref<656384xi32, #tpu.memory_space<hbm>> -> memref<10256xi32, #tpu.memory_space<hbm>>
      tpu.enqueue_dma source(%arg9 : memref<10256xi32, #tpu.memory_space<vmem>>) target(%dma_start3A_209 : memref<10256xi32, #tpu.memory_space<hbm>>) target_semaphore(%run_scoped3A : memref<!tpu.dma_semaphore, #tpu.memory_space<semaphore_mem>>)
      %dma_wait3A = tpu.memref_slice %arg4[%mul3A_190] : memref<656384xi32, #tpu.memory_space<hbm>> -> memref<10256xi32, #tpu.memory_space<hbm>>
      %dma_wait3A_210 = tpu.memref_slice %arg4[%mul3A_190] : memref<656384xi32, #tpu.memory_space<hbm>> -> memref<10256xi32, #tpu.memory_space<hbm>>
      tpu.wait_dma2 semaphore(%run_scoped3A : memref<!tpu.dma_semaphore, #tpu.memory_space<semaphore_mem>>) src(%arg9 : memref<10256xi32, #tpu.memory_space<vmem>>) dst(%dma_wait3A_210 : memref<10256xi32, #tpu.memory_space<hbm>>)
      tpu.yield
    }) : () -> ()
    "tpu.region"() ({
      %run_scoped3A = tpu.sem_alloc : memref<!tpu.dma_semaphore, #tpu.memory_space<semaphore_mem>>
      %dma_start3A = tpu.memref_slice %arg5[%mul3A_190] : memref<656384xi32, #tpu.memory_space<hbm>> -> memref<10256xi32, #tpu.memory_space<hbm>>
      %dma_start3A_209 = tpu.memref_slice %arg5[%mul3A_190] : memref<656384xi32, #tpu.memory_space<hbm>> -> memref<10256xi32, #tpu.memory_space<hbm>>
      tpu.enqueue_dma source(%arg10 : memref<10256xi32, #tpu.memory_space<vmem>>) target(%dma_start3A_209 : memref<10256xi32, #tpu.memory_space<hbm>>) target_semaphore(%run_scoped3A : memref<!tpu.dma_semaphore, #tpu.memory_space<semaphore_mem>>)
      %dma_wait3A = tpu.memref_slice %arg5[%mul3A_190] : memref<656384xi32, #tpu.memory_space<hbm>> -> memref<10256xi32, #tpu.memory_space<hbm>>
      %dma_wait3A_210 = tpu.memref_slice %arg5[%mul3A_190] : memref<656384xi32, #tpu.memory_space<hbm>> -> memref<10256xi32, #tpu.memory_space<hbm>>
      tpu.wait_dma2 semaphore(%run_scoped3A : memref<!tpu.dma_semaphore, #tpu.memory_space<semaphore_mem>>) src(%arg10 : memref<10256xi32, #tpu.memory_space<vmem>>) dst(%dma_wait3A_210 : memref<10256xi32, #tpu.memory_space<hbm>>)
      tpu.yield
    }) : () -> ()
    "tpu.region"() ({
      %run_scoped3A = tpu.sem_alloc : memref<!tpu.dma_semaphore, #tpu.memory_space<semaphore_mem>>
      %dma_start3A = tpu.memref_slice %arg4[%mul3A_194] : memref<656384xi32, #tpu.memory_space<hbm>> -> memref<10256xi32, #tpu.memory_space<hbm>>
      %dma_start3A_209 = tpu.memref_slice %arg4[%mul3A_194] : memref<656384xi32, #tpu.memory_space<hbm>> -> memref<10256xi32, #tpu.memory_space<hbm>>
      tpu.enqueue_dma source(%arg11 : memref<10256xi32, #tpu.memory_space<vmem>>) target(%dma_start3A_209 : memref<10256xi32, #tpu.memory_space<hbm>>) target_semaphore(%run_scoped3A : memref<!tpu.dma_semaphore, #tpu.memory_space<semaphore_mem>>)
      %dma_wait3A = tpu.memref_slice %arg4[%mul3A_194] : memref<656384xi32, #tpu.memory_space<hbm>> -> memref<10256xi32, #tpu.memory_space<hbm>>
      %dma_wait3A_210 = tpu.memref_slice %arg4[%mul3A_194] : memref<656384xi32, #tpu.memory_space<hbm>> -> memref<10256xi32, #tpu.memory_space<hbm>>
      tpu.wait_dma2 semaphore(%run_scoped3A : memref<!tpu.dma_semaphore, #tpu.memory_space<semaphore_mem>>) src(%arg11 : memref<10256xi32, #tpu.memory_space<vmem>>) dst(%dma_wait3A_210 : memref<10256xi32, #tpu.memory_space<hbm>>)
      tpu.yield
    }) : () -> ()
    "tpu.region"() ({
      %run_scoped3A = tpu.sem_alloc : memref<!tpu.dma_semaphore, #tpu.memory_space<semaphore_mem>>
      %dma_start3A = tpu.memref_slice %arg5[%mul3A_194] : memref<656384xi32, #tpu.memory_space<hbm>> -> memref<10256xi32, #tpu.memory_space<hbm>>
      %dma_start3A_209 = tpu.memref_slice %arg5[%mul3A_194] : memref<656384xi32, #tpu.memory_space<hbm>> -> memref<10256xi32, #tpu.memory_space<hbm>>
      tpu.enqueue_dma source(%arg12 : memref<10256xi32, #tpu.memory_space<vmem>>) target(%dma_start3A_209 : memref<10256xi32, #tpu.memory_space<hbm>>) target_semaphore(%run_scoped3A : memref<!tpu.dma_semaphore, #tpu.memory_space<semaphore_mem>>)
      %dma_wait3A = tpu.memref_slice %arg5[%mul3A_194] : memref<656384xi32, #tpu.memory_space<hbm>> -> memref<10256xi32, #tpu.memory_space<hbm>>
      %dma_wait3A_210 = tpu.memref_slice %arg5[%mul3A_194] : memref<656384xi32, #tpu.memory_space<hbm>> -> memref<10256xi32, #tpu.memory_space<hbm>>
      tpu.wait_dma2 semaphore(%run_scoped3A : memref<!tpu.dma_semaphore, #tpu.memory_space<semaphore_mem>>) src(%arg12 : memref<10256xi32, #tpu.memory_space<vmem>>) dst(%dma_wait3A_210 : memref<10256xi32, #tpu.memory_space<hbm>>)
      tpu.yield
    }) : () -> ()
    %add3A_195 = vector.broadcast %mul3A_160 : i32 to vector<16xi32>
    %add3A_196 = arith.addi %broadcast_in_dim3A_11, %add3A_195 : vector<16xi32>
    %swap3A_197 = arith.constant 0 : index
    %swap3A_198 = tpu.vector_load %arg13[%swap3A_197] {strides = array<i32>} : memref<16xi32, #tpu.memory_space<vmem>>, vector<16xi32>,
    tpu.vector_store %arg13[%swap3A_197], %add3A_196 {strides = array<i32>} : memref<16xi32, #tpu.memory_space<vmem>>, vector<16xi32>,
    %mul3A_199 = arith.constant 16 : i32
    %mul3A_200 = arith.muli %add3A, %mul3A_199 : i32
    "tpu.region"() ({
      %run_scoped3A = tpu.sem_alloc : memref<!tpu.dma_semaphore, #tpu.memory_space<semaphore_mem>>
      %dma_start3A = tpu.memref_slice %arg6[%mul3A_200] : memref<1024xi32, #tpu.memory_space<hbm>> -> memref<16xi32, #tpu.memory_space<hbm>>
      %dma_start3A_209 = tpu.memref_slice %arg6[%mul3A_200] : memref<1024xi32, #tpu.memory_space<hbm>> -> memref<16xi32, #tpu.memory_space<hbm>>
      tpu.enqueue_dma source(%arg13 : memref<16xi32, #tpu.memory_space<vmem>>) target(%dma_start3A_209 : memref<16xi32, #tpu.memory_space<hbm>>) target_semaphore(%run_scoped3A : memref<!tpu.dma_semaphore, #tpu.memory_space<semaphore_mem>>)
      %dma_wait3A = tpu.memref_slice %arg6[%mul3A_200] : memref<1024xi32, #tpu.memory_space<hbm>> -> memref<16xi32, #tpu.memory_space<hbm>>
      %dma_wait3A_210 = tpu.memref_slice %arg6[%mul3A_200] : memref<1024xi32, #tpu.memory_space<hbm>> -> memref<16xi32, #tpu.memory_space<hbm>>
      tpu.wait_dma2 semaphore(%run_scoped3A : memref<!tpu.dma_semaphore, #tpu.memory_space<semaphore_mem>>) src(%arg13 : memref<16xi32, #tpu.memory_space<vmem>>) dst(%dma_wait3A_210 : memref<16xi32, #tpu.memory_space<hbm>>)
      tpu.yield
    }) : () -> ()
    %add3A_201 = vector.broadcast %mul3A_188 : i32 to vector<16xi32>
    %add3A_202 = arith.addi %broadcast_in_dim3A_11, %add3A_201 : vector<16xi32>
    %swap3A_203 = arith.constant 0 : index
    %swap3A_204 = tpu.vector_load %arg13[%swap3A_203] {strides = array<i32>} : memref<16xi32, #tpu.memory_space<vmem>>, vector<16xi32>,
    tpu.vector_store %arg13[%swap3A_203], %add3A_202 {strides = array<i32>} : memref<16xi32, #tpu.memory_space<vmem>>, vector<16xi32>,
    %add3A_205 = arith.constant 32 : i32
    %add3A_206 = arith.addi %add3A_205, %add3A : i32
    %mul3A_207 = arith.constant 16 : i32
    %mul3A_208 = arith.muli %add3A_206, %mul3A_207 : i32
    "tpu.region"() ({
      %run_scoped3A = tpu.sem_alloc : memref<!tpu.dma_semaphore, #tpu.memory_space<semaphore_mem>>
      %dma_start3A = tpu.memref_slice %arg6[%mul3A_208] : memref<1024xi32, #tpu.memory_space<hbm>> -> memref<16xi32, #tpu.memory_space<hbm>>
      %dma_start3A_209 = tpu.memref_slice %arg6[%mul3A_208] : memref<1024xi32, #tpu.memory_space<hbm>> -> memref<16xi32, #tpu.memory_space<hbm>>
      tpu.enqueue_dma source(%arg13 : memref<16xi32, #tpu.memory_space<vmem>>) target(%dma_start3A_209 : memref<16xi32, #tpu.memory_space<hbm>>) target_semaphore(%run_scoped3A : memref<!tpu.dma_semaphore, #tpu.memory_space<semaphore_mem>>)
      %dma_wait3A = tpu.memref_slice %arg6[%mul3A_208] : memref<1024xi32, #tpu.memory_space<hbm>> -> memref<16xi32, #tpu.memory_space<hbm>>
      %dma_wait3A_210 = tpu.memref_slice %arg6[%mul3A_208] : memref<1024xi32, #tpu.memory_space<hbm>> -> memref<16xi32, #tpu.memory_space<hbm>>
      tpu.wait_dma2 semaphore(%run_scoped3A : memref<!tpu.dma_semaphore, #tpu.memory_space<semaphore_mem>>) src(%arg13 : memref<16xi32, #tpu.memory_space<vmem>>) dst(%dma_wait3A_210 : memref<16xi32, #tpu.memory_space<hbm>>)
      tpu.yield
    }) : () -> ()
    return
  }
}

#map = affine_map<(d0, d1) -> (0, 0)>
#map1 = affine_map<(d0, d1) -> (0)>
module attributes {stable_mosaic.version = 14 : i64} {
  func.func @agg(%arg0: i32, %arg1: i32, %arg2: memref<10000x128xf32, #tpu.memory_space<hbm>>, %arg3: memref<656384xi32, #tpu.memory_space<hbm>>, %arg4: memref<656384xi32, #tpu.memory_space<hbm>>, %arg5: memref<1024xi32, #tpu.memory_space<hbm>>, %arg6: memref<10496x128xf32, #tpu.memory_space<hbm>>, %arg7: memref<10256xi32, #tpu.memory_space<vmem>>, %arg8: memref<128xi32, #tpu.memory_space<vmem>>, %arg9: memref<128xi32, #tpu.memory_space<vmem>>, %arg10: memref<128x128xf32, #tpu.memory_space<vmem>>, %arg11: memref<128x128xf32, #tpu.memory_space<vmem>>, %arg12: memref<328x128xf32, #tpu.memory_space<vmem>>, %arg13: memref<16xi32, #tpu.memory_space<vmem>>, %arg14: memref<5248x128xf32, #tpu.memory_space<vmem_shared>>, %arg15: memref<!tpu.dma_semaphore, #tpu.memory_space<semaphore_mem>>, %arg16: memref<!tpu.dma_semaphore, #tpu.memory_space<semaphore_mem>>, %arg17: memref<!tpu.dma_semaphore, #tpu.memory_space<semaphore_mem>>) attributes {dimension_semantics = [#tpu.dimension_semantics<core_parallel>, #tpu.dimension_semantics<subcore_parallel>], iteration_bounds = array<i64: 2, 16>, scalar_prefetch = 0 : i64, scratch_operands = 11 : i64, tpu.core_type = #tpu.core_type<sc_vector_subcore>, window_params = [{transform_indices = #map}, {transform_indices = #map1}, {transform_indices = #map1}, {transform_indices = #map1}, {transform_indices = #map}]} {
    %mul3A = arith.constant 328 : i32
    %mul3A_0 = arith.muli %arg1, %mul3A : i32
    %broadcast_in_dim3A = arith.constant 0.000000e+00 : f32
    %broadcast_in_dim3A_1 = vector.broadcast %broadcast_in_dim3A : f32 to vector<16xf32>
    %scan3A = arith.constant 0 : i32
    %scan3A_2 = arith.constant 0 : i32
    %scan3A_3 = arith.constant 328 : i32
    %scan3A_4 = arith.addi %scan3A_2, %scan3A_3 : i32
    %scan3A_5 = arith.constant 1 : i32
    scf.for %scan3A_186 = %scan3A_2 to %scan3A_4 step %scan3A_5  : i32 {
      %swap3A = arith.index_cast %scan3A_186 : i32 to index
      %swap3A_187 = arith.constant 0 : index
      %swap3A_188 = tpu.vector_load %arg12[%swap3A, %swap3A_187] {strides = array<i32>} : memref<328x128xf32, #tpu.memory_space<vmem>>, vector<16xf32>,
      tpu.vector_store %arg12[%swap3A, %swap3A_187], %broadcast_in_dim3A_1 {strides = array<i32>} : memref<328x128xf32, #tpu.memory_space<vmem>>, vector<16xf32>,
      %swap3A_189 = arith.index_cast %scan3A_186 : i32 to index
      %swap3A_190 = arith.constant 16 : index
      %swap3A_191 = tpu.vector_load %arg12[%swap3A_189, %swap3A_190] {strides = array<i32>} : memref<328x128xf32, #tpu.memory_space<vmem>>, vector<16xf32>,
      tpu.vector_store %arg12[%swap3A_189, %swap3A_190], %broadcast_in_dim3A_1 {strides = array<i32>} : memref<328x128xf32, #tpu.memory_space<vmem>>, vector<16xf32>,
      %swap3A_192 = arith.index_cast %scan3A_186 : i32 to index
      %swap3A_193 = arith.constant 32 : index
      %swap3A_194 = tpu.vector_load %arg12[%swap3A_192, %swap3A_193] {strides = array<i32>} : memref<328x128xf32, #tpu.memory_space<vmem>>, vector<16xf32>,
      tpu.vector_store %arg12[%swap3A_192, %swap3A_193], %broadcast_in_dim3A_1 {strides = array<i32>} : memref<328x128xf32, #tpu.memory_space<vmem>>, vector<16xf32>,
      %swap3A_195 = arith.index_cast %scan3A_186 : i32 to index
      %swap3A_196 = arith.constant 48 : index
      %swap3A_197 = tpu.vector_load %arg12[%swap3A_195, %swap3A_196] {strides = array<i32>} : memref<328x128xf32, #tpu.memory_space<vmem>>, vector<16xf32>,
      tpu.vector_store %arg12[%swap3A_195, %swap3A_196], %broadcast_in_dim3A_1 {strides = array<i32>} : memref<328x128xf32, #tpu.memory_space<vmem>>, vector<16xf32>,
      %swap3A_198 = arith.index_cast %scan3A_186 : i32 to index
      %swap3A_199 = arith.constant 64 : index
      %swap3A_200 = tpu.vector_load %arg12[%swap3A_198, %swap3A_199] {strides = array<i32>} : memref<328x128xf32, #tpu.memory_space<vmem>>, vector<16xf32>,
      tpu.vector_store %arg12[%swap3A_198, %swap3A_199], %broadcast_in_dim3A_1 {strides = array<i32>} : memref<328x128xf32, #tpu.memory_space<vmem>>, vector<16xf32>,
      %swap3A_201 = arith.index_cast %scan3A_186 : i32 to index
      %swap3A_202 = arith.constant 80 : index
      %swap3A_203 = tpu.vector_load %arg12[%swap3A_201, %swap3A_202] {strides = array<i32>} : memref<328x128xf32, #tpu.memory_space<vmem>>, vector<16xf32>,
      tpu.vector_store %arg12[%swap3A_201, %swap3A_202], %broadcast_in_dim3A_1 {strides = array<i32>} : memref<328x128xf32, #tpu.memory_space<vmem>>, vector<16xf32>,
      %swap3A_204 = arith.index_cast %scan3A_186 : i32 to index
      %swap3A_205 = arith.constant 96 : index
      %swap3A_206 = tpu.vector_load %arg12[%swap3A_204, %swap3A_205] {strides = array<i32>} : memref<328x128xf32, #tpu.memory_space<vmem>>, vector<16xf32>,
      tpu.vector_store %arg12[%swap3A_204, %swap3A_205], %broadcast_in_dim3A_1 {strides = array<i32>} : memref<328x128xf32, #tpu.memory_space<vmem>>, vector<16xf32>,
      %swap3A_207 = arith.index_cast %scan3A_186 : i32 to index
      %swap3A_208 = arith.constant 112 : index
      %swap3A_209 = tpu.vector_load %arg12[%swap3A_207, %swap3A_208] {strides = array<i32>} : memref<328x128xf32, #tpu.memory_space<vmem>>, vector<16xf32>,
      tpu.vector_store %arg12[%swap3A_207, %swap3A_208], %broadcast_in_dim3A_1 {strides = array<i32>} : memref<328x128xf32, #tpu.memory_space<vmem>>, vector<16xf32>,
    }
    %scan3A_6 = arith.constant 328 : i32
    "tpu.region"() ({
      %run_scoped3A = tpu.sem_alloc : memref<!tpu.dma_semaphore, #tpu.memory_space<semaphore_mem>>
      %dma_start3A = arith.constant 0 : i32
      %dma_start3A_186 = tpu.memref_slice %arg14[%mul3A_0, %dma_start3A] : memref<5248x128xf32, #tpu.memory_space<vmem_shared>> -> memref<328x128xf32, #tpu.memory_space<vmem_shared>>
      %dma_start3A_187 = arith.constant 0 : i32
      %dma_start3A_188 = tpu.memref_slice %arg14[%mul3A_0, %dma_start3A_187] : memref<5248x128xf32, #tpu.memory_space<vmem_shared>> -> memref<328x128xf32, #tpu.memory_space<vmem_shared>>
      tpu.enqueue_dma source(%arg12 : memref<328x128xf32, #tpu.memory_space<vmem>>) target(%dma_start3A_188 : memref<328x128xf32, #tpu.memory_space<vmem_shared>>) target_semaphore(%run_scoped3A : memref<!tpu.dma_semaphore, #tpu.memory_space<semaphore_mem>>)
      %dma_wait3A = arith.constant 0 : i32
      %dma_wait3A_189 = tpu.memref_slice %arg14[%mul3A_0, %dma_wait3A] : memref<5248x128xf32, #tpu.memory_space<vmem_shared>> -> memref<328x128xf32, #tpu.memory_space<vmem_shared>>
      %dma_wait3A_190 = arith.constant 0 : i32
      %dma_wait3A_191 = tpu.memref_slice %arg14[%mul3A_0, %dma_wait3A_190] : memref<5248x128xf32, #tpu.memory_space<vmem_shared>> -> memref<328x128xf32, #tpu.memory_space<vmem_shared>>
      tpu.wait_dma2 semaphore(%run_scoped3A : memref<!tpu.dma_semaphore, #tpu.memory_space<semaphore_mem>>) src(%arg12 : memref<328x128xf32, #tpu.memory_space<vmem>>) dst(%dma_wait3A_191 : memref<328x128xf32, #tpu.memory_space<vmem_shared>>)
      tpu.yield
    }) : () -> ()
    %barrier3A = arith.constant 0 : index
    tpu.barrier barrier_id(%barrier3A)
    %mul3A_7 = arith.constant 2 : i32
    %mul3A_8 = arith.muli %arg1, %mul3A_7 : i32
    %add3A = arith.constant 0 : i32
    %add3A_9 = arith.addi %mul3A_8, %add3A : i32
    %mul3A_10 = arith.constant 32 : i32
    %mul3A_11 = arith.muli %arg0, %mul3A_10 : i32
    %add3A_12 = arith.addi %mul3A_11, %add3A_9 : i32
    %mul3A_13 = arith.constant 10256 : i32
    %mul3A_14 = arith.muli %add3A_12, %mul3A_13 : i32
    %mul3A_15 = arith.constant 32 : i32
    %mul3A_16 = arith.muli %arg0, %mul3A_15 : i32
    %add3A_17 = arith.addi %mul3A_16, %add3A_9 : i32
    %mul3A_18 = arith.constant 16 : i32
    %mul3A_19 = arith.muli %add3A_17, %mul3A_18 : i32
    "tpu.region"() ({
      %run_scoped3A = tpu.sem_alloc : memref<!tpu.dma_semaphore, #tpu.memory_space<semaphore_mem>>
      %dma_start3A = tpu.memref_slice %arg5[%mul3A_19] : memref<1024xi32, #tpu.memory_space<hbm>> -> memref<16xi32, #tpu.memory_space<hbm>>
      %dma_start3A_186 = tpu.memref_slice %arg5[%mul3A_19] : memref<1024xi32, #tpu.memory_space<hbm>> -> memref<16xi32, #tpu.memory_space<hbm>>
      tpu.enqueue_dma source(%dma_start3A_186 : memref<16xi32, #tpu.memory_space<hbm>>) target(%arg13 : memref<16xi32, #tpu.memory_space<vmem>>) target_semaphore(%run_scoped3A : memref<!tpu.dma_semaphore, #tpu.memory_space<semaphore_mem>>)
      %dma_wait3A = tpu.memref_slice %arg5[%mul3A_19] : memref<1024xi32, #tpu.memory_space<hbm>> -> memref<16xi32, #tpu.memory_space<hbm>>
      %dma_wait3A_187 = tpu.memref_slice %arg5[%mul3A_19] : memref<1024xi32, #tpu.memory_space<hbm>> -> memref<16xi32, #tpu.memory_space<hbm>>
      tpu.wait_dma2 semaphore(%run_scoped3A : memref<!tpu.dma_semaphore, #tpu.memory_space<semaphore_mem>>) src(%dma_wait3A_187 : memref<16xi32, #tpu.memory_space<hbm>>) dst(%arg13 : memref<16xi32, #tpu.memory_space<vmem>>)
      tpu.yield
    }) : () -> ()
    %get3A = arith.constant 0 : index
    %get3A_20 = tpu.vector_load %arg13[%get3A] {strides = array<i32>} : memref<16xi32, #tpu.memory_space<vmem>>, vector<16xi32>,
    %reduce_max3A = arith.constant true
    %reduce_max3A_21 = vector.broadcast %reduce_max3A : i1 to vector<16xi1>
    %reduce_max3A_22 = arith.constant -2147483648 : i32
    %reduce_max3A_23 = vector.broadcast %reduce_max3A_22 : i32 to vector<16xi32>
    %reduce_max3A_24 = arith.xori %get3A_20, %reduce_max3A_23 : vector<16xi32>
    %reduce_max3A_25 = tpu.scan <max>, %reduce_max3A_24 masked %reduce_max3A_21 : vector<16xi32>, vector<16xi1> -> vector<16xi32>
    %reduce_max3A_26 = arith.xori %reduce_max3A_25, %reduce_max3A_23 : vector<16xi32>
    %reduce_max3A_27 = vector.extract %reduce_max3A_26[15] : i32 from vector<16xi32>
    "tpu.region"() ({
      %run_scoped3A = tpu.sem_alloc : memref<!tpu.dma_semaphore, #tpu.memory_space<semaphore_mem>>
      %dma_start3A = tpu.memref_slice %arg3[%mul3A_14] : memref<656384xi32, #tpu.memory_space<hbm>> -> memref<10256xi32, #tpu.memory_space<hbm>>
      %dma_start3A_186 = tpu.memref_slice %arg3[%mul3A_14] : memref<656384xi32, #tpu.memory_space<hbm>> -> memref<10256xi32, #tpu.memory_space<hbm>>
      tpu.enqueue_dma source(%dma_start3A_186 : memref<10256xi32, #tpu.memory_space<hbm>>) target(%arg7 : memref<10256xi32, #tpu.memory_space<vmem>>) target_semaphore(%run_scoped3A : memref<!tpu.dma_semaphore, #tpu.memory_space<semaphore_mem>>)
      %dma_wait3A = tpu.memref_slice %arg3[%mul3A_14] : memref<656384xi32, #tpu.memory_space<hbm>> -> memref<10256xi32, #tpu.memory_space<hbm>>
      %dma_wait3A_187 = tpu.memref_slice %arg3[%mul3A_14] : memref<656384xi32, #tpu.memory_space<hbm>> -> memref<10256xi32, #tpu.memory_space<hbm>>
      tpu.wait_dma2 semaphore(%run_scoped3A : memref<!tpu.dma_semaphore, #tpu.memory_space<semaphore_mem>>) src(%dma_wait3A_187 : memref<10256xi32, #tpu.memory_space<hbm>>) dst(%arg7 : memref<10256xi32, #tpu.memory_space<vmem>>)
      tpu.yield
    }) : () -> ()
    %jit3A = arith.constant 128 : i32
    %div3A = arith.divsi %reduce_max3A_27, %jit3A : i32
    %sign3A = arith.constant 0 : i32
    %sign3A_28 = arith.cmpi sgt, %reduce_max3A_27, %sign3A : i32
    %sign3A_29 = arith.extui %sign3A_28 : i1 to i32
    %sign3A_30 = arith.constant 0 : i32
    %sign3A_31 = arith.cmpi slt, %reduce_max3A_27, %sign3A_30 : i32
    %sign3A_32 = arith.extui %sign3A_31 : i1 to i32
    %sign3A_33 = arith.subi %sign3A_29, %sign3A_32 : i32
    %sign3A_34 = arith.constant 0 : i32
    %sign3A_35 = arith.cmpi sgt, %jit3A, %sign3A_34 : i32
    %sign3A_36 = arith.extui %sign3A_35 : i1 to i32
    %sign3A_37 = arith.constant 0 : i32
    %sign3A_38 = arith.cmpi slt, %jit3A, %sign3A_37 : i32
    %sign3A_39 = arith.extui %sign3A_38 : i1 to i32
    %sign3A_40 = arith.subi %sign3A_36, %sign3A_39 : i32
    %ne3A = arith.cmpi ne, %sign3A_33, %sign3A_40 : i32
    %rem3A = arith.remsi %reduce_max3A_27, %jit3A : i32
    %ne3A_41 = arith.constant 0 : i32
    %ne3A_42 = arith.cmpi ne, %rem3A, %ne3A_41 : i32
    %and3A = arith.andi %ne3A, %ne3A_42 : i1
    %sub3A = arith.constant 1 : i32
    %sub3A_43 = arith.subi %div3A, %sub3A : i32
    %select_n3A = arith.select %and3A, %sub3A_43, %div3A : i32
    %jit3A_44 = arith.constant 2 : i32
    %div3A_45 = arith.divsi %select_n3A, %jit3A_44 : i32
    %sign3A_46 = arith.constant 0 : i32
    %sign3A_47 = arith.cmpi sgt, %select_n3A, %sign3A_46 : i32
    %sign3A_48 = arith.extui %sign3A_47 : i1 to i32
    %sign3A_49 = arith.constant 0 : i32
    %sign3A_50 = arith.cmpi slt, %select_n3A, %sign3A_49 : i32
    %sign3A_51 = arith.extui %sign3A_50 : i1 to i32
    %sign3A_52 = arith.subi %sign3A_48, %sign3A_51 : i32
    %sign3A_53 = arith.constant 0 : i32
    %sign3A_54 = arith.cmpi sgt, %jit3A_44, %sign3A_53 : i32
    %sign3A_55 = arith.extui %sign3A_54 : i1 to i32
    %sign3A_56 = arith.constant 0 : i32
    %sign3A_57 = arith.cmpi slt, %jit3A_44, %sign3A_56 : i32
    %sign3A_58 = arith.extui %sign3A_57 : i1 to i32
    %sign3A_59 = arith.subi %sign3A_55, %sign3A_58 : i32
    %ne3A_60 = arith.cmpi ne, %sign3A_52, %sign3A_59 : i32
    %rem3A_61 = arith.remsi %select_n3A, %jit3A_44 : i32
    %ne3A_62 = arith.constant 0 : i32
    %ne3A_63 = arith.cmpi ne, %rem3A_61, %ne3A_62 : i32
    %and3A_64 = arith.andi %ne3A_60, %ne3A_63 : i1
    %sub3A_65 = arith.constant 1 : i32
    %sub3A_66 = arith.subi %div3A_45, %sub3A_65 : i32
    %select_n3A_67 = arith.select %and3A_64, %sub3A_66, %div3A_45 : i32
    %mul3A_68 = arith.constant 2 : i32
    %mul3A_69 = arith.muli %mul3A_68, %select_n3A_67 : i32
    %sub3A_70 = arith.subi %select_n3A, %mul3A_69 : i32
    %while3A = arith.constant 0 : i32
    %while3A_71 = arith.constant 0 : i32
    %while3A_72 = arith.subi %select_n3A_67, %while3A_71 : i32
    %while3A_73 = arith.addi %while3A_71, %while3A_72 : i32
    %while3A_74 = arith.constant 1 : i32
    %while3A_75 = arith.divsi %while3A_72, %while3A_74 : i32
    %while3A_76 = arith.muli %while3A_75, %while3A_74 : i32
    %while3A_77 = arith.addi %while3A_71, %while3A_76 : i32
    %while3A_78 = arith.constant 1 : i32
    scf.for %while3A_186 = %while3A_71 to %while3A_77 step %while3A_78  : i32 {
      %mul3A_187 = arith.constant 2 : i32
      %mul3A_188 = arith.muli %mul3A_187, %while3A_186 : i32
      %eq3A = arith.constant 0 : i32
      %eq3A_189 = arith.cmpi eq, %while3A_186, %eq3A : i32
      %not3A = arith.constant true
      %not3A_190 = arith.xori %eq3A_189, %not3A : i1
      %convert_element_type3A_191 = arith.extui %not3A_190 : i1 to i32
      %cond3A_192 = arith.constant 0 : i32
      %cond3A_193 = arith.cmpi ne, %convert_element_type3A_191, %cond3A_192 : i32
      scf.if %cond3A_193 {
        %dma_wait3A_235 = arith.constant 0 : i32
        %dma_wait3A_236 = arith.constant 0 : i32
        %dma_wait3A_237 = tpu.memref_slice %arg14[%dma_wait3A_235, %dma_wait3A_236] : memref<5248x128xf32, #tpu.memory_space<vmem_shared>> -> memref<5248x128xf32, #tpu.memory_space<vmem_shared>>
        tpu.wait_indirect_dma semaphore(%arg16 : memref<!tpu.dma_semaphore, #tpu.memory_space<semaphore_mem>>) src(%arg10 : memref<128x128xf32, #tpu.memory_space<vmem>>) dst(%dma_wait3A_237 : memref<5248x128xf32, #tpu.memory_space<vmem_shared>>)
      } else {
      }
      %mul3A_194 = arith.constant 128 : i32
      %mul3A_195 = arith.muli %mul3A_188, %mul3A_194 : i32
      %add3A_196 = arith.addi %mul3A_14, %mul3A_195 : i32
      "tpu.region"() ({
        %run_scoped3A = tpu.sem_alloc : memref<!tpu.dma_semaphore, #tpu.memory_space<semaphore_mem>>
        %dma_start3A_235 = tpu.memref_slice %arg4[%add3A_196] : memref<656384xi32, #tpu.memory_space<hbm>> -> memref<128xi32, #tpu.memory_space<hbm>>
        %dma_start3A_236 = tpu.memref_slice %arg4[%add3A_196] : memref<656384xi32, #tpu.memory_space<hbm>> -> memref<128xi32, #tpu.memory_space<hbm>>
        tpu.enqueue_dma source(%dma_start3A_236 : memref<128xi32, #tpu.memory_space<hbm>>) target(%arg8 : memref<128xi32, #tpu.memory_space<vmem>>) target_semaphore(%run_scoped3A : memref<!tpu.dma_semaphore, #tpu.memory_space<semaphore_mem>>)
        %dma_wait3A_237 = tpu.memref_slice %arg4[%add3A_196] : memref<656384xi32, #tpu.memory_space<hbm>> -> memref<128xi32, #tpu.memory_space<hbm>>
        %dma_wait3A_238 = tpu.memref_slice %arg4[%add3A_196] : memref<656384xi32, #tpu.memory_space<hbm>> -> memref<128xi32, #tpu.memory_space<hbm>>
        tpu.wait_dma2 semaphore(%run_scoped3A : memref<!tpu.dma_semaphore, #tpu.memory_space<semaphore_mem>>) src(%dma_wait3A_238 : memref<128xi32, #tpu.memory_space<hbm>>) dst(%arg8 : memref<128xi32, #tpu.memory_space<vmem>>)
        tpu.yield
      }) : () -> ()
      %mul3A_197 = arith.constant 128 : i32
      %mul3A_198 = arith.muli %mul3A_188, %mul3A_197 : i32
      %dma_start3A = tpu.memref_slice %arg7[%mul3A_198] : memref<10256xi32, #tpu.memory_space<vmem>> -> memref<128xi32, #tpu.memory_space<vmem>>
      %dma_start3A_199 = arith.constant 0 : i32
      %dma_start3A_200 = arith.constant 0 : i32
      %dma_start3A_201 = tpu.memref_slice %arg2[%dma_start3A_199, %dma_start3A_200] : memref<10000x128xf32, #tpu.memory_space<hbm>> -> memref<10000x128xf32, #tpu.memory_space<hbm>>
      tpu.enqueue_indirect_dma source(%dma_start3A_201 : memref<10000x128xf32, #tpu.memory_space<hbm>>) target(%arg10 : memref<128x128xf32, #tpu.memory_space<vmem>>) offsets(%dma_start3A : memref<128xi32, #tpu.memory_space<vmem>>) semaphore(%arg15 : memref<!tpu.dma_semaphore, #tpu.memory_space<semaphore_mem>>)
      %dma_wait3A = tpu.memref_slice %arg7[%mul3A_198] : memref<10256xi32, #tpu.memory_space<vmem>> -> memref<128xi32, #tpu.memory_space<vmem>>
      %dma_wait3A_202 = arith.constant 0 : i32
      %dma_wait3A_203 = arith.constant 0 : i32
      %dma_wait3A_204 = tpu.memref_slice %arg2[%dma_wait3A_202, %dma_wait3A_203] : memref<10000x128xf32, #tpu.memory_space<hbm>> -> memref<10000x128xf32, #tpu.memory_space<hbm>>
      tpu.wait_indirect_dma semaphore(%arg15 : memref<!tpu.dma_semaphore, #tpu.memory_space<semaphore_mem>>) src(%dma_wait3A_204 : memref<10000x128xf32, #tpu.memory_space<hbm>>) dst(%arg10 : memref<128x128xf32, #tpu.memory_space<vmem>>)
      %dma_start3A_205 = arith.constant 0 : i32
      %dma_start3A_206 = arith.constant 0 : i32
      %dma_start3A_207 = tpu.memref_slice %arg14[%dma_start3A_205, %dma_start3A_206] : memref<5248x128xf32, #tpu.memory_space<vmem_shared>> -> memref<5248x128xf32, #tpu.memory_space<vmem_shared>>
      tpu.enqueue_indirect_dma source(%arg10 : memref<128x128xf32, #tpu.memory_space<vmem>>) target(%dma_start3A_207 : memref<5248x128xf32, #tpu.memory_space<vmem_shared>>) offsets(%arg8 : memref<128xi32, #tpu.memory_space<vmem>>) semaphore(%arg16 : memref<!tpu.dma_semaphore, #tpu.memory_space<semaphore_mem>>) {add = true}
      %mul3A_208 = arith.constant 2 : i32
      %mul3A_209 = arith.muli %mul3A_208, %while3A_186 : i32
      %add3A_210 = arith.constant 1 : i32
      %add3A_211 = arith.addi %mul3A_209, %add3A_210 : i32
      %eq3A_212 = arith.constant 0 : i32
      %eq3A_213 = arith.cmpi eq, %while3A_186, %eq3A_212 : i32
      %not3A_214 = arith.constant true
      %not3A_215 = arith.xori %eq3A_213, %not3A_214 : i1
      %convert_element_type3A_216 = arith.extui %not3A_215 : i1 to i32
      %cond3A_217 = arith.constant 0 : i32
      %cond3A_218 = arith.cmpi ne, %convert_element_type3A_216, %cond3A_217 : i32
      scf.if %cond3A_218 {
        %dma_wait3A_235 = arith.constant 0 : i32
        %dma_wait3A_236 = arith.constant 0 : i32
        %dma_wait3A_237 = tpu.memref_slice %arg14[%dma_wait3A_235, %dma_wait3A_236] : memref<5248x128xf32, #tpu.memory_space<vmem_shared>> -> memref<5248x128xf32, #tpu.memory_space<vmem_shared>>
        tpu.wait_indirect_dma semaphore(%arg17 : memref<!tpu.dma_semaphore, #tpu.memory_space<semaphore_mem>>) src(%arg11 : memref<128x128xf32, #tpu.memory_space<vmem>>) dst(%dma_wait3A_237 : memref<5248x128xf32, #tpu.memory_space<vmem_shared>>)
      } else {
      }
      %mul3A_219 = arith.constant 128 : i32
      %mul3A_220 = arith.muli %add3A_211, %mul3A_219 : i32
      %add3A_221 = arith.addi %mul3A_14, %mul3A_220 : i32
      "tpu.region"() ({
        %run_scoped3A = tpu.sem_alloc : memref<!tpu.dma_semaphore, #tpu.memory_space<semaphore_mem>>
        %dma_start3A_235 = tpu.memref_slice %arg4[%add3A_221] : memref<656384xi32, #tpu.memory_space<hbm>> -> memref<128xi32, #tpu.memory_space<hbm>>
        %dma_start3A_236 = tpu.memref_slice %arg4[%add3A_221] : memref<656384xi32, #tpu.memory_space<hbm>> -> memref<128xi32, #tpu.memory_space<hbm>>
        tpu.enqueue_dma source(%dma_start3A_236 : memref<128xi32, #tpu.memory_space<hbm>>) target(%arg9 : memref<128xi32, #tpu.memory_space<vmem>>) target_semaphore(%run_scoped3A : memref<!tpu.dma_semaphore, #tpu.memory_space<semaphore_mem>>)
        %dma_wait3A_237 = tpu.memref_slice %arg4[%add3A_221] : memref<656384xi32, #tpu.memory_space<hbm>> -> memref<128xi32, #tpu.memory_space<hbm>>
        %dma_wait3A_238 = tpu.memref_slice %arg4[%add3A_221] : memref<656384xi32, #tpu.memory_space<hbm>> -> memref<128xi32, #tpu.memory_space<hbm>>
        tpu.wait_dma2 semaphore(%run_scoped3A : memref<!tpu.dma_semaphore, #tpu.memory_space<semaphore_mem>>) src(%dma_wait3A_238 : memref<128xi32, #tpu.memory_space<hbm>>) dst(%arg9 : memref<128xi32, #tpu.memory_space<vmem>>)
        tpu.yield
      }) : () -> ()
      %mul3A_222 = arith.constant 128 : i32
      %mul3A_223 = arith.muli %add3A_211, %mul3A_222 : i32
      %dma_start3A_224 = tpu.memref_slice %arg7[%mul3A_223] : memref<10256xi32, #tpu.memory_space<vmem>> -> memref<128xi32, #tpu.memory_space<vmem>>
      %dma_start3A_225 = arith.constant 0 : i32
      %dma_start3A_226 = arith.constant 0 : i32
      %dma_start3A_227 = tpu.memref_slice %arg2[%dma_start3A_225, %dma_start3A_226] : memref<10000x128xf32, #tpu.memory_space<hbm>> -> memref<10000x128xf32, #tpu.memory_space<hbm>>
      tpu.enqueue_indirect_dma source(%dma_start3A_227 : memref<10000x128xf32, #tpu.memory_space<hbm>>) target(%arg11 : memref<128x128xf32, #tpu.memory_space<vmem>>) offsets(%dma_start3A_224 : memref<128xi32, #tpu.memory_space<vmem>>) semaphore(%arg15 : memref<!tpu.dma_semaphore, #tpu.memory_space<semaphore_mem>>)
      %dma_wait3A_228 = tpu.memref_slice %arg7[%mul3A_223] : memref<10256xi32, #tpu.memory_space<vmem>> -> memref<128xi32, #tpu.memory_space<vmem>>
      %dma_wait3A_229 = arith.constant 0 : i32
      %dma_wait3A_230 = arith.constant 0 : i32
      %dma_wait3A_231 = tpu.memref_slice %arg2[%dma_wait3A_229, %dma_wait3A_230] : memref<10000x128xf32, #tpu.memory_space<hbm>> -> memref<10000x128xf32, #tpu.memory_space<hbm>>
      tpu.wait_indirect_dma semaphore(%arg15 : memref<!tpu.dma_semaphore, #tpu.memory_space<semaphore_mem>>) src(%dma_wait3A_231 : memref<10000x128xf32, #tpu.memory_space<hbm>>) dst(%arg11 : memref<128x128xf32, #tpu.memory_space<vmem>>)
      %dma_start3A_232 = arith.constant 0 : i32
      %dma_start3A_233 = arith.constant 0 : i32
      %dma_start3A_234 = tpu.memref_slice %arg14[%dma_start3A_232, %dma_start3A_233] : memref<5248x128xf32, #tpu.memory_space<vmem_shared>> -> memref<5248x128xf32, #tpu.memory_space<vmem_shared>>
      tpu.enqueue_indirect_dma source(%arg11 : memref<128x128xf32, #tpu.memory_space<vmem>>) target(%dma_start3A_234 : memref<5248x128xf32, #tpu.memory_space<vmem_shared>>) offsets(%arg9 : memref<128xi32, #tpu.memory_space<vmem>>) semaphore(%arg17 : memref<!tpu.dma_semaphore, #tpu.memory_space<semaphore_mem>>) {add = true}
    }
    %while3A_79 = arith.constant 1 : i32
    scf.for %while3A_186 = %while3A_77 to %while3A_73 step %while3A_79  : i32 {
      %mul3A_187 = arith.constant 2 : i32
      %mul3A_188 = arith.muli %mul3A_187, %while3A_186 : i32
      %eq3A = arith.constant 0 : i32
      %eq3A_189 = arith.cmpi eq, %while3A_186, %eq3A : i32
      %not3A = arith.constant true
      %not3A_190 = arith.xori %eq3A_189, %not3A : i1
      %convert_element_type3A_191 = arith.extui %not3A_190 : i1 to i32
      %cond3A_192 = arith.constant 0 : i32
      %cond3A_193 = arith.cmpi ne, %convert_element_type3A_191, %cond3A_192 : i32
      scf.if %cond3A_193 {
        %dma_wait3A_235 = arith.constant 0 : i32
        %dma_wait3A_236 = arith.constant 0 : i32
        %dma_wait3A_237 = tpu.memref_slice %arg14[%dma_wait3A_235, %dma_wait3A_236] : memref<5248x128xf32, #tpu.memory_space<vmem_shared>> -> memref<5248x128xf32, #tpu.memory_space<vmem_shared>>
        tpu.wait_indirect_dma semaphore(%arg16 : memref<!tpu.dma_semaphore, #tpu.memory_space<semaphore_mem>>) src(%arg10 : memref<128x128xf32, #tpu.memory_space<vmem>>) dst(%dma_wait3A_237 : memref<5248x128xf32, #tpu.memory_space<vmem_shared>>)
      } else {
      }
      %mul3A_194 = arith.constant 128 : i32
      %mul3A_195 = arith.muli %mul3A_188, %mul3A_194 : i32
      %add3A_196 = arith.addi %mul3A_14, %mul3A_195 : i32
      "tpu.region"() ({
        %run_scoped3A = tpu.sem_alloc : memref<!tpu.dma_semaphore, #tpu.memory_space<semaphore_mem>>
        %dma_start3A_235 = tpu.memref_slice %arg4[%add3A_196] : memref<656384xi32, #tpu.memory_space<hbm>> -> memref<128xi32, #tpu.memory_space<hbm>>
        %dma_start3A_236 = tpu.memref_slice %arg4[%add3A_196] : memref<656384xi32, #tpu.memory_space<hbm>> -> memref<128xi32, #tpu.memory_space<hbm>>
        tpu.enqueue_dma source(%dma_start3A_236 : memref<128xi32, #tpu.memory_space<hbm>>) target(%arg8 : memref<128xi32, #tpu.memory_space<vmem>>) target_semaphore(%run_scoped3A : memref<!tpu.dma_semaphore, #tpu.memory_space<semaphore_mem>>)
        %dma_wait3A_237 = tpu.memref_slice %arg4[%add3A_196] : memref<656384xi32, #tpu.memory_space<hbm>> -> memref<128xi32, #tpu.memory_space<hbm>>
        %dma_wait3A_238 = tpu.memref_slice %arg4[%add3A_196] : memref<656384xi32, #tpu.memory_space<hbm>> -> memref<128xi32, #tpu.memory_space<hbm>>
        tpu.wait_dma2 semaphore(%run_scoped3A : memref<!tpu.dma_semaphore, #tpu.memory_space<semaphore_mem>>) src(%dma_wait3A_238 : memref<128xi32, #tpu.memory_space<hbm>>) dst(%arg8 : memref<128xi32, #tpu.memory_space<vmem>>)
        tpu.yield
      }) : () -> ()
      %mul3A_197 = arith.constant 128 : i32
      %mul3A_198 = arith.muli %mul3A_188, %mul3A_197 : i32
      %dma_start3A = tpu.memref_slice %arg7[%mul3A_198] : memref<10256xi32, #tpu.memory_space<vmem>> -> memref<128xi32, #tpu.memory_space<vmem>>
      %dma_start3A_199 = arith.constant 0 : i32
      %dma_start3A_200 = arith.constant 0 : i32
      %dma_start3A_201 = tpu.memref_slice %arg2[%dma_start3A_199, %dma_start3A_200] : memref<10000x128xf32, #tpu.memory_space<hbm>> -> memref<10000x128xf32, #tpu.memory_space<hbm>>
      tpu.enqueue_indirect_dma source(%dma_start3A_201 : memref<10000x128xf32, #tpu.memory_space<hbm>>) target(%arg10 : memref<128x128xf32, #tpu.memory_space<vmem>>) offsets(%dma_start3A : memref<128xi32, #tpu.memory_space<vmem>>) semaphore(%arg15 : memref<!tpu.dma_semaphore, #tpu.memory_space<semaphore_mem>>)
      %dma_wait3A = tpu.memref_slice %arg7[%mul3A_198] : memref<10256xi32, #tpu.memory_space<vmem>> -> memref<128xi32, #tpu.memory_space<vmem>>
      %dma_wait3A_202 = arith.constant 0 : i32
      %dma_wait3A_203 = arith.constant 0 : i32
      %dma_wait3A_204 = tpu.memref_slice %arg2[%dma_wait3A_202, %dma_wait3A_203] : memref<10000x128xf32, #tpu.memory_space<hbm>> -> memref<10000x128xf32, #tpu.memory_space<hbm>>
      tpu.wait_indirect_dma semaphore(%arg15 : memref<!tpu.dma_semaphore, #tpu.memory_space<semaphore_mem>>) src(%dma_wait3A_204 : memref<10000x128xf32, #tpu.memory_space<hbm>>) dst(%arg10 : memref<128x128xf32, #tpu.memory_space<vmem>>)
      %dma_start3A_205 = arith.constant 0 : i32
      %dma_start3A_206 = arith.constant 0 : i32
      %dma_start3A_207 = tpu.memref_slice %arg14[%dma_start3A_205, %dma_start3A_206] : memref<5248x128xf32, #tpu.memory_space<vmem_shared>> -> memref<5248x128xf32, #tpu.memory_space<vmem_shared>>
      tpu.enqueue_indirect_dma source(%arg10 : memref<128x128xf32, #tpu.memory_space<vmem>>) target(%dma_start3A_207 : memref<5248x128xf32, #tpu.memory_space<vmem_shared>>) offsets(%arg8 : memref<128xi32, #tpu.memory_space<vmem>>) semaphore(%arg16 : memref<!tpu.dma_semaphore, #tpu.memory_space<semaphore_mem>>) {add = true}
      %mul3A_208 = arith.constant 2 : i32
      %mul3A_209 = arith.muli %mul3A_208, %while3A_186 : i32
      %add3A_210 = arith.constant 1 : i32
      %add3A_211 = arith.addi %mul3A_209, %add3A_210 : i32
      %eq3A_212 = arith.constant 0 : i32
      %eq3A_213 = arith.cmpi eq, %while3A_186, %eq3A_212 : i32
      %not3A_214 = arith.constant true
      %not3A_215 = arith.xori %eq3A_213, %not3A_214 : i1
      %convert_element_type3A_216 = arith.extui %not3A_215 : i1 to i32
      %cond3A_217 = arith.constant 0 : i32
      %cond3A_218 = arith.cmpi ne, %convert_element_type3A_216, %cond3A_217 : i32
      scf.if %cond3A_218 {
        %dma_wait3A_235 = arith.constant 0 : i32
        %dma_wait3A_236 = arith.constant 0 : i32
        %dma_wait3A_237 = tpu.memref_slice %arg14[%dma_wait3A_235, %dma_wait3A_236] : memref<5248x128xf32, #tpu.memory_space<vmem_shared>> -> memref<5248x128xf32, #tpu.memory_space<vmem_shared>>
        tpu.wait_indirect_dma semaphore(%arg17 : memref<!tpu.dma_semaphore, #tpu.memory_space<semaphore_mem>>) src(%arg11 : memref<128x128xf32, #tpu.memory_space<vmem>>) dst(%dma_wait3A_237 : memref<5248x128xf32, #tpu.memory_space<vmem_shared>>)
      } else {
      }
      %mul3A_219 = arith.constant 128 : i32
      %mul3A_220 = arith.muli %add3A_211, %mul3A_219 : i32
      %add3A_221 = arith.addi %mul3A_14, %mul3A_220 : i32
      "tpu.region"() ({
        %run_scoped3A = tpu.sem_alloc : memref<!tpu.dma_semaphore, #tpu.memory_space<semaphore_mem>>
        %dma_start3A_235 = tpu.memref_slice %arg4[%add3A_221] : memref<656384xi32, #tpu.memory_space<hbm>> -> memref<128xi32, #tpu.memory_space<hbm>>
        %dma_start3A_236 = tpu.memref_slice %arg4[%add3A_221] : memref<656384xi32, #tpu.memory_space<hbm>> -> memref<128xi32, #tpu.memory_space<hbm>>
        tpu.enqueue_dma source(%dma_start3A_236 : memref<128xi32, #tpu.memory_space<hbm>>) target(%arg9 : memref<128xi32, #tpu.memory_space<vmem>>) target_semaphore(%run_scoped3A : memref<!tpu.dma_semaphore, #tpu.memory_space<semaphore_mem>>)
        %dma_wait3A_237 = tpu.memref_slice %arg4[%add3A_221] : memref<656384xi32, #tpu.memory_space<hbm>> -> memref<128xi32, #tpu.memory_space<hbm>>
        %dma_wait3A_238 = tpu.memref_slice %arg4[%add3A_221] : memref<656384xi32, #tpu.memory_space<hbm>> -> memref<128xi32, #tpu.memory_space<hbm>>
        tpu.wait_dma2 semaphore(%run_scoped3A : memref<!tpu.dma_semaphore, #tpu.memory_space<semaphore_mem>>) src(%dma_wait3A_238 : memref<128xi32, #tpu.memory_space<hbm>>) dst(%arg9 : memref<128xi32, #tpu.memory_space<vmem>>)
        tpu.yield
      }) : () -> ()
      %mul3A_222 = arith.constant 128 : i32
      %mul3A_223 = arith.muli %add3A_211, %mul3A_222 : i32
      %dma_start3A_224 = tpu.memref_slice %arg7[%mul3A_223] : memref<10256xi32, #tpu.memory_space<vmem>> -> memref<128xi32, #tpu.memory_space<vmem>>
      %dma_start3A_225 = arith.constant 0 : i32
      %dma_start3A_226 = arith.constant 0 : i32
      %dma_start3A_227 = tpu.memref_slice %arg2[%dma_start3A_225, %dma_start3A_226] : memref<10000x128xf32, #tpu.memory_space<hbm>> -> memref<10000x128xf32, #tpu.memory_space<hbm>>
      tpu.enqueue_indirect_dma source(%dma_start3A_227 : memref<10000x128xf32, #tpu.memory_space<hbm>>) target(%arg11 : memref<128x128xf32, #tpu.memory_space<vmem>>) offsets(%dma_start3A_224 : memref<128xi32, #tpu.memory_space<vmem>>) semaphore(%arg15 : memref<!tpu.dma_semaphore, #tpu.memory_space<semaphore_mem>>)
      %dma_wait3A_228 = tpu.memref_slice %arg7[%mul3A_223] : memref<10256xi32, #tpu.memory_space<vmem>> -> memref<128xi32, #tpu.memory_space<vmem>>
      %dma_wait3A_229 = arith.constant 0 : i32
      %dma_wait3A_230 = arith.constant 0 : i32
      %dma_wait3A_231 = tpu.memref_slice %arg2[%dma_wait3A_229, %dma_wait3A_230] : memref<10000x128xf32, #tpu.memory_space<hbm>> -> memref<10000x128xf32, #tpu.memory_space<hbm>>
      tpu.wait_indirect_dma semaphore(%arg15 : memref<!tpu.dma_semaphore, #tpu.memory_space<semaphore_mem>>) src(%dma_wait3A_231 : memref<10000x128xf32, #tpu.memory_space<hbm>>) dst(%arg11 : memref<128x128xf32, #tpu.memory_space<vmem>>)
      %dma_start3A_232 = arith.constant 0 : i32
      %dma_start3A_233 = arith.constant 0 : i32
      %dma_start3A_234 = tpu.memref_slice %arg14[%dma_start3A_232, %dma_start3A_233] : memref<5248x128xf32, #tpu.memory_space<vmem_shared>> -> memref<5248x128xf32, #tpu.memory_space<vmem_shared>>
      tpu.enqueue_indirect_dma source(%arg11 : memref<128x128xf32, #tpu.memory_space<vmem>>) target(%dma_start3A_234 : memref<5248x128xf32, #tpu.memory_space<vmem_shared>>) offsets(%arg9 : memref<128xi32, #tpu.memory_space<vmem>>) semaphore(%arg17 : memref<!tpu.dma_semaphore, #tpu.memory_space<semaphore_mem>>) {add = true}
    }
    %gt3A = arith.constant 0 : i32
    %gt3A_80 = arith.cmpi sgt, %select_n3A_67, %gt3A : i32
    %convert_element_type3A = arith.extui %gt3A_80 : i1 to i32
    %cond3A = arith.constant 0 : i32
    %cond3A_81 = arith.cmpi ne, %convert_element_type3A, %cond3A : i32
    scf.if %cond3A_81 {
      %dma_wait3A = arith.constant 0 : i32
      %dma_wait3A_186 = arith.constant 0 : i32
      %dma_wait3A_187 = tpu.memref_slice %arg14[%dma_wait3A, %dma_wait3A_186] : memref<5248x128xf32, #tpu.memory_space<vmem_shared>> -> memref<5248x128xf32, #tpu.memory_space<vmem_shared>>
      tpu.wait_indirect_dma semaphore(%arg16 : memref<!tpu.dma_semaphore, #tpu.memory_space<semaphore_mem>>) src(%arg10 : memref<128x128xf32, #tpu.memory_space<vmem>>) dst(%dma_wait3A_187 : memref<5248x128xf32, #tpu.memory_space<vmem_shared>>)
      %dma_wait3A_188 = arith.constant 0 : i32
      %dma_wait3A_189 = arith.constant 0 : i32
      %dma_wait3A_190 = tpu.memref_slice %arg14[%dma_wait3A_188, %dma_wait3A_189] : memref<5248x128xf32, #tpu.memory_space<vmem_shared>> -> memref<5248x128xf32, #tpu.memory_space<vmem_shared>>
      tpu.wait_indirect_dma semaphore(%arg17 : memref<!tpu.dma_semaphore, #tpu.memory_space<semaphore_mem>>) src(%arg11 : memref<128x128xf32, #tpu.memory_space<vmem>>) dst(%dma_wait3A_190 : memref<5248x128xf32, #tpu.memory_space<vmem_shared>>)
    } else {
    }
    %gt3A_82 = arith.constant 0 : i32
    %gt3A_83 = arith.cmpi sgt, %sub3A_70, %gt3A_82 : i32
    %convert_element_type3A_84 = arith.extui %gt3A_83 : i1 to i32
    %cond3A_85 = arith.constant 0 : i32
    %cond3A_86 = arith.cmpi ne, %convert_element_type3A_84, %cond3A_85 : i32
    scf.if %cond3A_86 {
      %mul3A_186 = arith.constant 2 : i32
      %mul3A_187 = arith.muli %mul3A_186, %select_n3A_67 : i32
      %mul3A_188 = arith.constant 128 : i32
      %mul3A_189 = arith.muli %mul3A_187, %mul3A_188 : i32
      %add3A_190 = arith.addi %mul3A_14, %mul3A_189 : i32
      "tpu.region"() ({
        %run_scoped3A = tpu.sem_alloc : memref<!tpu.dma_semaphore, #tpu.memory_space<semaphore_mem>>
        %dma_start3A_201 = tpu.memref_slice %arg4[%add3A_190] : memref<656384xi32, #tpu.memory_space<hbm>> -> memref<128xi32, #tpu.memory_space<hbm>>
        %dma_start3A_202 = tpu.memref_slice %arg4[%add3A_190] : memref<656384xi32, #tpu.memory_space<hbm>> -> memref<128xi32, #tpu.memory_space<hbm>>
        tpu.enqueue_dma source(%dma_start3A_202 : memref<128xi32, #tpu.memory_space<hbm>>) target(%arg8 : memref<128xi32, #tpu.memory_space<vmem>>) target_semaphore(%run_scoped3A : memref<!tpu.dma_semaphore, #tpu.memory_space<semaphore_mem>>)
        %dma_wait3A_203 = tpu.memref_slice %arg4[%add3A_190] : memref<656384xi32, #tpu.memory_space<hbm>> -> memref<128xi32, #tpu.memory_space<hbm>>
        %dma_wait3A_204 = tpu.memref_slice %arg4[%add3A_190] : memref<656384xi32, #tpu.memory_space<hbm>> -> memref<128xi32, #tpu.memory_space<hbm>>
        tpu.wait_dma2 semaphore(%run_scoped3A : memref<!tpu.dma_semaphore, #tpu.memory_space<semaphore_mem>>) src(%dma_wait3A_204 : memref<128xi32, #tpu.memory_space<hbm>>) dst(%arg8 : memref<128xi32, #tpu.memory_space<vmem>>)
        tpu.yield
      }) : () -> ()
      %mul3A_191 = arith.constant 2 : i32
      %mul3A_192 = arith.muli %mul3A_191, %select_n3A_67 : i32
      %mul3A_193 = arith.constant 128 : i32
      %mul3A_194 = arith.muli %mul3A_192, %mul3A_193 : i32
      %dma_start3A = tpu.memref_slice %arg7[%mul3A_194] : memref<10256xi32, #tpu.memory_space<vmem>> -> memref<128xi32, #tpu.memory_space<vmem>>
      %dma_start3A_195 = arith.constant 0 : i32
      %dma_start3A_196 = arith.constant 0 : i32
      %dma_start3A_197 = tpu.memref_slice %arg2[%dma_start3A_195, %dma_start3A_196] : memref<10000x128xf32, #tpu.memory_space<hbm>> -> memref<10000x128xf32, #tpu.memory_space<hbm>>
      tpu.enqueue_indirect_dma source(%dma_start3A_197 : memref<10000x128xf32, #tpu.memory_space<hbm>>) target(%arg10 : memref<128x128xf32, #tpu.memory_space<vmem>>) offsets(%dma_start3A : memref<128xi32, #tpu.memory_space<vmem>>) semaphore(%arg15 : memref<!tpu.dma_semaphore, #tpu.memory_space<semaphore_mem>>)
      %dma_wait3A = tpu.memref_slice %arg7[%mul3A_194] : memref<10256xi32, #tpu.memory_space<vmem>> -> memref<128xi32, #tpu.memory_space<vmem>>
      %dma_wait3A_198 = arith.constant 0 : i32
      %dma_wait3A_199 = arith.constant 0 : i32
      %dma_wait3A_200 = tpu.memref_slice %arg2[%dma_wait3A_198, %dma_wait3A_199] : memref<10000x128xf32, #tpu.memory_space<hbm>> -> memref<10000x128xf32, #tpu.memory_space<hbm>>
      tpu.wait_indirect_dma semaphore(%arg15 : memref<!tpu.dma_semaphore, #tpu.memory_space<semaphore_mem>>) src(%dma_wait3A_200 : memref<10000x128xf32, #tpu.memory_space<hbm>>) dst(%arg10 : memref<128x128xf32, #tpu.memory_space<vmem>>)
      "tpu.region"() ({
        %run_scoped3A = tpu.sem_alloc : memref<!tpu.dma_semaphore, #tpu.memory_space<semaphore_mem>>
        %dma_start3A_201 = arith.constant 0 : i32
        %dma_start3A_202 = arith.constant 0 : i32
        %dma_start3A_203 = tpu.memref_slice %arg14[%dma_start3A_201, %dma_start3A_202] : memref<5248x128xf32, #tpu.memory_space<vmem_shared>> -> memref<5248x128xf32, #tpu.memory_space<vmem_shared>>
        tpu.enqueue_indirect_dma source(%arg10 : memref<128x128xf32, #tpu.memory_space<vmem>>) target(%dma_start3A_203 : memref<5248x128xf32, #tpu.memory_space<vmem_shared>>) offsets(%arg8 : memref<128xi32, #tpu.memory_space<vmem>>) semaphore(%run_scoped3A : memref<!tpu.dma_semaphore, #tpu.memory_space<semaphore_mem>>) {add = true}
        %dma_wait3A_204 = arith.constant 0 : i32
        %dma_wait3A_205 = arith.constant 0 : i32
        %dma_wait3A_206 = tpu.memref_slice %arg14[%dma_wait3A_204, %dma_wait3A_205] : memref<5248x128xf32, #tpu.memory_space<vmem_shared>> -> memref<5248x128xf32, #tpu.memory_space<vmem_shared>>
        tpu.wait_indirect_dma semaphore(%run_scoped3A : memref<!tpu.dma_semaphore, #tpu.memory_space<semaphore_mem>>) src(%arg10 : memref<128x128xf32, #tpu.memory_space<vmem>>) dst(%dma_wait3A_206 : memref<5248x128xf32, #tpu.memory_space<vmem_shared>>)
        tpu.yield
      }) : () -> ()
    } else {
    }
    %mul3A_87 = arith.constant 2 : i32
    %mul3A_88 = arith.muli %arg1, %mul3A_87 : i32
    %add3A_89 = arith.constant 1 : i32
    %add3A_90 = arith.addi %mul3A_88, %add3A_89 : i32
    %mul3A_91 = arith.constant 32 : i32
    %mul3A_92 = arith.muli %arg0, %mul3A_91 : i32
    %add3A_93 = arith.addi %mul3A_92, %add3A_90 : i32
    %mul3A_94 = arith.constant 10256 : i32
    %mul3A_95 = arith.muli %add3A_93, %mul3A_94 : i32
    %mul3A_96 = arith.constant 32 : i32
    %mul3A_97 = arith.muli %arg0, %mul3A_96 : i32
    %add3A_98 = arith.addi %mul3A_97, %add3A_90 : i32
    %mul3A_99 = arith.constant 16 : i32
    %mul3A_100 = arith.muli %add3A_98, %mul3A_99 : i32
    "tpu.region"() ({
      %run_scoped3A = tpu.sem_alloc : memref<!tpu.dma_semaphore, #tpu.memory_space<semaphore_mem>>
      %dma_start3A = tpu.memref_slice %arg5[%mul3A_100] : memref<1024xi32, #tpu.memory_space<hbm>> -> memref<16xi32, #tpu.memory_space<hbm>>
      %dma_start3A_186 = tpu.memref_slice %arg5[%mul3A_100] : memref<1024xi32, #tpu.memory_space<hbm>> -> memref<16xi32, #tpu.memory_space<hbm>>
      tpu.enqueue_dma source(%dma_start3A_186 : memref<16xi32, #tpu.memory_space<hbm>>) target(%arg13 : memref<16xi32, #tpu.memory_space<vmem>>) target_semaphore(%run_scoped3A : memref<!tpu.dma_semaphore, #tpu.memory_space<semaphore_mem>>)
      %dma_wait3A = tpu.memref_slice %arg5[%mul3A_100] : memref<1024xi32, #tpu.memory_space<hbm>> -> memref<16xi32, #tpu.memory_space<hbm>>
      %dma_wait3A_187 = tpu.memref_slice %arg5[%mul3A_100] : memref<1024xi32, #tpu.memory_space<hbm>> -> memref<16xi32, #tpu.memory_space<hbm>>
      tpu.wait_dma2 semaphore(%run_scoped3A : memref<!tpu.dma_semaphore, #tpu.memory_space<semaphore_mem>>) src(%dma_wait3A_187 : memref<16xi32, #tpu.memory_space<hbm>>) dst(%arg13 : memref<16xi32, #tpu.memory_space<vmem>>)
      tpu.yield
    }) : () -> ()
    %get3A_101 = arith.constant 0 : index
    %get3A_102 = tpu.vector_load %arg13[%get3A_101] {strides = array<i32>} : memref<16xi32, #tpu.memory_space<vmem>>, vector<16xi32>,
    %reduce_max3A_103 = arith.constant true
    %reduce_max3A_104 = vector.broadcast %reduce_max3A_103 : i1 to vector<16xi1>
    %reduce_max3A_105 = arith.constant -2147483648 : i32
    %reduce_max3A_106 = vector.broadcast %reduce_max3A_105 : i32 to vector<16xi32>
    %reduce_max3A_107 = arith.xori %get3A_102, %reduce_max3A_106 : vector<16xi32>
    %reduce_max3A_108 = tpu.scan <max>, %reduce_max3A_107 masked %reduce_max3A_104 : vector<16xi32>, vector<16xi1> -> vector<16xi32>
    %reduce_max3A_109 = arith.xori %reduce_max3A_108, %reduce_max3A_106 : vector<16xi32>
    %reduce_max3A_110 = vector.extract %reduce_max3A_109[15] : i32 from vector<16xi32>
    "tpu.region"() ({
      %run_scoped3A = tpu.sem_alloc : memref<!tpu.dma_semaphore, #tpu.memory_space<semaphore_mem>>
      %dma_start3A = tpu.memref_slice %arg3[%mul3A_95] : memref<656384xi32, #tpu.memory_space<hbm>> -> memref<10256xi32, #tpu.memory_space<hbm>>
      %dma_start3A_186 = tpu.memref_slice %arg3[%mul3A_95] : memref<656384xi32, #tpu.memory_space<hbm>> -> memref<10256xi32, #tpu.memory_space<hbm>>
      tpu.enqueue_dma source(%dma_start3A_186 : memref<10256xi32, #tpu.memory_space<hbm>>) target(%arg7 : memref<10256xi32, #tpu.memory_space<vmem>>) target_semaphore(%run_scoped3A : memref<!tpu.dma_semaphore, #tpu.memory_space<semaphore_mem>>)
      %dma_wait3A = tpu.memref_slice %arg3[%mul3A_95] : memref<656384xi32, #tpu.memory_space<hbm>> -> memref<10256xi32, #tpu.memory_space<hbm>>
      %dma_wait3A_187 = tpu.memref_slice %arg3[%mul3A_95] : memref<656384xi32, #tpu.memory_space<hbm>> -> memref<10256xi32, #tpu.memory_space<hbm>>
      tpu.wait_dma2 semaphore(%run_scoped3A : memref<!tpu.dma_semaphore, #tpu.memory_space<semaphore_mem>>) src(%dma_wait3A_187 : memref<10256xi32, #tpu.memory_space<hbm>>) dst(%arg7 : memref<10256xi32, #tpu.memory_space<vmem>>)
      tpu.yield
    }) : () -> ()
    %jit3A_111 = arith.constant 128 : i32
    %div3A_112 = arith.divsi %reduce_max3A_110, %jit3A_111 : i32
    %sign3A_113 = arith.constant 0 : i32
    %sign3A_114 = arith.cmpi sgt, %reduce_max3A_110, %sign3A_113 : i32
    %sign3A_115 = arith.extui %sign3A_114 : i1 to i32
    %sign3A_116 = arith.constant 0 : i32
    %sign3A_117 = arith.cmpi slt, %reduce_max3A_110, %sign3A_116 : i32
    %sign3A_118 = arith.extui %sign3A_117 : i1 to i32
    %sign3A_119 = arith.subi %sign3A_115, %sign3A_118 : i32
    %sign3A_120 = arith.constant 0 : i32
    %sign3A_121 = arith.cmpi sgt, %jit3A_111, %sign3A_120 : i32
    %sign3A_122 = arith.extui %sign3A_121 : i1 to i32
    %sign3A_123 = arith.constant 0 : i32
    %sign3A_124 = arith.cmpi slt, %jit3A_111, %sign3A_123 : i32
    %sign3A_125 = arith.extui %sign3A_124 : i1 to i32
    %sign3A_126 = arith.subi %sign3A_122, %sign3A_125 : i32
    %ne3A_127 = arith.cmpi ne, %sign3A_119, %sign3A_126 : i32
    %rem3A_128 = arith.remsi %reduce_max3A_110, %jit3A_111 : i32
    %ne3A_129 = arith.constant 0 : i32
    %ne3A_130 = arith.cmpi ne, %rem3A_128, %ne3A_129 : i32
    %and3A_131 = arith.andi %ne3A_127, %ne3A_130 : i1
    %sub3A_132 = arith.constant 1 : i32
    %sub3A_133 = arith.subi %div3A_112, %sub3A_132 : i32
    %select_n3A_134 = arith.select %and3A_131, %sub3A_133, %div3A_112 : i32
    %jit3A_135 = arith.constant 2 : i32
    %div3A_136 = arith.divsi %select_n3A_134, %jit3A_135 : i32
    %sign3A_137 = arith.constant 0 : i32
    %sign3A_138 = arith.cmpi sgt, %select_n3A_134, %sign3A_137 : i32
    %sign3A_139 = arith.extui %sign3A_138 : i1 to i32
    %sign3A_140 = arith.constant 0 : i32
    %sign3A_141 = arith.cmpi slt, %select_n3A_134, %sign3A_140 : i32
    %sign3A_142 = arith.extui %sign3A_141 : i1 to i32
    %sign3A_143 = arith.subi %sign3A_139, %sign3A_142 : i32
    %sign3A_144 = arith.constant 0 : i32
    %sign3A_145 = arith.cmpi sgt, %jit3A_135, %sign3A_144 : i32
    %sign3A_146 = arith.extui %sign3A_145 : i1 to i32
    %sign3A_147 = arith.constant 0 : i32
    %sign3A_148 = arith.cmpi slt, %jit3A_135, %sign3A_147 : i32
    %sign3A_149 = arith.extui %sign3A_148 : i1 to i32
    %sign3A_150 = arith.subi %sign3A_146, %sign3A_149 : i32
    %ne3A_151 = arith.cmpi ne, %sign3A_143, %sign3A_150 : i32
    %rem3A_152 = arith.remsi %select_n3A_134, %jit3A_135 : i32
    %ne3A_153 = arith.constant 0 : i32
    %ne3A_154 = arith.cmpi ne, %rem3A_152, %ne3A_153 : i32
    %and3A_155 = arith.andi %ne3A_151, %ne3A_154 : i1
    %sub3A_156 = arith.constant 1 : i32
    %sub3A_157 = arith.subi %div3A_136, %sub3A_156 : i32
    %select_n3A_158 = arith.select %and3A_155, %sub3A_157, %div3A_136 : i32
    %mul3A_159 = arith.constant 2 : i32
    %mul3A_160 = arith.muli %mul3A_159, %select_n3A_158 : i32
    %sub3A_161 = arith.subi %select_n3A_134, %mul3A_160 : i32
    %while3A_162 = arith.constant 0 : i32
    %while3A_163 = arith.constant 0 : i32
    %while3A_164 = arith.subi %select_n3A_158, %while3A_163 : i32
    %while3A_165 = arith.addi %while3A_163, %while3A_164 : i32
    %while3A_166 = arith.constant 1 : i32
    %while3A_167 = arith.divsi %while3A_164, %while3A_166 : i32
    %while3A_168 = arith.muli %while3A_167, %while3A_166 : i32
    %while3A_169 = arith.addi %while3A_163, %while3A_168 : i32
    %while3A_170 = arith.constant 1 : i32
    scf.for %while3A_186 = %while3A_163 to %while3A_169 step %while3A_170  : i32 {
      %mul3A_187 = arith.constant 2 : i32
      %mul3A_188 = arith.muli %mul3A_187, %while3A_186 : i32
      %eq3A = arith.constant 0 : i32
      %eq3A_189 = arith.cmpi eq, %while3A_186, %eq3A : i32
      %not3A = arith.constant true
      %not3A_190 = arith.xori %eq3A_189, %not3A : i1
      %convert_element_type3A_191 = arith.extui %not3A_190 : i1 to i32
      %cond3A_192 = arith.constant 0 : i32
      %cond3A_193 = arith.cmpi ne, %convert_element_type3A_191, %cond3A_192 : i32
      scf.if %cond3A_193 {
        %dma_wait3A_235 = arith.constant 0 : i32
        %dma_wait3A_236 = arith.constant 0 : i32
        %dma_wait3A_237 = tpu.memref_slice %arg14[%dma_wait3A_235, %dma_wait3A_236] : memref<5248x128xf32, #tpu.memory_space<vmem_shared>> -> memref<5248x128xf32, #tpu.memory_space<vmem_shared>>
        tpu.wait_indirect_dma semaphore(%arg16 : memref<!tpu.dma_semaphore, #tpu.memory_space<semaphore_mem>>) src(%arg10 : memref<128x128xf32, #tpu.memory_space<vmem>>) dst(%dma_wait3A_237 : memref<5248x128xf32, #tpu.memory_space<vmem_shared>>)
      } else {
      }
      %mul3A_194 = arith.constant 128 : i32
      %mul3A_195 = arith.muli %mul3A_188, %mul3A_194 : i32
      %add3A_196 = arith.addi %mul3A_95, %mul3A_195 : i32
      "tpu.region"() ({
        %run_scoped3A = tpu.sem_alloc : memref<!tpu.dma_semaphore, #tpu.memory_space<semaphore_mem>>
        %dma_start3A_235 = tpu.memref_slice %arg4[%add3A_196] : memref<656384xi32, #tpu.memory_space<hbm>> -> memref<128xi32, #tpu.memory_space<hbm>>
        %dma_start3A_236 = tpu.memref_slice %arg4[%add3A_196] : memref<656384xi32, #tpu.memory_space<hbm>> -> memref<128xi32, #tpu.memory_space<hbm>>
        tpu.enqueue_dma source(%dma_start3A_236 : memref<128xi32, #tpu.memory_space<hbm>>) target(%arg8 : memref<128xi32, #tpu.memory_space<vmem>>) target_semaphore(%run_scoped3A : memref<!tpu.dma_semaphore, #tpu.memory_space<semaphore_mem>>)
        %dma_wait3A_237 = tpu.memref_slice %arg4[%add3A_196] : memref<656384xi32, #tpu.memory_space<hbm>> -> memref<128xi32, #tpu.memory_space<hbm>>
        %dma_wait3A_238 = tpu.memref_slice %arg4[%add3A_196] : memref<656384xi32, #tpu.memory_space<hbm>> -> memref<128xi32, #tpu.memory_space<hbm>>
        tpu.wait_dma2 semaphore(%run_scoped3A : memref<!tpu.dma_semaphore, #tpu.memory_space<semaphore_mem>>) src(%dma_wait3A_238 : memref<128xi32, #tpu.memory_space<hbm>>) dst(%arg8 : memref<128xi32, #tpu.memory_space<vmem>>)
        tpu.yield
      }) : () -> ()
      %mul3A_197 = arith.constant 128 : i32
      %mul3A_198 = arith.muli %mul3A_188, %mul3A_197 : i32
      %dma_start3A = tpu.memref_slice %arg7[%mul3A_198] : memref<10256xi32, #tpu.memory_space<vmem>> -> memref<128xi32, #tpu.memory_space<vmem>>
      %dma_start3A_199 = arith.constant 0 : i32
      %dma_start3A_200 = arith.constant 0 : i32
      %dma_start3A_201 = tpu.memref_slice %arg2[%dma_start3A_199, %dma_start3A_200] : memref<10000x128xf32, #tpu.memory_space<hbm>> -> memref<10000x128xf32, #tpu.memory_space<hbm>>
      tpu.enqueue_indirect_dma source(%dma_start3A_201 : memref<10000x128xf32, #tpu.memory_space<hbm>>) target(%arg10 : memref<128x128xf32, #tpu.memory_space<vmem>>) offsets(%dma_start3A : memref<128xi32, #tpu.memory_space<vmem>>) semaphore(%arg15 : memref<!tpu.dma_semaphore, #tpu.memory_space<semaphore_mem>>)
      %dma_wait3A = tpu.memref_slice %arg7[%mul3A_198] : memref<10256xi32, #tpu.memory_space<vmem>> -> memref<128xi32, #tpu.memory_space<vmem>>
      %dma_wait3A_202 = arith.constant 0 : i32
      %dma_wait3A_203 = arith.constant 0 : i32
      %dma_wait3A_204 = tpu.memref_slice %arg2[%dma_wait3A_202, %dma_wait3A_203] : memref<10000x128xf32, #tpu.memory_space<hbm>> -> memref<10000x128xf32, #tpu.memory_space<hbm>>
      tpu.wait_indirect_dma semaphore(%arg15 : memref<!tpu.dma_semaphore, #tpu.memory_space<semaphore_mem>>) src(%dma_wait3A_204 : memref<10000x128xf32, #tpu.memory_space<hbm>>) dst(%arg10 : memref<128x128xf32, #tpu.memory_space<vmem>>)
      %dma_start3A_205 = arith.constant 0 : i32
      %dma_start3A_206 = arith.constant 0 : i32
      %dma_start3A_207 = tpu.memref_slice %arg14[%dma_start3A_205, %dma_start3A_206] : memref<5248x128xf32, #tpu.memory_space<vmem_shared>> -> memref<5248x128xf32, #tpu.memory_space<vmem_shared>>
      tpu.enqueue_indirect_dma source(%arg10 : memref<128x128xf32, #tpu.memory_space<vmem>>) target(%dma_start3A_207 : memref<5248x128xf32, #tpu.memory_space<vmem_shared>>) offsets(%arg8 : memref<128xi32, #tpu.memory_space<vmem>>) semaphore(%arg16 : memref<!tpu.dma_semaphore, #tpu.memory_space<semaphore_mem>>) {add = true}
      %mul3A_208 = arith.constant 2 : i32
      %mul3A_209 = arith.muli %mul3A_208, %while3A_186 : i32
      %add3A_210 = arith.constant 1 : i32
      %add3A_211 = arith.addi %mul3A_209, %add3A_210 : i32
      %eq3A_212 = arith.constant 0 : i32
      %eq3A_213 = arith.cmpi eq, %while3A_186, %eq3A_212 : i32
      %not3A_214 = arith.constant true
      %not3A_215 = arith.xori %eq3A_213, %not3A_214 : i1
      %convert_element_type3A_216 = arith.extui %not3A_215 : i1 to i32
      %cond3A_217 = arith.constant 0 : i32
      %cond3A_218 = arith.cmpi ne, %convert_element_type3A_216, %cond3A_217 : i32
      scf.if %cond3A_218 {
        %dma_wait3A_235 = arith.constant 0 : i32
        %dma_wait3A_236 = arith.constant 0 : i32
        %dma_wait3A_237 = tpu.memref_slice %arg14[%dma_wait3A_235, %dma_wait3A_236] : memref<5248x128xf32, #tpu.memory_space<vmem_shared>> -> memref<5248x128xf32, #tpu.memory_space<vmem_shared>>
        tpu.wait_indirect_dma semaphore(%arg17 : memref<!tpu.dma_semaphore, #tpu.memory_space<semaphore_mem>>) src(%arg11 : memref<128x128xf32, #tpu.memory_space<vmem>>) dst(%dma_wait3A_237 : memref<5248x128xf32, #tpu.memory_space<vmem_shared>>)
      } else {
      }
      %mul3A_219 = arith.constant 128 : i32
      %mul3A_220 = arith.muli %add3A_211, %mul3A_219 : i32
      %add3A_221 = arith.addi %mul3A_95, %mul3A_220 : i32
      "tpu.region"() ({
        %run_scoped3A = tpu.sem_alloc : memref<!tpu.dma_semaphore, #tpu.memory_space<semaphore_mem>>
        %dma_start3A_235 = tpu.memref_slice %arg4[%add3A_221] : memref<656384xi32, #tpu.memory_space<hbm>> -> memref<128xi32, #tpu.memory_space<hbm>>
        %dma_start3A_236 = tpu.memref_slice %arg4[%add3A_221] : memref<656384xi32, #tpu.memory_space<hbm>> -> memref<128xi32, #tpu.memory_space<hbm>>
        tpu.enqueue_dma source(%dma_start3A_236 : memref<128xi32, #tpu.memory_space<hbm>>) target(%arg9 : memref<128xi32, #tpu.memory_space<vmem>>) target_semaphore(%run_scoped3A : memref<!tpu.dma_semaphore, #tpu.memory_space<semaphore_mem>>)
        %dma_wait3A_237 = tpu.memref_slice %arg4[%add3A_221] : memref<656384xi32, #tpu.memory_space<hbm>> -> memref<128xi32, #tpu.memory_space<hbm>>
        %dma_wait3A_238 = tpu.memref_slice %arg4[%add3A_221] : memref<656384xi32, #tpu.memory_space<hbm>> -> memref<128xi32, #tpu.memory_space<hbm>>
        tpu.wait_dma2 semaphore(%run_scoped3A : memref<!tpu.dma_semaphore, #tpu.memory_space<semaphore_mem>>) src(%dma_wait3A_238 : memref<128xi32, #tpu.memory_space<hbm>>) dst(%arg9 : memref<128xi32, #tpu.memory_space<vmem>>)
        tpu.yield
      }) : () -> ()
      %mul3A_222 = arith.constant 128 : i32
      %mul3A_223 = arith.muli %add3A_211, %mul3A_222 : i32
      %dma_start3A_224 = tpu.memref_slice %arg7[%mul3A_223] : memref<10256xi32, #tpu.memory_space<vmem>> -> memref<128xi32, #tpu.memory_space<vmem>>
      %dma_start3A_225 = arith.constant 0 : i32
      %dma_start3A_226 = arith.constant 0 : i32
      %dma_start3A_227 = tpu.memref_slice %arg2[%dma_start3A_225, %dma_start3A_226] : memref<10000x128xf32, #tpu.memory_space<hbm>> -> memref<10000x128xf32, #tpu.memory_space<hbm>>
      tpu.enqueue_indirect_dma source(%dma_start3A_227 : memref<10000x128xf32, #tpu.memory_space<hbm>>) target(%arg11 : memref<128x128xf32, #tpu.memory_space<vmem>>) offsets(%dma_start3A_224 : memref<128xi32, #tpu.memory_space<vmem>>) semaphore(%arg15 : memref<!tpu.dma_semaphore, #tpu.memory_space<semaphore_mem>>)
      %dma_wait3A_228 = tpu.memref_slice %arg7[%mul3A_223] : memref<10256xi32, #tpu.memory_space<vmem>> -> memref<128xi32, #tpu.memory_space<vmem>>
      %dma_wait3A_229 = arith.constant 0 : i32
      %dma_wait3A_230 = arith.constant 0 : i32
      %dma_wait3A_231 = tpu.memref_slice %arg2[%dma_wait3A_229, %dma_wait3A_230] : memref<10000x128xf32, #tpu.memory_space<hbm>> -> memref<10000x128xf32, #tpu.memory_space<hbm>>
      tpu.wait_indirect_dma semaphore(%arg15 : memref<!tpu.dma_semaphore, #tpu.memory_space<semaphore_mem>>) src(%dma_wait3A_231 : memref<10000x128xf32, #tpu.memory_space<hbm>>) dst(%arg11 : memref<128x128xf32, #tpu.memory_space<vmem>>)
      %dma_start3A_232 = arith.constant 0 : i32
      %dma_start3A_233 = arith.constant 0 : i32
      %dma_start3A_234 = tpu.memref_slice %arg14[%dma_start3A_232, %dma_start3A_233] : memref<5248x128xf32, #tpu.memory_space<vmem_shared>> -> memref<5248x128xf32, #tpu.memory_space<vmem_shared>>
      tpu.enqueue_indirect_dma source(%arg11 : memref<128x128xf32, #tpu.memory_space<vmem>>) target(%dma_start3A_234 : memref<5248x128xf32, #tpu.memory_space<vmem_shared>>) offsets(%arg9 : memref<128xi32, #tpu.memory_space<vmem>>) semaphore(%arg17 : memref<!tpu.dma_semaphore, #tpu.memory_space<semaphore_mem>>) {add = true}
    }
    %while3A_171 = arith.constant 1 : i32
    scf.for %while3A_186 = %while3A_169 to %while3A_165 step %while3A_171  : i32 {
      %mul3A_187 = arith.constant 2 : i32
      %mul3A_188 = arith.muli %mul3A_187, %while3A_186 : i32
      %eq3A = arith.constant 0 : i32
      %eq3A_189 = arith.cmpi eq, %while3A_186, %eq3A : i32
      %not3A = arith.constant true
      %not3A_190 = arith.xori %eq3A_189, %not3A : i1
      %convert_element_type3A_191 = arith.extui %not3A_190 : i1 to i32
      %cond3A_192 = arith.constant 0 : i32
      %cond3A_193 = arith.cmpi ne, %convert_element_type3A_191, %cond3A_192 : i32
      scf.if %cond3A_193 {
        %dma_wait3A_235 = arith.constant 0 : i32
        %dma_wait3A_236 = arith.constant 0 : i32
        %dma_wait3A_237 = tpu.memref_slice %arg14[%dma_wait3A_235, %dma_wait3A_236] : memref<5248x128xf32, #tpu.memory_space<vmem_shared>> -> memref<5248x128xf32, #tpu.memory_space<vmem_shared>>
        tpu.wait_indirect_dma semaphore(%arg16 : memref<!tpu.dma_semaphore, #tpu.memory_space<semaphore_mem>>) src(%arg10 : memref<128x128xf32, #tpu.memory_space<vmem>>) dst(%dma_wait3A_237 : memref<5248x128xf32, #tpu.memory_space<vmem_shared>>)
      } else {
      }
      %mul3A_194 = arith.constant 128 : i32
      %mul3A_195 = arith.muli %mul3A_188, %mul3A_194 : i32
      %add3A_196 = arith.addi %mul3A_95, %mul3A_195 : i32
      "tpu.region"() ({
        %run_scoped3A = tpu.sem_alloc : memref<!tpu.dma_semaphore, #tpu.memory_space<semaphore_mem>>
        %dma_start3A_235 = tpu.memref_slice %arg4[%add3A_196] : memref<656384xi32, #tpu.memory_space<hbm>> -> memref<128xi32, #tpu.memory_space<hbm>>
        %dma_start3A_236 = tpu.memref_slice %arg4[%add3A_196] : memref<656384xi32, #tpu.memory_space<hbm>> -> memref<128xi32, #tpu.memory_space<hbm>>
        tpu.enqueue_dma source(%dma_start3A_236 : memref<128xi32, #tpu.memory_space<hbm>>) target(%arg8 : memref<128xi32, #tpu.memory_space<vmem>>) target_semaphore(%run_scoped3A : memref<!tpu.dma_semaphore, #tpu.memory_space<semaphore_mem>>)
        %dma_wait3A_237 = tpu.memref_slice %arg4[%add3A_196] : memref<656384xi32, #tpu.memory_space<hbm>> -> memref<128xi32, #tpu.memory_space<hbm>>
        %dma_wait3A_238 = tpu.memref_slice %arg4[%add3A_196] : memref<656384xi32, #tpu.memory_space<hbm>> -> memref<128xi32, #tpu.memory_space<hbm>>
        tpu.wait_dma2 semaphore(%run_scoped3A : memref<!tpu.dma_semaphore, #tpu.memory_space<semaphore_mem>>) src(%dma_wait3A_238 : memref<128xi32, #tpu.memory_space<hbm>>) dst(%arg8 : memref<128xi32, #tpu.memory_space<vmem>>)
        tpu.yield
      }) : () -> ()
      %mul3A_197 = arith.constant 128 : i32
      %mul3A_198 = arith.muli %mul3A_188, %mul3A_197 : i32
      %dma_start3A = tpu.memref_slice %arg7[%mul3A_198] : memref<10256xi32, #tpu.memory_space<vmem>> -> memref<128xi32, #tpu.memory_space<vmem>>
      %dma_start3A_199 = arith.constant 0 : i32
      %dma_start3A_200 = arith.constant 0 : i32
      %dma_start3A_201 = tpu.memref_slice %arg2[%dma_start3A_199, %dma_start3A_200] : memref<10000x128xf32, #tpu.memory_space<hbm>> -> memref<10000x128xf32, #tpu.memory_space<hbm>>
      tpu.enqueue_indirect_dma source(%dma_start3A_201 : memref<10000x128xf32, #tpu.memory_space<hbm>>) target(%arg10 : memref<128x128xf32, #tpu.memory_space<vmem>>) offsets(%dma_start3A : memref<128xi32, #tpu.memory_space<vmem>>) semaphore(%arg15 : memref<!tpu.dma_semaphore, #tpu.memory_space<semaphore_mem>>)
      %dma_wait3A = tpu.memref_slice %arg7[%mul3A_198] : memref<10256xi32, #tpu.memory_space<vmem>> -> memref<128xi32, #tpu.memory_space<vmem>>
      %dma_wait3A_202 = arith.constant 0 : i32
      %dma_wait3A_203 = arith.constant 0 : i32
      %dma_wait3A_204 = tpu.memref_slice %arg2[%dma_wait3A_202, %dma_wait3A_203] : memref<10000x128xf32, #tpu.memory_space<hbm>> -> memref<10000x128xf32, #tpu.memory_space<hbm>>
      tpu.wait_indirect_dma semaphore(%arg15 : memref<!tpu.dma_semaphore, #tpu.memory_space<semaphore_mem>>) src(%dma_wait3A_204 : memref<10000x128xf32, #tpu.memory_space<hbm>>) dst(%arg10 : memref<128x128xf32, #tpu.memory_space<vmem>>)
      %dma_start3A_205 = arith.constant 0 : i32
      %dma_start3A_206 = arith.constant 0 : i32
      %dma_start3A_207 = tpu.memref_slice %arg14[%dma_start3A_205, %dma_start3A_206] : memref<5248x128xf32, #tpu.memory_space<vmem_shared>> -> memref<5248x128xf32, #tpu.memory_space<vmem_shared>>
      tpu.enqueue_indirect_dma source(%arg10 : memref<128x128xf32, #tpu.memory_space<vmem>>) target(%dma_start3A_207 : memref<5248x128xf32, #tpu.memory_space<vmem_shared>>) offsets(%arg8 : memref<128xi32, #tpu.memory_space<vmem>>) semaphore(%arg16 : memref<!tpu.dma_semaphore, #tpu.memory_space<semaphore_mem>>) {add = true}
      %mul3A_208 = arith.constant 2 : i32
      %mul3A_209 = arith.muli %mul3A_208, %while3A_186 : i32
      %add3A_210 = arith.constant 1 : i32
      %add3A_211 = arith.addi %mul3A_209, %add3A_210 : i32
      %eq3A_212 = arith.constant 0 : i32
      %eq3A_213 = arith.cmpi eq, %while3A_186, %eq3A_212 : i32
      %not3A_214 = arith.constant true
      %not3A_215 = arith.xori %eq3A_213, %not3A_214 : i1
      %convert_element_type3A_216 = arith.extui %not3A_215 : i1 to i32
      %cond3A_217 = arith.constant 0 : i32
      %cond3A_218 = arith.cmpi ne, %convert_element_type3A_216, %cond3A_217 : i32
      scf.if %cond3A_218 {
        %dma_wait3A_235 = arith.constant 0 : i32
        %dma_wait3A_236 = arith.constant 0 : i32
        %dma_wait3A_237 = tpu.memref_slice %arg14[%dma_wait3A_235, %dma_wait3A_236] : memref<5248x128xf32, #tpu.memory_space<vmem_shared>> -> memref<5248x128xf32, #tpu.memory_space<vmem_shared>>
        tpu.wait_indirect_dma semaphore(%arg17 : memref<!tpu.dma_semaphore, #tpu.memory_space<semaphore_mem>>) src(%arg11 : memref<128x128xf32, #tpu.memory_space<vmem>>) dst(%dma_wait3A_237 : memref<5248x128xf32, #tpu.memory_space<vmem_shared>>)
      } else {
      }
      %mul3A_219 = arith.constant 128 : i32
      %mul3A_220 = arith.muli %add3A_211, %mul3A_219 : i32
      %add3A_221 = arith.addi %mul3A_95, %mul3A_220 : i32
      "tpu.region"() ({
        %run_scoped3A = tpu.sem_alloc : memref<!tpu.dma_semaphore, #tpu.memory_space<semaphore_mem>>
        %dma_start3A_235 = tpu.memref_slice %arg4[%add3A_221] : memref<656384xi32, #tpu.memory_space<hbm>> -> memref<128xi32, #tpu.memory_space<hbm>>
        %dma_start3A_236 = tpu.memref_slice %arg4[%add3A_221] : memref<656384xi32, #tpu.memory_space<hbm>> -> memref<128xi32, #tpu.memory_space<hbm>>
        tpu.enqueue_dma source(%dma_start3A_236 : memref<128xi32, #tpu.memory_space<hbm>>) target(%arg9 : memref<128xi32, #tpu.memory_space<vmem>>) target_semaphore(%run_scoped3A : memref<!tpu.dma_semaphore, #tpu.memory_space<semaphore_mem>>)
        %dma_wait3A_237 = tpu.memref_slice %arg4[%add3A_221] : memref<656384xi32, #tpu.memory_space<hbm>> -> memref<128xi32, #tpu.memory_space<hbm>>
        %dma_wait3A_238 = tpu.memref_slice %arg4[%add3A_221] : memref<656384xi32, #tpu.memory_space<hbm>> -> memref<128xi32, #tpu.memory_space<hbm>>
        tpu.wait_dma2 semaphore(%run_scoped3A : memref<!tpu.dma_semaphore, #tpu.memory_space<semaphore_mem>>) src(%dma_wait3A_238 : memref<128xi32, #tpu.memory_space<hbm>>) dst(%arg9 : memref<128xi32, #tpu.memory_space<vmem>>)
        tpu.yield
      }) : () -> ()
      %mul3A_222 = arith.constant 128 : i32
      %mul3A_223 = arith.muli %add3A_211, %mul3A_222 : i32
      %dma_start3A_224 = tpu.memref_slice %arg7[%mul3A_223] : memref<10256xi32, #tpu.memory_space<vmem>> -> memref<128xi32, #tpu.memory_space<vmem>>
      %dma_start3A_225 = arith.constant 0 : i32
      %dma_start3A_226 = arith.constant 0 : i32
      %dma_start3A_227 = tpu.memref_slice %arg2[%dma_start3A_225, %dma_start3A_226] : memref<10000x128xf32, #tpu.memory_space<hbm>> -> memref<10000x128xf32, #tpu.memory_space<hbm>>
      tpu.enqueue_indirect_dma source(%dma_start3A_227 : memref<10000x128xf32, #tpu.memory_space<hbm>>) target(%arg11 : memref<128x128xf32, #tpu.memory_space<vmem>>) offsets(%dma_start3A_224 : memref<128xi32, #tpu.memory_space<vmem>>) semaphore(%arg15 : memref<!tpu.dma_semaphore, #tpu.memory_space<semaphore_mem>>)
      %dma_wait3A_228 = tpu.memref_slice %arg7[%mul3A_223] : memref<10256xi32, #tpu.memory_space<vmem>> -> memref<128xi32, #tpu.memory_space<vmem>>
      %dma_wait3A_229 = arith.constant 0 : i32
      %dma_wait3A_230 = arith.constant 0 : i32
      %dma_wait3A_231 = tpu.memref_slice %arg2[%dma_wait3A_229, %dma_wait3A_230] : memref<10000x128xf32, #tpu.memory_space<hbm>> -> memref<10000x128xf32, #tpu.memory_space<hbm>>
      tpu.wait_indirect_dma semaphore(%arg15 : memref<!tpu.dma_semaphore, #tpu.memory_space<semaphore_mem>>) src(%dma_wait3A_231 : memref<10000x128xf32, #tpu.memory_space<hbm>>) dst(%arg11 : memref<128x128xf32, #tpu.memory_space<vmem>>)
      %dma_start3A_232 = arith.constant 0 : i32
      %dma_start3A_233 = arith.constant 0 : i32
      %dma_start3A_234 = tpu.memref_slice %arg14[%dma_start3A_232, %dma_start3A_233] : memref<5248x128xf32, #tpu.memory_space<vmem_shared>> -> memref<5248x128xf32, #tpu.memory_space<vmem_shared>>
      tpu.enqueue_indirect_dma source(%arg11 : memref<128x128xf32, #tpu.memory_space<vmem>>) target(%dma_start3A_234 : memref<5248x128xf32, #tpu.memory_space<vmem_shared>>) offsets(%arg9 : memref<128xi32, #tpu.memory_space<vmem>>) semaphore(%arg17 : memref<!tpu.dma_semaphore, #tpu.memory_space<semaphore_mem>>) {add = true}
    }
    %gt3A_172 = arith.constant 0 : i32
    %gt3A_173 = arith.cmpi sgt, %select_n3A_158, %gt3A_172 : i32
    %convert_element_type3A_174 = arith.extui %gt3A_173 : i1 to i32
    %cond3A_175 = arith.constant 0 : i32
    %cond3A_176 = arith.cmpi ne, %convert_element_type3A_174, %cond3A_175 : i32
    scf.if %cond3A_176 {
      %dma_wait3A = arith.constant 0 : i32
      %dma_wait3A_186 = arith.constant 0 : i32
      %dma_wait3A_187 = tpu.memref_slice %arg14[%dma_wait3A, %dma_wait3A_186] : memref<5248x128xf32, #tpu.memory_space<vmem_shared>> -> memref<5248x128xf32, #tpu.memory_space<vmem_shared>>
      tpu.wait_indirect_dma semaphore(%arg16 : memref<!tpu.dma_semaphore, #tpu.memory_space<semaphore_mem>>) src(%arg10 : memref<128x128xf32, #tpu.memory_space<vmem>>) dst(%dma_wait3A_187 : memref<5248x128xf32, #tpu.memory_space<vmem_shared>>)
      %dma_wait3A_188 = arith.constant 0 : i32
      %dma_wait3A_189 = arith.constant 0 : i32
      %dma_wait3A_190 = tpu.memref_slice %arg14[%dma_wait3A_188, %dma_wait3A_189] : memref<5248x128xf32, #tpu.memory_space<vmem_shared>> -> memref<5248x128xf32, #tpu.memory_space<vmem_shared>>
      tpu.wait_indirect_dma semaphore(%arg17 : memref<!tpu.dma_semaphore, #tpu.memory_space<semaphore_mem>>) src(%arg11 : memref<128x128xf32, #tpu.memory_space<vmem>>) dst(%dma_wait3A_190 : memref<5248x128xf32, #tpu.memory_space<vmem_shared>>)
    } else {
    }
    %gt3A_177 = arith.constant 0 : i32
    %gt3A_178 = arith.cmpi sgt, %sub3A_161, %gt3A_177 : i32
    %convert_element_type3A_179 = arith.extui %gt3A_178 : i1 to i32
    %cond3A_180 = arith.constant 0 : i32
    %cond3A_181 = arith.cmpi ne, %convert_element_type3A_179, %cond3A_180 : i32
    scf.if %cond3A_181 {
      %mul3A_186 = arith.constant 2 : i32
      %mul3A_187 = arith.muli %mul3A_186, %select_n3A_158 : i32
      %mul3A_188 = arith.constant 128 : i32
      %mul3A_189 = arith.muli %mul3A_187, %mul3A_188 : i32
      %add3A_190 = arith.addi %mul3A_95, %mul3A_189 : i32
      "tpu.region"() ({
        %run_scoped3A = tpu.sem_alloc : memref<!tpu.dma_semaphore, #tpu.memory_space<semaphore_mem>>
        %dma_start3A_201 = tpu.memref_slice %arg4[%add3A_190] : memref<656384xi32, #tpu.memory_space<hbm>> -> memref<128xi32, #tpu.memory_space<hbm>>
        %dma_start3A_202 = tpu.memref_slice %arg4[%add3A_190] : memref<656384xi32, #tpu.memory_space<hbm>> -> memref<128xi32, #tpu.memory_space<hbm>>
        tpu.enqueue_dma source(%dma_start3A_202 : memref<128xi32, #tpu.memory_space<hbm>>) target(%arg8 : memref<128xi32, #tpu.memory_space<vmem>>) target_semaphore(%run_scoped3A : memref<!tpu.dma_semaphore, #tpu.memory_space<semaphore_mem>>)
        %dma_wait3A_203 = tpu.memref_slice %arg4[%add3A_190] : memref<656384xi32, #tpu.memory_space<hbm>> -> memref<128xi32, #tpu.memory_space<hbm>>
        %dma_wait3A_204 = tpu.memref_slice %arg4[%add3A_190] : memref<656384xi32, #tpu.memory_space<hbm>> -> memref<128xi32, #tpu.memory_space<hbm>>
        tpu.wait_dma2 semaphore(%run_scoped3A : memref<!tpu.dma_semaphore, #tpu.memory_space<semaphore_mem>>) src(%dma_wait3A_204 : memref<128xi32, #tpu.memory_space<hbm>>) dst(%arg8 : memref<128xi32, #tpu.memory_space<vmem>>)
        tpu.yield
      }) : () -> ()
      %mul3A_191 = arith.constant 2 : i32
      %mul3A_192 = arith.muli %mul3A_191, %select_n3A_158 : i32
      %mul3A_193 = arith.constant 128 : i32
      %mul3A_194 = arith.muli %mul3A_192, %mul3A_193 : i32
      %dma_start3A = tpu.memref_slice %arg7[%mul3A_194] : memref<10256xi32, #tpu.memory_space<vmem>> -> memref<128xi32, #tpu.memory_space<vmem>>
      %dma_start3A_195 = arith.constant 0 : i32
      %dma_start3A_196 = arith.constant 0 : i32
      %dma_start3A_197 = tpu.memref_slice %arg2[%dma_start3A_195, %dma_start3A_196] : memref<10000x128xf32, #tpu.memory_space<hbm>> -> memref<10000x128xf32, #tpu.memory_space<hbm>>
      tpu.enqueue_indirect_dma source(%dma_start3A_197 : memref<10000x128xf32, #tpu.memory_space<hbm>>) target(%arg10 : memref<128x128xf32, #tpu.memory_space<vmem>>) offsets(%dma_start3A : memref<128xi32, #tpu.memory_space<vmem>>) semaphore(%arg15 : memref<!tpu.dma_semaphore, #tpu.memory_space<semaphore_mem>>)
      %dma_wait3A = tpu.memref_slice %arg7[%mul3A_194] : memref<10256xi32, #tpu.memory_space<vmem>> -> memref<128xi32, #tpu.memory_space<vmem>>
      %dma_wait3A_198 = arith.constant 0 : i32
      %dma_wait3A_199 = arith.constant 0 : i32
      %dma_wait3A_200 = tpu.memref_slice %arg2[%dma_wait3A_198, %dma_wait3A_199] : memref<10000x128xf32, #tpu.memory_space<hbm>> -> memref<10000x128xf32, #tpu.memory_space<hbm>>
      tpu.wait_indirect_dma semaphore(%arg15 : memref<!tpu.dma_semaphore, #tpu.memory_space<semaphore_mem>>) src(%dma_wait3A_200 : memref<10000x128xf32, #tpu.memory_space<hbm>>) dst(%arg10 : memref<128x128xf32, #tpu.memory_space<vmem>>)
      "tpu.region"() ({
        %run_scoped3A = tpu.sem_alloc : memref<!tpu.dma_semaphore, #tpu.memory_space<semaphore_mem>>
        %dma_start3A_201 = arith.constant 0 : i32
        %dma_start3A_202 = arith.constant 0 : i32
        %dma_start3A_203 = tpu.memref_slice %arg14[%dma_start3A_201, %dma_start3A_202] : memref<5248x128xf32, #tpu.memory_space<vmem_shared>> -> memref<5248x128xf32, #tpu.memory_space<vmem_shared>>
        tpu.enqueue_indirect_dma source(%arg10 : memref<128x128xf32, #tpu.memory_space<vmem>>) target(%dma_start3A_203 : memref<5248x128xf32, #tpu.memory_space<vmem_shared>>) offsets(%arg8 : memref<128xi32, #tpu.memory_space<vmem>>) semaphore(%run_scoped3A : memref<!tpu.dma_semaphore, #tpu.memory_space<semaphore_mem>>) {add = true}
        %dma_wait3A_204 = arith.constant 0 : i32
        %dma_wait3A_205 = arith.constant 0 : i32
        %dma_wait3A_206 = tpu.memref_slice %arg14[%dma_wait3A_204, %dma_wait3A_205] : memref<5248x128xf32, #tpu.memory_space<vmem_shared>> -> memref<5248x128xf32, #tpu.memory_space<vmem_shared>>
        tpu.wait_indirect_dma semaphore(%run_scoped3A : memref<!tpu.dma_semaphore, #tpu.memory_space<semaphore_mem>>) src(%arg10 : memref<128x128xf32, #tpu.memory_space<vmem>>) dst(%dma_wait3A_206 : memref<5248x128xf32, #tpu.memory_space<vmem_shared>>)
        tpu.yield
      }) : () -> ()
    } else {
    }
    %barrier3A_182 = arith.constant 0 : index
    tpu.barrier barrier_id(%barrier3A_182)
    %mul3A_183 = arith.constant 5248 : i32
    %mul3A_184 = arith.muli %arg0, %mul3A_183 : i32
    %add3A_185 = arith.addi %mul3A_184, %mul3A_0 : i32
    "tpu.region"() ({
      %run_scoped3A = tpu.sem_alloc : memref<!tpu.dma_semaphore, #tpu.memory_space<semaphore_mem>>
      %dma_start3A = arith.constant 0 : i32
      %dma_start3A_186 = tpu.memref_slice %arg14[%mul3A_0, %dma_start3A] : memref<5248x128xf32, #tpu.memory_space<vmem_shared>> -> memref<328x128xf32, #tpu.memory_space<vmem_shared>>
      %dma_start3A_187 = arith.constant 0 : i32
      %dma_start3A_188 = tpu.memref_slice %arg14[%mul3A_0, %dma_start3A_187] : memref<5248x128xf32, #tpu.memory_space<vmem_shared>> -> memref<328x128xf32, #tpu.memory_space<vmem_shared>>
      tpu.enqueue_dma source(%dma_start3A_188 : memref<328x128xf32, #tpu.memory_space<vmem_shared>>) target(%arg12 : memref<328x128xf32, #tpu.memory_space<vmem>>) target_semaphore(%run_scoped3A : memref<!tpu.dma_semaphore, #tpu.memory_space<semaphore_mem>>)
      %dma_wait3A = arith.constant 0 : i32
      %dma_wait3A_189 = tpu.memref_slice %arg14[%mul3A_0, %dma_wait3A] : memref<5248x128xf32, #tpu.memory_space<vmem_shared>> -> memref<328x128xf32, #tpu.memory_space<vmem_shared>>
      %dma_wait3A_190 = arith.constant 0 : i32
      %dma_wait3A_191 = tpu.memref_slice %arg14[%mul3A_0, %dma_wait3A_190] : memref<5248x128xf32, #tpu.memory_space<vmem_shared>> -> memref<328x128xf32, #tpu.memory_space<vmem_shared>>
      tpu.wait_dma2 semaphore(%run_scoped3A : memref<!tpu.dma_semaphore, #tpu.memory_space<semaphore_mem>>) src(%dma_wait3A_191 : memref<328x128xf32, #tpu.memory_space<vmem_shared>>) dst(%arg12 : memref<328x128xf32, #tpu.memory_space<vmem>>)
      tpu.yield
    }) : () -> ()
    "tpu.region"() ({
      %run_scoped3A = tpu.sem_alloc : memref<!tpu.dma_semaphore, #tpu.memory_space<semaphore_mem>>
      %dma_start3A = arith.constant 0 : i32
      %dma_start3A_186 = tpu.memref_slice %arg6[%add3A_185, %dma_start3A] : memref<10496x128xf32, #tpu.memory_space<hbm>> -> memref<328x128xf32, #tpu.memory_space<hbm>>
      %dma_start3A_187 = arith.constant 0 : i32
      %dma_start3A_188 = tpu.memref_slice %arg6[%add3A_185, %dma_start3A_187] : memref<10496x128xf32, #tpu.memory_space<hbm>> -> memref<328x128xf32, #tpu.memory_space<hbm>>
      tpu.enqueue_dma source(%arg12 : memref<328x128xf32, #tpu.memory_space<vmem>>) target(%dma_start3A_188 : memref<328x128xf32, #tpu.memory_space<hbm>>) target_semaphore(%run_scoped3A : memref<!tpu.dma_semaphore, #tpu.memory_space<semaphore_mem>>)
      %dma_wait3A = arith.constant 0 : i32
      %dma_wait3A_189 = tpu.memref_slice %arg6[%add3A_185, %dma_wait3A] : memref<10496x128xf32, #tpu.memory_space<hbm>> -> memref<328x128xf32, #tpu.memory_space<hbm>>
      %dma_wait3A_190 = arith.constant 0 : i32
      %dma_wait3A_191 = tpu.memref_slice %arg6[%add3A_185, %dma_wait3A_190] : memref<10496x128xf32, #tpu.memory_space<hbm>> -> memref<328x128xf32, #tpu.memory_space<hbm>>
      tpu.wait_dma2 semaphore(%run_scoped3A : memref<!tpu.dma_semaphore, #tpu.memory_space<semaphore_mem>>) src(%arg12 : memref<328x128xf32, #tpu.memory_space<vmem>>) dst(%dma_wait3A_191 : memref<328x128xf32, #tpu.memory_space<hbm>>)
      tpu.yield
    }) : () -> ()
    return
  }
}

#map = affine_map<(d0, d1) -> (0)>
module attributes {stable_mosaic.version = 14 : i64} {
  func.func @_sc_agg_scalar(%arg0: i32, %arg1: i32, %arg2: memref<10000xf32, #tpu.memory_space<hbm>>, %arg3: memref<320000xi32, #tpu.memory_space<hbm>>, %arg4: memref<320000xi32, #tpu.memory_space<hbm>>, %arg5: memref<327680xf32, #tpu.memory_space<hbm>>, %arg6: memref<10000xi32, #tpu.memory_space<vmem>>, %arg7: memref<10000xi32, #tpu.memory_space<vmem>>, %arg8: memref<10240xf32, #tpu.memory_space<vmem>>, %arg9: memref<10240xf32, #tpu.memory_space<vmem>>, %arg10: memref<!tpu.dma_semaphore, #tpu.memory_space<semaphore_mem>>) attributes {dimension_semantics = [#tpu.dimension_semantics<core_parallel>, #tpu.dimension_semantics<subcore_parallel>], iteration_bounds = array<i64: 2, 16>, scalar_prefetch = 0 : i64, scratch_operands = 5 : i64, tpu.core_type = #tpu.core_type<sc_vector_subcore>, window_params = [{transform_indices = #map}, {transform_indices = #map}, {transform_indices = #map}, {transform_indices = #map}]} {
    %mul3A = arith.constant 16 : i32
    %mul3A_0 = arith.muli %arg0, %mul3A : i32
    %add3A = arith.addi %mul3A_0, %arg1 : i32
    %mul3A_1 = arith.constant 10000 : i32
    %mul3A_2 = arith.muli %add3A, %mul3A_1 : i32
    %broadcast_in_dim3A = arith.constant 0.000000e+00 : f32
    %broadcast_in_dim3A_3 = vector.broadcast %broadcast_in_dim3A : f32 to vector<16xf32>
    %scan3A = arith.constant 0 : i32
    %scan3A_4 = arith.constant 0 : i32
    %scan3A_5 = arith.constant 640 : i32
    %scan3A_6 = arith.addi %scan3A_4, %scan3A_5 : i32
    %scan3A_7 = arith.constant 1 : i32
    scf.for %scan3A_17 = %scan3A_4 to %scan3A_6 step %scan3A_7  : i32 {
      %mul3A_18 = arith.constant 16 : i32
      %mul3A_19 = arith.muli %scan3A_17, %mul3A_18 : i32
      %swap3A = arith.index_cast %mul3A_19 : i32 to index
      %swap3A_20 = tpu.vector_load %arg9[%swap3A] {strides = array<i32>} : memref<10240xf32, #tpu.memory_space<vmem>>, vector<16xf32>,
      tpu.vector_store %arg9[%swap3A], %broadcast_in_dim3A_3 {strides = array<i32>} : memref<10240xf32, #tpu.memory_space<vmem>>, vector<16xf32>,
    }
    %scan3A_8 = arith.constant 640 : i32
    "tpu.region"() ({
      %run_scoped3A = tpu.sem_alloc : memref<!tpu.dma_semaphore, #tpu.memory_space<semaphore_mem>>
      %dma_start3A = arith.constant 0 : i32
      %dma_start3A_17 = tpu.memref_slice %arg8[%dma_start3A] : memref<10240xf32, #tpu.memory_space<vmem>> -> memref<10000xf32, #tpu.memory_space<vmem>>
      %dma_start3A_18 = arith.constant 0 : i32
      %dma_start3A_19 = tpu.memref_slice %arg8[%dma_start3A_18] : memref<10240xf32, #tpu.memory_space<vmem>> -> memref<10000xf32, #tpu.memory_space<vmem>>
      tpu.enqueue_dma source(%arg2 : memref<10000xf32, #tpu.memory_space<hbm>>) target(%dma_start3A_19 : memref<10000xf32, #tpu.memory_space<vmem>>) target_semaphore(%run_scoped3A : memref<!tpu.dma_semaphore, #tpu.memory_space<semaphore_mem>>)
      %dma_wait3A = arith.constant 0 : i32
      %dma_wait3A_20 = tpu.memref_slice %arg8[%dma_wait3A] : memref<10240xf32, #tpu.memory_space<vmem>> -> memref<10000xf32, #tpu.memory_space<vmem>>
      %dma_wait3A_21 = arith.constant 0 : i32
      %dma_wait3A_22 = tpu.memref_slice %arg8[%dma_wait3A_21] : memref<10240xf32, #tpu.memory_space<vmem>> -> memref<10000xf32, #tpu.memory_space<vmem>>
      tpu.wait_dma2 semaphore(%run_scoped3A : memref<!tpu.dma_semaphore, #tpu.memory_space<semaphore_mem>>) src(%arg2 : memref<10000xf32, #tpu.memory_space<hbm>>) dst(%dma_wait3A_22 : memref<10000xf32, #tpu.memory_space<vmem>>)
      tpu.yield
    }) : () -> ()
    "tpu.region"() ({
      %run_scoped3A = tpu.sem_alloc : memref<!tpu.dma_semaphore, #tpu.memory_space<semaphore_mem>>
      %dma_start3A = tpu.memref_slice %arg3[%mul3A_2] : memref<320000xi32, #tpu.memory_space<hbm>> -> memref<10000xi32, #tpu.memory_space<hbm>>
      %dma_start3A_17 = tpu.memref_slice %arg3[%mul3A_2] : memref<320000xi32, #tpu.memory_space<hbm>> -> memref<10000xi32, #tpu.memory_space<hbm>>
      tpu.enqueue_dma source(%dma_start3A_17 : memref<10000xi32, #tpu.memory_space<hbm>>) target(%arg6 : memref<10000xi32, #tpu.memory_space<vmem>>) target_semaphore(%run_scoped3A : memref<!tpu.dma_semaphore, #tpu.memory_space<semaphore_mem>>)
      %dma_wait3A = tpu.memref_slice %arg3[%mul3A_2] : memref<320000xi32, #tpu.memory_space<hbm>> -> memref<10000xi32, #tpu.memory_space<hbm>>
      %dma_wait3A_18 = tpu.memref_slice %arg3[%mul3A_2] : memref<320000xi32, #tpu.memory_space<hbm>> -> memref<10000xi32, #tpu.memory_space<hbm>>
      tpu.wait_dma2 semaphore(%run_scoped3A : memref<!tpu.dma_semaphore, #tpu.memory_space<semaphore_mem>>) src(%dma_wait3A_18 : memref<10000xi32, #tpu.memory_space<hbm>>) dst(%arg6 : memref<10000xi32, #tpu.memory_space<vmem>>)
      tpu.yield
    }) : () -> ()
    "tpu.region"() ({
      %run_scoped3A = tpu.sem_alloc : memref<!tpu.dma_semaphore, #tpu.memory_space<semaphore_mem>>
      %dma_start3A = tpu.memref_slice %arg4[%mul3A_2] : memref<320000xi32, #tpu.memory_space<hbm>> -> memref<10000xi32, #tpu.memory_space<hbm>>
      %dma_start3A_17 = tpu.memref_slice %arg4[%mul3A_2] : memref<320000xi32, #tpu.memory_space<hbm>> -> memref<10000xi32, #tpu.memory_space<hbm>>
      tpu.enqueue_dma source(%dma_start3A_17 : memref<10000xi32, #tpu.memory_space<hbm>>) target(%arg7 : memref<10000xi32, #tpu.memory_space<vmem>>) target_semaphore(%run_scoped3A : memref<!tpu.dma_semaphore, #tpu.memory_space<semaphore_mem>>)
      %dma_wait3A = tpu.memref_slice %arg4[%mul3A_2] : memref<320000xi32, #tpu.memory_space<hbm>> -> memref<10000xi32, #tpu.memory_space<hbm>>
      %dma_wait3A_18 = tpu.memref_slice %arg4[%mul3A_2] : memref<320000xi32, #tpu.memory_space<hbm>> -> memref<10000xi32, #tpu.memory_space<hbm>>
      tpu.wait_dma2 semaphore(%run_scoped3A : memref<!tpu.dma_semaphore, #tpu.memory_space<semaphore_mem>>) src(%dma_wait3A_18 : memref<10000xi32, #tpu.memory_space<hbm>>) dst(%arg7 : memref<10000xi32, #tpu.memory_space<vmem>>)
      tpu.yield
    }) : () -> ()
    %scan3A_9 = arith.constant 0 : i32
    %scan3A_10 = arith.constant 0 : i32
    %scan3A_11 = arith.constant 625 : i32
    %scan3A_12 = arith.addi %scan3A_10, %scan3A_11 : i32
    %scan3A_13 = arith.constant 1 : i32
    scf.for %scan3A_17 = %scan3A_10 to %scan3A_12 step %scan3A_13  : i32 {
      %mul3A_18 = arith.constant 16 : i32
      %mul3A_19 = arith.muli %scan3A_17, %mul3A_18 : i32
      %get3A = arith.index_cast %mul3A_19 : i32 to index
      %get3A_20 = tpu.vector_load %arg6[%get3A] {strides = array<i32>} : memref<10000xi32, #tpu.memory_space<vmem>>, vector<16xi32>,
      %get3A_21 = arith.index_cast %mul3A_19 : i32 to index
      %get3A_22 = tpu.vector_load %arg7[%get3A_21] {strides = array<i32>} : memref<10000xi32, #tpu.memory_space<vmem>>, vector<16xi32>,
      %gather3A = tpu.vector_load_idx %arg8[%get3A_20] : memref<10240xf32, #tpu.memory_space<vmem>>[vector<16xi32>], vector<16xf32>,
      tpu.vector_store_idx %arg9[%get3A_22], %gather3A {add = true} : memref<10240xf32, #tpu.memory_space<vmem>>[vector<16xi32>], vector<16xf32>,
    }
    %scan3A_14 = arith.constant 625 : i32
    %mul3A_15 = arith.constant 10240 : i32
    %mul3A_16 = arith.muli %add3A, %mul3A_15 : i32
    "tpu.region"() ({
      %run_scoped3A = tpu.sem_alloc : memref<!tpu.dma_semaphore, #tpu.memory_space<semaphore_mem>>
      %dma_start3A = tpu.memref_slice %arg5[%mul3A_16] : memref<327680xf32, #tpu.memory_space<hbm>> -> memref<10240xf32, #tpu.memory_space<hbm>>
      %dma_start3A_17 = tpu.memref_slice %arg5[%mul3A_16] : memref<327680xf32, #tpu.memory_space<hbm>> -> memref<10240xf32, #tpu.memory_space<hbm>>
      tpu.enqueue_dma source(%arg9 : memref<10240xf32, #tpu.memory_space<vmem>>) target(%dma_start3A_17 : memref<10240xf32, #tpu.memory_space<hbm>>) target_semaphore(%run_scoped3A : memref<!tpu.dma_semaphore, #tpu.memory_space<semaphore_mem>>)
      %dma_wait3A = tpu.memref_slice %arg5[%mul3A_16] : memref<327680xf32, #tpu.memory_space<hbm>> -> memref<10240xf32, #tpu.memory_space<hbm>>
      %dma_wait3A_18 = tpu.memref_slice %arg5[%mul3A_16] : memref<327680xf32, #tpu.memory_space<hbm>> -> memref<10240xf32, #tpu.memory_space<hbm>>
      tpu.wait_dma2 semaphore(%run_scoped3A : memref<!tpu.dma_semaphore, #tpu.memory_space<semaphore_mem>>) src(%arg9 : memref<10240xf32, #tpu.memory_space<vmem>>) dst(%dma_wait3A_18 : memref<10240xf32, #tpu.memory_space<hbm>>)
      tpu.yield
    }) : () -> ()
    return
  }
}

#map = affine_map<(d0, d1) -> (0, 0)>
#map1 = affine_map<(d0, d1) -> (0)>
module attributes {stable_mosaic.version = 14 : i64} {
  func.func @agg(%arg0: i32, %arg1: i32, %arg2: memref<10000x128xf32, #tpu.memory_space<hbm>>, %arg3: memref<656384xi32, #tpu.memory_space<hbm>>, %arg4: memref<656384xi32, #tpu.memory_space<hbm>>, %arg5: memref<1024xi32, #tpu.memory_space<hbm>>, %arg6: memref<10496x128xf32, #tpu.memory_space<hbm>>, %arg7: memref<10496xf32, #tpu.memory_space<hbm>>, %arg8: memref<10256xi32, #tpu.memory_space<vmem>>, %arg9: memref<128xi32, #tpu.memory_space<vmem>>, %arg10: memref<128xi32, #tpu.memory_space<vmem>>, %arg11: memref<128x128xf32, #tpu.memory_space<vmem>>, %arg12: memref<128x128xf32, #tpu.memory_space<vmem>>, %arg13: memref<328x128xf32, #tpu.memory_space<vmem>>, %arg14: memref<16xi32, #tpu.memory_space<vmem>>, %arg15: memref<5248x128xf32, #tpu.memory_space<vmem_shared>>, %arg16: memref<!tpu.dma_semaphore, #tpu.memory_space<semaphore_mem>>, %arg17: memref<!tpu.dma_semaphore, #tpu.memory_space<semaphore_mem>>, %arg18: memref<!tpu.dma_semaphore, #tpu.memory_space<semaphore_mem>>, %arg19: memref<128xf32, #tpu.memory_space<vmem>>, %arg20: memref<336xf32, #tpu.memory_space<vmem>>, %arg21: memref<5248xf32, #tpu.memory_space<vmem_shared>>, %arg22: memref<!tpu.dma_semaphore, #tpu.memory_space<semaphore_mem>>, %arg23: memref<!tpu.dma_semaphore, #tpu.memory_space<semaphore_mem>>) attributes {dimension_semantics = [#tpu.dimension_semantics<core_parallel>, #tpu.dimension_semantics<subcore_parallel>], iteration_bounds = array<i64: 2, 16>, scalar_prefetch = 0 : i64, scratch_operands = 16 : i64, tpu.core_type = #tpu.core_type<sc_vector_subcore>, window_params = [{transform_indices = #map}, {transform_indices = #map1}, {transform_indices = #map1}, {transform_indices = #map1}, {transform_indices = #map}, {transform_indices = #map1}]} {
    %mul3A = arith.constant 328 : i32
    %mul3A_0 = arith.muli %arg1, %mul3A : i32
    %broadcast_in_dim3A = arith.constant 0.000000e+00 : f32
    %broadcast_in_dim3A_1 = vector.broadcast %broadcast_in_dim3A : f32 to vector<16xf32>
    %scan3A = arith.constant 0 : i32
    %scan3A_2 = arith.constant 0 : i32
    %scan3A_3 = arith.constant 328 : i32
    %scan3A_4 = arith.addi %scan3A_2, %scan3A_3 : i32
    %scan3A_5 = arith.constant 1 : i32
    scf.for %scan3A_211 = %scan3A_2 to %scan3A_4 step %scan3A_5  : i32 {
      %swap3A_212 = arith.index_cast %scan3A_211 : i32 to index
      %swap3A_213 = arith.constant 0 : index
      %swap3A_214 = tpu.vector_load %arg13[%swap3A_212, %swap3A_213] {strides = array<i32>} : memref<328x128xf32, #tpu.memory_space<vmem>>, vector<16xf32>,
      tpu.vector_store %arg13[%swap3A_212, %swap3A_213], %broadcast_in_dim3A_1 {strides = array<i32>} : memref<328x128xf32, #tpu.memory_space<vmem>>, vector<16xf32>,
      %swap3A_215 = arith.index_cast %scan3A_211 : i32 to index
      %swap3A_216 = arith.constant 16 : index
      %swap3A_217 = tpu.vector_load %arg13[%swap3A_215, %swap3A_216] {strides = array<i32>} : memref<328x128xf32, #tpu.memory_space<vmem>>, vector<16xf32>,
      tpu.vector_store %arg13[%swap3A_215, %swap3A_216], %broadcast_in_dim3A_1 {strides = array<i32>} : memref<328x128xf32, #tpu.memory_space<vmem>>, vector<16xf32>,
      %swap3A_218 = arith.index_cast %scan3A_211 : i32 to index
      %swap3A_219 = arith.constant 32 : index
      %swap3A_220 = tpu.vector_load %arg13[%swap3A_218, %swap3A_219] {strides = array<i32>} : memref<328x128xf32, #tpu.memory_space<vmem>>, vector<16xf32>,
      tpu.vector_store %arg13[%swap3A_218, %swap3A_219], %broadcast_in_dim3A_1 {strides = array<i32>} : memref<328x128xf32, #tpu.memory_space<vmem>>, vector<16xf32>,
      %swap3A_221 = arith.index_cast %scan3A_211 : i32 to index
      %swap3A_222 = arith.constant 48 : index
      %swap3A_223 = tpu.vector_load %arg13[%swap3A_221, %swap3A_222] {strides = array<i32>} : memref<328x128xf32, #tpu.memory_space<vmem>>, vector<16xf32>,
      tpu.vector_store %arg13[%swap3A_221, %swap3A_222], %broadcast_in_dim3A_1 {strides = array<i32>} : memref<328x128xf32, #tpu.memory_space<vmem>>, vector<16xf32>,
      %swap3A_224 = arith.index_cast %scan3A_211 : i32 to index
      %swap3A_225 = arith.constant 64 : index
      %swap3A_226 = tpu.vector_load %arg13[%swap3A_224, %swap3A_225] {strides = array<i32>} : memref<328x128xf32, #tpu.memory_space<vmem>>, vector<16xf32>,
      tpu.vector_store %arg13[%swap3A_224, %swap3A_225], %broadcast_in_dim3A_1 {strides = array<i32>} : memref<328x128xf32, #tpu.memory_space<vmem>>, vector<16xf32>,
      %swap3A_227 = arith.index_cast %scan3A_211 : i32 to index
      %swap3A_228 = arith.constant 80 : index
      %swap3A_229 = tpu.vector_load %arg13[%swap3A_227, %swap3A_228] {strides = array<i32>} : memref<328x128xf32, #tpu.memory_space<vmem>>, vector<16xf32>,
      tpu.vector_store %arg13[%swap3A_227, %swap3A_228], %broadcast_in_dim3A_1 {strides = array<i32>} : memref<328x128xf32, #tpu.memory_space<vmem>>, vector<16xf32>,
      %swap3A_230 = arith.index_cast %scan3A_211 : i32 to index
      %swap3A_231 = arith.constant 96 : index
      %swap3A_232 = tpu.vector_load %arg13[%swap3A_230, %swap3A_231] {strides = array<i32>} : memref<328x128xf32, #tpu.memory_space<vmem>>, vector<16xf32>,
      tpu.vector_store %arg13[%swap3A_230, %swap3A_231], %broadcast_in_dim3A_1 {strides = array<i32>} : memref<328x128xf32, #tpu.memory_space<vmem>>, vector<16xf32>,
      %swap3A_233 = arith.index_cast %scan3A_211 : i32 to index
      %swap3A_234 = arith.constant 112 : index
      %swap3A_235 = tpu.vector_load %arg13[%swap3A_233, %swap3A_234] {strides = array<i32>} : memref<328x128xf32, #tpu.memory_space<vmem>>, vector<16xf32>,
      tpu.vector_store %arg13[%swap3A_233, %swap3A_234], %broadcast_in_dim3A_1 {strides = array<i32>} : memref<328x128xf32, #tpu.memory_space<vmem>>, vector<16xf32>,
    }
    %scan3A_6 = arith.constant 328 : i32
    "tpu.region"() ({
      %run_scoped3A = tpu.sem_alloc : memref<!tpu.dma_semaphore, #tpu.memory_space<semaphore_mem>>
      %dma_start3A = arith.constant 0 : i32
      %dma_start3A_211 = tpu.memref_slice %arg15[%mul3A_0, %dma_start3A] : memref<5248x128xf32, #tpu.memory_space<vmem_shared>> -> memref<328x128xf32, #tpu.memory_space<vmem_shared>>
      %dma_start3A_212 = arith.constant 0 : i32
      %dma_start3A_213 = tpu.memref_slice %arg15[%mul3A_0, %dma_start3A_212] : memref<5248x128xf32, #tpu.memory_space<vmem_shared>> -> memref<328x128xf32, #tpu.memory_space<vmem_shared>>
      tpu.enqueue_dma source(%arg13 : memref<328x128xf32, #tpu.memory_space<vmem>>) target(%dma_start3A_213 : memref<328x128xf32, #tpu.memory_space<vmem_shared>>) target_semaphore(%run_scoped3A : memref<!tpu.dma_semaphore, #tpu.memory_space<semaphore_mem>>)
      %dma_wait3A = arith.constant 0 : i32
      %dma_wait3A_214 = tpu.memref_slice %arg15[%mul3A_0, %dma_wait3A] : memref<5248x128xf32, #tpu.memory_space<vmem_shared>> -> memref<328x128xf32, #tpu.memory_space<vmem_shared>>
      %dma_wait3A_215 = arith.constant 0 : i32
      %dma_wait3A_216 = tpu.memref_slice %arg15[%mul3A_0, %dma_wait3A_215] : memref<5248x128xf32, #tpu.memory_space<vmem_shared>> -> memref<328x128xf32, #tpu.memory_space<vmem_shared>>
      tpu.wait_dma2 semaphore(%run_scoped3A : memref<!tpu.dma_semaphore, #tpu.memory_space<semaphore_mem>>) src(%arg13 : memref<328x128xf32, #tpu.memory_space<vmem>>) dst(%dma_wait3A_216 : memref<328x128xf32, #tpu.memory_space<vmem_shared>>)
      tpu.yield
    }) : () -> ()
    %broadcast_in_dim3A_7 = arith.constant 0.000000e+00 : f32
    %broadcast_in_dim3A_8 = vector.broadcast %broadcast_in_dim3A_7 : f32 to vector<16xf32>
    %scan3A_9 = arith.constant 0 : i32
    %scan3A_10 = arith.constant 0 : i32
    %scan3A_11 = arith.constant 21 : i32
    %scan3A_12 = arith.addi %scan3A_10, %scan3A_11 : i32
    %scan3A_13 = arith.constant 1 : i32
    scf.for %scan3A_211 = %scan3A_10 to %scan3A_12 step %scan3A_13  : i32 {
      %mul3A_212 = arith.constant 16 : i32
      %mul3A_213 = arith.muli %scan3A_211, %mul3A_212 : i32
      %swap3A_214 = arith.index_cast %mul3A_213 : i32 to index
      %swap3A_215 = tpu.vector_load %arg20[%swap3A_214] {strides = array<i32>} : memref<336xf32, #tpu.memory_space<vmem>>, vector<16xf32>,
      tpu.vector_store %arg20[%swap3A_214], %broadcast_in_dim3A_8 {strides = array<i32>} : memref<336xf32, #tpu.memory_space<vmem>>, vector<16xf32>,
    }
    %scan3A_14 = arith.constant 21 : i32
    %broadcast_in_dim3A_15 = arith.constant 1.000000e+00 : f32
    %broadcast_in_dim3A_16 = vector.broadcast %broadcast_in_dim3A_15 : f32 to vector<16xf32>
    %swap3A = arith.constant 0 : index
    %swap3A_17 = tpu.vector_load %arg19[%swap3A] {strides = array<i32>} : memref<128xf32, #tpu.memory_space<vmem>>, vector<16xf32>,
    tpu.vector_store %arg19[%swap3A], %broadcast_in_dim3A_16 {strides = array<i32>} : memref<128xf32, #tpu.memory_space<vmem>>, vector<16xf32>,
    %swap3A_18 = arith.constant 16 : index
    %swap3A_19 = tpu.vector_load %arg19[%swap3A_18] {strides = array<i32>} : memref<128xf32, #tpu.memory_space<vmem>>, vector<16xf32>,
    tpu.vector_store %arg19[%swap3A_18], %broadcast_in_dim3A_16 {strides = array<i32>} : memref<128xf32, #tpu.memory_space<vmem>>, vector<16xf32>,
    %swap3A_20 = arith.constant 32 : index
    %swap3A_21 = tpu.vector_load %arg19[%swap3A_20] {strides = array<i32>} : memref<128xf32, #tpu.memory_space<vmem>>, vector<16xf32>,
    tpu.vector_store %arg19[%swap3A_20], %broadcast_in_dim3A_16 {strides = array<i32>} : memref<128xf32, #tpu.memory_space<vmem>>, vector<16xf32>,
    %swap3A_22 = arith.constant 48 : index
    %swap3A_23 = tpu.vector_load %arg19[%swap3A_22] {strides = array<i32>} : memref<128xf32, #tpu.memory_space<vmem>>, vector<16xf32>,
    tpu.vector_store %arg19[%swap3A_22], %broadcast_in_dim3A_16 {strides = array<i32>} : memref<128xf32, #tpu.memory_space<vmem>>, vector<16xf32>,
    %swap3A_24 = arith.constant 64 : index
    %swap3A_25 = tpu.vector_load %arg19[%swap3A_24] {strides = array<i32>} : memref<128xf32, #tpu.memory_space<vmem>>, vector<16xf32>,
    tpu.vector_store %arg19[%swap3A_24], %broadcast_in_dim3A_16 {strides = array<i32>} : memref<128xf32, #tpu.memory_space<vmem>>, vector<16xf32>,
    %swap3A_26 = arith.constant 80 : index
    %swap3A_27 = tpu.vector_load %arg19[%swap3A_26] {strides = array<i32>} : memref<128xf32, #tpu.memory_space<vmem>>, vector<16xf32>,
    tpu.vector_store %arg19[%swap3A_26], %broadcast_in_dim3A_16 {strides = array<i32>} : memref<128xf32, #tpu.memory_space<vmem>>, vector<16xf32>,
    %swap3A_28 = arith.constant 96 : index
    %swap3A_29 = tpu.vector_load %arg19[%swap3A_28] {strides = array<i32>} : memref<128xf32, #tpu.memory_space<vmem>>, vector<16xf32>,
    tpu.vector_store %arg19[%swap3A_28], %broadcast_in_dim3A_16 {strides = array<i32>} : memref<128xf32, #tpu.memory_space<vmem>>, vector<16xf32>,
    %swap3A_30 = arith.constant 112 : index
    %swap3A_31 = tpu.vector_load %arg19[%swap3A_30] {strides = array<i32>} : memref<128xf32, #tpu.memory_space<vmem>>, vector<16xf32>,
    tpu.vector_store %arg19[%swap3A_30], %broadcast_in_dim3A_16 {strides = array<i32>} : memref<128xf32, #tpu.memory_space<vmem>>, vector<16xf32>,
    "tpu.region"() ({
      %run_scoped3A = tpu.sem_alloc : memref<!tpu.dma_semaphore, #tpu.memory_space<semaphore_mem>>
      %dma_start3A = arith.constant 0 : i32
      %dma_start3A_211 = tpu.memref_slice %arg20[%dma_start3A] : memref<336xf32, #tpu.memory_space<vmem>> -> memref<328xf32, #tpu.memory_space<vmem>>
      %dma_start3A_212 = tpu.memref_slice %arg21[%mul3A_0] : memref<5248xf32, #tpu.memory_space<vmem_shared>> -> memref<328xf32, #tpu.memory_space<vmem_shared>>
      %dma_start3A_213 = tpu.memref_slice %arg21[%mul3A_0] : memref<5248xf32, #tpu.memory_space<vmem_shared>> -> memref<328xf32, #tpu.memory_space<vmem_shared>>
      %dma_start3A_214 = arith.constant 0 : i32
      %dma_start3A_215 = tpu.memref_slice %arg20[%dma_start3A_214] : memref<336xf32, #tpu.memory_space<vmem>> -> memref<328xf32, #tpu.memory_space<vmem>>
      tpu.enqueue_dma source(%dma_start3A_215 : memref<328xf32, #tpu.memory_space<vmem>>) target(%dma_start3A_213 : memref<328xf32, #tpu.memory_space<vmem_shared>>) target_semaphore(%run_scoped3A : memref<!tpu.dma_semaphore, #tpu.memory_space<semaphore_mem>>)
      %dma_wait3A = arith.constant 0 : i32
      %dma_wait3A_216 = tpu.memref_slice %arg20[%dma_wait3A] : memref<336xf32, #tpu.memory_space<vmem>> -> memref<328xf32, #tpu.memory_space<vmem>>
      %dma_wait3A_217 = tpu.memref_slice %arg21[%mul3A_0] : memref<5248xf32, #tpu.memory_space<vmem_shared>> -> memref<328xf32, #tpu.memory_space<vmem_shared>>
      %dma_wait3A_218 = tpu.memref_slice %arg21[%mul3A_0] : memref<5248xf32, #tpu.memory_space<vmem_shared>> -> memref<328xf32, #tpu.memory_space<vmem_shared>>
      %dma_wait3A_219 = arith.constant 0 : i32
      %dma_wait3A_220 = tpu.memref_slice %arg20[%dma_wait3A_219] : memref<336xf32, #tpu.memory_space<vmem>> -> memref<328xf32, #tpu.memory_space<vmem>>
      tpu.wait_dma2 semaphore(%run_scoped3A : memref<!tpu.dma_semaphore, #tpu.memory_space<semaphore_mem>>) src(%dma_wait3A_220 : memref<328xf32, #tpu.memory_space<vmem>>) dst(%dma_wait3A_218 : memref<328xf32, #tpu.memory_space<vmem_shared>>)
      tpu.yield
    }) : () -> ()
    %barrier3A = arith.constant 0 : index
    tpu.barrier barrier_id(%barrier3A)
    %mul3A_32 = arith.constant 2 : i32
    %mul3A_33 = arith.muli %arg1, %mul3A_32 : i32
    %add3A = arith.constant 0 : i32
    %add3A_34 = arith.addi %mul3A_33, %add3A : i32
    %mul3A_35 = arith.constant 32 : i32
    %mul3A_36 = arith.muli %arg0, %mul3A_35 : i32
    %add3A_37 = arith.addi %mul3A_36, %add3A_34 : i32
    %mul3A_38 = arith.constant 10256 : i32
    %mul3A_39 = arith.muli %add3A_37, %mul3A_38 : i32
    %mul3A_40 = arith.constant 32 : i32
    %mul3A_41 = arith.muli %arg0, %mul3A_40 : i32
    %add3A_42 = arith.addi %mul3A_41, %add3A_34 : i32
    %mul3A_43 = arith.constant 16 : i32
    %mul3A_44 = arith.muli %add3A_42, %mul3A_43 : i32
    "tpu.region"() ({
      %run_scoped3A = tpu.sem_alloc : memref<!tpu.dma_semaphore, #tpu.memory_space<semaphore_mem>>
      %dma_start3A = tpu.memref_slice %arg5[%mul3A_44] : memref<1024xi32, #tpu.memory_space<hbm>> -> memref<16xi32, #tpu.memory_space<hbm>>
      %dma_start3A_211 = tpu.memref_slice %arg5[%mul3A_44] : memref<1024xi32, #tpu.memory_space<hbm>> -> memref<16xi32, #tpu.memory_space<hbm>>
      tpu.enqueue_dma source(%dma_start3A_211 : memref<16xi32, #tpu.memory_space<hbm>>) target(%arg14 : memref<16xi32, #tpu.memory_space<vmem>>) target_semaphore(%run_scoped3A : memref<!tpu.dma_semaphore, #tpu.memory_space<semaphore_mem>>)
      %dma_wait3A = tpu.memref_slice %arg5[%mul3A_44] : memref<1024xi32, #tpu.memory_space<hbm>> -> memref<16xi32, #tpu.memory_space<hbm>>
      %dma_wait3A_212 = tpu.memref_slice %arg5[%mul3A_44] : memref<1024xi32, #tpu.memory_space<hbm>> -> memref<16xi32, #tpu.memory_space<hbm>>
      tpu.wait_dma2 semaphore(%run_scoped3A : memref<!tpu.dma_semaphore, #tpu.memory_space<semaphore_mem>>) src(%dma_wait3A_212 : memref<16xi32, #tpu.memory_space<hbm>>) dst(%arg14 : memref<16xi32, #tpu.memory_space<vmem>>)
      tpu.yield
    }) : () -> ()
    %get3A = arith.constant 0 : index
    %get3A_45 = tpu.vector_load %arg14[%get3A] {strides = array<i32>} : memref<16xi32, #tpu.memory_space<vmem>>, vector<16xi32>,
    %reduce_max3A = arith.constant true
    %reduce_max3A_46 = vector.broadcast %reduce_max3A : i1 to vector<16xi1>
    %reduce_max3A_47 = arith.constant -2147483648 : i32
    %reduce_max3A_48 = vector.broadcast %reduce_max3A_47 : i32 to vector<16xi32>
    %reduce_max3A_49 = arith.xori %get3A_45, %reduce_max3A_48 : vector<16xi32>
    %reduce_max3A_50 = tpu.scan <max>, %reduce_max3A_49 masked %reduce_max3A_46 : vector<16xi32>, vector<16xi1> -> vector<16xi32>
    %reduce_max3A_51 = arith.xori %reduce_max3A_50, %reduce_max3A_48 : vector<16xi32>
    %reduce_max3A_52 = vector.extract %reduce_max3A_51[15] : i32 from vector<16xi32>
    "tpu.region"() ({
      %run_scoped3A = tpu.sem_alloc : memref<!tpu.dma_semaphore, #tpu.memory_space<semaphore_mem>>
      %dma_start3A = tpu.memref_slice %arg3[%mul3A_39] : memref<656384xi32, #tpu.memory_space<hbm>> -> memref<10256xi32, #tpu.memory_space<hbm>>
      %dma_start3A_211 = tpu.memref_slice %arg3[%mul3A_39] : memref<656384xi32, #tpu.memory_space<hbm>> -> memref<10256xi32, #tpu.memory_space<hbm>>
      tpu.enqueue_dma source(%dma_start3A_211 : memref<10256xi32, #tpu.memory_space<hbm>>) target(%arg8 : memref<10256xi32, #tpu.memory_space<vmem>>) target_semaphore(%run_scoped3A : memref<!tpu.dma_semaphore, #tpu.memory_space<semaphore_mem>>)
      %dma_wait3A = tpu.memref_slice %arg3[%mul3A_39] : memref<656384xi32, #tpu.memory_space<hbm>> -> memref<10256xi32, #tpu.memory_space<hbm>>
      %dma_wait3A_212 = tpu.memref_slice %arg3[%mul3A_39] : memref<656384xi32, #tpu.memory_space<hbm>> -> memref<10256xi32, #tpu.memory_space<hbm>>
      tpu.wait_dma2 semaphore(%run_scoped3A : memref<!tpu.dma_semaphore, #tpu.memory_space<semaphore_mem>>) src(%dma_wait3A_212 : memref<10256xi32, #tpu.memory_space<hbm>>) dst(%arg8 : memref<10256xi32, #tpu.memory_space<vmem>>)
      tpu.yield
    }) : () -> ()
    %jit3A = arith.constant 128 : i32
    %div3A = arith.divsi %reduce_max3A_52, %jit3A : i32
    %sign3A = arith.constant 0 : i32
    %sign3A_53 = arith.cmpi sgt, %reduce_max3A_52, %sign3A : i32
    %sign3A_54 = arith.extui %sign3A_53 : i1 to i32
    %sign3A_55 = arith.constant 0 : i32
    %sign3A_56 = arith.cmpi slt, %reduce_max3A_52, %sign3A_55 : i32
    %sign3A_57 = arith.extui %sign3A_56 : i1 to i32
    %sign3A_58 = arith.subi %sign3A_54, %sign3A_57 : i32
    %sign3A_59 = arith.constant 0 : i32
    %sign3A_60 = arith.cmpi sgt, %jit3A, %sign3A_59 : i32
    %sign3A_61 = arith.extui %sign3A_60 : i1 to i32
    %sign3A_62 = arith.constant 0 : i32
    %sign3A_63 = arith.cmpi slt, %jit3A, %sign3A_62 : i32
    %sign3A_64 = arith.extui %sign3A_63 : i1 to i32
    %sign3A_65 = arith.subi %sign3A_61, %sign3A_64 : i32
    %ne3A = arith.cmpi ne, %sign3A_58, %sign3A_65 : i32
    %rem3A = arith.remsi %reduce_max3A_52, %jit3A : i32
    %ne3A_66 = arith.constant 0 : i32
    %ne3A_67 = arith.cmpi ne, %rem3A, %ne3A_66 : i32
    %and3A = arith.andi %ne3A, %ne3A_67 : i1
    %sub3A = arith.constant 1 : i32
    %sub3A_68 = arith.subi %div3A, %sub3A : i32
    %select_n3A = arith.select %and3A, %sub3A_68, %div3A : i32
    %jit3A_69 = arith.constant 2 : i32
    %div3A_70 = arith.divsi %select_n3A, %jit3A_69 : i32
    %sign3A_71 = arith.constant 0 : i32
    %sign3A_72 = arith.cmpi sgt, %select_n3A, %sign3A_71 : i32
    %sign3A_73 = arith.extui %sign3A_72 : i1 to i32
    %sign3A_74 = arith.constant 0 : i32
    %sign3A_75 = arith.cmpi slt, %select_n3A, %sign3A_74 : i32
    %sign3A_76 = arith.extui %sign3A_75 : i1 to i32
    %sign3A_77 = arith.subi %sign3A_73, %sign3A_76 : i32
    %sign3A_78 = arith.constant 0 : i32
    %sign3A_79 = arith.cmpi sgt, %jit3A_69, %sign3A_78 : i32
    %sign3A_80 = arith.extui %sign3A_79 : i1 to i32
    %sign3A_81 = arith.constant 0 : i32
    %sign3A_82 = arith.cmpi slt, %jit3A_69, %sign3A_81 : i32
    %sign3A_83 = arith.extui %sign3A_82 : i1 to i32
    %sign3A_84 = arith.subi %sign3A_80, %sign3A_83 : i32
    %ne3A_85 = arith.cmpi ne, %sign3A_77, %sign3A_84 : i32
    %rem3A_86 = arith.remsi %select_n3A, %jit3A_69 : i32
    %ne3A_87 = arith.constant 0 : i32
    %ne3A_88 = arith.cmpi ne, %rem3A_86, %ne3A_87 : i32
    %and3A_89 = arith.andi %ne3A_85, %ne3A_88 : i1
    %sub3A_90 = arith.constant 1 : i32
    %sub3A_91 = arith.subi %div3A_70, %sub3A_90 : i32
    %select_n3A_92 = arith.select %and3A_89, %sub3A_91, %div3A_70 : i32
    %mul3A_93 = arith.constant 2 : i32
    %mul3A_94 = arith.muli %mul3A_93, %select_n3A_92 : i32
    %sub3A_95 = arith.subi %select_n3A, %mul3A_94 : i32
    %while3A = arith.constant 0 : i32
    %while3A_96 = arith.constant 0 : i32
    %while3A_97 = arith.subi %select_n3A_92, %while3A_96 : i32
    %while3A_98 = arith.addi %while3A_96, %while3A_97 : i32
    %while3A_99 = arith.constant 1 : i32
    %while3A_100 = arith.divsi %while3A_97, %while3A_99 : i32
    %while3A_101 = arith.muli %while3A_100, %while3A_99 : i32
    %while3A_102 = arith.addi %while3A_96, %while3A_101 : i32
    %while3A_103 = arith.constant 1 : i32
    scf.for %while3A_211 = %while3A_96 to %while3A_102 step %while3A_103  : i32 {
      %mul3A_212 = arith.constant 2 : i32
      %mul3A_213 = arith.muli %mul3A_212, %while3A_211 : i32
      %eq3A = arith.constant 0 : i32
      %eq3A_214 = arith.cmpi eq, %while3A_211, %eq3A : i32
      %not3A = arith.constant true
      %not3A_215 = arith.xori %eq3A_214, %not3A : i1
      %convert_element_type3A_216 = arith.extui %not3A_215 : i1 to i32
      %cond3A_217 = arith.constant 0 : i32
      %cond3A_218 = arith.cmpi ne, %convert_element_type3A_216, %cond3A_217 : i32
      scf.if %cond3A_218 {
        %dma_wait3A_264 = arith.constant 0 : i32
        %dma_wait3A_265 = arith.constant 0 : i32
        %dma_wait3A_266 = tpu.memref_slice %arg15[%dma_wait3A_264, %dma_wait3A_265] : memref<5248x128xf32, #tpu.memory_space<vmem_shared>> -> memref<5248x128xf32, #tpu.memory_space<vmem_shared>>
        tpu.wait_indirect_dma semaphore(%arg17 : memref<!tpu.dma_semaphore, #tpu.memory_space<semaphore_mem>>) src(%arg11 : memref<128x128xf32, #tpu.memory_space<vmem>>) dst(%dma_wait3A_266 : memref<5248x128xf32, #tpu.memory_space<vmem_shared>>)
        %dma_wait3A_267 = arith.constant 0 : i32
        %dma_wait3A_268 = tpu.memref_slice %arg21[%dma_wait3A_267] : memref<5248xf32, #tpu.memory_space<vmem_shared>> -> memref<5248xf32, #tpu.memory_space<vmem_shared>>
        tpu.wait_indirect_dma semaphore(%arg22 : memref<!tpu.dma_semaphore, #tpu.memory_space<semaphore_mem>>) src(%arg19 : memref<128xf32, #tpu.memory_space<vmem>>) dst(%dma_wait3A_268 : memref<5248xf32, #tpu.memory_space<vmem_shared>>)
      } else {
      }
      %mul3A_219 = arith.constant 128 : i32
      %mul3A_220 = arith.muli %mul3A_213, %mul3A_219 : i32
      %add3A_221 = arith.addi %mul3A_39, %mul3A_220 : i32
      "tpu.region"() ({
        %run_scoped3A = tpu.sem_alloc : memref<!tpu.dma_semaphore, #tpu.memory_space<semaphore_mem>>
        %dma_start3A_264 = tpu.memref_slice %arg4[%add3A_221] : memref<656384xi32, #tpu.memory_space<hbm>> -> memref<128xi32, #tpu.memory_space<hbm>>
        %dma_start3A_265 = tpu.memref_slice %arg4[%add3A_221] : memref<656384xi32, #tpu.memory_space<hbm>> -> memref<128xi32, #tpu.memory_space<hbm>>
        tpu.enqueue_dma source(%dma_start3A_265 : memref<128xi32, #tpu.memory_space<hbm>>) target(%arg9 : memref<128xi32, #tpu.memory_space<vmem>>) target_semaphore(%run_scoped3A : memref<!tpu.dma_semaphore, #tpu.memory_space<semaphore_mem>>)
        %dma_wait3A_266 = tpu.memref_slice %arg4[%add3A_221] : memref<656384xi32, #tpu.memory_space<hbm>> -> memref<128xi32, #tpu.memory_space<hbm>>
        %dma_wait3A_267 = tpu.memref_slice %arg4[%add3A_221] : memref<656384xi32, #tpu.memory_space<hbm>> -> memref<128xi32, #tpu.memory_space<hbm>>
        tpu.wait_dma2 semaphore(%run_scoped3A : memref<!tpu.dma_semaphore, #tpu.memory_space<semaphore_mem>>) src(%dma_wait3A_267 : memref<128xi32, #tpu.memory_space<hbm>>) dst(%arg9 : memref<128xi32, #tpu.memory_space<vmem>>)
        tpu.yield
      }) : () -> ()
      %mul3A_222 = arith.constant 128 : i32
      %mul3A_223 = arith.muli %mul3A_213, %mul3A_222 : i32
      %dma_start3A = tpu.memref_slice %arg8[%mul3A_223] : memref<10256xi32, #tpu.memory_space<vmem>> -> memref<128xi32, #tpu.memory_space<vmem>>
      %dma_start3A_224 = arith.constant 0 : i32
      %dma_start3A_225 = arith.constant 0 : i32
      %dma_start3A_226 = tpu.memref_slice %arg2[%dma_start3A_224, %dma_start3A_225] : memref<10000x128xf32, #tpu.memory_space<hbm>> -> memref<10000x128xf32, #tpu.memory_space<hbm>>
      tpu.enqueue_indirect_dma source(%dma_start3A_226 : memref<10000x128xf32, #tpu.memory_space<hbm>>) target(%arg11 : memref<128x128xf32, #tpu.memory_space<vmem>>) offsets(%dma_start3A : memref<128xi32, #tpu.memory_space<vmem>>) semaphore(%arg16 : memref<!tpu.dma_semaphore, #tpu.memory_space<semaphore_mem>>)
      %dma_wait3A = tpu.memref_slice %arg8[%mul3A_223] : memref<10256xi32, #tpu.memory_space<vmem>> -> memref<128xi32, #tpu.memory_space<vmem>>
      %dma_wait3A_227 = arith.constant 0 : i32
      %dma_wait3A_228 = arith.constant 0 : i32
      %dma_wait3A_229 = tpu.memref_slice %arg2[%dma_wait3A_227, %dma_wait3A_228] : memref<10000x128xf32, #tpu.memory_space<hbm>> -> memref<10000x128xf32, #tpu.memory_space<hbm>>
      tpu.wait_indirect_dma semaphore(%arg16 : memref<!tpu.dma_semaphore, #tpu.memory_space<semaphore_mem>>) src(%dma_wait3A_229 : memref<10000x128xf32, #tpu.memory_space<hbm>>) dst(%arg11 : memref<128x128xf32, #tpu.memory_space<vmem>>)
      %dma_start3A_230 = arith.constant 0 : i32
      %dma_start3A_231 = arith.constant 0 : i32
      %dma_start3A_232 = tpu.memref_slice %arg15[%dma_start3A_230, %dma_start3A_231] : memref<5248x128xf32, #tpu.memory_space<vmem_shared>> -> memref<5248x128xf32, #tpu.memory_space<vmem_shared>>
      tpu.enqueue_indirect_dma source(%arg11 : memref<128x128xf32, #tpu.memory_space<vmem>>) target(%dma_start3A_232 : memref<5248x128xf32, #tpu.memory_space<vmem_shared>>) offsets(%arg9 : memref<128xi32, #tpu.memory_space<vmem>>) semaphore(%arg17 : memref<!tpu.dma_semaphore, #tpu.memory_space<semaphore_mem>>) {add = true}
      %dma_start3A_233 = arith.constant 0 : i32
      %dma_start3A_234 = tpu.memref_slice %arg21[%dma_start3A_233] : memref<5248xf32, #tpu.memory_space<vmem_shared>> -> memref<5248xf32, #tpu.memory_space<vmem_shared>>
      tpu.enqueue_indirect_dma source(%arg19 : memref<128xf32, #tpu.memory_space<vmem>>) target(%dma_start3A_234 : memref<5248xf32, #tpu.memory_space<vmem_shared>>) offsets(%arg9 : memref<128xi32, #tpu.memory_space<vmem>>) semaphore(%arg22 : memref<!tpu.dma_semaphore, #tpu.memory_space<semaphore_mem>>) {add = true}
      %mul3A_235 = arith.constant 2 : i32
      %mul3A_236 = arith.muli %mul3A_235, %while3A_211 : i32
      %add3A_237 = arith.constant 1 : i32
      %add3A_238 = arith.addi %mul3A_236, %add3A_237 : i32
      %eq3A_239 = arith.constant 0 : i32
      %eq3A_240 = arith.cmpi eq, %while3A_211, %eq3A_239 : i32
      %not3A_241 = arith.constant true
      %not3A_242 = arith.xori %eq3A_240, %not3A_241 : i1
      %convert_element_type3A_243 = arith.extui %not3A_242 : i1 to i32
      %cond3A_244 = arith.constant 0 : i32
      %cond3A_245 = arith.cmpi ne, %convert_element_type3A_243, %cond3A_244 : i32
      scf.if %cond3A_245 {
        %dma_wait3A_264 = arith.constant 0 : i32
        %dma_wait3A_265 = arith.constant 0 : i32
        %dma_wait3A_266 = tpu.memref_slice %arg15[%dma_wait3A_264, %dma_wait3A_265] : memref<5248x128xf32, #tpu.memory_space<vmem_shared>> -> memref<5248x128xf32, #tpu.memory_space<vmem_shared>>
        tpu.wait_indirect_dma semaphore(%arg18 : memref<!tpu.dma_semaphore, #tpu.memory_space<semaphore_mem>>) src(%arg12 : memref<128x128xf32, #tpu.memory_space<vmem>>) dst(%dma_wait3A_266 : memref<5248x128xf32, #tpu.memory_space<vmem_shared>>)
        %dma_wait3A_267 = arith.constant 0 : i32
        %dma_wait3A_268 = tpu.memref_slice %arg21[%dma_wait3A_267] : memref<5248xf32, #tpu.memory_space<vmem_shared>> -> memref<5248xf32, #tpu.memory_space<vmem_shared>>
        tpu.wait_indirect_dma semaphore(%arg23 : memref<!tpu.dma_semaphore, #tpu.memory_space<semaphore_mem>>) src(%arg19 : memref<128xf32, #tpu.memory_space<vmem>>) dst(%dma_wait3A_268 : memref<5248xf32, #tpu.memory_space<vmem_shared>>)
      } else {
      }
      %mul3A_246 = arith.constant 128 : i32
      %mul3A_247 = arith.muli %add3A_238, %mul3A_246 : i32
      %add3A_248 = arith.addi %mul3A_39, %mul3A_247 : i32
      "tpu.region"() ({
        %run_scoped3A = tpu.sem_alloc : memref<!tpu.dma_semaphore, #tpu.memory_space<semaphore_mem>>
        %dma_start3A_264 = tpu.memref_slice %arg4[%add3A_248] : memref<656384xi32, #tpu.memory_space<hbm>> -> memref<128xi32, #tpu.memory_space<hbm>>
        %dma_start3A_265 = tpu.memref_slice %arg4[%add3A_248] : memref<656384xi32, #tpu.memory_space<hbm>> -> memref<128xi32, #tpu.memory_space<hbm>>
        tpu.enqueue_dma source(%dma_start3A_265 : memref<128xi32, #tpu.memory_space<hbm>>) target(%arg10 : memref<128xi32, #tpu.memory_space<vmem>>) target_semaphore(%run_scoped3A : memref<!tpu.dma_semaphore, #tpu.memory_space<semaphore_mem>>)
        %dma_wait3A_266 = tpu.memref_slice %arg4[%add3A_248] : memref<656384xi32, #tpu.memory_space<hbm>> -> memref<128xi32, #tpu.memory_space<hbm>>
        %dma_wait3A_267 = tpu.memref_slice %arg4[%add3A_248] : memref<656384xi32, #tpu.memory_space<hbm>> -> memref<128xi32, #tpu.memory_space<hbm>>
        tpu.wait_dma2 semaphore(%run_scoped3A : memref<!tpu.dma_semaphore, #tpu.memory_space<semaphore_mem>>) src(%dma_wait3A_267 : memref<128xi32, #tpu.memory_space<hbm>>) dst(%arg10 : memref<128xi32, #tpu.memory_space<vmem>>)
        tpu.yield
      }) : () -> ()
      %mul3A_249 = arith.constant 128 : i32
      %mul3A_250 = arith.muli %add3A_238, %mul3A_249 : i32
      %dma_start3A_251 = tpu.memref_slice %arg8[%mul3A_250] : memref<10256xi32, #tpu.memory_space<vmem>> -> memref<128xi32, #tpu.memory_space<vmem>>
      %dma_start3A_252 = arith.constant 0 : i32
      %dma_start3A_253 = arith.constant 0 : i32
      %dma_start3A_254 = tpu.memref_slice %arg2[%dma_start3A_252, %dma_start3A_253] : memref<10000x128xf32, #tpu.memory_space<hbm>> -> memref<10000x128xf32, #tpu.memory_space<hbm>>
      tpu.enqueue_indirect_dma source(%dma_start3A_254 : memref<10000x128xf32, #tpu.memory_space<hbm>>) target(%arg12 : memref<128x128xf32, #tpu.memory_space<vmem>>) offsets(%dma_start3A_251 : memref<128xi32, #tpu.memory_space<vmem>>) semaphore(%arg16 : memref<!tpu.dma_semaphore, #tpu.memory_space<semaphore_mem>>)
      %dma_wait3A_255 = tpu.memref_slice %arg8[%mul3A_250] : memref<10256xi32, #tpu.memory_space<vmem>> -> memref<128xi32, #tpu.memory_space<vmem>>
      %dma_wait3A_256 = arith.constant 0 : i32
      %dma_wait3A_257 = arith.constant 0 : i32
      %dma_wait3A_258 = tpu.memref_slice %arg2[%dma_wait3A_256, %dma_wait3A_257] : memref<10000x128xf32, #tpu.memory_space<hbm>> -> memref<10000x128xf32, #tpu.memory_space<hbm>>
      tpu.wait_indirect_dma semaphore(%arg16 : memref<!tpu.dma_semaphore, #tpu.memory_space<semaphore_mem>>) src(%dma_wait3A_258 : memref<10000x128xf32, #tpu.memory_space<hbm>>) dst(%arg12 : memref<128x128xf32, #tpu.memory_space<vmem>>)
      %dma_start3A_259 = arith.constant 0 : i32
      %dma_start3A_260 = arith.constant 0 : i32
      %dma_start3A_261 = tpu.memref_slice %arg15[%dma_start3A_259, %dma_start3A_260] : memref<5248x128xf32, #tpu.memory_space<vmem_shared>> -> memref<5248x128xf32, #tpu.memory_space<vmem_shared>>
      tpu.enqueue_indirect_dma source(%arg12 : memref<128x128xf32, #tpu.memory_space<vmem>>) target(%dma_start3A_261 : memref<5248x128xf32, #tpu.memory_space<vmem_shared>>) offsets(%arg10 : memref<128xi32, #tpu.memory_space<vmem>>) semaphore(%arg18 : memref<!tpu.dma_semaphore, #tpu.memory_space<semaphore_mem>>) {add = true}
      %dma_start3A_262 = arith.constant 0 : i32
      %dma_start3A_263 = tpu.memref_slice %arg21[%dma_start3A_262] : memref<5248xf32, #tpu.memory_space<vmem_shared>> -> memref<5248xf32, #tpu.memory_space<vmem_shared>>
      tpu.enqueue_indirect_dma source(%arg19 : memref<128xf32, #tpu.memory_space<vmem>>) target(%dma_start3A_263 : memref<5248xf32, #tpu.memory_space<vmem_shared>>) offsets(%arg10 : memref<128xi32, #tpu.memory_space<vmem>>) semaphore(%arg23 : memref<!tpu.dma_semaphore, #tpu.memory_space<semaphore_mem>>) {add = true}
    }
    %while3A_104 = arith.constant 1 : i32
    scf.for %while3A_211 = %while3A_102 to %while3A_98 step %while3A_104  : i32 {
      %mul3A_212 = arith.constant 2 : i32
      %mul3A_213 = arith.muli %mul3A_212, %while3A_211 : i32
      %eq3A = arith.constant 0 : i32
      %eq3A_214 = arith.cmpi eq, %while3A_211, %eq3A : i32
      %not3A = arith.constant true
      %not3A_215 = arith.xori %eq3A_214, %not3A : i1
      %convert_element_type3A_216 = arith.extui %not3A_215 : i1 to i32
      %cond3A_217 = arith.constant 0 : i32
      %cond3A_218 = arith.cmpi ne, %convert_element_type3A_216, %cond3A_217 : i32
      scf.if %cond3A_218 {
        %dma_wait3A_264 = arith.constant 0 : i32
        %dma_wait3A_265 = arith.constant 0 : i32
        %dma_wait3A_266 = tpu.memref_slice %arg15[%dma_wait3A_264, %dma_wait3A_265] : memref<5248x128xf32, #tpu.memory_space<vmem_shared>> -> memref<5248x128xf32, #tpu.memory_space<vmem_shared>>
        tpu.wait_indirect_dma semaphore(%arg17 : memref<!tpu.dma_semaphore, #tpu.memory_space<semaphore_mem>>) src(%arg11 : memref<128x128xf32, #tpu.memory_space<vmem>>) dst(%dma_wait3A_266 : memref<5248x128xf32, #tpu.memory_space<vmem_shared>>)
        %dma_wait3A_267 = arith.constant 0 : i32
        %dma_wait3A_268 = tpu.memref_slice %arg21[%dma_wait3A_267] : memref<5248xf32, #tpu.memory_space<vmem_shared>> -> memref<5248xf32, #tpu.memory_space<vmem_shared>>
        tpu.wait_indirect_dma semaphore(%arg22 : memref<!tpu.dma_semaphore, #tpu.memory_space<semaphore_mem>>) src(%arg19 : memref<128xf32, #tpu.memory_space<vmem>>) dst(%dma_wait3A_268 : memref<5248xf32, #tpu.memory_space<vmem_shared>>)
      } else {
      }
      %mul3A_219 = arith.constant 128 : i32
      %mul3A_220 = arith.muli %mul3A_213, %mul3A_219 : i32
      %add3A_221 = arith.addi %mul3A_39, %mul3A_220 : i32
      "tpu.region"() ({
        %run_scoped3A = tpu.sem_alloc : memref<!tpu.dma_semaphore, #tpu.memory_space<semaphore_mem>>
        %dma_start3A_264 = tpu.memref_slice %arg4[%add3A_221] : memref<656384xi32, #tpu.memory_space<hbm>> -> memref<128xi32, #tpu.memory_space<hbm>>
        %dma_start3A_265 = tpu.memref_slice %arg4[%add3A_221] : memref<656384xi32, #tpu.memory_space<hbm>> -> memref<128xi32, #tpu.memory_space<hbm>>
        tpu.enqueue_dma source(%dma_start3A_265 : memref<128xi32, #tpu.memory_space<hbm>>) target(%arg9 : memref<128xi32, #tpu.memory_space<vmem>>) target_semaphore(%run_scoped3A : memref<!tpu.dma_semaphore, #tpu.memory_space<semaphore_mem>>)
        %dma_wait3A_266 = tpu.memref_slice %arg4[%add3A_221] : memref<656384xi32, #tpu.memory_space<hbm>> -> memref<128xi32, #tpu.memory_space<hbm>>
        %dma_wait3A_267 = tpu.memref_slice %arg4[%add3A_221] : memref<656384xi32, #tpu.memory_space<hbm>> -> memref<128xi32, #tpu.memory_space<hbm>>
        tpu.wait_dma2 semaphore(%run_scoped3A : memref<!tpu.dma_semaphore, #tpu.memory_space<semaphore_mem>>) src(%dma_wait3A_267 : memref<128xi32, #tpu.memory_space<hbm>>) dst(%arg9 : memref<128xi32, #tpu.memory_space<vmem>>)
        tpu.yield
      }) : () -> ()
      %mul3A_222 = arith.constant 128 : i32
      %mul3A_223 = arith.muli %mul3A_213, %mul3A_222 : i32
      %dma_start3A = tpu.memref_slice %arg8[%mul3A_223] : memref<10256xi32, #tpu.memory_space<vmem>> -> memref<128xi32, #tpu.memory_space<vmem>>
      %dma_start3A_224 = arith.constant 0 : i32
      %dma_start3A_225 = arith.constant 0 : i32
      %dma_start3A_226 = tpu.memref_slice %arg2[%dma_start3A_224, %dma_start3A_225] : memref<10000x128xf32, #tpu.memory_space<hbm>> -> memref<10000x128xf32, #tpu.memory_space<hbm>>
      tpu.enqueue_indirect_dma source(%dma_start3A_226 : memref<10000x128xf32, #tpu.memory_space<hbm>>) target(%arg11 : memref<128x128xf32, #tpu.memory_space<vmem>>) offsets(%dma_start3A : memref<128xi32, #tpu.memory_space<vmem>>) semaphore(%arg16 : memref<!tpu.dma_semaphore, #tpu.memory_space<semaphore_mem>>)
      %dma_wait3A = tpu.memref_slice %arg8[%mul3A_223] : memref<10256xi32, #tpu.memory_space<vmem>> -> memref<128xi32, #tpu.memory_space<vmem>>
      %dma_wait3A_227 = arith.constant 0 : i32
      %dma_wait3A_228 = arith.constant 0 : i32
      %dma_wait3A_229 = tpu.memref_slice %arg2[%dma_wait3A_227, %dma_wait3A_228] : memref<10000x128xf32, #tpu.memory_space<hbm>> -> memref<10000x128xf32, #tpu.memory_space<hbm>>
      tpu.wait_indirect_dma semaphore(%arg16 : memref<!tpu.dma_semaphore, #tpu.memory_space<semaphore_mem>>) src(%dma_wait3A_229 : memref<10000x128xf32, #tpu.memory_space<hbm>>) dst(%arg11 : memref<128x128xf32, #tpu.memory_space<vmem>>)
      %dma_start3A_230 = arith.constant 0 : i32
      %dma_start3A_231 = arith.constant 0 : i32
      %dma_start3A_232 = tpu.memref_slice %arg15[%dma_start3A_230, %dma_start3A_231] : memref<5248x128xf32, #tpu.memory_space<vmem_shared>> -> memref<5248x128xf32, #tpu.memory_space<vmem_shared>>
      tpu.enqueue_indirect_dma source(%arg11 : memref<128x128xf32, #tpu.memory_space<vmem>>) target(%dma_start3A_232 : memref<5248x128xf32, #tpu.memory_space<vmem_shared>>) offsets(%arg9 : memref<128xi32, #tpu.memory_space<vmem>>) semaphore(%arg17 : memref<!tpu.dma_semaphore, #tpu.memory_space<semaphore_mem>>) {add = true}
      %dma_start3A_233 = arith.constant 0 : i32
      %dma_start3A_234 = tpu.memref_slice %arg21[%dma_start3A_233] : memref<5248xf32, #tpu.memory_space<vmem_shared>> -> memref<5248xf32, #tpu.memory_space<vmem_shared>>
      tpu.enqueue_indirect_dma source(%arg19 : memref<128xf32, #tpu.memory_space<vmem>>) target(%dma_start3A_234 : memref<5248xf32, #tpu.memory_space<vmem_shared>>) offsets(%arg9 : memref<128xi32, #tpu.memory_space<vmem>>) semaphore(%arg22 : memref<!tpu.dma_semaphore, #tpu.memory_space<semaphore_mem>>) {add = true}
      %mul3A_235 = arith.constant 2 : i32
      %mul3A_236 = arith.muli %mul3A_235, %while3A_211 : i32
      %add3A_237 = arith.constant 1 : i32
      %add3A_238 = arith.addi %mul3A_236, %add3A_237 : i32
      %eq3A_239 = arith.constant 0 : i32
      %eq3A_240 = arith.cmpi eq, %while3A_211, %eq3A_239 : i32
      %not3A_241 = arith.constant true
      %not3A_242 = arith.xori %eq3A_240, %not3A_241 : i1
      %convert_element_type3A_243 = arith.extui %not3A_242 : i1 to i32
      %cond3A_244 = arith.constant 0 : i32
      %cond3A_245 = arith.cmpi ne, %convert_element_type3A_243, %cond3A_244 : i32
      scf.if %cond3A_245 {
        %dma_wait3A_264 = arith.constant 0 : i32
        %dma_wait3A_265 = arith.constant 0 : i32
        %dma_wait3A_266 = tpu.memref_slice %arg15[%dma_wait3A_264, %dma_wait3A_265] : memref<5248x128xf32, #tpu.memory_space<vmem_shared>> -> memref<5248x128xf32, #tpu.memory_space<vmem_shared>>
        tpu.wait_indirect_dma semaphore(%arg18 : memref<!tpu.dma_semaphore, #tpu.memory_space<semaphore_mem>>) src(%arg12 : memref<128x128xf32, #tpu.memory_space<vmem>>) dst(%dma_wait3A_266 : memref<5248x128xf32, #tpu.memory_space<vmem_shared>>)
        %dma_wait3A_267 = arith.constant 0 : i32
        %dma_wait3A_268 = tpu.memref_slice %arg21[%dma_wait3A_267] : memref<5248xf32, #tpu.memory_space<vmem_shared>> -> memref<5248xf32, #tpu.memory_space<vmem_shared>>
        tpu.wait_indirect_dma semaphore(%arg23 : memref<!tpu.dma_semaphore, #tpu.memory_space<semaphore_mem>>) src(%arg19 : memref<128xf32, #tpu.memory_space<vmem>>) dst(%dma_wait3A_268 : memref<5248xf32, #tpu.memory_space<vmem_shared>>)
      } else {
      }
      %mul3A_246 = arith.constant 128 : i32
      %mul3A_247 = arith.muli %add3A_238, %mul3A_246 : i32
      %add3A_248 = arith.addi %mul3A_39, %mul3A_247 : i32
      "tpu.region"() ({
        %run_scoped3A = tpu.sem_alloc : memref<!tpu.dma_semaphore, #tpu.memory_space<semaphore_mem>>
        %dma_start3A_264 = tpu.memref_slice %arg4[%add3A_248] : memref<656384xi32, #tpu.memory_space<hbm>> -> memref<128xi32, #tpu.memory_space<hbm>>
        %dma_start3A_265 = tpu.memref_slice %arg4[%add3A_248] : memref<656384xi32, #tpu.memory_space<hbm>> -> memref<128xi32, #tpu.memory_space<hbm>>
        tpu.enqueue_dma source(%dma_start3A_265 : memref<128xi32, #tpu.memory_space<hbm>>) target(%arg10 : memref<128xi32, #tpu.memory_space<vmem>>) target_semaphore(%run_scoped3A : memref<!tpu.dma_semaphore, #tpu.memory_space<semaphore_mem>>)
        %dma_wait3A_266 = tpu.memref_slice %arg4[%add3A_248] : memref<656384xi32, #tpu.memory_space<hbm>> -> memref<128xi32, #tpu.memory_space<hbm>>
        %dma_wait3A_267 = tpu.memref_slice %arg4[%add3A_248] : memref<656384xi32, #tpu.memory_space<hbm>> -> memref<128xi32, #tpu.memory_space<hbm>>
        tpu.wait_dma2 semaphore(%run_scoped3A : memref<!tpu.dma_semaphore, #tpu.memory_space<semaphore_mem>>) src(%dma_wait3A_267 : memref<128xi32, #tpu.memory_space<hbm>>) dst(%arg10 : memref<128xi32, #tpu.memory_space<vmem>>)
        tpu.yield
      }) : () -> ()
      %mul3A_249 = arith.constant 128 : i32
      %mul3A_250 = arith.muli %add3A_238, %mul3A_249 : i32
      %dma_start3A_251 = tpu.memref_slice %arg8[%mul3A_250] : memref<10256xi32, #tpu.memory_space<vmem>> -> memref<128xi32, #tpu.memory_space<vmem>>
      %dma_start3A_252 = arith.constant 0 : i32
      %dma_start3A_253 = arith.constant 0 : i32
      %dma_start3A_254 = tpu.memref_slice %arg2[%dma_start3A_252, %dma_start3A_253] : memref<10000x128xf32, #tpu.memory_space<hbm>> -> memref<10000x128xf32, #tpu.memory_space<hbm>>
      tpu.enqueue_indirect_dma source(%dma_start3A_254 : memref<10000x128xf32, #tpu.memory_space<hbm>>) target(%arg12 : memref<128x128xf32, #tpu.memory_space<vmem>>) offsets(%dma_start3A_251 : memref<128xi32, #tpu.memory_space<vmem>>) semaphore(%arg16 : memref<!tpu.dma_semaphore, #tpu.memory_space<semaphore_mem>>)
      %dma_wait3A_255 = tpu.memref_slice %arg8[%mul3A_250] : memref<10256xi32, #tpu.memory_space<vmem>> -> memref<128xi32, #tpu.memory_space<vmem>>
      %dma_wait3A_256 = arith.constant 0 : i32
      %dma_wait3A_257 = arith.constant 0 : i32
      %dma_wait3A_258 = tpu.memref_slice %arg2[%dma_wait3A_256, %dma_wait3A_257] : memref<10000x128xf32, #tpu.memory_space<hbm>> -> memref<10000x128xf32, #tpu.memory_space<hbm>>
      tpu.wait_indirect_dma semaphore(%arg16 : memref<!tpu.dma_semaphore, #tpu.memory_space<semaphore_mem>>) src(%dma_wait3A_258 : memref<10000x128xf32, #tpu.memory_space<hbm>>) dst(%arg12 : memref<128x128xf32, #tpu.memory_space<vmem>>)
      %dma_start3A_259 = arith.constant 0 : i32
      %dma_start3A_260 = arith.constant 0 : i32
      %dma_start3A_261 = tpu.memref_slice %arg15[%dma_start3A_259, %dma_start3A_260] : memref<5248x128xf32, #tpu.memory_space<vmem_shared>> -> memref<5248x128xf32, #tpu.memory_space<vmem_shared>>
      tpu.enqueue_indirect_dma source(%arg12 : memref<128x128xf32, #tpu.memory_space<vmem>>) target(%dma_start3A_261 : memref<5248x128xf32, #tpu.memory_space<vmem_shared>>) offsets(%arg10 : memref<128xi32, #tpu.memory_space<vmem>>) semaphore(%arg18 : memref<!tpu.dma_semaphore, #tpu.memory_space<semaphore_mem>>) {add = true}
      %dma_start3A_262 = arith.constant 0 : i32
      %dma_start3A_263 = tpu.memref_slice %arg21[%dma_start3A_262] : memref<5248xf32, #tpu.memory_space<vmem_shared>> -> memref<5248xf32, #tpu.memory_space<vmem_shared>>
      tpu.enqueue_indirect_dma source(%arg19 : memref<128xf32, #tpu.memory_space<vmem>>) target(%dma_start3A_263 : memref<5248xf32, #tpu.memory_space<vmem_shared>>) offsets(%arg10 : memref<128xi32, #tpu.memory_space<vmem>>) semaphore(%arg23 : memref<!tpu.dma_semaphore, #tpu.memory_space<semaphore_mem>>) {add = true}
    }
    %gt3A = arith.constant 0 : i32
    %gt3A_105 = arith.cmpi sgt, %select_n3A_92, %gt3A : i32
    %convert_element_type3A = arith.extui %gt3A_105 : i1 to i32
    %cond3A = arith.constant 0 : i32
    %cond3A_106 = arith.cmpi ne, %convert_element_type3A, %cond3A : i32
    scf.if %cond3A_106 {
      %dma_wait3A = arith.constant 0 : i32
      %dma_wait3A_211 = arith.constant 0 : i32
      %dma_wait3A_212 = tpu.memref_slice %arg15[%dma_wait3A, %dma_wait3A_211] : memref<5248x128xf32, #tpu.memory_space<vmem_shared>> -> memref<5248x128xf32, #tpu.memory_space<vmem_shared>>
      tpu.wait_indirect_dma semaphore(%arg17 : memref<!tpu.dma_semaphore, #tpu.memory_space<semaphore_mem>>) src(%arg11 : memref<128x128xf32, #tpu.memory_space<vmem>>) dst(%dma_wait3A_212 : memref<5248x128xf32, #tpu.memory_space<vmem_shared>>)
      %dma_wait3A_213 = arith.constant 0 : i32
      %dma_wait3A_214 = arith.constant 0 : i32
      %dma_wait3A_215 = tpu.memref_slice %arg15[%dma_wait3A_213, %dma_wait3A_214] : memref<5248x128xf32, #tpu.memory_space<vmem_shared>> -> memref<5248x128xf32, #tpu.memory_space<vmem_shared>>
      tpu.wait_indirect_dma semaphore(%arg18 : memref<!tpu.dma_semaphore, #tpu.memory_space<semaphore_mem>>) src(%arg12 : memref<128x128xf32, #tpu.memory_space<vmem>>) dst(%dma_wait3A_215 : memref<5248x128xf32, #tpu.memory_space<vmem_shared>>)
      %dma_wait3A_216 = arith.constant 0 : i32
      %dma_wait3A_217 = tpu.memref_slice %arg21[%dma_wait3A_216] : memref<5248xf32, #tpu.memory_space<vmem_shared>> -> memref<5248xf32, #tpu.memory_space<vmem_shared>>
      tpu.wait_indirect_dma semaphore(%arg22 : memref<!tpu.dma_semaphore, #tpu.memory_space<semaphore_mem>>) src(%arg19 : memref<128xf32, #tpu.memory_space<vmem>>) dst(%dma_wait3A_217 : memref<5248xf32, #tpu.memory_space<vmem_shared>>)
      %dma_wait3A_218 = arith.constant 0 : i32
      %dma_wait3A_219 = tpu.memref_slice %arg21[%dma_wait3A_218] : memref<5248xf32, #tpu.memory_space<vmem_shared>> -> memref<5248xf32, #tpu.memory_space<vmem_shared>>
      tpu.wait_indirect_dma semaphore(%arg23 : memref<!tpu.dma_semaphore, #tpu.memory_space<semaphore_mem>>) src(%arg19 : memref<128xf32, #tpu.memory_space<vmem>>) dst(%dma_wait3A_219 : memref<5248xf32, #tpu.memory_space<vmem_shared>>)
    } else {
    }
    %gt3A_107 = arith.constant 0 : i32
    %gt3A_108 = arith.cmpi sgt, %sub3A_95, %gt3A_107 : i32
    %convert_element_type3A_109 = arith.extui %gt3A_108 : i1 to i32
    %cond3A_110 = arith.constant 0 : i32
    %cond3A_111 = arith.cmpi ne, %convert_element_type3A_109, %cond3A_110 : i32
    scf.if %cond3A_111 {
      %mul3A_211 = arith.constant 2 : i32
      %mul3A_212 = arith.muli %mul3A_211, %select_n3A_92 : i32
      %mul3A_213 = arith.constant 128 : i32
      %mul3A_214 = arith.muli %mul3A_212, %mul3A_213 : i32
      %add3A_215 = arith.addi %mul3A_39, %mul3A_214 : i32
      "tpu.region"() ({
        %run_scoped3A = tpu.sem_alloc : memref<!tpu.dma_semaphore, #tpu.memory_space<semaphore_mem>>
        %dma_start3A_226 = tpu.memref_slice %arg4[%add3A_215] : memref<656384xi32, #tpu.memory_space<hbm>> -> memref<128xi32, #tpu.memory_space<hbm>>
        %dma_start3A_227 = tpu.memref_slice %arg4[%add3A_215] : memref<656384xi32, #tpu.memory_space<hbm>> -> memref<128xi32, #tpu.memory_space<hbm>>
        tpu.enqueue_dma source(%dma_start3A_227 : memref<128xi32, #tpu.memory_space<hbm>>) target(%arg9 : memref<128xi32, #tpu.memory_space<vmem>>) target_semaphore(%run_scoped3A : memref<!tpu.dma_semaphore, #tpu.memory_space<semaphore_mem>>)
        %dma_wait3A_228 = tpu.memref_slice %arg4[%add3A_215] : memref<656384xi32, #tpu.memory_space<hbm>> -> memref<128xi32, #tpu.memory_space<hbm>>
        %dma_wait3A_229 = tpu.memref_slice %arg4[%add3A_215] : memref<656384xi32, #tpu.memory_space<hbm>> -> memref<128xi32, #tpu.memory_space<hbm>>
        tpu.wait_dma2 semaphore(%run_scoped3A : memref<!tpu.dma_semaphore, #tpu.memory_space<semaphore_mem>>) src(%dma_wait3A_229 : memref<128xi32, #tpu.memory_space<hbm>>) dst(%arg9 : memref<128xi32, #tpu.memory_space<vmem>>)
        tpu.yield
      }) : () -> ()
      %mul3A_216 = arith.constant 2 : i32
      %mul3A_217 = arith.muli %mul3A_216, %select_n3A_92 : i32
      %mul3A_218 = arith.constant 128 : i32
      %mul3A_219 = arith.muli %mul3A_217, %mul3A_218 : i32
      %dma_start3A = tpu.memref_slice %arg8[%mul3A_219] : memref<10256xi32, #tpu.memory_space<vmem>> -> memref<128xi32, #tpu.memory_space<vmem>>
      %dma_start3A_220 = arith.constant 0 : i32
      %dma_start3A_221 = arith.constant 0 : i32
      %dma_start3A_222 = tpu.memref_slice %arg2[%dma_start3A_220, %dma_start3A_221] : memref<10000x128xf32, #tpu.memory_space<hbm>> -> memref<10000x128xf32, #tpu.memory_space<hbm>>
      tpu.enqueue_indirect_dma source(%dma_start3A_222 : memref<10000x128xf32, #tpu.memory_space<hbm>>) target(%arg11 : memref<128x128xf32, #tpu.memory_space<vmem>>) offsets(%dma_start3A : memref<128xi32, #tpu.memory_space<vmem>>) semaphore(%arg16 : memref<!tpu.dma_semaphore, #tpu.memory_space<semaphore_mem>>)
      %dma_wait3A = tpu.memref_slice %arg8[%mul3A_219] : memref<10256xi32, #tpu.memory_space<vmem>> -> memref<128xi32, #tpu.memory_space<vmem>>
      %dma_wait3A_223 = arith.constant 0 : i32
      %dma_wait3A_224 = arith.constant 0 : i32
      %dma_wait3A_225 = tpu.memref_slice %arg2[%dma_wait3A_223, %dma_wait3A_224] : memref<10000x128xf32, #tpu.memory_space<hbm>> -> memref<10000x128xf32, #tpu.memory_space<hbm>>
      tpu.wait_indirect_dma semaphore(%arg16 : memref<!tpu.dma_semaphore, #tpu.memory_space<semaphore_mem>>) src(%dma_wait3A_225 : memref<10000x128xf32, #tpu.memory_space<hbm>>) dst(%arg11 : memref<128x128xf32, #tpu.memory_space<vmem>>)
      "tpu.region"() ({
        %run_scoped3A = tpu.sem_alloc : memref<!tpu.dma_semaphore, #tpu.memory_space<semaphore_mem>>
        %dma_start3A_226 = arith.constant 0 : i32
        %dma_start3A_227 = arith.constant 0 : i32
        %dma_start3A_228 = tpu.memref_slice %arg15[%dma_start3A_226, %dma_start3A_227] : memref<5248x128xf32, #tpu.memory_space<vmem_shared>> -> memref<5248x128xf32, #tpu.memory_space<vmem_shared>>
        tpu.enqueue_indirect_dma source(%arg11 : memref<128x128xf32, #tpu.memory_space<vmem>>) target(%dma_start3A_228 : memref<5248x128xf32, #tpu.memory_space<vmem_shared>>) offsets(%arg9 : memref<128xi32, #tpu.memory_space<vmem>>) semaphore(%run_scoped3A : memref<!tpu.dma_semaphore, #tpu.memory_space<semaphore_mem>>) {add = true}
        %dma_wait3A_229 = arith.constant 0 : i32
        %dma_wait3A_230 = arith.constant 0 : i32
        %dma_wait3A_231 = tpu.memref_slice %arg15[%dma_wait3A_229, %dma_wait3A_230] : memref<5248x128xf32, #tpu.memory_space<vmem_shared>> -> memref<5248x128xf32, #tpu.memory_space<vmem_shared>>
        tpu.wait_indirect_dma semaphore(%run_scoped3A : memref<!tpu.dma_semaphore, #tpu.memory_space<semaphore_mem>>) src(%arg11 : memref<128x128xf32, #tpu.memory_space<vmem>>) dst(%dma_wait3A_231 : memref<5248x128xf32, #tpu.memory_space<vmem_shared>>)
        tpu.yield
      }) : () -> ()
      "tpu.region"() ({
        %run_scoped3A = tpu.sem_alloc : memref<!tpu.dma_semaphore, #tpu.memory_space<semaphore_mem>>
        %dma_start3A_226 = arith.constant 0 : i32
        %dma_start3A_227 = tpu.memref_slice %arg21[%dma_start3A_226] : memref<5248xf32, #tpu.memory_space<vmem_shared>> -> memref<5248xf32, #tpu.memory_space<vmem_shared>>
        tpu.enqueue_indirect_dma source(%arg19 : memref<128xf32, #tpu.memory_space<vmem>>) target(%dma_start3A_227 : memref<5248xf32, #tpu.memory_space<vmem_shared>>) offsets(%arg9 : memref<128xi32, #tpu.memory_space<vmem>>) semaphore(%run_scoped3A : memref<!tpu.dma_semaphore, #tpu.memory_space<semaphore_mem>>) {add = true}
        %dma_wait3A_228 = arith.constant 0 : i32
        %dma_wait3A_229 = tpu.memref_slice %arg21[%dma_wait3A_228] : memref<5248xf32, #tpu.memory_space<vmem_shared>> -> memref<5248xf32, #tpu.memory_space<vmem_shared>>
        tpu.wait_indirect_dma semaphore(%run_scoped3A : memref<!tpu.dma_semaphore, #tpu.memory_space<semaphore_mem>>) src(%arg19 : memref<128xf32, #tpu.memory_space<vmem>>) dst(%dma_wait3A_229 : memref<5248xf32, #tpu.memory_space<vmem_shared>>)
        tpu.yield
      }) : () -> ()
    } else {
    }
    %mul3A_112 = arith.constant 2 : i32
    %mul3A_113 = arith.muli %arg1, %mul3A_112 : i32
    %add3A_114 = arith.constant 1 : i32
    %add3A_115 = arith.addi %mul3A_113, %add3A_114 : i32
    %mul3A_116 = arith.constant 32 : i32
    %mul3A_117 = arith.muli %arg0, %mul3A_116 : i32
    %add3A_118 = arith.addi %mul3A_117, %add3A_115 : i32
    %mul3A_119 = arith.constant 10256 : i32
    %mul3A_120 = arith.muli %add3A_118, %mul3A_119 : i32
    %mul3A_121 = arith.constant 32 : i32
    %mul3A_122 = arith.muli %arg0, %mul3A_121 : i32
    %add3A_123 = arith.addi %mul3A_122, %add3A_115 : i32
    %mul3A_124 = arith.constant 16 : i32
    %mul3A_125 = arith.muli %add3A_123, %mul3A_124 : i32
    "tpu.region"() ({
      %run_scoped3A = tpu.sem_alloc : memref<!tpu.dma_semaphore, #tpu.memory_space<semaphore_mem>>
      %dma_start3A = tpu.memref_slice %arg5[%mul3A_125] : memref<1024xi32, #tpu.memory_space<hbm>> -> memref<16xi32, #tpu.memory_space<hbm>>
      %dma_start3A_211 = tpu.memref_slice %arg5[%mul3A_125] : memref<1024xi32, #tpu.memory_space<hbm>> -> memref<16xi32, #tpu.memory_space<hbm>>
      tpu.enqueue_dma source(%dma_start3A_211 : memref<16xi32, #tpu.memory_space<hbm>>) target(%arg14 : memref<16xi32, #tpu.memory_space<vmem>>) target_semaphore(%run_scoped3A : memref<!tpu.dma_semaphore, #tpu.memory_space<semaphore_mem>>)
      %dma_wait3A = tpu.memref_slice %arg5[%mul3A_125] : memref<1024xi32, #tpu.memory_space<hbm>> -> memref<16xi32, #tpu.memory_space<hbm>>
      %dma_wait3A_212 = tpu.memref_slice %arg5[%mul3A_125] : memref<1024xi32, #tpu.memory_space<hbm>> -> memref<16xi32, #tpu.memory_space<hbm>>
      tpu.wait_dma2 semaphore(%run_scoped3A : memref<!tpu.dma_semaphore, #tpu.memory_space<semaphore_mem>>) src(%dma_wait3A_212 : memref<16xi32, #tpu.memory_space<hbm>>) dst(%arg14 : memref<16xi32, #tpu.memory_space<vmem>>)
      tpu.yield
    }) : () -> ()
    %get3A_126 = arith.constant 0 : index
    %get3A_127 = tpu.vector_load %arg14[%get3A_126] {strides = array<i32>} : memref<16xi32, #tpu.memory_space<vmem>>, vector<16xi32>,
    %reduce_max3A_128 = arith.constant true
    %reduce_max3A_129 = vector.broadcast %reduce_max3A_128 : i1 to vector<16xi1>
    %reduce_max3A_130 = arith.constant -2147483648 : i32
    %reduce_max3A_131 = vector.broadcast %reduce_max3A_130 : i32 to vector<16xi32>
    %reduce_max3A_132 = arith.xori %get3A_127, %reduce_max3A_131 : vector<16xi32>
    %reduce_max3A_133 = tpu.scan <max>, %reduce_max3A_132 masked %reduce_max3A_129 : vector<16xi32>, vector<16xi1> -> vector<16xi32>
    %reduce_max3A_134 = arith.xori %reduce_max3A_133, %reduce_max3A_131 : vector<16xi32>
    %reduce_max3A_135 = vector.extract %reduce_max3A_134[15] : i32 from vector<16xi32>
    "tpu.region"() ({
      %run_scoped3A = tpu.sem_alloc : memref<!tpu.dma_semaphore, #tpu.memory_space<semaphore_mem>>
      %dma_start3A = tpu.memref_slice %arg3[%mul3A_120] : memref<656384xi32, #tpu.memory_space<hbm>> -> memref<10256xi32, #tpu.memory_space<hbm>>
      %dma_start3A_211 = tpu.memref_slice %arg3[%mul3A_120] : memref<656384xi32, #tpu.memory_space<hbm>> -> memref<10256xi32, #tpu.memory_space<hbm>>
      tpu.enqueue_dma source(%dma_start3A_211 : memref<10256xi32, #tpu.memory_space<hbm>>) target(%arg8 : memref<10256xi32, #tpu.memory_space<vmem>>) target_semaphore(%run_scoped3A : memref<!tpu.dma_semaphore, #tpu.memory_space<semaphore_mem>>)
      %dma_wait3A = tpu.memref_slice %arg3[%mul3A_120] : memref<656384xi32, #tpu.memory_space<hbm>> -> memref<10256xi32, #tpu.memory_space<hbm>>
      %dma_wait3A_212 = tpu.memref_slice %arg3[%mul3A_120] : memref<656384xi32, #tpu.memory_space<hbm>> -> memref<10256xi32, #tpu.memory_space<hbm>>
      tpu.wait_dma2 semaphore(%run_scoped3A : memref<!tpu.dma_semaphore, #tpu.memory_space<semaphore_mem>>) src(%dma_wait3A_212 : memref<10256xi32, #tpu.memory_space<hbm>>) dst(%arg8 : memref<10256xi32, #tpu.memory_space<vmem>>)
      tpu.yield
    }) : () -> ()
    %jit3A_136 = arith.constant 128 : i32
    %div3A_137 = arith.divsi %reduce_max3A_135, %jit3A_136 : i32
    %sign3A_138 = arith.constant 0 : i32
    %sign3A_139 = arith.cmpi sgt, %reduce_max3A_135, %sign3A_138 : i32
    %sign3A_140 = arith.extui %sign3A_139 : i1 to i32
    %sign3A_141 = arith.constant 0 : i32
    %sign3A_142 = arith.cmpi slt, %reduce_max3A_135, %sign3A_141 : i32
    %sign3A_143 = arith.extui %sign3A_142 : i1 to i32
    %sign3A_144 = arith.subi %sign3A_140, %sign3A_143 : i32
    %sign3A_145 = arith.constant 0 : i32
    %sign3A_146 = arith.cmpi sgt, %jit3A_136, %sign3A_145 : i32
    %sign3A_147 = arith.extui %sign3A_146 : i1 to i32
    %sign3A_148 = arith.constant 0 : i32
    %sign3A_149 = arith.cmpi slt, %jit3A_136, %sign3A_148 : i32
    %sign3A_150 = arith.extui %sign3A_149 : i1 to i32
    %sign3A_151 = arith.subi %sign3A_147, %sign3A_150 : i32
    %ne3A_152 = arith.cmpi ne, %sign3A_144, %sign3A_151 : i32
    %rem3A_153 = arith.remsi %reduce_max3A_135, %jit3A_136 : i32
    %ne3A_154 = arith.constant 0 : i32
    %ne3A_155 = arith.cmpi ne, %rem3A_153, %ne3A_154 : i32
    %and3A_156 = arith.andi %ne3A_152, %ne3A_155 : i1
    %sub3A_157 = arith.constant 1 : i32
    %sub3A_158 = arith.subi %div3A_137, %sub3A_157 : i32
    %select_n3A_159 = arith.select %and3A_156, %sub3A_158, %div3A_137 : i32
    %jit3A_160 = arith.constant 2 : i32
    %div3A_161 = arith.divsi %select_n3A_159, %jit3A_160 : i32
    %sign3A_162 = arith.constant 0 : i32
    %sign3A_163 = arith.cmpi sgt, %select_n3A_159, %sign3A_162 : i32
    %sign3A_164 = arith.extui %sign3A_163 : i1 to i32
    %sign3A_165 = arith.constant 0 : i32
    %sign3A_166 = arith.cmpi slt, %select_n3A_159, %sign3A_165 : i32
    %sign3A_167 = arith.extui %sign3A_166 : i1 to i32
    %sign3A_168 = arith.subi %sign3A_164, %sign3A_167 : i32
    %sign3A_169 = arith.constant 0 : i32
    %sign3A_170 = arith.cmpi sgt, %jit3A_160, %sign3A_169 : i32
    %sign3A_171 = arith.extui %sign3A_170 : i1 to i32
    %sign3A_172 = arith.constant 0 : i32
    %sign3A_173 = arith.cmpi slt, %jit3A_160, %sign3A_172 : i32
    %sign3A_174 = arith.extui %sign3A_173 : i1 to i32
    %sign3A_175 = arith.subi %sign3A_171, %sign3A_174 : i32
    %ne3A_176 = arith.cmpi ne, %sign3A_168, %sign3A_175 : i32
    %rem3A_177 = arith.remsi %select_n3A_159, %jit3A_160 : i32
    %ne3A_178 = arith.constant 0 : i32
    %ne3A_179 = arith.cmpi ne, %rem3A_177, %ne3A_178 : i32
    %and3A_180 = arith.andi %ne3A_176, %ne3A_179 : i1
    %sub3A_181 = arith.constant 1 : i32
    %sub3A_182 = arith.subi %div3A_161, %sub3A_181 : i32
    %select_n3A_183 = arith.select %and3A_180, %sub3A_182, %div3A_161 : i32
    %mul3A_184 = arith.constant 2 : i32
    %mul3A_185 = arith.muli %mul3A_184, %select_n3A_183 : i32
    %sub3A_186 = arith.subi %select_n3A_159, %mul3A_185 : i32
    %while3A_187 = arith.constant 0 : i32
    %while3A_188 = arith.constant 0 : i32
    %while3A_189 = arith.subi %select_n3A_183, %while3A_188 : i32
    %while3A_190 = arith.addi %while3A_188, %while3A_189 : i32
    %while3A_191 = arith.constant 1 : i32
    %while3A_192 = arith.divsi %while3A_189, %while3A_191 : i32
    %while3A_193 = arith.muli %while3A_192, %while3A_191 : i32
    %while3A_194 = arith.addi %while3A_188, %while3A_193 : i32
    %while3A_195 = arith.constant 1 : i32
    scf.for %while3A_211 = %while3A_188 to %while3A_194 step %while3A_195  : i32 {
      %mul3A_212 = arith.constant 2 : i32
      %mul3A_213 = arith.muli %mul3A_212, %while3A_211 : i32
      %eq3A = arith.constant 0 : i32
      %eq3A_214 = arith.cmpi eq, %while3A_211, %eq3A : i32
      %not3A = arith.constant true
      %not3A_215 = arith.xori %eq3A_214, %not3A : i1
      %convert_element_type3A_216 = arith.extui %not3A_215 : i1 to i32
      %cond3A_217 = arith.constant 0 : i32
      %cond3A_218 = arith.cmpi ne, %convert_element_type3A_216, %cond3A_217 : i32
      scf.if %cond3A_218 {
        %dma_wait3A_264 = arith.constant 0 : i32
        %dma_wait3A_265 = arith.constant 0 : i32
        %dma_wait3A_266 = tpu.memref_slice %arg15[%dma_wait3A_264, %dma_wait3A_265] : memref<5248x128xf32, #tpu.memory_space<vmem_shared>> -> memref<5248x128xf32, #tpu.memory_space<vmem_shared>>
        tpu.wait_indirect_dma semaphore(%arg17 : memref<!tpu.dma_semaphore, #tpu.memory_space<semaphore_mem>>) src(%arg11 : memref<128x128xf32, #tpu.memory_space<vmem>>) dst(%dma_wait3A_266 : memref<5248x128xf32, #tpu.memory_space<vmem_shared>>)
        %dma_wait3A_267 = arith.constant 0 : i32
        %dma_wait3A_268 = tpu.memref_slice %arg21[%dma_wait3A_267] : memref<5248xf32, #tpu.memory_space<vmem_shared>> -> memref<5248xf32, #tpu.memory_space<vmem_shared>>
        tpu.wait_indirect_dma semaphore(%arg22 : memref<!tpu.dma_semaphore, #tpu.memory_space<semaphore_mem>>) src(%arg19 : memref<128xf32, #tpu.memory_space<vmem>>) dst(%dma_wait3A_268 : memref<5248xf32, #tpu.memory_space<vmem_shared>>)
      } else {
      }
      %mul3A_219 = arith.constant 128 : i32
      %mul3A_220 = arith.muli %mul3A_213, %mul3A_219 : i32
      %add3A_221 = arith.addi %mul3A_120, %mul3A_220 : i32
      "tpu.region"() ({
        %run_scoped3A = tpu.sem_alloc : memref<!tpu.dma_semaphore, #tpu.memory_space<semaphore_mem>>
        %dma_start3A_264 = tpu.memref_slice %arg4[%add3A_221] : memref<656384xi32, #tpu.memory_space<hbm>> -> memref<128xi32, #tpu.memory_space<hbm>>
        %dma_start3A_265 = tpu.memref_slice %arg4[%add3A_221] : memref<656384xi32, #tpu.memory_space<hbm>> -> memref<128xi32, #tpu.memory_space<hbm>>
        tpu.enqueue_dma source(%dma_start3A_265 : memref<128xi32, #tpu.memory_space<hbm>>) target(%arg9 : memref<128xi32, #tpu.memory_space<vmem>>) target_semaphore(%run_scoped3A : memref<!tpu.dma_semaphore, #tpu.memory_space<semaphore_mem>>)
        %dma_wait3A_266 = tpu.memref_slice %arg4[%add3A_221] : memref<656384xi32, #tpu.memory_space<hbm>> -> memref<128xi32, #tpu.memory_space<hbm>>
        %dma_wait3A_267 = tpu.memref_slice %arg4[%add3A_221] : memref<656384xi32, #tpu.memory_space<hbm>> -> memref<128xi32, #tpu.memory_space<hbm>>
        tpu.wait_dma2 semaphore(%run_scoped3A : memref<!tpu.dma_semaphore, #tpu.memory_space<semaphore_mem>>) src(%dma_wait3A_267 : memref<128xi32, #tpu.memory_space<hbm>>) dst(%arg9 : memref<128xi32, #tpu.memory_space<vmem>>)
        tpu.yield
      }) : () -> ()
      %mul3A_222 = arith.constant 128 : i32
      %mul3A_223 = arith.muli %mul3A_213, %mul3A_222 : i32
      %dma_start3A = tpu.memref_slice %arg8[%mul3A_223] : memref<10256xi32, #tpu.memory_space<vmem>> -> memref<128xi32, #tpu.memory_space<vmem>>
      %dma_start3A_224 = arith.constant 0 : i32
      %dma_start3A_225 = arith.constant 0 : i32
      %dma_start3A_226 = tpu.memref_slice %arg2[%dma_start3A_224, %dma_start3A_225] : memref<10000x128xf32, #tpu.memory_space<hbm>> -> memref<10000x128xf32, #tpu.memory_space<hbm>>
      tpu.enqueue_indirect_dma source(%dma_start3A_226 : memref<10000x128xf32, #tpu.memory_space<hbm>>) target(%arg11 : memref<128x128xf32, #tpu.memory_space<vmem>>) offsets(%dma_start3A : memref<128xi32, #tpu.memory_space<vmem>>) semaphore(%arg16 : memref<!tpu.dma_semaphore, #tpu.memory_space<semaphore_mem>>)
      %dma_wait3A = tpu.memref_slice %arg8[%mul3A_223] : memref<10256xi32, #tpu.memory_space<vmem>> -> memref<128xi32, #tpu.memory_space<vmem>>
      %dma_wait3A_227 = arith.constant 0 : i32
      %dma_wait3A_228 = arith.constant 0 : i32
      %dma_wait3A_229 = tpu.memref_slice %arg2[%dma_wait3A_227, %dma_wait3A_228] : memref<10000x128xf32, #tpu.memory_space<hbm>> -> memref<10000x128xf32, #tpu.memory_space<hbm>>
      tpu.wait_indirect_dma semaphore(%arg16 : memref<!tpu.dma_semaphore, #tpu.memory_space<semaphore_mem>>) src(%dma_wait3A_229 : memref<10000x128xf32, #tpu.memory_space<hbm>>) dst(%arg11 : memref<128x128xf32, #tpu.memory_space<vmem>>)
      %dma_start3A_230 = arith.constant 0 : i32
      %dma_start3A_231 = arith.constant 0 : i32
      %dma_start3A_232 = tpu.memref_slice %arg15[%dma_start3A_230, %dma_start3A_231] : memref<5248x128xf32, #tpu.memory_space<vmem_shared>> -> memref<5248x128xf32, #tpu.memory_space<vmem_shared>>
      tpu.enqueue_indirect_dma source(%arg11 : memref<128x128xf32, #tpu.memory_space<vmem>>) target(%dma_start3A_232 : memref<5248x128xf32, #tpu.memory_space<vmem_shared>>) offsets(%arg9 : memref<128xi32, #tpu.memory_space<vmem>>) semaphore(%arg17 : memref<!tpu.dma_semaphore, #tpu.memory_space<semaphore_mem>>) {add = true}
      %dma_start3A_233 = arith.constant 0 : i32
      %dma_start3A_234 = tpu.memref_slice %arg21[%dma_start3A_233] : memref<5248xf32, #tpu.memory_space<vmem_shared>> -> memref<5248xf32, #tpu.memory_space<vmem_shared>>
      tpu.enqueue_indirect_dma source(%arg19 : memref<128xf32, #tpu.memory_space<vmem>>) target(%dma_start3A_234 : memref<5248xf32, #tpu.memory_space<vmem_shared>>) offsets(%arg9 : memref<128xi32, #tpu.memory_space<vmem>>) semaphore(%arg22 : memref<!tpu.dma_semaphore, #tpu.memory_space<semaphore_mem>>) {add = true}
      %mul3A_235 = arith.constant 2 : i32
      %mul3A_236 = arith.muli %mul3A_235, %while3A_211 : i32
      %add3A_237 = arith.constant 1 : i32
      %add3A_238 = arith.addi %mul3A_236, %add3A_237 : i32
      %eq3A_239 = arith.constant 0 : i32
      %eq3A_240 = arith.cmpi eq, %while3A_211, %eq3A_239 : i32
      %not3A_241 = arith.constant true
      %not3A_242 = arith.xori %eq3A_240, %not3A_241 : i1
      %convert_element_type3A_243 = arith.extui %not3A_242 : i1 to i32
      %cond3A_244 = arith.constant 0 : i32
      %cond3A_245 = arith.cmpi ne, %convert_element_type3A_243, %cond3A_244 : i32
      scf.if %cond3A_245 {
        %dma_wait3A_264 = arith.constant 0 : i32
        %dma_wait3A_265 = arith.constant 0 : i32
        %dma_wait3A_266 = tpu.memref_slice %arg15[%dma_wait3A_264, %dma_wait3A_265] : memref<5248x128xf32, #tpu.memory_space<vmem_shared>> -> memref<5248x128xf32, #tpu.memory_space<vmem_shared>>
        tpu.wait_indirect_dma semaphore(%arg18 : memref<!tpu.dma_semaphore, #tpu.memory_space<semaphore_mem>>) src(%arg12 : memref<128x128xf32, #tpu.memory_space<vmem>>) dst(%dma_wait3A_266 : memref<5248x128xf32, #tpu.memory_space<vmem_shared>>)
        %dma_wait3A_267 = arith.constant 0 : i32
        %dma_wait3A_268 = tpu.memref_slice %arg21[%dma_wait3A_267] : memref<5248xf32, #tpu.memory_space<vmem_shared>> -> memref<5248xf32, #tpu.memory_space<vmem_shared>>
        tpu.wait_indirect_dma semaphore(%arg23 : memref<!tpu.dma_semaphore, #tpu.memory_space<semaphore_mem>>) src(%arg19 : memref<128xf32, #tpu.memory_space<vmem>>) dst(%dma_wait3A_268 : memref<5248xf32, #tpu.memory_space<vmem_shared>>)
      } else {
      }
      %mul3A_246 = arith.constant 128 : i32
      %mul3A_247 = arith.muli %add3A_238, %mul3A_246 : i32
      %add3A_248 = arith.addi %mul3A_120, %mul3A_247 : i32
      "tpu.region"() ({
        %run_scoped3A = tpu.sem_alloc : memref<!tpu.dma_semaphore, #tpu.memory_space<semaphore_mem>>
        %dma_start3A_264 = tpu.memref_slice %arg4[%add3A_248] : memref<656384xi32, #tpu.memory_space<hbm>> -> memref<128xi32, #tpu.memory_space<hbm>>
        %dma_start3A_265 = tpu.memref_slice %arg4[%add3A_248] : memref<656384xi32, #tpu.memory_space<hbm>> -> memref<128xi32, #tpu.memory_space<hbm>>
        tpu.enqueue_dma source(%dma_start3A_265 : memref<128xi32, #tpu.memory_space<hbm>>) target(%arg10 : memref<128xi32, #tpu.memory_space<vmem>>) target_semaphore(%run_scoped3A : memref<!tpu.dma_semaphore, #tpu.memory_space<semaphore_mem>>)
        %dma_wait3A_266 = tpu.memref_slice %arg4[%add3A_248] : memref<656384xi32, #tpu.memory_space<hbm>> -> memref<128xi32, #tpu.memory_space<hbm>>
        %dma_wait3A_267 = tpu.memref_slice %arg4[%add3A_248] : memref<656384xi32, #tpu.memory_space<hbm>> -> memref<128xi32, #tpu.memory_space<hbm>>
        tpu.wait_dma2 semaphore(%run_scoped3A : memref<!tpu.dma_semaphore, #tpu.memory_space<semaphore_mem>>) src(%dma_wait3A_267 : memref<128xi32, #tpu.memory_space<hbm>>) dst(%arg10 : memref<128xi32, #tpu.memory_space<vmem>>)
        tpu.yield
      }) : () -> ()
      %mul3A_249 = arith.constant 128 : i32
      %mul3A_250 = arith.muli %add3A_238, %mul3A_249 : i32
      %dma_start3A_251 = tpu.memref_slice %arg8[%mul3A_250] : memref<10256xi32, #tpu.memory_space<vmem>> -> memref<128xi32, #tpu.memory_space<vmem>>
      %dma_start3A_252 = arith.constant 0 : i32
      %dma_start3A_253 = arith.constant 0 : i32
      %dma_start3A_254 = tpu.memref_slice %arg2[%dma_start3A_252, %dma_start3A_253] : memref<10000x128xf32, #tpu.memory_space<hbm>> -> memref<10000x128xf32, #tpu.memory_space<hbm>>
      tpu.enqueue_indirect_dma source(%dma_start3A_254 : memref<10000x128xf32, #tpu.memory_space<hbm>>) target(%arg12 : memref<128x128xf32, #tpu.memory_space<vmem>>) offsets(%dma_start3A_251 : memref<128xi32, #tpu.memory_space<vmem>>) semaphore(%arg16 : memref<!tpu.dma_semaphore, #tpu.memory_space<semaphore_mem>>)
      %dma_wait3A_255 = tpu.memref_slice %arg8[%mul3A_250] : memref<10256xi32, #tpu.memory_space<vmem>> -> memref<128xi32, #tpu.memory_space<vmem>>
      %dma_wait3A_256 = arith.constant 0 : i32
      %dma_wait3A_257 = arith.constant 0 : i32
      %dma_wait3A_258 = tpu.memref_slice %arg2[%dma_wait3A_256, %dma_wait3A_257] : memref<10000x128xf32, #tpu.memory_space<hbm>> -> memref<10000x128xf32, #tpu.memory_space<hbm>>
      tpu.wait_indirect_dma semaphore(%arg16 : memref<!tpu.dma_semaphore, #tpu.memory_space<semaphore_mem>>) src(%dma_wait3A_258 : memref<10000x128xf32, #tpu.memory_space<hbm>>) dst(%arg12 : memref<128x128xf32, #tpu.memory_space<vmem>>)
      %dma_start3A_259 = arith.constant 0 : i32
      %dma_start3A_260 = arith.constant 0 : i32
      %dma_start3A_261 = tpu.memref_slice %arg15[%dma_start3A_259, %dma_start3A_260] : memref<5248x128xf32, #tpu.memory_space<vmem_shared>> -> memref<5248x128xf32, #tpu.memory_space<vmem_shared>>
      tpu.enqueue_indirect_dma source(%arg12 : memref<128x128xf32, #tpu.memory_space<vmem>>) target(%dma_start3A_261 : memref<5248x128xf32, #tpu.memory_space<vmem_shared>>) offsets(%arg10 : memref<128xi32, #tpu.memory_space<vmem>>) semaphore(%arg18 : memref<!tpu.dma_semaphore, #tpu.memory_space<semaphore_mem>>) {add = true}
      %dma_start3A_262 = arith.constant 0 : i32
      %dma_start3A_263 = tpu.memref_slice %arg21[%dma_start3A_262] : memref<5248xf32, #tpu.memory_space<vmem_shared>> -> memref<5248xf32, #tpu.memory_space<vmem_shared>>
      tpu.enqueue_indirect_dma source(%arg19 : memref<128xf32, #tpu.memory_space<vmem>>) target(%dma_start3A_263 : memref<5248xf32, #tpu.memory_space<vmem_shared>>) offsets(%arg10 : memref<128xi32, #tpu.memory_space<vmem>>) semaphore(%arg23 : memref<!tpu.dma_semaphore, #tpu.memory_space<semaphore_mem>>) {add = true}
    }
    %while3A_196 = arith.constant 1 : i32
    scf.for %while3A_211 = %while3A_194 to %while3A_190 step %while3A_196  : i32 {
      %mul3A_212 = arith.constant 2 : i32
      %mul3A_213 = arith.muli %mul3A_212, %while3A_211 : i32
      %eq3A = arith.constant 0 : i32
      %eq3A_214 = arith.cmpi eq, %while3A_211, %eq3A : i32
      %not3A = arith.constant true
      %not3A_215 = arith.xori %eq3A_214, %not3A : i1
      %convert_element_type3A_216 = arith.extui %not3A_215 : i1 to i32
      %cond3A_217 = arith.constant 0 : i32
      %cond3A_218 = arith.cmpi ne, %convert_element_type3A_216, %cond3A_217 : i32
      scf.if %cond3A_218 {
        %dma_wait3A_264 = arith.constant 0 : i32
        %dma_wait3A_265 = arith.constant 0 : i32
        %dma_wait3A_266 = tpu.memref_slice %arg15[%dma_wait3A_264, %dma_wait3A_265] : memref<5248x128xf32, #tpu.memory_space<vmem_shared>> -> memref<5248x128xf32, #tpu.memory_space<vmem_shared>>
        tpu.wait_indirect_dma semaphore(%arg17 : memref<!tpu.dma_semaphore, #tpu.memory_space<semaphore_mem>>) src(%arg11 : memref<128x128xf32, #tpu.memory_space<vmem>>) dst(%dma_wait3A_266 : memref<5248x128xf32, #tpu.memory_space<vmem_shared>>)
        %dma_wait3A_267 = arith.constant 0 : i32
        %dma_wait3A_268 = tpu.memref_slice %arg21[%dma_wait3A_267] : memref<5248xf32, #tpu.memory_space<vmem_shared>> -> memref<5248xf32, #tpu.memory_space<vmem_shared>>
        tpu.wait_indirect_dma semaphore(%arg22 : memref<!tpu.dma_semaphore, #tpu.memory_space<semaphore_mem>>) src(%arg19 : memref<128xf32, #tpu.memory_space<vmem>>) dst(%dma_wait3A_268 : memref<5248xf32, #tpu.memory_space<vmem_shared>>)
      } else {
      }
      %mul3A_219 = arith.constant 128 : i32
      %mul3A_220 = arith.muli %mul3A_213, %mul3A_219 : i32
      %add3A_221 = arith.addi %mul3A_120, %mul3A_220 : i32
      "tpu.region"() ({
        %run_scoped3A = tpu.sem_alloc : memref<!tpu.dma_semaphore, #tpu.memory_space<semaphore_mem>>
        %dma_start3A_264 = tpu.memref_slice %arg4[%add3A_221] : memref<656384xi32, #tpu.memory_space<hbm>> -> memref<128xi32, #tpu.memory_space<hbm>>
        %dma_start3A_265 = tpu.memref_slice %arg4[%add3A_221] : memref<656384xi32, #tpu.memory_space<hbm>> -> memref<128xi32, #tpu.memory_space<hbm>>
        tpu.enqueue_dma source(%dma_start3A_265 : memref<128xi32, #tpu.memory_space<hbm>>) target(%arg9 : memref<128xi32, #tpu.memory_space<vmem>>) target_semaphore(%run_scoped3A : memref<!tpu.dma_semaphore, #tpu.memory_space<semaphore_mem>>)
        %dma_wait3A_266 = tpu.memref_slice %arg4[%add3A_221] : memref<656384xi32, #tpu.memory_space<hbm>> -> memref<128xi32, #tpu.memory_space<hbm>>
        %dma_wait3A_267 = tpu.memref_slice %arg4[%add3A_221] : memref<656384xi32, #tpu.memory_space<hbm>> -> memref<128xi32, #tpu.memory_space<hbm>>
        tpu.wait_dma2 semaphore(%run_scoped3A : memref<!tpu.dma_semaphore, #tpu.memory_space<semaphore_mem>>) src(%dma_wait3A_267 : memref<128xi32, #tpu.memory_space<hbm>>) dst(%arg9 : memref<128xi32, #tpu.memory_space<vmem>>)
        tpu.yield
      }) : () -> ()
      %mul3A_222 = arith.constant 128 : i32
      %mul3A_223 = arith.muli %mul3A_213, %mul3A_222 : i32
      %dma_start3A = tpu.memref_slice %arg8[%mul3A_223] : memref<10256xi32, #tpu.memory_space<vmem>> -> memref<128xi32, #tpu.memory_space<vmem>>
      %dma_start3A_224 = arith.constant 0 : i32
      %dma_start3A_225 = arith.constant 0 : i32
      %dma_start3A_226 = tpu.memref_slice %arg2[%dma_start3A_224, %dma_start3A_225] : memref<10000x128xf32, #tpu.memory_space<hbm>> -> memref<10000x128xf32, #tpu.memory_space<hbm>>
      tpu.enqueue_indirect_dma source(%dma_start3A_226 : memref<10000x128xf32, #tpu.memory_space<hbm>>) target(%arg11 : memref<128x128xf32, #tpu.memory_space<vmem>>) offsets(%dma_start3A : memref<128xi32, #tpu.memory_space<vmem>>) semaphore(%arg16 : memref<!tpu.dma_semaphore, #tpu.memory_space<semaphore_mem>>)
      %dma_wait3A = tpu.memref_slice %arg8[%mul3A_223] : memref<10256xi32, #tpu.memory_space<vmem>> -> memref<128xi32, #tpu.memory_space<vmem>>
      %dma_wait3A_227 = arith.constant 0 : i32
      %dma_wait3A_228 = arith.constant 0 : i32
      %dma_wait3A_229 = tpu.memref_slice %arg2[%dma_wait3A_227, %dma_wait3A_228] : memref<10000x128xf32, #tpu.memory_space<hbm>> -> memref<10000x128xf32, #tpu.memory_space<hbm>>
      tpu.wait_indirect_dma semaphore(%arg16 : memref<!tpu.dma_semaphore, #tpu.memory_space<semaphore_mem>>) src(%dma_wait3A_229 : memref<10000x128xf32, #tpu.memory_space<hbm>>) dst(%arg11 : memref<128x128xf32, #tpu.memory_space<vmem>>)
      %dma_start3A_230 = arith.constant 0 : i32
      %dma_start3A_231 = arith.constant 0 : i32
      %dma_start3A_232 = tpu.memref_slice %arg15[%dma_start3A_230, %dma_start3A_231] : memref<5248x128xf32, #tpu.memory_space<vmem_shared>> -> memref<5248x128xf32, #tpu.memory_space<vmem_shared>>
      tpu.enqueue_indirect_dma source(%arg11 : memref<128x128xf32, #tpu.memory_space<vmem>>) target(%dma_start3A_232 : memref<5248x128xf32, #tpu.memory_space<vmem_shared>>) offsets(%arg9 : memref<128xi32, #tpu.memory_space<vmem>>) semaphore(%arg17 : memref<!tpu.dma_semaphore, #tpu.memory_space<semaphore_mem>>) {add = true}
      %dma_start3A_233 = arith.constant 0 : i32
      %dma_start3A_234 = tpu.memref_slice %arg21[%dma_start3A_233] : memref<5248xf32, #tpu.memory_space<vmem_shared>> -> memref<5248xf32, #tpu.memory_space<vmem_shared>>
      tpu.enqueue_indirect_dma source(%arg19 : memref<128xf32, #tpu.memory_space<vmem>>) target(%dma_start3A_234 : memref<5248xf32, #tpu.memory_space<vmem_shared>>) offsets(%arg9 : memref<128xi32, #tpu.memory_space<vmem>>) semaphore(%arg22 : memref<!tpu.dma_semaphore, #tpu.memory_space<semaphore_mem>>) {add = true}
      %mul3A_235 = arith.constant 2 : i32
      %mul3A_236 = arith.muli %mul3A_235, %while3A_211 : i32
      %add3A_237 = arith.constant 1 : i32
      %add3A_238 = arith.addi %mul3A_236, %add3A_237 : i32
      %eq3A_239 = arith.constant 0 : i32
      %eq3A_240 = arith.cmpi eq, %while3A_211, %eq3A_239 : i32
      %not3A_241 = arith.constant true
      %not3A_242 = arith.xori %eq3A_240, %not3A_241 : i1
      %convert_element_type3A_243 = arith.extui %not3A_242 : i1 to i32
      %cond3A_244 = arith.constant 0 : i32
      %cond3A_245 = arith.cmpi ne, %convert_element_type3A_243, %cond3A_244 : i32
      scf.if %cond3A_245 {
        %dma_wait3A_264 = arith.constant 0 : i32
        %dma_wait3A_265 = arith.constant 0 : i32
        %dma_wait3A_266 = tpu.memref_slice %arg15[%dma_wait3A_264, %dma_wait3A_265] : memref<5248x128xf32, #tpu.memory_space<vmem_shared>> -> memref<5248x128xf32, #tpu.memory_space<vmem_shared>>
        tpu.wait_indirect_dma semaphore(%arg18 : memref<!tpu.dma_semaphore, #tpu.memory_space<semaphore_mem>>) src(%arg12 : memref<128x128xf32, #tpu.memory_space<vmem>>) dst(%dma_wait3A_266 : memref<5248x128xf32, #tpu.memory_space<vmem_shared>>)
        %dma_wait3A_267 = arith.constant 0 : i32
        %dma_wait3A_268 = tpu.memref_slice %arg21[%dma_wait3A_267] : memref<5248xf32, #tpu.memory_space<vmem_shared>> -> memref<5248xf32, #tpu.memory_space<vmem_shared>>
        tpu.wait_indirect_dma semaphore(%arg23 : memref<!tpu.dma_semaphore, #tpu.memory_space<semaphore_mem>>) src(%arg19 : memref<128xf32, #tpu.memory_space<vmem>>) dst(%dma_wait3A_268 : memref<5248xf32, #tpu.memory_space<vmem_shared>>)
      } else {
      }
      %mul3A_246 = arith.constant 128 : i32
      %mul3A_247 = arith.muli %add3A_238, %mul3A_246 : i32
      %add3A_248 = arith.addi %mul3A_120, %mul3A_247 : i32
      "tpu.region"() ({
        %run_scoped3A = tpu.sem_alloc : memref<!tpu.dma_semaphore, #tpu.memory_space<semaphore_mem>>
        %dma_start3A_264 = tpu.memref_slice %arg4[%add3A_248] : memref<656384xi32, #tpu.memory_space<hbm>> -> memref<128xi32, #tpu.memory_space<hbm>>
        %dma_start3A_265 = tpu.memref_slice %arg4[%add3A_248] : memref<656384xi32, #tpu.memory_space<hbm>> -> memref<128xi32, #tpu.memory_space<hbm>>
        tpu.enqueue_dma source(%dma_start3A_265 : memref<128xi32, #tpu.memory_space<hbm>>) target(%arg10 : memref<128xi32, #tpu.memory_space<vmem>>) target_semaphore(%run_scoped3A : memref<!tpu.dma_semaphore, #tpu.memory_space<semaphore_mem>>)
        %dma_wait3A_266 = tpu.memref_slice %arg4[%add3A_248] : memref<656384xi32, #tpu.memory_space<hbm>> -> memref<128xi32, #tpu.memory_space<hbm>>
        %dma_wait3A_267 = tpu.memref_slice %arg4[%add3A_248] : memref<656384xi32, #tpu.memory_space<hbm>> -> memref<128xi32, #tpu.memory_space<hbm>>
        tpu.wait_dma2 semaphore(%run_scoped3A : memref<!tpu.dma_semaphore, #tpu.memory_space<semaphore_mem>>) src(%dma_wait3A_267 : memref<128xi32, #tpu.memory_space<hbm>>) dst(%arg10 : memref<128xi32, #tpu.memory_space<vmem>>)
        tpu.yield
      }) : () -> ()
      %mul3A_249 = arith.constant 128 : i32
      %mul3A_250 = arith.muli %add3A_238, %mul3A_249 : i32
      %dma_start3A_251 = tpu.memref_slice %arg8[%mul3A_250] : memref<10256xi32, #tpu.memory_space<vmem>> -> memref<128xi32, #tpu.memory_space<vmem>>
      %dma_start3A_252 = arith.constant 0 : i32
      %dma_start3A_253 = arith.constant 0 : i32
      %dma_start3A_254 = tpu.memref_slice %arg2[%dma_start3A_252, %dma_start3A_253] : memref<10000x128xf32, #tpu.memory_space<hbm>> -> memref<10000x128xf32, #tpu.memory_space<hbm>>
      tpu.enqueue_indirect_dma source(%dma_start3A_254 : memref<10000x128xf32, #tpu.memory_space<hbm>>) target(%arg12 : memref<128x128xf32, #tpu.memory_space<vmem>>) offsets(%dma_start3A_251 : memref<128xi32, #tpu.memory_space<vmem>>) semaphore(%arg16 : memref<!tpu.dma_semaphore, #tpu.memory_space<semaphore_mem>>)
      %dma_wait3A_255 = tpu.memref_slice %arg8[%mul3A_250] : memref<10256xi32, #tpu.memory_space<vmem>> -> memref<128xi32, #tpu.memory_space<vmem>>
      %dma_wait3A_256 = arith.constant 0 : i32
      %dma_wait3A_257 = arith.constant 0 : i32
      %dma_wait3A_258 = tpu.memref_slice %arg2[%dma_wait3A_256, %dma_wait3A_257] : memref<10000x128xf32, #tpu.memory_space<hbm>> -> memref<10000x128xf32, #tpu.memory_space<hbm>>
      tpu.wait_indirect_dma semaphore(%arg16 : memref<!tpu.dma_semaphore, #tpu.memory_space<semaphore_mem>>) src(%dma_wait3A_258 : memref<10000x128xf32, #tpu.memory_space<hbm>>) dst(%arg12 : memref<128x128xf32, #tpu.memory_space<vmem>>)
      %dma_start3A_259 = arith.constant 0 : i32
      %dma_start3A_260 = arith.constant 0 : i32
      %dma_start3A_261 = tpu.memref_slice %arg15[%dma_start3A_259, %dma_start3A_260] : memref<5248x128xf32, #tpu.memory_space<vmem_shared>> -> memref<5248x128xf32, #tpu.memory_space<vmem_shared>>
      tpu.enqueue_indirect_dma source(%arg12 : memref<128x128xf32, #tpu.memory_space<vmem>>) target(%dma_start3A_261 : memref<5248x128xf32, #tpu.memory_space<vmem_shared>>) offsets(%arg10 : memref<128xi32, #tpu.memory_space<vmem>>) semaphore(%arg18 : memref<!tpu.dma_semaphore, #tpu.memory_space<semaphore_mem>>) {add = true}
      %dma_start3A_262 = arith.constant 0 : i32
      %dma_start3A_263 = tpu.memref_slice %arg21[%dma_start3A_262] : memref<5248xf32, #tpu.memory_space<vmem_shared>> -> memref<5248xf32, #tpu.memory_space<vmem_shared>>
      tpu.enqueue_indirect_dma source(%arg19 : memref<128xf32, #tpu.memory_space<vmem>>) target(%dma_start3A_263 : memref<5248xf32, #tpu.memory_space<vmem_shared>>) offsets(%arg10 : memref<128xi32, #tpu.memory_space<vmem>>) semaphore(%arg23 : memref<!tpu.dma_semaphore, #tpu.memory_space<semaphore_mem>>) {add = true}
    }
    %gt3A_197 = arith.constant 0 : i32
    %gt3A_198 = arith.cmpi sgt, %select_n3A_183, %gt3A_197 : i32
    %convert_element_type3A_199 = arith.extui %gt3A_198 : i1 to i32
    %cond3A_200 = arith.constant 0 : i32
    %cond3A_201 = arith.cmpi ne, %convert_element_type3A_199, %cond3A_200 : i32
    scf.if %cond3A_201 {
      %dma_wait3A = arith.constant 0 : i32
      %dma_wait3A_211 = arith.constant 0 : i32
      %dma_wait3A_212 = tpu.memref_slice %arg15[%dma_wait3A, %dma_wait3A_211] : memref<5248x128xf32, #tpu.memory_space<vmem_shared>> -> memref<5248x128xf32, #tpu.memory_space<vmem_shared>>
      tpu.wait_indirect_dma semaphore(%arg17 : memref<!tpu.dma_semaphore, #tpu.memory_space<semaphore_mem>>) src(%arg11 : memref<128x128xf32, #tpu.memory_space<vmem>>) dst(%dma_wait3A_212 : memref<5248x128xf32, #tpu.memory_space<vmem_shared>>)
      %dma_wait3A_213 = arith.constant 0 : i32
      %dma_wait3A_214 = arith.constant 0 : i32
      %dma_wait3A_215 = tpu.memref_slice %arg15[%dma_wait3A_213, %dma_wait3A_214] : memref<5248x128xf32, #tpu.memory_space<vmem_shared>> -> memref<5248x128xf32, #tpu.memory_space<vmem_shared>>
      tpu.wait_indirect_dma semaphore(%arg18 : memref<!tpu.dma_semaphore, #tpu.memory_space<semaphore_mem>>) src(%arg12 : memref<128x128xf32, #tpu.memory_space<vmem>>) dst(%dma_wait3A_215 : memref<5248x128xf32, #tpu.memory_space<vmem_shared>>)
      %dma_wait3A_216 = arith.constant 0 : i32
      %dma_wait3A_217 = tpu.memref_slice %arg21[%dma_wait3A_216] : memref<5248xf32, #tpu.memory_space<vmem_shared>> -> memref<5248xf32, #tpu.memory_space<vmem_shared>>
      tpu.wait_indirect_dma semaphore(%arg22 : memref<!tpu.dma_semaphore, #tpu.memory_space<semaphore_mem>>) src(%arg19 : memref<128xf32, #tpu.memory_space<vmem>>) dst(%dma_wait3A_217 : memref<5248xf32, #tpu.memory_space<vmem_shared>>)
      %dma_wait3A_218 = arith.constant 0 : i32
      %dma_wait3A_219 = tpu.memref_slice %arg21[%dma_wait3A_218] : memref<5248xf32, #tpu.memory_space<vmem_shared>> -> memref<5248xf32, #tpu.memory_space<vmem_shared>>
      tpu.wait_indirect_dma semaphore(%arg23 : memref<!tpu.dma_semaphore, #tpu.memory_space<semaphore_mem>>) src(%arg19 : memref<128xf32, #tpu.memory_space<vmem>>) dst(%dma_wait3A_219 : memref<5248xf32, #tpu.memory_space<vmem_shared>>)
    } else {
    }
    %gt3A_202 = arith.constant 0 : i32
    %gt3A_203 = arith.cmpi sgt, %sub3A_186, %gt3A_202 : i32
    %convert_element_type3A_204 = arith.extui %gt3A_203 : i1 to i32
    %cond3A_205 = arith.constant 0 : i32
    %cond3A_206 = arith.cmpi ne, %convert_element_type3A_204, %cond3A_205 : i32
    scf.if %cond3A_206 {
      %mul3A_211 = arith.constant 2 : i32
      %mul3A_212 = arith.muli %mul3A_211, %select_n3A_183 : i32
      %mul3A_213 = arith.constant 128 : i32
      %mul3A_214 = arith.muli %mul3A_212, %mul3A_213 : i32
      %add3A_215 = arith.addi %mul3A_120, %mul3A_214 : i32
      "tpu.region"() ({
        %run_scoped3A = tpu.sem_alloc : memref<!tpu.dma_semaphore, #tpu.memory_space<semaphore_mem>>
        %dma_start3A_226 = tpu.memref_slice %arg4[%add3A_215] : memref<656384xi32, #tpu.memory_space<hbm>> -> memref<128xi32, #tpu.memory_space<hbm>>
        %dma_start3A_227 = tpu.memref_slice %arg4[%add3A_215] : memref<656384xi32, #tpu.memory_space<hbm>> -> memref<128xi32, #tpu.memory_space<hbm>>
        tpu.enqueue_dma source(%dma_start3A_227 : memref<128xi32, #tpu.memory_space<hbm>>) target(%arg9 : memref<128xi32, #tpu.memory_space<vmem>>) target_semaphore(%run_scoped3A : memref<!tpu.dma_semaphore, #tpu.memory_space<semaphore_mem>>)
        %dma_wait3A_228 = tpu.memref_slice %arg4[%add3A_215] : memref<656384xi32, #tpu.memory_space<hbm>> -> memref<128xi32, #tpu.memory_space<hbm>>
        %dma_wait3A_229 = tpu.memref_slice %arg4[%add3A_215] : memref<656384xi32, #tpu.memory_space<hbm>> -> memref<128xi32, #tpu.memory_space<hbm>>
        tpu.wait_dma2 semaphore(%run_scoped3A : memref<!tpu.dma_semaphore, #tpu.memory_space<semaphore_mem>>) src(%dma_wait3A_229 : memref<128xi32, #tpu.memory_space<hbm>>) dst(%arg9 : memref<128xi32, #tpu.memory_space<vmem>>)
        tpu.yield
      }) : () -> ()
      %mul3A_216 = arith.constant 2 : i32
      %mul3A_217 = arith.muli %mul3A_216, %select_n3A_183 : i32
      %mul3A_218 = arith.constant 128 : i32
      %mul3A_219 = arith.muli %mul3A_217, %mul3A_218 : i32
      %dma_start3A = tpu.memref_slice %arg8[%mul3A_219] : memref<10256xi32, #tpu.memory_space<vmem>> -> memref<128xi32, #tpu.memory_space<vmem>>
      %dma_start3A_220 = arith.constant 0 : i32
      %dma_start3A_221 = arith.constant 0 : i32
      %dma_start3A_222 = tpu.memref_slice %arg2[%dma_start3A_220, %dma_start3A_221] : memref<10000x128xf32, #tpu.memory_space<hbm>> -> memref<10000x128xf32, #tpu.memory_space<hbm>>
      tpu.enqueue_indirect_dma source(%dma_start3A_222 : memref<10000x128xf32, #tpu.memory_space<hbm>>) target(%arg11 : memref<128x128xf32, #tpu.memory_space<vmem>>) offsets(%dma_start3A : memref<128xi32, #tpu.memory_space<vmem>>) semaphore(%arg16 : memref<!tpu.dma_semaphore, #tpu.memory_space<semaphore_mem>>)
      %dma_wait3A = tpu.memref_slice %arg8[%mul3A_219] : memref<10256xi32, #tpu.memory_space<vmem>> -> memref<128xi32, #tpu.memory_space<vmem>>
      %dma_wait3A_223 = arith.constant 0 : i32
      %dma_wait3A_224 = arith.constant 0 : i32
      %dma_wait3A_225 = tpu.memref_slice %arg2[%dma_wait3A_223, %dma_wait3A_224] : memref<10000x128xf32, #tpu.memory_space<hbm>> -> memref<10000x128xf32, #tpu.memory_space<hbm>>
      tpu.wait_indirect_dma semaphore(%arg16 : memref<!tpu.dma_semaphore, #tpu.memory_space<semaphore_mem>>) src(%dma_wait3A_225 : memref<10000x128xf32, #tpu.memory_space<hbm>>) dst(%arg11 : memref<128x128xf32, #tpu.memory_space<vmem>>)
      "tpu.region"() ({
        %run_scoped3A = tpu.sem_alloc : memref<!tpu.dma_semaphore, #tpu.memory_space<semaphore_mem>>
        %dma_start3A_226 = arith.constant 0 : i32
        %dma_start3A_227 = arith.constant 0 : i32
        %dma_start3A_228 = tpu.memref_slice %arg15[%dma_start3A_226, %dma_start3A_227] : memref<5248x128xf32, #tpu.memory_space<vmem_shared>> -> memref<5248x128xf32, #tpu.memory_space<vmem_shared>>
        tpu.enqueue_indirect_dma source(%arg11 : memref<128x128xf32, #tpu.memory_space<vmem>>) target(%dma_start3A_228 : memref<5248x128xf32, #tpu.memory_space<vmem_shared>>) offsets(%arg9 : memref<128xi32, #tpu.memory_space<vmem>>) semaphore(%run_scoped3A : memref<!tpu.dma_semaphore, #tpu.memory_space<semaphore_mem>>) {add = true}
        %dma_wait3A_229 = arith.constant 0 : i32
        %dma_wait3A_230 = arith.constant 0 : i32
        %dma_wait3A_231 = tpu.memref_slice %arg15[%dma_wait3A_229, %dma_wait3A_230] : memref<5248x128xf32, #tpu.memory_space<vmem_shared>> -> memref<5248x128xf32, #tpu.memory_space<vmem_shared>>
        tpu.wait_indirect_dma semaphore(%run_scoped3A : memref<!tpu.dma_semaphore, #tpu.memory_space<semaphore_mem>>) src(%arg11 : memref<128x128xf32, #tpu.memory_space<vmem>>) dst(%dma_wait3A_231 : memref<5248x128xf32, #tpu.memory_space<vmem_shared>>)
        tpu.yield
      }) : () -> ()
      "tpu.region"() ({
        %run_scoped3A = tpu.sem_alloc : memref<!tpu.dma_semaphore, #tpu.memory_space<semaphore_mem>>
        %dma_start3A_226 = arith.constant 0 : i32
        %dma_start3A_227 = tpu.memref_slice %arg21[%dma_start3A_226] : memref<5248xf32, #tpu.memory_space<vmem_shared>> -> memref<5248xf32, #tpu.memory_space<vmem_shared>>
        tpu.enqueue_indirect_dma source(%arg19 : memref<128xf32, #tpu.memory_space<vmem>>) target(%dma_start3A_227 : memref<5248xf32, #tpu.memory_space<vmem_shared>>) offsets(%arg9 : memref<128xi32, #tpu.memory_space<vmem>>) semaphore(%run_scoped3A : memref<!tpu.dma_semaphore, #tpu.memory_space<semaphore_mem>>) {add = true}
        %dma_wait3A_228 = arith.constant 0 : i32
        %dma_wait3A_229 = tpu.memref_slice %arg21[%dma_wait3A_228] : memref<5248xf32, #tpu.memory_space<vmem_shared>> -> memref<5248xf32, #tpu.memory_space<vmem_shared>>
        tpu.wait_indirect_dma semaphore(%run_scoped3A : memref<!tpu.dma_semaphore, #tpu.memory_space<semaphore_mem>>) src(%arg19 : memref<128xf32, #tpu.memory_space<vmem>>) dst(%dma_wait3A_229 : memref<5248xf32, #tpu.memory_space<vmem_shared>>)
        tpu.yield
      }) : () -> ()
    } else {
    }
    %barrier3A_207 = arith.constant 0 : index
    tpu.barrier barrier_id(%barrier3A_207)
    %mul3A_208 = arith.constant 5248 : i32
    %mul3A_209 = arith.muli %arg0, %mul3A_208 : i32
    %add3A_210 = arith.addi %mul3A_209, %mul3A_0 : i32
    "tpu.region"() ({
      %run_scoped3A = tpu.sem_alloc : memref<!tpu.dma_semaphore, #tpu.memory_space<semaphore_mem>>
      %dma_start3A = arith.constant 0 : i32
      %dma_start3A_211 = tpu.memref_slice %arg15[%mul3A_0, %dma_start3A] : memref<5248x128xf32, #tpu.memory_space<vmem_shared>> -> memref<328x128xf32, #tpu.memory_space<vmem_shared>>
      %dma_start3A_212 = arith.constant 0 : i32
      %dma_start3A_213 = tpu.memref_slice %arg15[%mul3A_0, %dma_start3A_212] : memref<5248x128xf32, #tpu.memory_space<vmem_shared>> -> memref<328x128xf32, #tpu.memory_space<vmem_shared>>
      tpu.enqueue_dma source(%dma_start3A_213 : memref<328x128xf32, #tpu.memory_space<vmem_shared>>) target(%arg13 : memref<328x128xf32, #tpu.memory_space<vmem>>) target_semaphore(%run_scoped3A : memref<!tpu.dma_semaphore, #tpu.memory_space<semaphore_mem>>)
      %dma_wait3A = arith.constant 0 : i32
      %dma_wait3A_214 = tpu.memref_slice %arg15[%mul3A_0, %dma_wait3A] : memref<5248x128xf32, #tpu.memory_space<vmem_shared>> -> memref<328x128xf32, #tpu.memory_space<vmem_shared>>
      %dma_wait3A_215 = arith.constant 0 : i32
      %dma_wait3A_216 = tpu.memref_slice %arg15[%mul3A_0, %dma_wait3A_215] : memref<5248x128xf32, #tpu.memory_space<vmem_shared>> -> memref<328x128xf32, #tpu.memory_space<vmem_shared>>
      tpu.wait_dma2 semaphore(%run_scoped3A : memref<!tpu.dma_semaphore, #tpu.memory_space<semaphore_mem>>) src(%dma_wait3A_216 : memref<328x128xf32, #tpu.memory_space<vmem_shared>>) dst(%arg13 : memref<328x128xf32, #tpu.memory_space<vmem>>)
      tpu.yield
    }) : () -> ()
    "tpu.region"() ({
      %run_scoped3A = tpu.sem_alloc : memref<!tpu.dma_semaphore, #tpu.memory_space<semaphore_mem>>
      %dma_start3A = arith.constant 0 : i32
      %dma_start3A_211 = tpu.memref_slice %arg6[%add3A_210, %dma_start3A] : memref<10496x128xf32, #tpu.memory_space<hbm>> -> memref<328x128xf32, #tpu.memory_space<hbm>>
      %dma_start3A_212 = arith.constant 0 : i32
      %dma_start3A_213 = tpu.memref_slice %arg6[%add3A_210, %dma_start3A_212] : memref<10496x128xf32, #tpu.memory_space<hbm>> -> memref<328x128xf32, #tpu.memory_space<hbm>>
      tpu.enqueue_dma source(%arg13 : memref<328x128xf32, #tpu.memory_space<vmem>>) target(%dma_start3A_213 : memref<328x128xf32, #tpu.memory_space<hbm>>) target_semaphore(%run_scoped3A : memref<!tpu.dma_semaphore, #tpu.memory_space<semaphore_mem>>)
      %dma_wait3A = arith.constant 0 : i32
      %dma_wait3A_214 = tpu.memref_slice %arg6[%add3A_210, %dma_wait3A] : memref<10496x128xf32, #tpu.memory_space<hbm>> -> memref<328x128xf32, #tpu.memory_space<hbm>>
      %dma_wait3A_215 = arith.constant 0 : i32
      %dma_wait3A_216 = tpu.memref_slice %arg6[%add3A_210, %dma_wait3A_215] : memref<10496x128xf32, #tpu.memory_space<hbm>> -> memref<328x128xf32, #tpu.memory_space<hbm>>
      tpu.wait_dma2 semaphore(%run_scoped3A : memref<!tpu.dma_semaphore, #tpu.memory_space<semaphore_mem>>) src(%arg13 : memref<328x128xf32, #tpu.memory_space<vmem>>) dst(%dma_wait3A_216 : memref<328x128xf32, #tpu.memory_space<hbm>>)
      tpu.yield
    }) : () -> ()
    "tpu.region"() ({
      %run_scoped3A = tpu.sem_alloc : memref<!tpu.dma_semaphore, #tpu.memory_space<semaphore_mem>>
      %dma_start3A = arith.constant 0 : i32
      %dma_start3A_211 = tpu.memref_slice %arg20[%dma_start3A] : memref<336xf32, #tpu.memory_space<vmem>> -> memref<328xf32, #tpu.memory_space<vmem>>
      %dma_start3A_212 = tpu.memref_slice %arg21[%mul3A_0] : memref<5248xf32, #tpu.memory_space<vmem_shared>> -> memref<328xf32, #tpu.memory_space<vmem_shared>>
      %dma_start3A_213 = arith.constant 0 : i32
      %dma_start3A_214 = tpu.memref_slice %arg20[%dma_start3A_213] : memref<336xf32, #tpu.memory_space<vmem>> -> memref<328xf32, #tpu.memory_space<vmem>>
      %dma_start3A_215 = tpu.memref_slice %arg21[%mul3A_0] : memref<5248xf32, #tpu.memory_space<vmem_shared>> -> memref<328xf32, #tpu.memory_space<vmem_shared>>
      tpu.enqueue_dma source(%dma_start3A_215 : memref<328xf32, #tpu.memory_space<vmem_shared>>) target(%dma_start3A_214 : memref<328xf32, #tpu.memory_space<vmem>>) target_semaphore(%run_scoped3A : memref<!tpu.dma_semaphore, #tpu.memory_space<semaphore_mem>>)
      %dma_wait3A = arith.constant 0 : i32
      %dma_wait3A_216 = tpu.memref_slice %arg20[%dma_wait3A] : memref<336xf32, #tpu.memory_space<vmem>> -> memref<328xf32, #tpu.memory_space<vmem>>
      %dma_wait3A_217 = tpu.memref_slice %arg21[%mul3A_0] : memref<5248xf32, #tpu.memory_space<vmem_shared>> -> memref<328xf32, #tpu.memory_space<vmem_shared>>
      %dma_wait3A_218 = arith.constant 0 : i32
      %dma_wait3A_219 = tpu.memref_slice %arg20[%dma_wait3A_218] : memref<336xf32, #tpu.memory_space<vmem>> -> memref<328xf32, #tpu.memory_space<vmem>>
      %dma_wait3A_220 = tpu.memref_slice %arg21[%mul3A_0] : memref<5248xf32, #tpu.memory_space<vmem_shared>> -> memref<328xf32, #tpu.memory_space<vmem_shared>>
      tpu.wait_dma2 semaphore(%run_scoped3A : memref<!tpu.dma_semaphore, #tpu.memory_space<semaphore_mem>>) src(%dma_wait3A_220 : memref<328xf32, #tpu.memory_space<vmem_shared>>) dst(%dma_wait3A_219 : memref<328xf32, #tpu.memory_space<vmem>>)
      tpu.yield
    }) : () -> ()
    "tpu.region"() ({
      %run_scoped3A = tpu.sem_alloc : memref<!tpu.dma_semaphore, #tpu.memory_space<semaphore_mem>>
      %dma_start3A = arith.constant 0 : i32
      %dma_start3A_211 = tpu.memref_slice %arg20[%dma_start3A] : memref<336xf32, #tpu.memory_space<vmem>> -> memref<328xf32, #tpu.memory_space<vmem>>
      %dma_start3A_212 = tpu.memref_slice %arg7[%add3A_210] : memref<10496xf32, #tpu.memory_space<hbm>> -> memref<328xf32, #tpu.memory_space<hbm>>
      %dma_start3A_213 = tpu.memref_slice %arg7[%add3A_210] : memref<10496xf32, #tpu.memory_space<hbm>> -> memref<328xf32, #tpu.memory_space<hbm>>
      %dma_start3A_214 = arith.constant 0 : i32
      %dma_start3A_215 = tpu.memref_slice %arg20[%dma_start3A_214] : memref<336xf32, #tpu.memory_space<vmem>> -> memref<328xf32, #tpu.memory_space<vmem>>
      tpu.enqueue_dma source(%dma_start3A_215 : memref<328xf32, #tpu.memory_space<vmem>>) target(%dma_start3A_213 : memref<328xf32, #tpu.memory_space<hbm>>) target_semaphore(%run_scoped3A : memref<!tpu.dma_semaphore, #tpu.memory_space<semaphore_mem>>)
      %dma_wait3A = arith.constant 0 : i32
      %dma_wait3A_216 = tpu.memref_slice %arg20[%dma_wait3A] : memref<336xf32, #tpu.memory_space<vmem>> -> memref<328xf32, #tpu.memory_space<vmem>>
      %dma_wait3A_217 = tpu.memref_slice %arg7[%add3A_210] : memref<10496xf32, #tpu.memory_space<hbm>> -> memref<328xf32, #tpu.memory_space<hbm>>
      %dma_wait3A_218 = tpu.memref_slice %arg7[%add3A_210] : memref<10496xf32, #tpu.memory_space<hbm>> -> memref<328xf32, #tpu.memory_space<hbm>>
      %dma_wait3A_219 = arith.constant 0 : i32
      %dma_wait3A_220 = tpu.memref_slice %arg20[%dma_wait3A_219] : memref<336xf32, #tpu.memory_space<vmem>> -> memref<328xf32, #tpu.memory_space<vmem>>
      tpu.wait_dma2 semaphore(%run_scoped3A : memref<!tpu.dma_semaphore, #tpu.memory_space<semaphore_mem>>) src(%dma_wait3A_220 : memref<328xf32, #tpu.memory_space<vmem>>) dst(%dma_wait3A_218 : memref<328xf32, #tpu.memory_space<hbm>>)
      tpu.yield
    }) : () -> ()
    return
  }
}

module attributes {stable_mosaic.version = 14 : i64} {
  func.func @body(%arg0: memref<10000x128xf32, #tpu.memory_space<vmem>>, %arg1: memref<10000x1xf32, #tpu.memory_space<vmem>>, %arg2: memref<10000x128xf32, #tpu.memory_space<vmem>>, %arg3: memref<128x128xf32, #tpu.memory_space<vmem>>, %arg4: memref<128x128xf32, #tpu.memory_space<vmem>>, %arg5: memref<1x128xf32, #tpu.memory_space<vmem>>, %arg6: memref<1x128xf32, #tpu.memory_space<vmem>>, %arg7: memref<1x128xf32, #tpu.memory_space<vmem>>, %arg8: memref<10000x128xf32, #tpu.memory_space<vmem>>) attributes {dimension_semantics = [], scalar_prefetch = 0 : i64, scratch_operands = 0 : i64, tpu.core_type = #tpu.core_type<tc>} {
    %get3A = arith.constant 0 : index
    %get3A_0 = arith.constant 0 : index
    %get3A_1 = vector.load %arg1[%get3A, %get3A_0] : memref<10000x1xf32, #tpu.memory_space<vmem>>, vector<10000x1xf32>
    %max3A = arith.constant 1.000000e+00 : f32
    %max3A_2 = vector.broadcast %max3A : f32 to vector<10000x1xf32>
    %max3A_3 = arith.maximumf %get3A_1, %max3A_2 : vector<10000x1xf32>
    %get3A_4 = arith.constant 0 : index
    %get3A_5 = arith.constant 0 : index
    %get3A_6 = vector.load %arg0[%get3A_4, %get3A_5] : memref<10000x128xf32, #tpu.memory_space<vmem>>, vector<10000x128xf32>
    %div3A = vector.broadcast %max3A_3 : vector<10000x1xf32> to vector<10000x128xf32>
    %div3A_7 = arith.divf %get3A_6, %div3A : vector<10000x128xf32>
    %get3A_8 = arith.constant 0 : index
    %get3A_9 = arith.constant 0 : index
    %get3A_10 = vector.load %arg3[%get3A_8, %get3A_9] : memref<128x128xf32, #tpu.memory_space<vmem>>, vector<128x128xf32>
    %dot_general3A = arith.constant dense<0.000000e+00> : vector<10000x128xf32>
    %dot_general3A_11 = tpu.matmul %div3A_7, %get3A_10, %dot_general3A {dimension_numbers = #tpu.dot_dimension_numbers<[1], [0], [0], [1], [0, 0, 1, 1], [], []>, transpose_lhs_hint = false} : vector<10000x128xf32>, vector<128x128xf32>, vector<10000x128xf32> -> vector<10000x128xf32>
    %get3A_12 = arith.constant 0 : index
    %get3A_13 = arith.constant 0 : index
    %get3A_14 = vector.load %arg2[%get3A_12, %get3A_13] : memref<10000x128xf32, #tpu.memory_space<vmem>>, vector<10000x128xf32>
    %get3A_15 = arith.constant 0 : index
    %get3A_16 = arith.constant 0 : index
    %get3A_17 = vector.load %arg4[%get3A_15, %get3A_16] : memref<128x128xf32, #tpu.memory_space<vmem>>, vector<128x128xf32>
    %dot_general3A_18 = arith.constant dense<0.000000e+00> : vector<10000x128xf32>
    %dot_general3A_19 = tpu.matmul %get3A_14, %get3A_17, %dot_general3A_18 {dimension_numbers = #tpu.dot_dimension_numbers<[1], [0], [0], [1], [0, 0, 1, 1], [], []>, transpose_lhs_hint = false} : vector<10000x128xf32>, vector<128x128xf32>, vector<10000x128xf32> -> vector<10000x128xf32>
    %add3A = arith.addf %dot_general3A_11, %dot_general3A_19 : vector<10000x128xf32>
    %get3A_20 = arith.constant 0 : index
    %get3A_21 = arith.constant 0 : index
    %get3A_22 = vector.load %arg5[%get3A_20, %get3A_21] : memref<1x128xf32, #tpu.memory_space<vmem>>, vector<1x128xf32>
    %add3A_23 = vector.broadcast %get3A_22 : vector<1x128xf32> to vector<10000x128xf32>
    %add3A_24 = arith.addf %add3A, %add3A_23 : vector<10000x128xf32>
    %reduce_sum3A = arith.constant dense<0.000000e+00> : vector<128xf32>
    %reduce_sum3A_25 = vector.multi_reduction <add>, %add3A_24, %reduce_sum3A [0] : vector<10000x128xf32> to vector<128xf32>
    %broadcast_in_dim3A = vector.shape_cast %reduce_sum3A_25 : vector<128xf32> to vector<1x128xf32>
    %div3A_26 = arith.constant 1.000000e+04 : f32
    %div3A_27 = vector.broadcast %div3A_26 : f32 to vector<1x128xf32>
    %div3A_28 = arith.divf %broadcast_in_dim3A, %div3A_27 : vector<1x128xf32>
    %sub3A = vector.broadcast %div3A_28 : vector<1x128xf32> to vector<10000x128xf32>
    %sub3A_29 = arith.subf %add3A_24, %sub3A : vector<10000x128xf32>
    %mul3A = arith.mulf %sub3A_29, %sub3A_29 : vector<10000x128xf32>
    %reduce_sum3A_30 = arith.constant dense<0.000000e+00> : vector<128xf32>
    %reduce_sum3A_31 = vector.multi_reduction <add>, %mul3A, %reduce_sum3A_30 [0] : vector<10000x128xf32> to vector<128xf32>
    %broadcast_in_dim3A_32 = vector.shape_cast %reduce_sum3A_31 : vector<128xf32> to vector<1x128xf32>
    %div3A_33 = arith.constant 1.000000e+04 : f32
    %div3A_34 = vector.broadcast %div3A_33 : f32 to vector<1x128xf32>
    %div3A_35 = arith.divf %broadcast_in_dim3A_32, %div3A_34 : vector<1x128xf32>
    %add3A_36 = arith.constant 9.99999974E-6 : f32
    %add3A_37 = vector.broadcast %add3A_36 : f32 to vector<1x128xf32>
    %add3A_38 = arith.addf %div3A_35, %add3A_37 : vector<1x128xf32>
    %rsqrt3A = math.rsqrt %add3A_38 : vector<1x128xf32>
    %mul3A_39 = vector.broadcast %rsqrt3A : vector<1x128xf32> to vector<10000x128xf32>
    %mul3A_40 = arith.mulf %sub3A_29, %mul3A_39 : vector<10000x128xf32>
    %get3A_41 = arith.constant 0 : index
    %get3A_42 = arith.constant 0 : index
    %get3A_43 = vector.load %arg6[%get3A_41, %get3A_42] : memref<1x128xf32, #tpu.memory_space<vmem>>, vector<1x128xf32>
    %mul3A_44 = vector.broadcast %get3A_43 : vector<1x128xf32> to vector<10000x128xf32>
    %mul3A_45 = arith.mulf %mul3A_40, %mul3A_44 : vector<10000x128xf32>
    %get3A_46 = arith.constant 0 : index
    %get3A_47 = arith.constant 0 : index
    %get3A_48 = vector.load %arg7[%get3A_46, %get3A_47] : memref<1x128xf32, #tpu.memory_space<vmem>>, vector<1x128xf32>
    %add3A_49 = vector.broadcast %get3A_48 : vector<1x128xf32> to vector<10000x128xf32>
    %add3A_50 = arith.addf %mul3A_45, %add3A_49 : vector<10000x128xf32>
    %max3A_51 = arith.constant 0.000000e+00 : f32
    %max3A_52 = vector.broadcast %max3A_51 : f32 to vector<10000x128xf32>
    %max3A_53 = arith.maximumf %add3A_50, %max3A_52 : vector<10000x128xf32>
    %swap3A = arith.constant 0 : index
    %swap3A_54 = arith.constant 0 : index
    %swap3A_55 = vector.load %arg8[%swap3A, %swap3A_54] : memref<10000x128xf32, #tpu.memory_space<vmem>>, vector<10000x128xf32>
    tpu.vector_store %arg8[%swap3A, %swap3A_54], %max3A_53 {strides = array<i32>} : memref<10000x128xf32, #tpu.memory_space<vmem>>, vector<10000x128xf32>,
    return
  }
}

module attributes {stable_mosaic.version = 14 : i64} {
  func.func @body(%arg0: memref<10000x128xf32, #tpu.memory_space<vmem>>, %arg1: memref<10000x1xf32, #tpu.memory_space<vmem>>, %arg2: memref<10000x128xf32, #tpu.memory_space<vmem>>, %arg3: memref<128x128xf32, #tpu.memory_space<vmem>>, %arg4: memref<128x128xf32, #tpu.memory_space<vmem>>, %arg5: memref<1x128xf32, #tpu.memory_space<vmem>>, %arg6: memref<1x128xf32, #tpu.memory_space<vmem>>, %arg7: memref<1x128xf32, #tpu.memory_space<vmem>>, %arg8: memref<128x2xf32, #tpu.memory_space<vmem>>, %arg9: memref<10000x2xf32, #tpu.memory_space<vmem>>) attributes {dimension_semantics = [], scalar_prefetch = 0 : i64, scratch_operands = 0 : i64, tpu.core_type = #tpu.core_type<tc>} {
    %get3A = arith.constant 0 : index
    %get3A_0 = arith.constant 0 : index
    %get3A_1 = vector.load %arg1[%get3A, %get3A_0] : memref<10000x1xf32, #tpu.memory_space<vmem>>, vector<10000x1xf32>
    %max3A = arith.constant 1.000000e+00 : f32
    %max3A_2 = vector.broadcast %max3A : f32 to vector<10000x1xf32>
    %max3A_3 = arith.maximumf %get3A_1, %max3A_2 : vector<10000x1xf32>
    %get3A_4 = arith.constant 0 : index
    %get3A_5 = arith.constant 0 : index
    %get3A_6 = vector.load %arg0[%get3A_4, %get3A_5] : memref<10000x128xf32, #tpu.memory_space<vmem>>, vector<10000x128xf32>
    %div3A = vector.broadcast %max3A_3 : vector<10000x1xf32> to vector<10000x128xf32>
    %div3A_7 = arith.divf %get3A_6, %div3A : vector<10000x128xf32>
    %get3A_8 = arith.constant 0 : index
    %get3A_9 = arith.constant 0 : index
    %get3A_10 = vector.load %arg3[%get3A_8, %get3A_9] : memref<128x128xf32, #tpu.memory_space<vmem>>, vector<128x128xf32>
    %dot_general3A = arith.constant dense<0.000000e+00> : vector<10000x128xf32>
    %dot_general3A_11 = tpu.matmul %div3A_7, %get3A_10, %dot_general3A {dimension_numbers = #tpu.dot_dimension_numbers<[1], [0], [0], [1], [0, 0, 1, 1], [], []>, transpose_lhs_hint = false} : vector<10000x128xf32>, vector<128x128xf32>, vector<10000x128xf32> -> vector<10000x128xf32>
    %get3A_12 = arith.constant 0 : index
    %get3A_13 = arith.constant 0 : index
    %get3A_14 = vector.load %arg2[%get3A_12, %get3A_13] : memref<10000x128xf32, #tpu.memory_space<vmem>>, vector<10000x128xf32>
    %get3A_15 = arith.constant 0 : index
    %get3A_16 = arith.constant 0 : index
    %get3A_17 = vector.load %arg4[%get3A_15, %get3A_16] : memref<128x128xf32, #tpu.memory_space<vmem>>, vector<128x128xf32>
    %dot_general3A_18 = arith.constant dense<0.000000e+00> : vector<10000x128xf32>
    %dot_general3A_19 = tpu.matmul %get3A_14, %get3A_17, %dot_general3A_18 {dimension_numbers = #tpu.dot_dimension_numbers<[1], [0], [0], [1], [0, 0, 1, 1], [], []>, transpose_lhs_hint = false} : vector<10000x128xf32>, vector<128x128xf32>, vector<10000x128xf32> -> vector<10000x128xf32>
    %add3A = arith.addf %dot_general3A_11, %dot_general3A_19 : vector<10000x128xf32>
    %get3A_20 = arith.constant 0 : index
    %get3A_21 = arith.constant 0 : index
    %get3A_22 = vector.load %arg5[%get3A_20, %get3A_21] : memref<1x128xf32, #tpu.memory_space<vmem>>, vector<1x128xf32>
    %add3A_23 = vector.broadcast %get3A_22 : vector<1x128xf32> to vector<10000x128xf32>
    %add3A_24 = arith.addf %add3A, %add3A_23 : vector<10000x128xf32>
    %reduce_sum3A = arith.constant dense<0.000000e+00> : vector<128xf32>
    %reduce_sum3A_25 = vector.multi_reduction <add>, %add3A_24, %reduce_sum3A [0] : vector<10000x128xf32> to vector<128xf32>
    %broadcast_in_dim3A = vector.shape_cast %reduce_sum3A_25 : vector<128xf32> to vector<1x128xf32>
    %div3A_26 = arith.constant 1.000000e+04 : f32
    %div3A_27 = vector.broadcast %div3A_26 : f32 to vector<1x128xf32>
    %div3A_28 = arith.divf %broadcast_in_dim3A, %div3A_27 : vector<1x128xf32>
    %sub3A = vector.broadcast %div3A_28 : vector<1x128xf32> to vector<10000x128xf32>
    %sub3A_29 = arith.subf %add3A_24, %sub3A : vector<10000x128xf32>
    %mul3A = arith.mulf %sub3A_29, %sub3A_29 : vector<10000x128xf32>
    %reduce_sum3A_30 = arith.constant dense<0.000000e+00> : vector<128xf32>
    %reduce_sum3A_31 = vector.multi_reduction <add>, %mul3A, %reduce_sum3A_30 [0] : vector<10000x128xf32> to vector<128xf32>
    %broadcast_in_dim3A_32 = vector.shape_cast %reduce_sum3A_31 : vector<128xf32> to vector<1x128xf32>
    %div3A_33 = arith.constant 1.000000e+04 : f32
    %div3A_34 = vector.broadcast %div3A_33 : f32 to vector<1x128xf32>
    %div3A_35 = arith.divf %broadcast_in_dim3A_32, %div3A_34 : vector<1x128xf32>
    %add3A_36 = arith.constant 9.99999974E-6 : f32
    %add3A_37 = vector.broadcast %add3A_36 : f32 to vector<1x128xf32>
    %add3A_38 = arith.addf %div3A_35, %add3A_37 : vector<1x128xf32>
    %rsqrt3A = math.rsqrt %add3A_38 : vector<1x128xf32>
    %mul3A_39 = vector.broadcast %rsqrt3A : vector<1x128xf32> to vector<10000x128xf32>
    %mul3A_40 = arith.mulf %sub3A_29, %mul3A_39 : vector<10000x128xf32>
    %get3A_41 = arith.constant 0 : index
    %get3A_42 = arith.constant 0 : index
    %get3A_43 = vector.load %arg6[%get3A_41, %get3A_42] : memref<1x128xf32, #tpu.memory_space<vmem>>, vector<1x128xf32>
    %mul3A_44 = vector.broadcast %get3A_43 : vector<1x128xf32> to vector<10000x128xf32>
    %mul3A_45 = arith.mulf %mul3A_40, %mul3A_44 : vector<10000x128xf32>
    %get3A_46 = arith.constant 0 : index
    %get3A_47 = arith.constant 0 : index
    %get3A_48 = vector.load %arg7[%get3A_46, %get3A_47] : memref<1x128xf32, #tpu.memory_space<vmem>>, vector<1x128xf32>
    %add3A_49 = vector.broadcast %get3A_48 : vector<1x128xf32> to vector<10000x128xf32>
    %add3A_50 = arith.addf %mul3A_45, %add3A_49 : vector<10000x128xf32>
    %max3A_51 = arith.constant 0.000000e+00 : f32
    %max3A_52 = vector.broadcast %max3A_51 : f32 to vector<10000x128xf32>
    %max3A_53 = arith.maximumf %add3A_50, %max3A_52 : vector<10000x128xf32>
    %get3A_54 = arith.constant 0 : index
    %get3A_55 = arith.constant 0 : index
    %get3A_56 = vector.load %arg8[%get3A_54, %get3A_55] : memref<128x2xf32, #tpu.memory_space<vmem>>, vector<128x2xf32>
    %dot_general3A_57 = arith.constant dense<0.000000e+00> : vector<10000x2xf32>
    %dot_general3A_58 = tpu.matmul %max3A_53, %get3A_56, %dot_general3A_57 {dimension_numbers = #tpu.dot_dimension_numbers<[1], [0], [0], [1], [0, 0, 1, 1], [], []>, transpose_lhs_hint = false} : vector<10000x128xf32>, vector<128x2xf32>, vector<10000x2xf32> -> vector<10000x2xf32>
    %swap3A = arith.constant 0 : index
    %swap3A_59 = arith.constant 0 : index
    %swap3A_60 = vector.load %arg9[%swap3A, %swap3A_59] : memref<10000x2xf32, #tpu.memory_space<vmem>>, vector<10000x2xf32>
    tpu.vector_store %arg9[%swap3A, %swap3A_59], %dot_general3A_58 {strides = array<i32>} : memref<10000x2xf32, #tpu.memory_space<vmem>>, vector<10000x2xf32>,
    return
  }
}

module attributes {stable_mosaic.version = 14 : i64} {
  func.func @body(%arg0: memref<10000x32xf32, #tpu.memory_space<vmem>>, %arg1: memref<10000x1xf32, #tpu.memory_space<vmem>>, %arg2: memref<10000x1xf32, #tpu.memory_space<vmem>>, %arg3: memref<1x1xf32, #tpu.memory_space<vmem>>, %arg4: memref<10000x1xf32, #tpu.memory_space<vmem>>) attributes {dimension_semantics = [], scalar_prefetch = 0 : i64, scratch_operands = 0 : i64, tpu.core_type = #tpu.core_type<tc>} {
    %get3A = arith.constant 0 : index
    %get3A_0 = arith.constant 0 : index
    %get3A_1 = vector.load %arg1[%get3A, %get3A_0] : memref<10000x1xf32, #tpu.memory_space<vmem>>, vector<10000x1xf32>
    %max3A = arith.constant 1.000000e+00 : f32
    %max3A_2 = vector.broadcast %max3A : f32 to vector<10000x1xf32>
    %max3A_3 = arith.maximumf %get3A_1, %max3A_2 : vector<10000x1xf32>
    %get3A_4 = arith.constant 0 : index
    %get3A_5 = arith.constant 0 : index
    %get3A_6 = vector.load %arg0[%get3A_4, %get3A_5] : memref<10000x32xf32, #tpu.memory_space<vmem>>, vector<10000x32xf32>
    %reduce_sum3A = arith.constant dense<0.000000e+00> : vector<10000xf32>
    %reduce_sum3A_7 = vector.multi_reduction <add>, %get3A_6, %reduce_sum3A [1] : vector<10000x32xf32> to vector<10000xf32>
    %broadcast_in_dim3A = vector.shape_cast %reduce_sum3A_7 : vector<10000xf32> to vector<10000x1xf32>
    %div3A = arith.divf %broadcast_in_dim3A, %max3A_3 : vector<10000x1xf32>
    %get3A_8 = arith.constant 0 : index
    %get3A_9 = arith.constant 0 : index
    %get3A_10 = vector.load %arg2[%get3A_8, %get3A_9] : memref<10000x1xf32, #tpu.memory_space<vmem>>, vector<10000x1xf32>
    %add3A = arith.addf %div3A, %get3A_10 : vector<10000x1xf32>
    %get3A_11 = arith.constant 0 : index
    %get3A_12 = arith.constant 0 : index
    %get3A_13 = vector.load %arg3[%get3A_11, %get3A_12] : memref<1x1xf32, #tpu.memory_space<vmem>>, vector<1x1xf32>
    %add3A_14 = vector.broadcast %get3A_13 : vector<1x1xf32> to vector<10000x1xf32>
    %add3A_15 = arith.addf %add3A, %add3A_14 : vector<10000x1xf32>
    %logistic3A = arith.negf %add3A_15 : vector<10000x1xf32>
    %logistic3A_16 = math.exp %logistic3A : vector<10000x1xf32>
    %logistic3A_17 = arith.constant 1.000000e+00 : f32
    %logistic3A_18 = vector.broadcast %logistic3A_17 : f32 to vector<10000x1xf32>
    %logistic3A_19 = arith.addf %logistic3A_18, %logistic3A_16 : vector<10000x1xf32>
    %logistic3A_20 = arith.divf %logistic3A_18, %logistic3A_19 : vector<10000x1xf32>
    %swap3A = arith.constant 0 : index
    %swap3A_21 = arith.constant 0 : index
    %swap3A_22 = vector.load %arg4[%swap3A, %swap3A_21] : memref<10000x1xf32, #tpu.memory_space<vmem>>, vector<10000x1xf32>
    tpu.vector_store %arg4[%swap3A, %swap3A_21], %logistic3A_20 {strides = array<i32>} : memref<10000x1xf32, #tpu.memory_space<vmem>>, vector<10000x1xf32>,
    return
  }
}

</mosaic_0001>

<sc_bundles>
// kernel: kernel.12.cloned.1.call-start
scs
__scs_entry_jumppad:
0x0: {  	(pc) =	sbr.rel $0x88, $3  }
0x1: {  	(tag) =	ssettag $0x0;
	lr =	simm.s32 $0x1  }
0x2: {  	[smem:$0x3F92] =	sst lr;
	_ =	strace $0xD0000000  }
0x3: {  	_ = 	snop  }
0x4: {  	_ = 	snop  }
0x5: {  	_ = 	snop  }
0x6: {  	_ = 	snop  }
0x7: {  	_ = 	snop  }
__scs_overlays_trampoline_lowered:
0x8: {  	[smem:$0x3FA1] =	sst s0  }
0x9: {  	[smem:$0x3FA2] =	sst s1  }
0xa: {  	[smem:$0x3FA3] =	sst s2  }
0xb: {  	[smem:$0x3FA4] =	sst s3  }
0xc: {  	[smem:$0x3FA5] =	sst s4  }
0xd: {  	[smem:$0x3FA6] =	sst s5  }
0xe: {  	[smem:$0x3FA7] =	sst s6  }
0xf: {  	[smem:$0x3FA8] =	sst s7  }
0x10: {  	[smem:$0x3FA9] =	sst s8  }
0x11: {  	[smem:$0x3FAA] =	sst s9;
	s0 =	simm.s32 @!p0 $0x0  }
0x12: {  	s1 =	sld [smem:$0x3F90];
	s0 =	simm.s32 @p0 $0x1  }
0x13: {  	[smem:$0x3FAB] =	sst s0;
	s0 =	simm.s32 @!p1 $0x0  }
0x14: {  	s2 =	sld [smem:$0x3F8F];
	s0 =	simm.s32 @p1 $0x1  }
0x15: {  	[smem:$0x3FAC] =	sst s0;
	s0 =	simm.s32 @!p2 $0x0  }
0x16: {  	s3 =	sld [smem:$0x3FDB];
	s0 =	simm.s32 @p2 $0x1  }
0x17: {  	s4 =	simm.s32 $0x1BF5;
	[smem:$0x3FAE] =	sst s0  }
0x18: {  	s0 =	sld [smem:$0x3F91];
	_ =	swait.ge [sflag:s4], $0x0  }
0x19: {  	s7 =	sld [smem:$0x3F92]  }
0x1a: {  	s8 =	sadd.s32 $0xFFFFE003, lr  }
0x1b: {  	s9 =	sadd.s32 $0xFFFFFEF7, lr;
	s5 =	simm.s32 $0xFFFFFFFF;
	p2 =	slt.u32 s8, $0xFFFFF086  }
0x1c: {  	p1 =	slt.u32 s9, $0xF7A;
	s5 =	simm.s32 @!p2 $0x0  }
0x1d: {  	s5 =	simm.s32 @p1 $0x1;
	p0 =	seq.s32 s7, s2  }
0x1e: {  	s7 =	smul.u32 @!p0 $0xF7A, s2;
	p2 =	seq.s32 @!p0 s5, $0x0  }
0x1f: {  	s9 =	smul.u32 $0xF7A, s1;
	s8 =	simm.s32 @!p0 $0x1BF5;
	p2 =	por !p2, p0  }
0x20: {  	[sflag:s8] =	ssyncset.s32 @!p0 $0xFFFFF086;
	s6 =	sadd.s32 @!p0 s3, s7;
	s7 =	simm.s32 @!p0 $0x108  }
0x21: {  	s3 =	sadd.s32 s3, s9;
	s6 =	sadd.s32 @!p0 $0x88, s6;
	s7 =	simm.s32 @p2 $0x1082  }
0x22: {  	[simem:s7], [sflag:s8] =	dma.local @!p0 [hbm:s6], $0xF7A  }
0x23: {  	s9 =	sor.u32 $0xD0000000, s2;
	s6 =	simm.s32 $0x108;
	_ =	swait.ge @!p0 [sflag:s8], $0x0  }
0x24: {  	s3 =	sadd.s32 $0x88, s3;
	s6 =	simm.s32 @!p1 $0x1082;
	[sflag:s4] =	ssyncset.s32 $0xFFFFF086  }
0x25: {  	[simem:s6], [sflag:s4] =	dma.local [hbm:s3], $0xF7A  }
0x26: {  	[smem:$0x3F92] =	sst s1;
	(tag) =	ssettag s2;
	_ =	strace s9  }
0x27: {  	s1 =	sld [smem:$0x3FA2]  }
0x28: {  	s2 =	sld [smem:$0x3FA3]  }
0x29: {  	s4 =	sld [smem:$0x3FA5]  }
0x2a: {  	p0 =	seq.s32 s5, $0x0;
	s5 =	sld [smem:$0x3FA6]  }
0x2b: {  	s6 =	sld [smem:$0x3FA7]  }
0x2c: {  	s7 =	sld [smem:$0x3FA8]  }
0x2d: {  	s3 =	simm.s32 $0x108;
	s8 =	sld [smem:$0x3FA9]  }
0x2e: {  	s3 =	simm.s32 @!p0 $0x1082;
	s9 =	sld [smem:$0x3FAA]  }
0x2f: {  	lr =	sadd.s32 s0, s3;
	s0 =	sld [smem:$0x3FA1]  }
0x30: {  	s3 =	sld [smem:$0x3FA4]  }
0x31: {  	[smem:$0x3FAD] =	sst s10  }
0x32: {  	s10 =	sld [smem:$0x3FAB];
	_ =	sdelay $0x3  }
0x33: {  	p0 =	seq.s32 s10, $0x1;
	s10 =	sld [smem:$0x3FAD];
	_ =	sdelay $0x3  }
0x34: {  	[smem:$0x3FAD] =	sst s10  }
0x35: {  	s10 =	sld [smem:$0x3FAC];
	_ =	sdelay $0x3  }
0x36: {  	p1 =	seq.s32 s10, $0x1;
	s10 =	sld [smem:$0x3FAD];
	_ =	sdelay $0x3  }
0x37: {  	[smem:$0x3FAD] =	sst s10  }
0x38: {  	s10 =	sld [smem:$0x3FAE]  }
0x39: {  	_ = 	snop;
	(pc) =	sbr.ind lr, $3  }
0x3a: {  	_ = 	snop  }
0x3b: {  	_ = 	snop  }
0x3c: {  	p2 =	seq.s32 s10, $0x1;
	s10 =	sld [smem:$0x3FAD]  }
0x3d: {  	_ =	shalt  }
0x3e: {  	_ =	shalt  }
0x3f: {  	_ =	shalt  }
0x40: {  	_ =	shalt  }
0x41: {  	_ =	shalt  }
0x42: {  	_ =	shalt  }
0x43: {  	_ =	shalt  }
0x44: {  	_ =	shalt  }
0x45: {  	_ =	shalt  }
0x46: {  	_ =	shalt  }
0x47: {  	_ =	shalt  }
0x48: {  	_ =	shalt  }
0x49: {  	_ =	shalt  }
0x4a: {  	_ =	shalt  }
0x4b: {  	_ =	shalt  }
0x4c: {  	_ =	shalt  }
0x4d: {  	_ =	shalt  }
0x4e: {  	_ =	shalt  }
0x4f: {  	_ =	shalt  }
0x50: {  	_ =	shalt  }
0x51: {  	_ =	shalt  }
0x52: {  	_ =	shalt  }
0x53: {  	_ =	shalt  }
0x54: {  	_ =	shalt  }
0x55: {  	_ =	shalt  }
0x56: {  	_ =	shalt  }
0x57: {  	_ =	shalt  }
0x58: {  	_ =	shalt  }
0x59: {  	_ =	shalt  }
0x5a: {  	_ =	shalt  }
0x5b: {  	_ =	shalt  }
0x5c: {  	_ =	shalt  }
0x5d: {  	_ =	shalt  }
0x5e: {  	_ =	shalt  }
0x5f: {  	_ =	shalt  }
0x60: {  	_ =	shalt  }
0x61: {  	_ =	shalt  }
0x62: {  	_ =	shalt  }
0x63: {  	_ =	shalt  }
0x64: {  	_ =	shalt  }
0x65: {  	_ =	shalt  }
0x66: {  	_ =	shalt  }
0x67: {  	_ =	shalt  }
0x68: {  	_ =	shalt  }
0x69: {  	_ =	shalt  }
0x6a: {  	_ =	shalt  }
0x6b: {  	_ =	shalt  }
0x6c: {  	_ =	shalt  }
0x6d: {  	_ =	shalt  }
0x6e: {  	_ =	shalt  }
0x6f: {  	_ =	shalt  }
0x70: {  	_ =	shalt  }
0x71: {  	_ =	shalt  }
0x72: {  	_ =	shalt  }
0x73: {  	_ =	shalt  }
0x74: {  	_ =	shalt  }
0x75: {  	_ =	shalt  }
0x76: {  	_ =	shalt  }
0x77: {  	_ =	shalt  }
0x78: {  	_ =	shalt  }
0x79: {  	_ =	shalt  }
0x7a: {  	_ =	shalt  }
0x7b: {  	_ =	shalt  }
0x7c: {  	_ =	shalt  }
0x7d: {  	_ =	shalt  }
0x7e: {  	_ =	shalt  }
0x7f: {  	_ =	shalt  }
0x80: {  	_ =	shalt  }
0x81: {  	_ =	shalt  }
0x82: {  	_ =	shalt  }
0x83: {  	_ =	shalt  }
0x84: {  	_ =	shalt  }
0x85: {  	_ =	shalt  }
0x86: {  	_ =	shalt  }
0x87: {  	_ =	shalt  }
.Lfunc_end0:
.L_simem_size_0:
called_computation.1_lowered:
.L_overlay_start_0:
0x88: {  	s2 =	sld [smem:$0x3FD9]  }
0x89: {  	s3 =	sld [smem:$0x3FFE];
	_ =	sdelay $0x1  }
0x8a: {  	s1 =	srdreg.scid  }
0x8b: {  	s0 =	sand.u32 $0x1, s1  }
0x8c: {  	s17 =	sshll.u32 s0, $0xA;
	s2 =	sadd.s32 s3, s2  }
0x8d: {  	s2 =	sadd.s32 s2, s17  }
0x8e: {  	[smem:$0x3FB9] =	sst s2  }
0x8f: {  	_ = 	snop  }
0x90: {  	s2 =	sld [smem:$0x3FC9]  }
0x91: {  	s18 =	sld [smem:$0x3FD0];
	(tm) =	ssettm $0x1  }
0x92: {  	s4 =	sld [smem:$0x3FFB];
	_ =	sdelay $0x3  }
0x93: {  	_ =	strace s4  }
0x94: {  	s4 =	sld [smem:$0x3FFC];
	_ =	sdelay $0x3  }
0x95: {  	_ =	strace s4  }
0x96: {  	s4 =	sld [smem:$0x3FFD];
	_ =	sdelay $0x3  }
0x97: {  	_ =	strace s4  }
0x98: {  	_ =	strace $0x8FFFFFFF  }
0x99: {  	s19 =	sld [smem:$0x3FDB];
	_ =	sdelay $0x1  }
0x9a: {  	s5 =	simm.s32 $_scs_section_size  }
0x9b: {  	s6 =	simm.s32 $_size__tile_overlayer_lowered;
	s7 =	simm.s32 $_tile_overlayer_lowered  }
0x9c: {  	s22 =	simm.s32 $0x1BFF;
	s21 =	sshll.u32 s7, $0x1;
	s4 =	sadd.s32 s5, s19  }
0x9d: {  	s8 =	simm.s32 $0x0;
	s20 =	sshll.u32 s6, $0x1;
	s6 =	sadd.s32 s21, s4  }
0x9e: {  	[timem:s8], [sflag:s22] =	dma.local [hbm:s6], s20  }
0x9f: {  	_ =	swait.ge [sflag:s22], s20  }
0xa0: {  	s5 =	ssub.s32 $0x0, s20;
	[sflag:s22] =	ssyncset.done $0x0  }
0xa1: {  	[sflag:s22] =	ssyncadd.s32 s5;
	_ =	sdelay $0x1  }
0xa2: {  	s23 =	simm.s32 $0x1B8B  }
0xa3: {  	_ =	swait.ge [sflag:s23], $0x1  }
0xa4: {  	[sflag:s23] =	ssyncset.done $0x0  }
0xa5: {  	s25 =	simm.s32 $0x1B8E;
	s24 =	sld [smem:$0x3FFE];
	[sflag:s23] =	ssyncadd.s32 $0xFFFFFFFF  }
0xa6: {  	s26 =	simm.s32 $execute0_lowered;
	[smem:$0x3FD2] =	sst s25  }
0xa7: {  	s6 =	sshll.u32 s26, $0x1;
	_ =	strace $0x80000049;
	[dreg:$0x1] =	wrdreg $0xFFFFFFFF  }
0xa8: {  	s28 =	simm.s32 $_size_execute0_lowered;
	s4 =	sadd.s32 s4, s6;
	[dreg:$0x0] =	wrdreg $0x0  }
0xa9: {  	s6 =	sshll.u32 s28, $0x1;
	[dreg:$0x2] =	wrdreg s4  }
0xaa: {  	[dreg:$0x3] =	wrdreg s6  }
0xab: {  	[dreg:$0x4] =	wrdreg $0xC0  }
0xac: {  	_ =	task [dreg:s8], $0x5FFFF  }
0xad: {  	[dreg:$0x1] =	wrdreg $0xFFFFFFFF  }
0xae: {  	[dreg:$0x0] =	wrdreg $0x60  }
0xaf: {  	[dreg:$0x2] =	wrdreg s2  }
0xb0: {  	[dreg:$0x3] =	wrdreg s24  }
0xb1: {  	[dreg:$0x4] =	wrdreg s18  }
0xb2: {  	[dreg:$0x5] =	wrdreg $0x14E000  }
0xb3: {  	[dreg:$0x6] =	wrdreg $0x1F4000  }
0xb4: {  	[dreg:$0x7] =	wrdreg $0x9  }
0xb5: {  	_ =	task.clear_ibuf [dreg:s8], $0x8FFFF;
	_ =	strace $0x90000049  }
0xb6: {  	s29 =	simm.s32 $0x9;
	_ =	strace $0x8000004B  }
0xb7: {  	_ =	swait.ge [sflag:s29], $0x1  }
0xb8: {  	[sflag:s29] =	ssyncadd.s32 $0xFFFFFFFF  }
0xb9: {  	_ =	strace $0x9000004B  }
0xba: {  	_ =	sfence  }
0xbb: {  	s30 =	sld [smem:$0x0];
	_ =	sdelay $0x2  }
0xbc: {  	s31 =	sshll.u32 s1, $0xD;
	s1 =	sshrl.u32 s1, $0x2  }
0xbd: {  	s3 =	sand.u32 $0x4000, s31;
	s1 =	sadd.s32 s1, s30  }
0xbe: {  	s0 =	sor.u32 s3, s0;
	s1 =	sshll.u32 s1, $0x11  }
0xbf: {  	s0 =	sor.u32 s1, s0  }
0xc0: {  	s0 =	sadd.s32 $0x8F2B, s0  }
0xc1: {  	[sflag:s0] =	ssyncadd.remote.s32 $0x1  }
0xc2: {  	_ =	sfence.sel $0xFFFF  }
0xc3: {  	[dreg:$0x0] =	wrdreg $0xFFFFFFFF;
	(pc) =	sbr.abs _section_cstart, $3  }
0xc4: {  	[dreg:$0x1] =	wrdreg $0xFFFFFFFF  }
0xc5: {  	_ =	task.clear_ibuf [dreg:s8], $0x2FFFF;
	_ =	strace $0x9FFFFFFF  }
0xc6: {  	(tm) =	ssettm $0x7FFFFFFF  }
0xc7: {  	_ =	shalt  }
tec
execute0_lowered:
.L_overlay_start_1:
0x0: {  	(tag) =	ssettag $0x1  }
0x1: {  	s0 =	rddreg [dreg:$0x0]  }
0x2: {  	s1 =	rddreg [dreg:$0x1]  }
0x3: {  	s2 =	rddreg [dreg:$0x2]  }
0x4: {  	s3 =	rddreg [dreg:$0x3];
	s5 =	srdreg.scid  }
0x5: {  	s18 =	stileid.u32;
	s4 =	rddreg [dreg:$0x4];
	s28 =	simm.s32 $0x14D80  }
0x6: {  	s29 =	simm.s32 $0x1;
	s30 =	simm.s32 $0x2880;
	s31 =	simm.s32 $0x80  }
0x7: {  	s11 =	sand.u32 $0x1, s5;
	s10 =	smul.u32 $0x148, s18;
	s5 =	simm.s32 $0x0  }
0x8: {  	s12 =	sadd.s32 $0x16800, s1;
	s14 =	smul.u32 $0x29000, s18;
	s15 =	sshll.u32 s18, $0x1  }
0x9: {  	s6 =	smul.u32 $0x1480, s11;
	[smem:$0x7FF] =	sst s5;
	s9 =	ssub.s32 $0x2, s11  }
0xa: {  	s16 =	sshll.u32 s11, $0x5;
	_ =	strace $0x8000004A;
	s20 =	sshrl.u32 s9, $0x1  }
0xb: {  	s21 =	sor.u32 s15, s16;
	s22 =	sshrl.u32 s14, $0x2;
	s7 =	sadd.s32 s10, s6  }
0xc: {  	s6 =	sadd.s32 $0x2AA00, s1;
	s17 =	ssub.s32 s9, s20;
	s23 =	sor.u32 $0x1, s21  }
0xd: {  	s15 =	sshll.u32 s21, $0x1;
	s10 =	sadd.s32 s10, s4;
	s20 =	smul.u32 $0x50200, s11  }
0xe: {  	s8 =	sshll.u32 s7, $0x4;
	s7 =	sshrl.u32 s7, $0x3;
	s9 =	smul.u32 $0x2810, s23  }
0xf: {  	s15 =	sadd.s32 s2, s15;
	s14 =	sshll.u32 s23, $0x1;
	s23 =	smax.u32 s17, $0x1  }
0x10: {  	s13 =	sadd.s32 s8, s1;
	s1 =	sadd.s32 s7, s1;
	s7 =	smul.u32 $0x2810, s21  }
0x11: {  	s8 =	sadd.s32 s22, s3;
	[dreg:$0x6] =	wrdreg s15;
	s2 =	sadd.s32 s2, s14  }
0x12: {  	s22 =	smul.u32 $0x5020, s18;
	[dreg:$0xc] =	wrdreg s23;
	s18 =	simm.s32 $0x2  }
0x13: {  	s23 =	simm.s32 $0x5;
	[dreg:$0x8] =	wrdreg s2;
	s21 =	sadd.s32 $0x3EC00, s13  }
0x14: {  	s26 =	sshrl.u32 s9, $0x3;
	s1 =	sadd.s32 $0x67C00, s1;
	[dreg:$0xa] =	wrdreg s21  }
0x15: {  	s24 =	sshrl.u32 s7, $0x3;
	s19 =	sadd.s32 s12, s26;
	[dreg:$0xb] =	wrdreg s1  }
0x16: {  	s1 =	sadd.s32 s22, s20;
	s20 =	simm.s32 $0x2900;
	s21 =	simm.s32 $0x6980  }
0x17: {  	s22 =	simm.s32 $0x4;
	s25 =	sadd.s32 s12, s24;
	[dreg:$0x9] =	wrdreg s19  }
0x18: {  	s24 =	sadd.s32 s6, s24;
	s2 =	sadd.s32 $0x180, s1;
	[dreg:$0x7] =	wrdreg s25  }
0x19: {  	s1 =	sadd.s32 $0x2990, s1;
	s19 =	simm.s32 $0x3;
	[dreg:$0xd] =	wrdreg s24  }
.Ltmp0:
0x1a: {  	s25 =	sadd.s32 s6, s26;
	[dreg:$0x11] =	wrdreg s2;
	(pc) =	sbr.rel .LBB2_1-.Ltmp0, $4  }
0x1b: {  	s11 =	sadd.s32 $0x10, s24;
	[dreg:$0x12] =	wrdreg s1;
	s24 =	simm.s32 $0xA980  }
0x1c: {  	s2 =	simm.s32 $0x2980;
	s1 =	simm.s32 $0x1F200;
	[dreg:$0xf] =	wrdreg s11  }
0x1d: {  	[dreg:$0xe] =	wrdreg s25;
	s26 =	sadd.s32 $0x10, s25;
	s25 =	simm.s32 $0x6  }
0x1e: {  	v0 =	vimm.f32 $0.0e+00;
	v1 =	vimm.f32 $1.000000000e+00;
	s11 =	simm.s32 $0x0;
	[dreg:$0x10] =	wrdreg s26;
	s26 =	simm.s32 $0x1F280  }
.LBB2_13:
0x1f: {  	[spmem:s4] =	stream.indirect.scatter.add.f32 [tilespmem:s1], [sflag:$0x5], $0x1, s20, s31, $0xb8;
	[tilespmem:$0x1F548] =	vst v63  }
.LBB2_14:
0x20: {  	_ =	swait.ge [sflag:s18], $0x4000  }
0x21: {  	[sflag:s18] =	ssyncset.done $0x0  }
0x22: {  	[sflag:s18] =	ssyncadd.s32 $0xFFFFC000  }
0x23: {  	_ =	swait.ge [sflag:s19], $0x4000  }
0x24: {  	[sflag:s19] =	ssyncset.done $0x0  }
0x25: {  	[sflag:s19] =	ssyncadd.s32 $0xFFFFC000  }
0x26: {  	_ =	swait.ge [sflag:s22], $0x80  }
0x27: {  	[sflag:s22] =	ssyncset.done $0x0  }
0x28: {  	[sflag:s22] =	ssyncadd.s32 $0xFFFFFF80  }
0x29: {  	_ =	swait.ge [sflag:s23], $0x80  }
0x2a: {  	[sflag:s23] =	ssyncset.done $0x0  }
0x2b: {  	[sflag:s23] =	ssyncadd.s32 $0xFFFFFF80  }
.LBB2_15:
0x2c: {  	s14 =	sshll.u32 s13, $0x1  }
0x2d: {  	p0 =	sle.s32 s12, s14  }
0x2e: {  	s12 =	sshll.u32 @!p0 s13, $0x8  }
0x2f: {  	s13 =	sadd.s32 @!p0 s9, s12  }
0x30: {  	s13 =	sshrl.u32 @!p0 s13, $0x3  }
0x31: {  	s14 =	simm.s32 @!p0 $0x0;
	s15 =	simm.s32 @!p0 $0x2880;
	s13 =	sadd.s32 @!p0 s6, s13  }
0x32: {  	[tilespmem:s15], [sflag:$0x6] =	stream.linear.gather @!p0 [hbm4b:s13+s14], $0x80, $0x38;
	[tilespmem:$0x1F548] =	vst v63  }
0x33: {  	s13 =	simm.s32 @!p0 $0x6  }
0x34: {  	_ =	swait.ge @!p0 [sflag:s13], $0x80  }
0x35: {  	[sflag:s13] =	ssyncset.done @!p0 $0x0  }
0x36: {  	s16 =	simm.s32 @!p0 $0x2980;
	s14 =	simm.s32 @!p0 $0x80;
	[sflag:s13] =	ssyncadd.s32 @!p0 $0xFFFFFF80  }
0x37: {  	[tilespmem:s16], [sflag:$0x1] =	stream.indirect.gather @!p0 [hbm4b:s0+s14], $0x80, s12, s14, $0xb8;
	[tilespmem:$0x1F548] =	vst v63  }
0x38: {  	s12 =	simm.s32 @!p0 $0x1  }
0x39: {  	_ =	swait.ge @!p0 [sflag:s12], $0x4000  }
0x3a: {  	[sflag:s12] =	ssyncset.done @!p0 $0x0  }
0x3b: {  	[sflag:s12] =	ssyncadd.s32 @!p0 $0xFFFFC000  }
0x3c: {  	[spmem:s3] =	stream.indirect.scatter.add.f32 @!p0 [tilespmem:s16], [sflag:$0x6], $0x80, s15, s14, $0xb8;
	[tilespmem:$0x1F548] =	vst v63  }
0x3d: {  	_ =	swait.ge @!p0 [sflag:s13], $0x4000  }
0x3e: {  	[sflag:s13] =	ssyncset.done @!p0 $0x0  }
0x3f: {  	s12 =	simm.s32 @!p0 $0x1F200;
	[sflag:s13] =	ssyncadd.s32 @!p0 $0xFFFFC000  }
0x40: {  	[spmem:s4] =	stream.indirect.scatter.add.f32 @!p0 [tilespmem:s12], [sflag:$0x6], $0x1, s15, s14, $0xb8;
	[tilespmem:$0x1F548] =	vst v63  }
0x41: {  	_ =	swait.ge @!p0 [sflag:s13], $0x80  }
0x42: {  	[sflag:s13] =	ssyncset.done @!p0 $0x0  }
0x43: {  	[sflag:s13] =	ssyncadd.s32 @!p0 $0xFFFFFF80  }
0x44: {  	[bflag:$0x0] =	sbarrier.arrive $0xFFFF  }
0x45: {  	[tilespmem:s24], [sflag:$0x6] =	stream.linear.gather [spmem:s8], $0xA400, $0x38;
	[tilespmem:$0x1F548] =	vst v63  }
0x46: {  	_ =	swait.ge [sflag:s25], $0xA400  }
0x47: {  	[sflag:s25] =	ssyncset.done $0x0  }
0x48: {  	s15 =	rddreg [dreg:$0xa];
	[sflag:s25] =	ssyncadd.s32 $0xFFFF5C00  }
0x49: {  	[hbm4b:s15+s5] =	stream.linear.scatter [tilespmem:s24], [sflag:$0x6], $0xA400, $0x38;
	[tilespmem:$0x1F548] =	vst v63  }
0x4a: {  	_ =	swait.ge [sflag:s25], $0xA400  }
0x4b: {  	[sflag:s25] =	ssyncset.done $0x0  }
0x4c: {  	[sflag:s25] =	ssyncadd.s32 $0xFFFF5C00  }
0x4d: {  	[tilespmem:s26], [sflag:$0x6] =	stream.linear.gather [spmem:s10], $0x148, $0x38;
	[tilespmem:$0x1F548] =	vst v63  }
0x4e: {  	_ =	swait.ge [sflag:s25], $0x148  }
0x4f: {  	[sflag:s25] =	ssyncset.done $0x0  }
0x50: {  	s16 =	rddreg [dreg:$0xb];
	[sflag:s25] =	ssyncadd.s32 $0xFFFFFEB8  }
0x51: {  	[hbm4b:s16+s5] =	stream.linear.scatter [tilespmem:s26], [sflag:$0x6], $0x148, $0x38;
	[tilespmem:$0x1F548] =	vst v63  }
0x52: {  	_ =	swait.ge [sflag:s25], $0x148  }
0x53: {  	s11 =	sadd.s32 $0x1, s11;
	s17 =	rddreg [dreg:$0xc]  }
0x54: {  	p0 =	sne.s32 s11, s17  }
.Ltmp1:
0x55: {  	_ = 	snop;
	(pc) =	sbr.rel @!p0 .LBB2_16-.Ltmp1, $3  }
0x56: {  	_ =	sdelay $0x1  }
0x57: {  	[sflag:s25] =	ssyncset.done $0x0  }
0x58: {  	[sflag:s25] =	ssyncadd.s32 $0xFFFFFEB8  }
.LBB2_1:
0x59: {  	s12 =	simm.s32 $0x0;
	s13 =	simm.s32 $0x200  }
.LBB2_2:
0x5a: {  	p0 =	sne.s32 s13, $0x28E00;
	[tilespmem:s12+$0xA9F0] =	vst v0  }
0x5b: {  	[tilespmem:s12+$0xA980] =	vst v0  }
0x5c: {  	[tilespmem:s12+$0xA990] =	vst v0  }
.Ltmp2:
0x5d: {  	[tilespmem:s12+$0xA9A0] =	vst v0;
	(pc) =	sbr.rel @p0 .LBB2_2-.Ltmp2, $4  }
0x5e: {  	[tilespmem:s12+$0xA9B0] =	vst v0  }
0x5f: {  	[tilespmem:s12+$0xA9C0] =	vst v0  }
0x60: {  	[tilespmem:s12+$0xA9D0] =	vst v0  }
0x61: {  	[tilespmem:s12+$0xA9E0] =	vst v0;
	s12 =	sshra.s32 s13, $0x2;
	s13 =	sadd.s32 $0x200, s13  }
0x62: {  	[tilespmem:s12+$0xA9F0] =	vst v0  }
0x63: {  	[tilespmem:s12+$0xA980] =	vst v0  }
0x64: {  	[tilespmem:s12+$0xA990] =	vst v0  }
0x65: {  	[tilespmem:s12+$0xA9A0] =	vst v0  }
0x66: {  	[tilespmem:s12+$0xA9B0] =	vst v0  }
0x67: {  	[tilespmem:s12+$0xA9C0] =	vst v0  }
0x68: {  	[tilespmem:s12+$0xA9D0] =	vst v0  }
0x69: {  	[tilespmem:s12+$0xA9E0] =	vst v0  }
0x6a: {  	[spmem:s8] =	stream.linear.scatter [tilespmem:s24], [sflag:$0x6], $0xA400, $0x38;
	[tilespmem:$0x1F548] =	vst v63  }
0x6b: {  	_ =	swait.ge [sflag:s25], $0xA400  }
0x6c: {  	[sflag:s25] =	ssyncset.done $0x0  }
0x6d: {  	[sflag:s25] =	ssyncadd.s32 $0xFFFF5C00  }
0x6e: {  	[tilespmem:$0x1F280] =	vst v0  }
0x6f: {  	[tilespmem:$0x1F290] =	vst v0  }
0x70: {  	[tilespmem:$0x1F2A0] =	vst v0  }
0x71: {  	[tilespmem:$0x1F2B0] =	vst v0  }
0x72: {  	[tilespmem:$0x1F2C0] =	vst v0  }
0x73: {  	[tilespmem:$0x1F2D0] =	vst v0  }
0x74: {  	[tilespmem:$0x1F2E0] =	vst v0  }
0x75: {  	[tilespmem:$0x1F2F0] =	vst v0  }
0x76: {  	[tilespmem:$0x1F300] =	vst v0  }
0x77: {  	[tilespmem:$0x1F310] =	vst v0  }
0x78: {  	[tilespmem:$0x1F320] =	vst v0  }
0x79: {  	[tilespmem:$0x1F330] =	vst v0  }
0x7a: {  	[tilespmem:$0x1F340] =	vst v0  }
0x7b: {  	[tilespmem:$0x1F350] =	vst v0  }
0x7c: {  	[tilespmem:$0x1F360] =	vst v0  }
0x7d: {  	[tilespmem:$0x1F370] =	vst v0  }
0x7e: {  	[tilespmem:$0x1F380] =	vst v0  }
0x7f: {  	[tilespmem:$0x1F390] =	vst v0  }
0x80: {  	[tilespmem:$0x1F3A0] =	vst v0  }
0x81: {  	[tilespmem:$0x1F3B0] =	vst v0  }
0x82: {  	[tilespmem:$0x1F3C0] =	vst v0  }
0x83: {  	[tilespmem:$0x1F200] =	vst v1  }
0x84: {  	[tilespmem:$0x1F210] =	vst v1  }
0x85: {  	[tilespmem:$0x1F220] =	vst v1  }
0x86: {  	[tilespmem:$0x1F230] =	vst v1  }
0x87: {  	[tilespmem:$0x1F240] =	vst v1  }
0x88: {  	[tilespmem:$0x1F250] =	vst v1  }
0x89: {  	[tilespmem:$0x1F260] =	vst v1  }
0x8a: {  	[tilespmem:$0x1F270] =	vst v1  }
0x8b: {  	[spmem:s10] =	stream.linear.scatter [tilespmem:s26], [sflag:$0x6], $0x148, $0x38;
	[tilespmem:$0x1F548] =	vst v63  }
0x8c: {  	_ =	swait.ge [sflag:s25], $0x148  }
0x8d: {  	[sflag:s25] =	ssyncset.done $0x0  }
0x8e: {  	[sflag:s25] =	ssyncadd.s32 $0xFFFFFEB8  }
0x8f: {  	[bflag:$0x0] =	sbarrier.arrive $0xFFFF  }
0x90: {  	s16 =	rddreg [dreg:$0x6]  }
0x91: {  	[tilespmem:s28], [sflag:$0x6] =	stream.linear.gather [hbm4b:s16+s5], $0x10, $0x38;
	[tilespmem:$0x1F548] =	vst v63  }
0x92: {  	_ =	swait.ge [sflag:s25], $0x10  }
0x93: {  	[sflag:s25] =	ssyncset.done $0x0  }
0x94: {  	[sflag:s25] =	ssyncadd.s32 $0xFFFFFFF0  }
0x95: {  	v2 =	vld [tilespmem:$0x14D80];
	_ =	sdelay $0x4  }
0x96: {  	v2 =	vxor.u32 $0x80000000, v2  }
0x97: {  	(xrf0) =	vmax.scan.msk.u32 $0xffff, v2;
	_ =	sdelay $0x5  }
0x98: {  	v2, _, _ =	vpop (xrf0)  }
0x99: {  	(v2sf) =	vpush v2, $0xF;
	_ =	sdelay $0xc  }
0x9a: {  	s14 =	rddreg [dreg:$0x7]  }
0x9b: {  	[tilespmem:s5], [sflag:$0x6] =	stream.linear.gather [hbm4b:s14+s5], $0x2810, $0x38;
	[tilespmem:$0x1F548] =	vst v63  }
0x9c: {  	s17 =	spop (v2sf)  }
0x9d: {  	s13 =	sxor.u32 $0x80000000, s17  }
0x9e: {  	p1 =	sgt.s32 s17, $0xFFFFFFFF;
	s12 =	sand.u32 $0x7F, s17;
	p0 =	slt.s32 s13, $0x1  }
0x9f: {  	s15 =	sshra.s32 s13, $0x1F;
	p4 =	sne.s32 s12, $0x0;
	p0 =	por p1, p0  }
0xa0: {  	s16 =	sshrl.u32 s15, $0x19;
	p0 =	por !p4, !p0  }
0xa1: {  	s12 =	sadd.s32 s16, s13;
	s13 =	simm.s32 $0x1;
	p0 =	por !p0, !p0  }
0xa2: {  	s12 =	sshra.s32 s12, $0x7;
	s13 =	simm.s32 @!p0 $0x0  }
0xa3: {  	s12 =	ssub.s32 s12, s13  }
0xa4: {  	s13 =	sand.u32 $0x1, s12  }
0xa5: {  	p5 =	slt.s32 s12, $0x1;
	p6 =	seq.s32 s13, $0x1  }
0xa6: {  	s17 =	sshrl.u32 s12, $0x1F;
	p0 =	por !p5, !p6  }
0xa7: {  	s15 =	simm.s32 $0x1;
	s13 =	sadd.s32 s17, s12;
	p0 =	por !p0, !p0  }
0xa8: {  	s14 =	sshra.s32 s13, $0x1;
	s15 =	simm.s32 @!p0 $0x0  }
0xa9: {  	s13 =	ssub.s32 s14, s15  }
0xaa: {  	p1 =	slt.s32 s13, $0x1  }
.Ltmp3:
0xab: {  	_ = 	snop;
	(pc) =	sbr.rel @p1 .LBB2_9-.Ltmp3, $4  }
0xac: {  	_ = 	snop  }
0xad: {  	_ =	swait.ge [sflag:s25], $0x2810  }
0xae: {  	[sflag:s25] =	ssyncset.done $0x0  }
0xaf: {  	[sflag:s25] =	ssyncadd.s32 $0xFFFFD7F0  }
0xb0: {  	s15 =	rddreg [dreg:$0xd]  }
0xb1: {  	[tilespmem:s30], [sflag:$0x6] =	stream.linear.gather [hbm4b:s15+s5], $0x80, $0x38;
	[tilespmem:$0x1F548] =	vst v63  }
0xb2: {  	_ =	swait.ge [sflag:s25], $0x80  }
0xb3: {  	[sflag:s25] =	ssyncset.done $0x0  }
0xb4: {  	[sflag:s25] =	ssyncadd.s32 $0xFFFFFF80  }
0xb5: {  	[tilespmem:s2], [sflag:$0x1] =	stream.indirect.gather [hbm4b:s0+s31], $0x80, s5, s31, $0xb8;
	[tilespmem:$0x1F548] =	vst v63  }
0xb6: {  	_ =	swait.ge [sflag:s29], $0x4000  }
0xb7: {  	[sflag:s29] =	ssyncset.done $0x0  }
0xb8: {  	[sflag:s29] =	ssyncadd.s32 $0xFFFFC000  }
0xb9: {  	[spmem:s3] =	stream.indirect.scatter.add.f32 [tilespmem:s2], [sflag:$0x2], $0x80, s30, s31, $0xb8;
	[tilespmem:$0x1F548] =	vst v63  }
0xba: {  	_ = 	snop  }
0xbb: {  	[spmem:s4] =	stream.indirect.scatter.add.f32 [tilespmem:s1], [sflag:$0x4], $0x1, s30, s31, $0xb8;
	[tilespmem:$0x1F548] =	vst v63  }
0xbc: {  	s17 =	rddreg [dreg:$0xf]  }
0xbd: {  	[tilespmem:s20], [sflag:$0x6] =	stream.linear.gather [hbm4b:s17+s5], $0x80, $0x38;
	[tilespmem:$0x1F548] =	vst v63  }
0xbe: {  	_ =	swait.ge [sflag:s25], $0x80  }
0xbf: {  	[sflag:s25] =	ssyncset.done $0x0  }
0xc0: {  	[sflag:s25] =	ssyncadd.s32 $0xFFFFFF80  }
0xc1: {  	[tilespmem:s21], [sflag:$0x1] =	stream.indirect.gather [hbm4b:s0+s31], $0x80, s31, s31, $0xb8;
	[tilespmem:$0x1F548] =	vst v63  }
0xc2: {  	p1 =	seq.s32 s13, $0x1;
	_ =	swait.ge [sflag:s29], $0x4000  }
.Ltmp4:
0xc3: {  	[sflag:s29] =	ssyncset.done $0x0;
	(pc) =	sbr.rel @p1 .LBB2_8-.Ltmp4, $4  }
0xc4: {  	[sflag:s29] =	ssyncadd.s32 $0xFFFFC000  }
0xc5: {  	[spmem:s3] =	stream.indirect.scatter.add.f32 [tilespmem:s21], [sflag:$0x3], $0x80, s20, s31, $0xb8;
	[tilespmem:$0x1F548] =	vst v63  }
0xc6: {  	_ = 	snop  }
0xc7: {  	[spmem:s4] =	stream.indirect.scatter.add.f32 [tilespmem:s1], [sflag:$0x5], $0x1, s20, s31, $0xb8;
	[tilespmem:$0x1F548] =	vst v63  }
0xc8: {  	_ =	swait.ge [sflag:s18], $0x4000  }
0xc9: {  	[sflag:s18] =	ssyncset.done $0x0  }
0xca: {  	[sflag:s18] =	ssyncadd.s32 $0xFFFFC000  }
0xcb: {  	_ =	swait.ge [sflag:s22], $0x80  }
0xcc: {  	s17 =	rddreg [dreg:$0x11]  }
0xcd: {  	s15 =	sadd.s32 $0xFFFFFF80, s17  }
0xce: {  	[sflag:s22] =	ssyncset.done $0x0;
	s15 =	sshrl.u32 s15, $0x3  }
0xcf: {  	[sflag:s22] =	ssyncadd.s32 $0xFFFFFF80;
	s15 =	sadd.s32 s6, s15  }
0xd0: {  	[tilespmem:s30], [sflag:$0x6] =	stream.linear.gather [hbm4b:s15+s5], $0x80, $0x38;
	[tilespmem:$0x1F548] =	vst v63  }
0xd1: {  	_ =	swait.ge [sflag:s25], $0x80  }
0xd2: {  	[sflag:s25] =	ssyncset.done $0x0  }
0xd3: {  	s16 =	simm.s32 $0x100;
	[sflag:s25] =	ssyncadd.s32 $0xFFFFFF80  }
0xd4: {  	[tilespmem:s2], [sflag:$0x1] =	stream.indirect.gather [hbm4b:s0+s31], $0x80, s16, s31, $0xb8;
	[tilespmem:$0x1F548] =	vst v63  }
0xd5: {  	_ =	swait.ge [sflag:s29], $0x4000  }
0xd6: {  	[sflag:s29] =	ssyncset.done $0x0  }
0xd7: {  	[sflag:s29] =	ssyncadd.s32 $0xFFFFC000  }
0xd8: {  	[spmem:s3] =	stream.indirect.scatter.add.f32 [tilespmem:s2], [sflag:$0x2], $0x80, s30, s31, $0xb8;
	[tilespmem:$0x1F548] =	vst v63  }
0xd9: {  	_ = 	snop  }
0xda: {  	[spmem:s4] =	stream.indirect.scatter.add.f32 [tilespmem:s1], [sflag:$0x4], $0x1, s30, s31, $0xb8;
	[tilespmem:$0x1F548] =	vst v63  }
0xdb: {  	_ =	swait.ge [sflag:s19], $0x4000  }
0xdc: {  	[sflag:s19] =	ssyncset.done $0x0  }
0xdd: {  	[sflag:s19] =	ssyncadd.s32 $0xFFFFC000  }
0xde: {  	_ =	swait.ge [sflag:s23], $0x80  }
0xdf: {  	s16 =	sshrl.u32 s17, $0x3;
	[sflag:s23] =	ssyncset.done $0x0  }
0xe0: {  	s15 =	sadd.s32 s6, s16;
	[sflag:s23] =	ssyncadd.s32 $0xFFFFFF80  }
0xe1: {  	[tilespmem:s20], [sflag:$0x6] =	stream.linear.gather [hbm4b:s15+s5], $0x80, $0x38;
	[tilespmem:$0x1F548] =	vst v63  }
0xe2: {  	s15 =	simm.s32 $0xFFFFFFFF  }
0xe3: {  	_ =	swait.ge [sflag:s25], $0x80;
	s15 =	simm.s32 @!p0 $0x0  }
0xe4: {  	[sflag:s25] =	ssyncset.done $0x0;
	s14 =	sadd.s32 s15, s14  }
0xe5: {  	s16 =	simm.s32 $0x180;
	[sflag:s25] =	ssyncadd.s32 $0xFFFFFF80;
	s14 =	ssub.s32 $0x1, s14  }
0xe6: {  	[tilespmem:s21], [sflag:$0x1] =	stream.indirect.gather [hbm4b:s0+s31], $0x80, s16, s31, $0xb8;
	[tilespmem:$0x1F548] =	vst v63  }
0xe7: {  	s14 =	sadd.s32 $0x1, s14  }
0xe8: {  	p0 =	seq.s32 s14, $0x0  }
.Ltmp5:
0xe9: {  	_ = 	snop;
	(pc) =	sbr.rel @p0 .LBB2_7-.Ltmp5, $4  }
0xea: {  	_ =	swait.ge [sflag:s29], $0x4000  }
0xeb: {  	[sflag:s29] =	ssyncset.done $0x0  }
0xec: {  	s15 =	simm.s32 $0x280;
	s16 =	sadd.s32 $0x100, s17;
	[sflag:s29] =	ssyncadd.s32 $0xFFFFC000  }
0xed: {  	[spmem:s3] =	stream.indirect.scatter.add.f32 [tilespmem:s21], [sflag:$0x3], $0x80, s20, s31, $0xb8;
	[tilespmem:$0x1F548] =	vst v63  }
.LBB2_6:
0xee: {  	[spmem:s4] =	stream.indirect.scatter.add.f32 [tilespmem:s1], [sflag:$0x5], $0x1, s20, s31, $0xb8;
	[tilespmem:$0x1F548] =	vst v63  }
0xef: {  	s14 =	sadd.s32 $0x1, s14;
	_ =	swait.ge [sflag:s18], $0x4000  }
0xf0: {  	p0 =	seq.s32 s14, $0x0;
	[sflag:s18] =	ssyncset.done $0x0  }
0xf1: {  	[sflag:s18] =	ssyncadd.s32 $0xFFFFC000  }
0xf2: {  	s17 =	sadd.s32 $0xFFFFFF80, s16;
	_ =	swait.ge [sflag:s22], $0x80  }
0xf3: {  	s17 =	sshrl.u32 s17, $0x3;
	[sflag:s22] =	ssyncset.done $0x0  }
0xf4: {  	s17 =	sadd.s32 s6, s17;
	[sflag:s22] =	ssyncadd.s32 $0xFFFFFF80  }
0xf5: {  	[tilespmem:s30], [sflag:$0x6] =	stream.linear.gather [hbm4b:s17+s5], $0x80, $0x38;
	[tilespmem:$0x1F548] =	vst v63  }
0xf6: {  	_ =	swait.ge [sflag:s25], $0x80  }
0xf7: {  	[sflag:s25] =	ssyncset.done $0x0  }
0xf8: {  	s17 =	sadd.s32 $0xFFFFFF80, s15;
	[sflag:s25] =	ssyncadd.s32 $0xFFFFFF80  }
0xf9: {  	[tilespmem:s2], [sflag:$0x1] =	stream.indirect.gather [hbm4b:s0+s31], $0x80, s17, s31, $0xb8;
	[tilespmem:$0x1F548] =	vst v63  }
0xfa: {  	_ =	swait.ge [sflag:s29], $0x4000  }
0xfb: {  	[sflag:s29] =	ssyncset.done $0x0  }
0xfc: {  	[sflag:s29] =	ssyncadd.s32 $0xFFFFC000  }
0xfd: {  	[spmem:s3] =	stream.indirect.scatter.add.f32 [tilespmem:s2], [sflag:$0x2], $0x80, s30, s31, $0xb8;
	[tilespmem:$0x1F548] =	vst v63  }
0xfe: {  	_ = 	snop  }
0xff: {  	[spmem:s4] =	stream.indirect.scatter.add.f32 [tilespmem:s1], [sflag:$0x4], $0x1, s30, s31, $0xb8;
	[tilespmem:$0x1F548] =	vst v63  }
0x100: {  	_ =	swait.ge [sflag:s19], $0x4000  }
0x101: {  	[sflag:s19] =	ssyncset.done $0x0  }
0x102: {  	[sflag:s19] =	ssyncadd.s32 $0xFFFFC000  }
0x103: {  	_ =	swait.ge [sflag:s23], $0x80  }
0x104: {  	s17 =	sshrl.u32 s16, $0x3;
	[sflag:s23] =	ssyncset.done $0x0  }
0x105: {  	s17 =	sadd.s32 s6, s17;
	[sflag:s23] =	ssyncadd.s32 $0xFFFFFF80  }
0x106: {  	[tilespmem:s20], [sflag:$0x6] =	stream.linear.gather [hbm4b:s17+s5], $0x80, $0x38;
	[tilespmem:$0x1F548] =	vst v63  }
0x107: {  	_ =	swait.ge [sflag:s25], $0x80  }
0x108: {  	[sflag:s25] =	ssyncset.done $0x0  }
0x109: {  	[sflag:s25] =	ssyncadd.s32 $0xFFFFFF80  }
0x10a: {  	[tilespmem:s21], [sflag:$0x1] =	stream.indirect.gather [hbm4b:s0+s31], $0x80, s15, s31, $0xb8;
	[tilespmem:$0x1F548] =	vst v63  }
.Ltmp6:
0x10b: {  	_ =	swait.ge [sflag:s29], $0x4000;
	(pc) =	sbr.rel @!p0 .LBB2_6-.Ltmp6, $4  }
0x10c: {  	[sflag:s29] =	ssyncset.done $0x0  }
0x10d: {  	[sflag:s29] =	ssyncadd.s32 $0xFFFFC000  }
0x10e: {  	[spmem:s3] =	stream.indirect.scatter.add.f32 [tilespmem:s21], [sflag:$0x3], $0x80, s20, s31, $0xb8;
	[tilespmem:$0x1F548] =	vst v63  }
0x10f: {  	s16 =	sadd.s32 $0x100, s16;
	s15 =	sadd.s32 $0x100, s15  }
.LBB2_7:
0x110: {  	[spmem:s4] =	stream.indirect.scatter.add.f32 [tilespmem:s1], [sflag:$0x5], $0x1, s20, s31, $0xb8;
	[tilespmem:$0x1F548] =	vst v63  }
.LBB2_8:
0x111: {  	_ =	swait.ge [sflag:s18], $0x4000  }
0x112: {  	[sflag:s18] =	ssyncset.done $0x0  }
0x113: {  	[sflag:s18] =	ssyncadd.s32 $0xFFFFC000  }
0x114: {  	_ =	swait.ge [sflag:s19], $0x4000  }
0x115: {  	[sflag:s19] =	ssyncset.done $0x0  }
0x116: {  	[sflag:s19] =	ssyncadd.s32 $0xFFFFC000  }
0x117: {  	_ =	swait.ge [sflag:s22], $0x80  }
0x118: {  	[sflag:s22] =	ssyncset.done $0x0  }
0x119: {  	[sflag:s22] =	ssyncadd.s32 $0xFFFFFF80  }
0x11a: {  	_ =	swait.ge [sflag:s23], $0x80  }
0x11b: {  	[sflag:s23] =	ssyncset.done $0x0  }
0x11c: {  	[sflag:s23] =	ssyncadd.s32 $0xFFFFFF80  }
.LBB2_9:
0x11d: {  	s14 =	sshll.u32 s13, $0x1  }
0x11e: {  	p0 =	sle.s32 s12, s14  }
0x11f: {  	s12 =	sshll.u32 @!p0 s13, $0x8  }
0x120: {  	s13 =	sadd.s32 @!p0 s7, s12  }
0x121: {  	s13 =	sshrl.u32 @!p0 s13, $0x3  }
0x122: {  	s14 =	simm.s32 @!p0 $0x0;
	s15 =	simm.s32 @!p0 $0x2880;
	s13 =	sadd.s32 @!p0 s6, s13  }
0x123: {  	[tilespmem:s15], [sflag:$0x6] =	stream.linear.gather @!p0 [hbm4b:s13+s14], $0x80, $0x38;
	[tilespmem:$0x1F548] =	vst v63  }
0x124: {  	s13 =	simm.s32 @!p0 $0x6  }
0x125: {  	_ =	swait.ge @!p0 [sflag:s13], $0x80  }
0x126: {  	[sflag:s13] =	ssyncset.done @!p0 $0x0  }
0x127: {  	s16 =	simm.s32 @!p0 $0x2980;
	s14 =	simm.s32 @!p0 $0x80;
	[sflag:s13] =	ssyncadd.s32 @!p0 $0xFFFFFF80  }
0x128: {  	[tilespmem:s16], [sflag:$0x1] =	stream.indirect.gather @!p0 [hbm4b:s0+s14], $0x80, s12, s14, $0xb8;
	[tilespmem:$0x1F548] =	vst v63  }
0x129: {  	s12 =	simm.s32 @!p0 $0x1  }
0x12a: {  	_ =	swait.ge @!p0 [sflag:s12], $0x4000  }
0x12b: {  	[sflag:s12] =	ssyncset.done @!p0 $0x0  }
0x12c: {  	[sflag:s12] =	ssyncadd.s32 @!p0 $0xFFFFC000  }
0x12d: {  	[spmem:s3] =	stream.indirect.scatter.add.f32 @!p0 [tilespmem:s16], [sflag:$0x6], $0x80, s15, s14, $0xb8;
	[tilespmem:$0x1F548] =	vst v63  }
0x12e: {  	_ =	swait.ge @!p0 [sflag:s13], $0x4000  }
0x12f: {  	[sflag:s13] =	ssyncset.done @!p0 $0x0  }
0x130: {  	s12 =	simm.s32 @!p0 $0x1F200;
	[sflag:s13] =	ssyncadd.s32 @!p0 $0xFFFFC000  }
0x131: {  	[spmem:s4] =	stream.indirect.scatter.add.f32 @!p0 [tilespmem:s12], [sflag:$0x6], $0x1, s15, s14, $0xb8;
	[tilespmem:$0x1F548] =	vst v63  }
0x132: {  	_ =	swait.ge @!p0 [sflag:s13], $0x80  }
0x133: {  	[sflag:s13] =	ssyncset.done @!p0 $0x0  }
0x134: {  	s15 =	rddreg [dreg:$0x8];
	[sflag:s13] =	ssyncadd.s32 @!p0 $0xFFFFFF80  }
0x135: {  	[tilespmem:s28], [sflag:$0x6] =	stream.linear.gather [hbm4b:s15+s5], $0x10, $0x38;
	[tilespmem:$0x1F548] =	vst v63  }
0x136: {  	_ =	swait.ge [sflag:s25], $0x10  }
0x137: {  	[sflag:s25] =	ssyncset.done $0x0  }
0x138: {  	[sflag:s25] =	ssyncadd.s32 $0xFFFFFFF0  }
0x139: {  	v2 =	vld [tilespmem:$0x14D80];
	_ =	sdelay $0x4  }
0x13a: {  	v2 =	vxor.u32 $0x80000000, v2  }
0x13b: {  	(xrf0) =	vmax.scan.msk.u32 $0xffff, v2;
	_ =	sdelay $0x5  }
0x13c: {  	v2, _, _ =	vpop (xrf0)  }
0x13d: {  	(v2sf) =	vpush v2, $0xF;
	_ =	sdelay $0xc  }
0x13e: {  	s17 =	rddreg [dreg:$0x9]  }
0x13f: {  	[tilespmem:s5], [sflag:$0x6] =	stream.linear.gather [hbm4b:s17+s5], $0x2810, $0x38;
	[tilespmem:$0x1F548] =	vst v63  }
0x140: {  	s16 =	spop (v2sf)  }
0x141: {  	s13 =	sxor.u32 $0x80000000, s16  }
0x142: {  	p1 =	sgt.s32 s16, $0xFFFFFFFF;
	s12 =	sand.u32 $0x7F, s16;
	p3 =	slt.s32 s13, $0x1  }
0x143: {  	s15 =	sshra.s32 s13, $0x1F;
	p4 =	sne.s32 s12, $0x0;
	p0 =	por p1, p3  }
0x144: {  	s16 =	sshrl.u32 s15, $0x19;
	p0 =	por !p4, !p0  }
0x145: {  	s12 =	sadd.s32 s16, s13;
	s13 =	simm.s32 $0x1;
	p0 =	por !p0, !p0  }
0x146: {  	s12 =	sshra.s32 s12, $0x7;
	s13 =	simm.s32 @!p0 $0x0  }
0x147: {  	s12 =	ssub.s32 s12, s13  }
0x148: {  	s13 =	sand.u32 $0x1, s12  }
0x149: {  	p5 =	slt.s32 s12, $0x1;
	p6 =	seq.s32 s13, $0x1  }
0x14a: {  	s17 =	sshrl.u32 s12, $0x1F;
	p0 =	por !p5, !p6  }
0x14b: {  	s15 =	simm.s32 $0x1;
	s13 =	sadd.s32 s17, s12;
	p0 =	por !p0, !p0  }
0x14c: {  	s14 =	sshra.s32 s13, $0x1;
	s15 =	simm.s32 @!p0 $0x0  }
0x14d: {  	s13 =	ssub.s32 s14, s15  }
0x14e: {  	p1 =	slt.s32 s13, $0x1  }
.Ltmp7:
0x14f: {  	_ = 	snop;
	(pc) =	sbr.rel @p1 .LBB2_15-.Ltmp7, $4  }
0x150: {  	_ = 	snop  }
0x151: {  	_ =	swait.ge [sflag:s25], $0x2810  }
0x152: {  	[sflag:s25] =	ssyncset.done $0x0  }
0x153: {  	[sflag:s25] =	ssyncadd.s32 $0xFFFFD7F0  }
0x154: {  	s15 =	rddreg [dreg:$0xe]  }
0x155: {  	[tilespmem:s30], [sflag:$0x6] =	stream.linear.gather [hbm4b:s15+s5], $0x80, $0x38;
	[tilespmem:$0x1F548] =	vst v63  }
0x156: {  	_ =	swait.ge [sflag:s25], $0x80  }
0x157: {  	[sflag:s25] =	ssyncset.done $0x0  }
0x158: {  	[sflag:s25] =	ssyncadd.s32 $0xFFFFFF80  }
0x159: {  	[tilespmem:s2], [sflag:$0x1] =	stream.indirect.gather [hbm4b:s0+s31], $0x80, s5, s31, $0xb8;
	[tilespmem:$0x1F548] =	vst v63  }
0x15a: {  	_ =	swait.ge [sflag:s29], $0x4000  }
0x15b: {  	[sflag:s29] =	ssyncset.done $0x0  }
0x15c: {  	[sflag:s29] =	ssyncadd.s32 $0xFFFFC000  }
0x15d: {  	[spmem:s3] =	stream.indirect.scatter.add.f32 [tilespmem:s2], [sflag:$0x2], $0x80, s30, s31, $0xb8;
	[tilespmem:$0x1F548] =	vst v63  }
0x15e: {  	_ = 	snop  }
0x15f: {  	[spmem:s4] =	stream.indirect.scatter.add.f32 [tilespmem:s1], [sflag:$0x4], $0x1, s30, s31, $0xb8;
	[tilespmem:$0x1F548] =	vst v63  }
0x160: {  	s17 =	rddreg [dreg:$0x10]  }
0x161: {  	[tilespmem:s20], [sflag:$0x6] =	stream.linear.gather [hbm4b:s17+s5], $0x80, $0x38;
	[tilespmem:$0x1F548] =	vst v63  }
0x162: {  	_ =	swait.ge [sflag:s25], $0x80  }
0x163: {  	[sflag:s25] =	ssyncset.done $0x0  }
0x164: {  	[sflag:s25] =	ssyncadd.s32 $0xFFFFFF80  }
0x165: {  	[tilespmem:s21], [sflag:$0x1] =	stream.indirect.gather [hbm4b:s0+s31], $0x80, s31, s31, $0xb8;
	[tilespmem:$0x1F548] =	vst v63  }
0x166: {  	p1 =	seq.s32 s13, $0x1;
	_ =	swait.ge [sflag:s29], $0x4000  }
.Ltmp8:
0x167: {  	[sflag:s29] =	ssyncset.done $0x0;
	(pc) =	sbr.rel @p1 .LBB2_14-.Ltmp8, $4  }
0x168: {  	[sflag:s29] =	ssyncadd.s32 $0xFFFFC000  }
0x169: {  	[spmem:s3] =	stream.indirect.scatter.add.f32 [tilespmem:s21], [sflag:$0x3], $0x80, s20, s31, $0xb8;
	[tilespmem:$0x1F548] =	vst v63  }
0x16a: {  	_ = 	snop  }
0x16b: {  	[spmem:s4] =	stream.indirect.scatter.add.f32 [tilespmem:s1], [sflag:$0x5], $0x1, s20, s31, $0xb8;
	[tilespmem:$0x1F548] =	vst v63  }
0x16c: {  	_ =	swait.ge [sflag:s18], $0x4000  }
0x16d: {  	[sflag:s18] =	ssyncset.done $0x0  }
0x16e: {  	[sflag:s18] =	ssyncadd.s32 $0xFFFFC000  }
0x16f: {  	_ =	swait.ge [sflag:s22], $0x80  }
0x170: {  	s17 =	rddreg [dreg:$0x12]  }
0x171: {  	s15 =	sadd.s32 $0xFFFFFF80, s17  }
0x172: {  	[sflag:s22] =	ssyncset.done $0x0;
	s15 =	sshrl.u32 s15, $0x3  }
0x173: {  	[sflag:s22] =	ssyncadd.s32 $0xFFFFFF80;
	s15 =	sadd.s32 s6, s15  }
0x174: {  	[tilespmem:s30], [sflag:$0x6] =	stream.linear.gather [hbm4b:s15+s5], $0x80, $0x38;
	[tilespmem:$0x1F548] =	vst v63  }
0x175: {  	_ =	swait.ge [sflag:s25], $0x80  }
0x176: {  	[sflag:s25] =	ssyncset.done $0x0  }
0x177: {  	s16 =	simm.s32 $0x100;
	[sflag:s25] =	ssyncadd.s32 $0xFFFFFF80  }
0x178: {  	[tilespmem:s2], [sflag:$0x1] =	stream.indirect.gather [hbm4b:s0+s31], $0x80, s16, s31, $0xb8;
	[tilespmem:$0x1F548] =	vst v63  }
0x179: {  	_ =	swait.ge [sflag:s29], $0x4000  }
0x17a: {  	[sflag:s29] =	ssyncset.done $0x0  }
0x17b: {  	[sflag:s29] =	ssyncadd.s32 $0xFFFFC000  }
0x17c: {  	[spmem:s3] =	stream.indirect.scatter.add.f32 [tilespmem:s2], [sflag:$0x2], $0x80, s30, s31, $0xb8;
	[tilespmem:$0x1F548] =	vst v63  }
0x17d: {  	_ = 	snop  }
0x17e: {  	[spmem:s4] =	stream.indirect.scatter.add.f32 [tilespmem:s1], [sflag:$0x4], $0x1, s30, s31, $0xb8;
	[tilespmem:$0x1F548] =	vst v63  }
0x17f: {  	_ =	swait.ge [sflag:s19], $0x4000  }
0x180: {  	[sflag:s19] =	ssyncset.done $0x0  }
0x181: {  	[sflag:s19] =	ssyncadd.s32 $0xFFFFC000  }
0x182: {  	_ =	swait.ge [sflag:s23], $0x80  }
0x183: {  	s16 =	sshrl.u32 s17, $0x3;
	[sflag:s23] =	ssyncset.done $0x0  }
0x184: {  	s15 =	sadd.s32 s6, s16;
	[sflag:s23] =	ssyncadd.s32 $0xFFFFFF80  }
0x185: {  	[tilespmem:s20], [sflag:$0x6] =	stream.linear.gather [hbm4b:s15+s5], $0x80, $0x38;
	[tilespmem:$0x1F548] =	vst v63  }
0x186: {  	s15 =	simm.s32 $0xFFFFFFFF  }
0x187: {  	_ =	swait.ge [sflag:s25], $0x80;
	s15 =	simm.s32 @!p0 $0x0  }
0x188: {  	[sflag:s25] =	ssyncset.done $0x0;
	s14 =	sadd.s32 s15, s14  }
0x189: {  	s16 =	simm.s32 $0x180;
	[sflag:s25] =	ssyncadd.s32 $0xFFFFFF80;
	s14 =	ssub.s32 $0x1, s14  }
0x18a: {  	[tilespmem:s21], [sflag:$0x1] =	stream.indirect.gather [hbm4b:s0+s31], $0x80, s16, s31, $0xb8;
	[tilespmem:$0x1F548] =	vst v63  }
0x18b: {  	s14 =	sadd.s32 $0x1, s14  }
0x18c: {  	p0 =	seq.s32 s14, $0x0  }
.Ltmp9:
0x18d: {  	_ = 	snop;
	(pc) =	sbr.rel @p0 .LBB2_13-.Ltmp9, $4  }
0x18e: {  	_ =	swait.ge [sflag:s29], $0x4000  }
0x18f: {  	[sflag:s29] =	ssyncset.done $0x0  }
0x190: {  	s15 =	simm.s32 $0x280;
	s16 =	sadd.s32 $0x100, s17;
	[sflag:s29] =	ssyncadd.s32 $0xFFFFC000  }
0x191: {  	[spmem:s3] =	stream.indirect.scatter.add.f32 [tilespmem:s21], [sflag:$0x3], $0x80, s20, s31, $0xb8;
	[tilespmem:$0x1F548] =	vst v63  }
.LBB2_12:
0x192: {  	[spmem:s4] =	stream.indirect.scatter.add.f32 [tilespmem:s1], [sflag:$0x5], $0x1, s20, s31, $0xb8;
	[tilespmem:$0x1F548] =	vst v63  }
0x193: {  	s14 =	sadd.s32 $0x1, s14;
	_ =	swait.ge [sflag:s18], $0x4000  }
0x194: {  	p0 =	seq.s32 s14, $0x0;
	[sflag:s18] =	ssyncset.done $0x0  }
0x195: {  	[sflag:s18] =	ssyncadd.s32 $0xFFFFC000  }
0x196: {  	s17 =	sadd.s32 $0xFFFFFF80, s16;
	_ =	swait.ge [sflag:s22], $0x80  }
0x197: {  	s17 =	sshrl.u32 s17, $0x3;
	[sflag:s22] =	ssyncset.done $0x0  }
0x198: {  	s17 =	sadd.s32 s6, s17;
	[sflag:s22] =	ssyncadd.s32 $0xFFFFFF80  }
0x199: {  	[tilespmem:s30], [sflag:$0x6] =	stream.linear.gather [hbm4b:s17+s5], $0x80, $0x38;
	[tilespmem:$0x1F548] =	vst v63  }
0x19a: {  	_ =	swait.ge [sflag:s25], $0x80  }
0x19b: {  	[sflag:s25] =	ssyncset.done $0x0  }
0x19c: {  	s17 =	sadd.s32 $0xFFFFFF80, s15;
	[sflag:s25] =	ssyncadd.s32 $0xFFFFFF80  }
0x19d: {  	[tilespmem:s2], [sflag:$0x1] =	stream.indirect.gather [hbm4b:s0+s31], $0x80, s17, s31, $0xb8;
	[tilespmem:$0x1F548] =	vst v63  }
0x19e: {  	_ =	swait.ge [sflag:s29], $0x4000  }
0x19f: {  	[sflag:s29] =	ssyncset.done $0x0  }
0x1a0: {  	[sflag:s29] =	ssyncadd.s32 $0xFFFFC000  }
0x1a1: {  	[spmem:s3] =	stream.indirect.scatter.add.f32 [tilespmem:s2], [sflag:$0x2], $0x80, s30, s31, $0xb8;
	[tilespmem:$0x1F548] =	vst v63  }
0x1a2: {  	_ = 	snop  }
0x1a3: {  	[spmem:s4] =	stream.indirect.scatter.add.f32 [tilespmem:s1], [sflag:$0x4], $0x1, s30, s31, $0xb8;
	[tilespmem:$0x1F548] =	vst v63  }
0x1a4: {  	_ =	swait.ge [sflag:s19], $0x4000  }
0x1a5: {  	[sflag:s19] =	ssyncset.done $0x0  }
0x1a6: {  	[sflag:s19] =	ssyncadd.s32 $0xFFFFC000  }
0x1a7: {  	_ =	swait.ge [sflag:s23], $0x80  }
0x1a8: {  	s17 =	sshrl.u32 s16, $0x3;
	[sflag:s23] =	ssyncset.done $0x0  }
0x1a9: {  	s17 =	sadd.s32 s6, s17;
	[sflag:s23] =	ssyncadd.s32 $0xFFFFFF80  }
0x1aa: {  	[tilespmem:s20], [sflag:$0x6] =	stream.linear.gather [hbm4b:s17+s5], $0x80, $0x38;
	[tilespmem:$0x1F548] =	vst v63  }
0x1ab: {  	_ =	swait.ge [sflag:s25], $0x80  }
0x1ac: {  	[sflag:s25] =	ssyncset.done $0x0  }
0x1ad: {  	[sflag:s25] =	ssyncadd.s32 $0xFFFFFF80  }
0x1ae: {  	[tilespmem:s21], [sflag:$0x1] =	stream.indirect.gather [hbm4b:s0+s31], $0x80, s15, s31, $0xb8;
	[tilespmem:$0x1F548] =	vst v63  }
.Ltmp10:
0x1af: {  	_ =	swait.ge [sflag:s29], $0x4000;
	(pc) =	sbr.rel @!p0 .LBB2_12-.Ltmp10, $4  }
0x1b0: {  	[sflag:s29] =	ssyncset.done $0x0  }
0x1b1: {  	[sflag:s29] =	ssyncadd.s32 $0xFFFFC000  }
0x1b2: {  	[spmem:s3] =	stream.indirect.scatter.add.f32 [tilespmem:s21], [sflag:$0x3], $0x80, s20, s31, $0xb8;
	[tilespmem:$0x1F548] =	vst v63  }
0x1b3: {  	s16 =	sadd.s32 $0x100, s16;
	s15 =	sadd.s32 $0x100, s15  }
.Ltmp11:
0x1b4: {  	_ = 	snop;
	(pc) =	sbr.rel .LBB2_13-.Ltmp11, $1  }
0x1b5: {  	_ =	sdelay $0x3  }
.LBB2_16:
0x1b6: {  	_ =	sfence.sel $0x180000  }
0x1b7: {  	[bflag:$0x0] =	sbarrier.arrive $0xFFFF  }
0x1b8: {  	_ =	strace $0x9000004A  }
0x1b9: {  	s0 =	stileid.u32;
	[bflag:$0x2] =	sbarrier.arrive $0xFFFF  }
0x1ba: {  	p0 =	sne.s32 s0, $0x0;
	s0 =	rddreg [dreg:$0x5]  }
0x1bb: {  	s0 =	sadd.s32 @!p0 $0x100000, s0  }
0x1bc: {  	[sflag:s0] =	ssyncadd.tile.s32 @!p0 $0x1;
	_ =	shalt  }
.Lfunc_end2:
_tile_overlayer_lowered:
.L_overlay_start_2:
0x1bd: {  	(tag) =	ssettag $0x2  }
0x1be: {  	s0 =	rddreg [dreg:$0x0];
	s2 =	stileid.u32  }
0x1bf: {  	s1 =	rddreg [dreg:$0x1];
	p0 =	sne.s32 s2, $0x0  }
0x1c0: {  	s3 =	rddreg [dreg:$0x2];
	[bflag:$0x3] =	sbarrier.arrive $0xFFFF;
	s2 =	simm.s32 @!p0 $0x1C06  }
0x1c1: {  	[timem:s3], [sflag:s2] =	dma.local @!p0 [hbm:s0], s1  }
0x1c2: {  	s0 =	simm.s32 @!p0 $0x6  }
0x1c3: {  	_ =	swait.ge @!p0 [sflag:s0], s1  }
0x1c4: {  	s1 =	ssub.s32 @!p0 $0x0, s1;
	[sflag:s0] =	ssyncset.done @!p0 $0x0  }
0x1c5: {  	[sflag:s0] =	ssyncadd.s32 @!p0 s1  }
0x1c6: {  	[bflag:$0x3] =	sbarrier.arrive $0xFFFF  }
0x1c7: {  	_ =	shalt  }

// kernel: kernel.15.cloned.1.call-start
scs
__scs_entry_jumppad:
0x0: {  	(pc) =	sbr.rel $0x88, $3  }
0x1: {  	(tag) =	ssettag $0x0;
	lr =	simm.s32 $0x1  }
0x2: {  	[smem:$0x3F92] =	sst lr;
	_ =	strace $0xD0000000  }
0x3: {  	_ = 	snop  }
0x4: {  	_ = 	snop  }
0x5: {  	_ = 	snop  }
0x6: {  	_ = 	snop  }
0x7: {  	_ = 	snop  }
__scs_overlays_trampoline_lowered:
0x8: {  	[smem:$0x3FA1] =	sst s0  }
0x9: {  	[smem:$0x3FA2] =	sst s1  }
0xa: {  	[smem:$0x3FA3] =	sst s2  }
0xb: {  	[smem:$0x3FA4] =	sst s3  }
0xc: {  	[smem:$0x3FA5] =	sst s4  }
0xd: {  	[smem:$0x3FA6] =	sst s5  }
0xe: {  	[smem:$0x3FA7] =	sst s6  }
0xf: {  	[smem:$0x3FA8] =	sst s7  }
0x10: {  	[smem:$0x3FA9] =	sst s8  }
0x11: {  	[smem:$0x3FAA] =	sst s9;
	s0 =	simm.s32 @!p0 $0x0  }
0x12: {  	s1 =	sld [smem:$0x3F90];
	s0 =	simm.s32 @p0 $0x1  }
0x13: {  	[smem:$0x3FAB] =	sst s0;
	s0 =	simm.s32 @!p1 $0x0  }
0x14: {  	s2 =	sld [smem:$0x3F8F];
	s0 =	simm.s32 @p1 $0x1  }
0x15: {  	[smem:$0x3FAC] =	sst s0;
	s0 =	simm.s32 @!p2 $0x0  }
0x16: {  	s3 =	sld [smem:$0x3FDB];
	s0 =	simm.s32 @p2 $0x1  }
0x17: {  	s4 =	simm.s32 $0x1BF5;
	[smem:$0x3FAE] =	sst s0  }
0x18: {  	s0 =	sld [smem:$0x3F91];
	_ =	swait.ge [sflag:s4], $0x0  }
0x19: {  	s7 =	sld [smem:$0x3F92]  }
0x1a: {  	s8 =	sadd.s32 $0xFFFFE003, lr  }
0x1b: {  	s9 =	sadd.s32 $0xFFFFFEF7, lr;
	s5 =	simm.s32 $0xFFFFFFFF;
	p2 =	slt.u32 s8, $0xFFFFF086  }
0x1c: {  	p1 =	slt.u32 s9, $0xF7A;
	s5 =	simm.s32 @!p2 $0x0  }
0x1d: {  	s5 =	simm.s32 @p1 $0x1;
	p0 =	seq.s32 s7, s2  }
0x1e: {  	s7 =	smul.u32 @!p0 $0xF7A, s2;
	p2 =	seq.s32 @!p0 s5, $0x0  }
0x1f: {  	s9 =	smul.u32 $0xF7A, s1;
	s8 =	simm.s32 @!p0 $0x1BF5;
	p2 =	por !p2, p0  }
0x20: {  	[sflag:s8] =	ssyncset.s32 @!p0 $0xFFFFF086;
	s6 =	sadd.s32 @!p0 s3, s7;
	s7 =	simm.s32 @!p0 $0x108  }
0x21: {  	s3 =	sadd.s32 s3, s9;
	s6 =	sadd.s32 @!p0 $0x88, s6;
	s7 =	simm.s32 @p2 $0x1082  }
0x22: {  	[simem:s7], [sflag:s8] =	dma.local @!p0 [hbm:s6], $0xF7A  }
0x23: {  	s9 =	sor.u32 $0xD0000000, s2;
	s6 =	simm.s32 $0x108;
	_ =	swait.ge @!p0 [sflag:s8], $0x0  }
0x24: {  	s3 =	sadd.s32 $0x88, s3;
	s6 =	simm.s32 @!p1 $0x1082;
	[sflag:s4] =	ssyncset.s32 $0xFFFFF086  }
0x25: {  	[simem:s6], [sflag:s4] =	dma.local [hbm:s3], $0xF7A  }
0x26: {  	[smem:$0x3F92] =	sst s1;
	(tag) =	ssettag s2;
	_ =	strace s9  }
0x27: {  	s1 =	sld [smem:$0x3FA2]  }
0x28: {  	s2 =	sld [smem:$0x3FA3]  }
0x29: {  	s4 =	sld [smem:$0x3FA5]  }
0x2a: {  	p0 =	seq.s32 s5, $0x0;
	s5 =	sld [smem:$0x3FA6]  }
0x2b: {  	s6 =	sld [smem:$0x3FA7]  }
0x2c: {  	s7 =	sld [smem:$0x3FA8]  }
0x2d: {  	s3 =	simm.s32 $0x108;
	s8 =	sld [smem:$0x3FA9]  }
0x2e: {  	s3 =	simm.s32 @!p0 $0x1082;
	s9 =	sld [smem:$0x3FAA]  }
0x2f: {  	lr =	sadd.s32 s0, s3;
	s0 =	sld [smem:$0x3FA1]  }
0x30: {  	s3 =	sld [smem:$0x3FA4]  }
0x31: {  	[smem:$0x3FAD] =	sst s10  }
0x32: {  	s10 =	sld [smem:$0x3FAB];
	_ =	sdelay $0x3  }
0x33: {  	p0 =	seq.s32 s10, $0x1;
	s10 =	sld [smem:$0x3FAD];
	_ =	sdelay $0x3  }
0x34: {  	[smem:$0x3FAD] =	sst s10  }
0x35: {  	s10 =	sld [smem:$0x3FAC];
	_ =	sdelay $0x3  }
0x36: {  	p1 =	seq.s32 s10, $0x1;
	s10 =	sld [smem:$0x3FAD];
	_ =	sdelay $0x3  }
0x37: {  	[smem:$0x3FAD] =	sst s10  }
0x38: {  	s10 =	sld [smem:$0x3FAE]  }
0x39: {  	_ = 	snop;
	(pc) =	sbr.ind lr, $3  }
0x3a: {  	_ = 	snop  }
0x3b: {  	_ = 	snop  }
0x3c: {  	p2 =	seq.s32 s10, $0x1;
	s10 =	sld [smem:$0x3FAD]  }
0x3d: {  	_ =	shalt  }
0x3e: {  	_ =	shalt  }
0x3f: {  	_ =	shalt  }
0x40: {  	_ =	shalt  }
0x41: {  	_ =	shalt  }
0x42: {  	_ =	shalt  }
0x43: {  	_ =	shalt  }
0x44: {  	_ =	shalt  }
0x45: {  	_ =	shalt  }
0x46: {  	_ =	shalt  }
0x47: {  	_ =	shalt  }
0x48: {  	_ =	shalt  }
0x49: {  	_ =	shalt  }
0x4a: {  	_ =	shalt  }
0x4b: {  	_ =	shalt  }
0x4c: {  	_ =	shalt  }
0x4d: {  	_ =	shalt  }
0x4e: {  	_ =	shalt  }
0x4f: {  	_ =	shalt  }
0x50: {  	_ =	shalt  }
0x51: {  	_ =	shalt  }
0x52: {  	_ =	shalt  }
0x53: {  	_ =	shalt  }
0x54: {  	_ =	shalt  }
0x55: {  	_ =	shalt  }
0x56: {  	_ =	shalt  }
0x57: {  	_ =	shalt  }
0x58: {  	_ =	shalt  }
0x59: {  	_ =	shalt  }
0x5a: {  	_ =	shalt  }
0x5b: {  	_ =	shalt  }
0x5c: {  	_ =	shalt  }
0x5d: {  	_ =	shalt  }
0x5e: {  	_ =	shalt  }
0x5f: {  	_ =	shalt  }
0x60: {  	_ =	shalt  }
0x61: {  	_ =	shalt  }
0x62: {  	_ =	shalt  }
0x63: {  	_ =	shalt  }
0x64: {  	_ =	shalt  }
0x65: {  	_ =	shalt  }
0x66: {  	_ =	shalt  }
0x67: {  	_ =	shalt  }
0x68: {  	_ =	shalt  }
0x69: {  	_ =	shalt  }
0x6a: {  	_ =	shalt  }
0x6b: {  	_ =	shalt  }
0x6c: {  	_ =	shalt  }
0x6d: {  	_ =	shalt  }
0x6e: {  	_ =	shalt  }
0x6f: {  	_ =	shalt  }
0x70: {  	_ =	shalt  }
0x71: {  	_ =	shalt  }
0x72: {  	_ =	shalt  }
0x73: {  	_ =	shalt  }
0x74: {  	_ =	shalt  }
0x75: {  	_ =	shalt  }
0x76: {  	_ =	shalt  }
0x77: {  	_ =	shalt  }
0x78: {  	_ =	shalt  }
0x79: {  	_ =	shalt  }
0x7a: {  	_ =	shalt  }
0x7b: {  	_ =	shalt  }
0x7c: {  	_ =	shalt  }
0x7d: {  	_ =	shalt  }
0x7e: {  	_ =	shalt  }
0x7f: {  	_ =	shalt  }
0x80: {  	_ =	shalt  }
0x81: {  	_ =	shalt  }
0x82: {  	_ =	shalt  }
0x83: {  	_ =	shalt  }
0x84: {  	_ =	shalt  }
0x85: {  	_ =	shalt  }
0x86: {  	_ =	shalt  }
0x87: {  	_ =	shalt  }
.Lfunc_end0:
.L_simem_size_0:
called_computation.2_lowered:
.L_overlay_start_0:
0x88: {  	s2 =	sld [smem:$0x3FD9]  }
0x89: {  	s3 =	sld [smem:$0x3FFE];
	_ =	sdelay $0x1  }
0x8a: {  	s1 =	srdreg.scid  }
0x8b: {  	s0 =	sand.u32 $0x1, s1  }
0x8c: {  	s17 =	sshll.u32 s0, $0xA;
	s2 =	sadd.s32 s3, s2  }
0x8d: {  	s2 =	sadd.s32 s2, s17  }
0x8e: {  	[smem:$0x3FB9] =	sst s2  }
0x8f: {  	_ = 	snop  }
0x90: {  	s2 =	sld [smem:$0x3FD0];
	(tm) =	ssettm $0x1  }
0x91: {  	s18 =	sld [smem:$0x3FFB];
	_ =	sdelay $0x3  }
0x92: {  	_ =	strace s18  }
0x93: {  	s3 =	sld [smem:$0x3FFC];
	_ =	sdelay $0x3  }
0x94: {  	_ =	strace s3  }
0x95: {  	s3 =	sld [smem:$0x3FFD];
	_ =	sdelay $0x3  }
0x96: {  	_ =	strace s3  }
0x97: {  	_ =	strace $0x8FFFFFFF  }
0x98: {  	s19 =	sld [smem:$0x3FDB];
	_ =	sdelay $0x1  }
0x99: {  	s4 =	simm.s32 $_scs_section_size  }
0x9a: {  	s5 =	simm.s32 $_size__tile_overlayer_lowered;
	s6 =	simm.s32 $_tile_overlayer_lowered  }
0x9b: {  	s22 =	simm.s32 $0x1BFF;
	s21 =	sshll.u32 s6, $0x1;
	s3 =	sadd.s32 s4, s19  }
0x9c: {  	s7 =	simm.s32 $0x0;
	s20 =	sshll.u32 s5, $0x1;
	s5 =	sadd.s32 s21, s3  }
0x9d: {  	[timem:s7], [sflag:s22] =	dma.local [hbm:s5], s20  }
0x9e: {  	_ =	swait.ge [sflag:s22], s20  }
0x9f: {  	s4 =	ssub.s32 $0x0, s20;
	[sflag:s22] =	ssyncset.done $0x0  }
0xa0: {  	[sflag:s22] =	ssyncadd.s32 s4;
	_ =	sdelay $0x1  }
0xa1: {  	s23 =	simm.s32 $0x1B8B  }
0xa2: {  	_ =	swait.ge [sflag:s23], $0x1  }
0xa3: {  	[sflag:s23] =	ssyncset.done $0x0  }
0xa4: {  	s25 =	simm.s32 $0x1B8E;
	s24 =	sld [smem:$0x3FFE];
	[sflag:s23] =	ssyncadd.s32 $0xFFFFFFFF  }
0xa5: {  	s26 =	simm.s32 $execute0_lowered;
	[smem:$0x3FD2] =	sst s25  }
0xa6: {  	s5 =	sshll.u32 s26, $0x1;
	_ =	strace $0x8000004C;
	[dreg:$0x1] =	wrdreg $0xFFFFFFFF  }
0xa7: {  	s28 =	simm.s32 $_size_execute0_lowered;
	s3 =	sadd.s32 s3, s5;
	[dreg:$0x0] =	wrdreg $0x0  }
0xa8: {  	s5 =	sshll.u32 s28, $0x1;
	[dreg:$0x2] =	wrdreg s3  }
0xa9: {  	[dreg:$0x3] =	wrdreg s5  }
0xaa: {  	[dreg:$0x4] =	wrdreg $0xC0  }
0xab: {  	_ =	task [dreg:s7], $0x5FFFF  }
0xac: {  	[dreg:$0x1] =	wrdreg $0xFFFFFFFF  }
0xad: {  	[dreg:$0x0] =	wrdreg $0x60  }
0xae: {  	[dreg:$0x2] =	wrdreg s24  }
0xaf: {  	[dreg:$0x3] =	wrdreg s2  }
0xb0: {  	[dreg:$0x4] =	wrdreg $0x14E000  }
0xb1: {  	[dreg:$0x5] =	wrdreg $0x9  }
0xb2: {  	_ =	task.clear_ibuf [dreg:s7], $0x6FFFF;
	_ =	strace $0x9000004C  }
0xb3: {  	s29 =	simm.s32 $0x9;
	_ =	strace $0x8000004E  }
0xb4: {  	_ =	swait.ge [sflag:s29], $0x1  }
0xb5: {  	[sflag:s29] =	ssyncadd.s32 $0xFFFFFFFF  }
0xb6: {  	_ =	strace $0x9000004E  }
0xb7: {  	_ =	sfence  }
0xb8: {  	s30 =	sld [smem:$0x0];
	_ =	sdelay $0x2  }
0xb9: {  	s31 =	sshll.u32 s1, $0xD;
	s1 =	sshrl.u32 s1, $0x2  }
0xba: {  	s3 =	sand.u32 $0x4000, s31;
	s1 =	sadd.s32 s1, s30  }
0xbb: {  	s0 =	sor.u32 s3, s0;
	s1 =	sshll.u32 s1, $0x11  }
0xbc: {  	s0 =	sor.u32 s1, s0  }
0xbd: {  	s0 =	sadd.s32 $0x8F2B, s0  }
0xbe: {  	[sflag:s0] =	ssyncadd.remote.s32 $0x1  }
0xbf: {  	_ =	sfence.sel $0xFFFF  }
0xc0: {  	[dreg:$0x0] =	wrdreg $0xFFFFFFFF;
	(pc) =	sbr.abs _section_cstart, $3  }
0xc1: {  	[dreg:$0x1] =	wrdreg $0xFFFFFFFF  }
0xc2: {  	_ =	task.clear_ibuf [dreg:s7], $0x2FFFF;
	_ =	strace $0x9FFFFFFF  }
0xc3: {  	(tm) =	ssettm $0x7FFFFFFF  }
tec
execute0_lowered:
.L_overlay_start_1:
0x0: {  	(tag) =	ssettag $0x1  }
0x1: {  	s0 =	rddreg [dreg:$0x0]  }
0x2: {  	s1 =	rddreg [dreg:$0x1]  }
0x3: {  	s2 =	rddreg [dreg:$0x2]  }
0x4: {  	s3 =	simm.s32 $0x0;
	s4 =	srdreg.scid;
	s18 =	stileid.u32  }
0x5: {  	s28 =	simm.s32 $0x2980;
	s29 =	simm.s32 $0x2900;
	s30 =	simm.s32 $0x6980  }
0x6: {  	s31 =	simm.s32 $0x2;
	[smem:$0x7FF] =	sst s3;
	s6 =	smul.u32 $0x1480, s18  }
0x7: {  	s11 =	sand.u32 $0x1, s4;
	s4 =	sadd.s32 $0x3EC00, s0;
	s10 =	smul.u32 $0x29000, s18  }
0x8: {  	s12 =	sadd.s32 $0x16800, s0;
	s5 =	sadd.s32 $0x2AA00, s0;
	s21 =	smul.u32 $0x5020, s18  }
0x9: {  	s16 =	sshll.u32 s18, $0x1;
	s7 =	smul.u32 $0x14800, s11;
	s9 =	ssub.s32 $0x2, s11  }
0xa: {  	_ =	strace $0x8000004D;
	s8 =	sshll.u32 s11, $0x5;
	s17 =	sshrl.u32 s9, $0x1  }
0xb: {  	s19 =	sshrl.u32 s10, $0x2;
	s6 =	sadd.s32 s6, s7;
	s7 =	sor.u32 s16, s8  }
0xc: {  	s14 =	ssub.s32 s9, s17;
	s8 =	sadd.s32 s19, s2;
	s17 =	smul.u32 $0x50200, s11  }
0xd: {  	s0 =	sadd.s32 s6, s0;
	s6 =	smul.u32 $0x2810, s7;
	s13 =	sor.u32 $0x1, s7  }
0xe: {  	s20 =	sshll.u32 s7, $0x1;
	s14 =	smax.u32 s14, $0x1;
	s7 =	smul.u32 $0x2810, s13  }
0xf: {  	s9 =	sadd.s32 s1, s20;
	s13 =	sshll.u32 s13, $0x1;
	s24 =	sadd.s32 s21, s17  }
0x10: {  	s21 =	simm.s32 $0xA980;
	s15 =	sshrl.u32 s6, $0x3;
	s11 =	sadd.s32 s1, s13  }
0x11: {  	s13 =	sadd.s32 $0x65E00, s0;
	s26 =	sadd.s32 $0x180, s24;
	s1 =	simm.s32 $0x0  }
0x12: {  	s10 =	sadd.s32 s12, s15;
	s16 =	sshrl.u32 s7, $0x3;
	s22 =	sadd.s32 s5, s15  }
0x13: {  	[dreg:$0x8] =	wrdreg s26;
	s26 =	simm.s32 $0x80;
	s12 =	sadd.s32 s12, s16  }
.Ltmp0:
0x14: {  	[dreg:$0x4] =	wrdreg s22;
	s0 =	sadd.s32 $0x10, s22;
	(pc) =	sbr.rel .LBB2_1-.Ltmp0, $4  }
0x15: {  	s23 =	sadd.s32 s5, s16;
	s22 =	simm.s32 $0x4;
	[dreg:$0x5] =	wrdreg s0  }
0x16: {  	[dreg:$0x6] =	wrdreg s23;
	s25 =	sadd.s32 $0x10, s23;
	s0 =	sadd.s32 $0x2990, s24  }
0x17: {  	s23 =	simm.s32 $0x14D80;
	s24 =	simm.s32 $0x1;
	[dreg:$0x7] =	wrdreg s25  }
0x18: {  	v0 =	vimm.f32 $0.0e+00;
	[dreg:$0x9] =	wrdreg s0;
	s25 =	simm.s32 $0x2880;
	s0 =	simm.s32 $0x3  }
.LBB2_13:
0x19: {  	[spmem:s2] =	stream.indirect.scatter.add.f32 [tilespmem:s30], [sflag:$0x3], $0x80, s29, s26, $0xb8;
	[tilespmem:$0x1F200] =	vst v63  }
.LBB2_14:
0x1a: {  	_ =	swait.ge [sflag:s31], $0x4000  }
0x1b: {  	[sflag:s31] =	ssyncset.done $0x0  }
0x1c: {  	[sflag:s31] =	ssyncadd.s32 $0xFFFFC000  }
0x1d: {  	_ =	swait.ge [sflag:s0], $0x4000  }
0x1e: {  	[sflag:s0] =	ssyncset.done $0x0  }
0x1f: {  	[sflag:s0] =	ssyncadd.s32 $0xFFFFC000  }
.LBB2_15:
0x20: {  	s15 =	sshll.u32 s18, $0x1  }
0x21: {  	p0 =	sle.s32 s16, s15  }
0x22: {  	s15 =	sshll.u32 @!p0 s18, $0x8  }
0x23: {  	s16 =	sadd.s32 @!p0 s7, s15  }
0x24: {  	s16 =	sshrl.u32 @!p0 s16, $0x3  }
0x25: {  	s17 =	simm.s32 @!p0 $0x0;
	s18 =	simm.s32 @!p0 $0x2880;
	s16 =	sadd.s32 @!p0 s5, s16  }
0x26: {  	[tilespmem:s18], [sflag:$0x4] =	stream.linear.gather @!p0 [hbm4b:s16+s17], $0x80, $0x38;
	[tilespmem:$0x1F200] =	vst v63  }
0x27: {  	s16 =	simm.s32 @!p0 $0x4  }
0x28: {  	_ =	swait.ge @!p0 [sflag:s16], $0x80  }
0x29: {  	[sflag:s16] =	ssyncset.done @!p0 $0x0  }
0x2a: {  	s19 =	simm.s32 @!p0 $0x2980;
	s17 =	simm.s32 @!p0 $0x80;
	[sflag:s16] =	ssyncadd.s32 @!p0 $0xFFFFFF80  }
0x2b: {  	[tilespmem:s19], [sflag:$0x1] =	stream.indirect.gather @!p0 [hbm4b:s4+s17], $0x80, s15, s17, $0xb8;
	[tilespmem:$0x1F200] =	vst v63  }
0x2c: {  	s15 =	simm.s32 @!p0 $0x1  }
0x2d: {  	_ =	swait.ge @!p0 [sflag:s15], $0x4000  }
0x2e: {  	[sflag:s15] =	ssyncset.done @!p0 $0x0  }
0x2f: {  	[sflag:s15] =	ssyncadd.s32 @!p0 $0xFFFFC000  }
0x30: {  	[spmem:s2] =	stream.indirect.scatter.add.f32 @!p0 [tilespmem:s19], [sflag:$0x4], $0x80, s18, s17, $0xb8;
	[tilespmem:$0x1F200] =	vst v63  }
0x31: {  	_ =	swait.ge @!p0 [sflag:s16], $0x4000  }
0x32: {  	[sflag:s16] =	ssyncset.done @!p0 $0x0  }
0x33: {  	[sflag:s16] =	ssyncadd.s32 @!p0 $0xFFFFC000  }
0x34: {  	[bflag:$0x0] =	sbarrier.arrive $0xFFFF  }
0x35: {  	[tilespmem:s21], [sflag:$0x4] =	stream.linear.gather [spmem:s8], $0xA400, $0x38;
	[tilespmem:$0x1F200] =	vst v63  }
0x36: {  	s1 =	sadd.s32 $0x1, s1;
	_ =	swait.ge [sflag:s22], $0xA400  }
0x37: {  	p0 =	sne.s32 s1, s14;
	[sflag:s22] =	ssyncset.done $0x0  }
.Ltmp1:
0x38: {  	[sflag:s22] =	ssyncadd.s32 $0xFFFF5C00;
	(pc) =	sbr.rel @!p0 .LBB2_16-.Ltmp1, $4  }
0x39: {  	[hbm4b:s13+s3] =	stream.linear.scatter [tilespmem:s21], [sflag:$0x4], $0xA400, $0x38;
	[tilespmem:$0x1F200] =	vst v63  }
0x3a: {  	_ =	swait.ge [sflag:s22], $0xA400  }
0x3b: {  	[sflag:s22] =	ssyncset.done $0x0  }
0x3c: {  	[sflag:s22] =	ssyncadd.s32 $0xFFFF5C00  }
.LBB2_1:
0x3d: {  	s15 =	simm.s32 $0x0;
	s16 =	simm.s32 $0x200  }
.LBB2_2:
0x3e: {  	p0 =	sne.s32 s16, $0x28E00;
	[tilespmem:s15+$0xA9F0] =	vst v0  }
0x3f: {  	[tilespmem:s15+$0xA980] =	vst v0  }
0x40: {  	[tilespmem:s15+$0xA990] =	vst v0  }
.Ltmp2:
0x41: {  	[tilespmem:s15+$0xA9A0] =	vst v0;
	(pc) =	sbr.rel @p0 .LBB2_2-.Ltmp2, $4  }
0x42: {  	[tilespmem:s15+$0xA9B0] =	vst v0  }
0x43: {  	[tilespmem:s15+$0xA9C0] =	vst v0  }
0x44: {  	[tilespmem:s15+$0xA9D0] =	vst v0  }
0x45: {  	[tilespmem:s15+$0xA9E0] =	vst v0;
	s15 =	sshra.s32 s16, $0x2;
	s16 =	sadd.s32 $0x200, s16  }
0x46: {  	[tilespmem:s15+$0xA9F0] =	vst v0  }
0x47: {  	[tilespmem:s15+$0xA980] =	vst v0  }
0x48: {  	[tilespmem:s15+$0xA990] =	vst v0  }
0x49: {  	[tilespmem:s15+$0xA9A0] =	vst v0  }
0x4a: {  	[tilespmem:s15+$0xA9B0] =	vst v0  }
0x4b: {  	[tilespmem:s15+$0xA9C0] =	vst v0  }
0x4c: {  	[tilespmem:s15+$0xA9D0] =	vst v0  }
0x4d: {  	[tilespmem:s15+$0xA9E0] =	vst v0  }
0x4e: {  	[spmem:s8] =	stream.linear.scatter [tilespmem:s21], [sflag:$0x4], $0xA400, $0x38;
	[tilespmem:$0x1F200] =	vst v63  }
0x4f: {  	_ =	swait.ge [sflag:s22], $0xA400  }
0x50: {  	[sflag:s22] =	ssyncset.done $0x0  }
0x51: {  	[sflag:s22] =	ssyncadd.s32 $0xFFFF5C00  }
0x52: {  	[bflag:$0x0] =	sbarrier.arrive $0xFFFF  }
0x53: {  	[tilespmem:s23], [sflag:$0x4] =	stream.linear.gather [hbm4b:s9+s3], $0x10, $0x38;
	[tilespmem:$0x1F200] =	vst v63  }
0x54: {  	_ =	swait.ge [sflag:s22], $0x10  }
0x55: {  	[sflag:s22] =	ssyncset.done $0x0  }
0x56: {  	[sflag:s22] =	ssyncadd.s32 $0xFFFFFFF0  }
0x57: {  	v1 =	vld [tilespmem:$0x14D80];
	_ =	sdelay $0x4  }
0x58: {  	v1 =	vxor.u32 $0x80000000, v1  }
0x59: {  	(xrf0) =	vmax.scan.msk.u32 $0xffff, v1;
	_ =	sdelay $0x5  }
0x5a: {  	v1, _, _ =	vpop (xrf0)  }
0x5b: {  	(v2sf) =	vpush v1, $0xF;
	_ =	sdelay $0xe  }
0x5c: {  	s18 =	spop (v2sf)  }
0x5d: {  	s16 =	sxor.u32 $0x80000000, s18  }
0x5e: {  	p1 =	sgt.s32 s18, $0xFFFFFFFF;
	s15 =	sand.u32 $0x7F, s18;
	p0 =	slt.s32 s16, $0x1  }
0x5f: {  	s17 =	sshra.s32 s16, $0x1F;
	p4 =	sne.s32 s15, $0x0;
	p0 =	por p1, p0  }
0x60: {  	s19 =	sshrl.u32 s17, $0x19;
	p0 =	por !p4, !p0  }
0x61: {  	s15 =	sadd.s32 s19, s16;
	s16 =	simm.s32 $0x1;
	p0 =	por !p0, !p0  }
0x62: {  	s15 =	sshra.s32 s15, $0x7;
	s16 =	simm.s32 @!p0 $0x0  }
0x63: {  	s16 =	ssub.s32 s15, s16  }
0x64: {  	s15 =	sand.u32 $0x1, s16  }
0x65: {  	p5 =	slt.s32 s16, $0x1;
	p6 =	seq.s32 s15, $0x1  }
0x66: {  	s20 =	sshrl.u32 s16, $0x1F;
	p0 =	por !p5, !p6  }
0x67: {  	s17 =	simm.s32 $0x1;
	s15 =	sadd.s32 s20, s16;
	p0 =	por !p0, !p0  }
0x68: {  	s15 =	sshra.s32 s15, $0x1;
	s17 =	simm.s32 @!p0 $0x0  }
0x69: {  	s18 =	ssub.s32 s15, s17  }
0x6a: {  	p1 =	slt.s32 s18, $0x1  }
.Ltmp3:
0x6b: {  	_ = 	snop;
	(pc) =	sbr.rel @p1 .LBB2_9-.Ltmp3, $4  }
0x6c: {  	[tilespmem:s3], [sflag:$0x4] =	stream.linear.gather [hbm4b:s10+s3], $0x2810, $0x38;
	[tilespmem:$0x1F200] =	vst v63  }
0x6d: {  	_ =	swait.ge [sflag:s22], $0x2810  }
0x6e: {  	[sflag:s22] =	ssyncset.done $0x0  }
0x6f: {  	[sflag:s22] =	ssyncadd.s32 $0xFFFFD7F0  }
0x70: {  	s17 =	rddreg [dreg:$0x4]  }
0x71: {  	[tilespmem:s25], [sflag:$0x4] =	stream.linear.gather [hbm4b:s17+s3], $0x80, $0x38;
	[tilespmem:$0x1F200] =	vst v63  }
0x72: {  	_ =	swait.ge [sflag:s22], $0x80  }
0x73: {  	[sflag:s22] =	ssyncset.done $0x0  }
0x74: {  	[sflag:s22] =	ssyncadd.s32 $0xFFFFFF80  }
0x75: {  	[tilespmem:s28], [sflag:$0x1] =	stream.indirect.gather [hbm4b:s4+s26], $0x80, s3, s26, $0xb8;
	[tilespmem:$0x1F200] =	vst v63  }
0x76: {  	_ =	swait.ge [sflag:s24], $0x4000  }
0x77: {  	[sflag:s24] =	ssyncset.done $0x0  }
0x78: {  	[sflag:s24] =	ssyncadd.s32 $0xFFFFC000  }
0x79: {  	[spmem:s2] =	stream.indirect.scatter.add.f32 [tilespmem:s28], [sflag:$0x2], $0x80, s25, s26, $0xb8;
	[tilespmem:$0x1F200] =	vst v63  }
0x7a: {  	s20 =	rddreg [dreg:$0x5]  }
0x7b: {  	[tilespmem:s29], [sflag:$0x4] =	stream.linear.gather [hbm4b:s20+s3], $0x80, $0x38;
	[tilespmem:$0x1F200] =	vst v63  }
0x7c: {  	_ =	swait.ge [sflag:s22], $0x80  }
0x7d: {  	[sflag:s22] =	ssyncset.done $0x0  }
0x7e: {  	p1 =	seq.s32 s18, $0x1;
	[sflag:s22] =	ssyncadd.s32 $0xFFFFFF80  }
0x7f: {  	[tilespmem:s30], [sflag:$0x1] =	stream.indirect.gather [hbm4b:s4+s26], $0x80, s26, s26, $0xb8;
	[tilespmem:$0x1F200] =	vst v63  }
.Ltmp4:
0x80: {  	_ = 	snop;
	(pc) =	sbr.rel @p1 .LBB2_8-.Ltmp4, $4  }
0x81: {  	_ =	swait.ge [sflag:s24], $0x4000  }
0x82: {  	[sflag:s24] =	ssyncset.done $0x0  }
0x83: {  	[sflag:s24] =	ssyncadd.s32 $0xFFFFC000  }
0x84: {  	[spmem:s2] =	stream.indirect.scatter.add.f32 [tilespmem:s30], [sflag:$0x3], $0x80, s29, s26, $0xb8;
	[tilespmem:$0x1F200] =	vst v63  }
0x85: {  	_ =	swait.ge [sflag:s31], $0x4000  }
0x86: {  	s20 =	rddreg [dreg:$0x8]  }
0x87: {  	s17 =	sadd.s32 $0xFFFFFF80, s20  }
0x88: {  	[sflag:s31] =	ssyncset.done $0x0;
	s17 =	sshrl.u32 s17, $0x3  }
0x89: {  	[sflag:s31] =	ssyncadd.s32 $0xFFFFC000;
	s17 =	sadd.s32 s5, s17  }
0x8a: {  	[tilespmem:s25], [sflag:$0x4] =	stream.linear.gather [hbm4b:s17+s3], $0x80, $0x38;
	[tilespmem:$0x1F200] =	vst v63  }
0x8b: {  	_ =	swait.ge [sflag:s22], $0x80  }
0x8c: {  	[sflag:s22] =	ssyncset.done $0x0  }
0x8d: {  	s19 =	simm.s32 $0x100;
	[sflag:s22] =	ssyncadd.s32 $0xFFFFFF80  }
0x8e: {  	[tilespmem:s28], [sflag:$0x1] =	stream.indirect.gather [hbm4b:s4+s26], $0x80, s19, s26, $0xb8;
	[tilespmem:$0x1F200] =	vst v63  }
0x8f: {  	_ =	swait.ge [sflag:s24], $0x4000  }
0x90: {  	[sflag:s24] =	ssyncset.done $0x0  }
0x91: {  	s19 =	simm.s32 $0xFFFFFFFF;
	[sflag:s24] =	ssyncadd.s32 $0xFFFFC000  }
0x92: {  	[spmem:s2] =	stream.indirect.scatter.add.f32 [tilespmem:s28], [sflag:$0x2], $0x80, s25, s26, $0xb8;
	[tilespmem:$0x1F200] =	vst v63  }
0x93: {  	s19 =	simm.s32 @!p0 $0x0;
	_ =	swait.ge [sflag:s0], $0x4000  }
0x94: {  	s17 =	sshrl.u32 s20, $0x3;
	s15 =	sadd.s32 s19, s15;
	[sflag:s0] =	ssyncset.done $0x0  }
0x95: {  	s17 =	sadd.s32 s5, s17;
	s15 =	ssub.s32 $0x1, s15;
	[sflag:s0] =	ssyncadd.s32 $0xFFFFC000  }
0x96: {  	[tilespmem:s29], [sflag:$0x4] =	stream.linear.gather [hbm4b:s17+s3], $0x80, $0x38;
	[tilespmem:$0x1F200] =	vst v63  }
0x97: {  	s15 =	sadd.s32 $0x1, s15;
	_ =	swait.ge [sflag:s22], $0x80  }
0x98: {  	p0 =	seq.s32 s15, $0x0;
	[sflag:s22] =	ssyncset.done $0x0  }
.Ltmp5:
0x99: {  	s19 =	simm.s32 $0x180;
	[sflag:s22] =	ssyncadd.s32 $0xFFFFFF80;
	(pc) =	sbr.rel @p0 .LBB2_7-.Ltmp5, $4  }
0x9a: {  	[tilespmem:s30], [sflag:$0x1] =	stream.indirect.gather [hbm4b:s4+s26], $0x80, s19, s26, $0xb8;
	[tilespmem:$0x1F200] =	vst v63  }
0x9b: {  	_ =	swait.ge [sflag:s24], $0x4000  }
0x9c: {  	[sflag:s24] =	ssyncset.done $0x0  }
0x9d: {  	s17 =	simm.s32 $0x280;
	s19 =	sadd.s32 $0x100, s20;
	[sflag:s24] =	ssyncadd.s32 $0xFFFFC000  }
.LBB2_6:
0x9e: {  	[spmem:s2] =	stream.indirect.scatter.add.f32 [tilespmem:s30], [sflag:$0x3], $0x80, s29, s26, $0xb8;
	[tilespmem:$0x1F200] =	vst v63  }
0x9f: {  	s20 =	sadd.s32 $0xFFFFFF80, s19;
	s15 =	sadd.s32 $0x1, s15;
	_ =	swait.ge [sflag:s31], $0x4000  }
0xa0: {  	s20 =	sshrl.u32 s20, $0x3;
	p0 =	seq.s32 s15, $0x0;
	[sflag:s31] =	ssyncset.done $0x0  }
0xa1: {  	s20 =	sadd.s32 s5, s20;
	[sflag:s31] =	ssyncadd.s32 $0xFFFFC000  }
0xa2: {  	[tilespmem:s25], [sflag:$0x4] =	stream.linear.gather [hbm4b:s20+s3], $0x80, $0x38;
	[tilespmem:$0x1F200] =	vst v63  }
0xa3: {  	_ =	swait.ge [sflag:s22], $0x80  }
0xa4: {  	[sflag:s22] =	ssyncset.done $0x0  }
0xa5: {  	s20 =	sadd.s32 $0xFFFFFF80, s17;
	[sflag:s22] =	ssyncadd.s32 $0xFFFFFF80  }
0xa6: {  	[tilespmem:s28], [sflag:$0x1] =	stream.indirect.gather [hbm4b:s4+s26], $0x80, s20, s26, $0xb8;
	[tilespmem:$0x1F200] =	vst v63  }
0xa7: {  	_ =	swait.ge [sflag:s24], $0x4000  }
0xa8: {  	[sflag:s24] =	ssyncset.done $0x0  }
0xa9: {  	[sflag:s24] =	ssyncadd.s32 $0xFFFFC000  }
0xaa: {  	[spmem:s2] =	stream.indirect.scatter.add.f32 [tilespmem:s28], [sflag:$0x2], $0x80, s25, s26, $0xb8;
	[tilespmem:$0x1F200] =	vst v63  }
0xab: {  	_ =	swait.ge [sflag:s0], $0x4000  }
0xac: {  	s20 =	sshrl.u32 s19, $0x3;
	[sflag:s0] =	ssyncset.done $0x0  }
0xad: {  	s20 =	sadd.s32 s5, s20;
	[sflag:s0] =	ssyncadd.s32 $0xFFFFC000  }
0xae: {  	[tilespmem:s29], [sflag:$0x4] =	stream.linear.gather [hbm4b:s20+s3], $0x80, $0x38;
	[tilespmem:$0x1F200] =	vst v63  }
0xaf: {  	_ =	swait.ge [sflag:s22], $0x80  }
0xb0: {  	[sflag:s22] =	ssyncset.done $0x0  }
.Ltmp6:
0xb1: {  	[sflag:s22] =	ssyncadd.s32 $0xFFFFFF80;
	(pc) =	sbr.rel @!p0 .LBB2_6-.Ltmp6, $4  }
0xb2: {  	[tilespmem:s30], [sflag:$0x1] =	stream.indirect.gather [hbm4b:s4+s26], $0x80, s17, s26, $0xb8;
	[tilespmem:$0x1F200] =	vst v63  }
0xb3: {  	_ =	swait.ge [sflag:s24], $0x4000  }
0xb4: {  	[sflag:s24] =	ssyncset.done $0x0  }
0xb5: {  	s19 =	sadd.s32 $0x100, s19;
	s17 =	sadd.s32 $0x100, s17;
	[sflag:s24] =	ssyncadd.s32 $0xFFFFC000  }
.LBB2_7:
0xb6: {  	[spmem:s2] =	stream.indirect.scatter.add.f32 [tilespmem:s30], [sflag:$0x3], $0x80, s29, s26, $0xb8;
	[tilespmem:$0x1F200] =	vst v63  }
.LBB2_8:
0xb7: {  	_ =	swait.ge [sflag:s31], $0x4000  }
0xb8: {  	[sflag:s31] =	ssyncset.done $0x0  }
0xb9: {  	[sflag:s31] =	ssyncadd.s32 $0xFFFFC000  }
0xba: {  	_ =	swait.ge [sflag:s0], $0x4000  }
0xbb: {  	[sflag:s0] =	ssyncset.done $0x0  }
0xbc: {  	[sflag:s0] =	ssyncadd.s32 $0xFFFFC000  }
.LBB2_9:
0xbd: {  	s15 =	sshll.u32 s18, $0x1  }
0xbe: {  	p0 =	sle.s32 s16, s15  }
0xbf: {  	s15 =	sshll.u32 @!p0 s18, $0x8  }
0xc0: {  	s16 =	sadd.s32 @!p0 s6, s15  }
0xc1: {  	s16 =	sshrl.u32 @!p0 s16, $0x3  }
0xc2: {  	s17 =	simm.s32 @!p0 $0x0;
	s18 =	simm.s32 @!p0 $0x2880;
	s16 =	sadd.s32 @!p0 s5, s16  }
0xc3: {  	[tilespmem:s18], [sflag:$0x4] =	stream.linear.gather @!p0 [hbm4b:s16+s17], $0x80, $0x38;
	[tilespmem:$0x1F200] =	vst v63  }
0xc4: {  	s16 =	simm.s32 @!p0 $0x4  }
0xc5: {  	_ =	swait.ge @!p0 [sflag:s16], $0x80  }
0xc6: {  	[sflag:s16] =	ssyncset.done @!p0 $0x0  }
0xc7: {  	s19 =	simm.s32 @!p0 $0x2980;
	s17 =	simm.s32 @!p0 $0x80;
	[sflag:s16] =	ssyncadd.s32 @!p0 $0xFFFFFF80  }
0xc8: {  	[tilespmem:s19], [sflag:$0x1] =	stream.indirect.gather @!p0 [hbm4b:s4+s17], $0x80, s15, s17, $0xb8;
	[tilespmem:$0x1F200] =	vst v63  }
0xc9: {  	s15 =	simm.s32 @!p0 $0x1  }
0xca: {  	_ =	swait.ge @!p0 [sflag:s15], $0x4000  }
0xcb: {  	[sflag:s15] =	ssyncset.done @!p0 $0x0  }
0xcc: {  	[sflag:s15] =	ssyncadd.s32 @!p0 $0xFFFFC000  }
0xcd: {  	[spmem:s2] =	stream.indirect.scatter.add.f32 @!p0 [tilespmem:s19], [sflag:$0x4], $0x80, s18, s17, $0xb8;
	[tilespmem:$0x1F200] =	vst v63  }
0xce: {  	_ =	swait.ge @!p0 [sflag:s16], $0x4000  }
0xcf: {  	[sflag:s16] =	ssyncset.done @!p0 $0x0  }
0xd0: {  	[sflag:s16] =	ssyncadd.s32 @!p0 $0xFFFFC000  }
0xd1: {  	[tilespmem:s23], [sflag:$0x4] =	stream.linear.gather [hbm4b:s11+s3], $0x10, $0x38;
	[tilespmem:$0x1F200] =	vst v63  }
0xd2: {  	_ =	swait.ge [sflag:s22], $0x10  }
0xd3: {  	[sflag:s22] =	ssyncset.done $0x0  }
0xd4: {  	[sflag:s22] =	ssyncadd.s32 $0xFFFFFFF0  }
0xd5: {  	v1 =	vld [tilespmem:$0x14D80];
	_ =	sdelay $0x4  }
0xd6: {  	v1 =	vxor.u32 $0x80000000, v1  }
0xd7: {  	(xrf0) =	vmax.scan.msk.u32 $0xffff, v1;
	_ =	sdelay $0x5  }
0xd8: {  	v1, _, _ =	vpop (xrf0)  }
0xd9: {  	(v2sf) =	vpush v1, $0xF;
	_ =	sdelay $0xe  }
0xda: {  	s19 =	spop (v2sf)  }
0xdb: {  	s20 =	sxor.u32 $0x80000000, s19  }
0xdc: {  	p1 =	sgt.s32 s19, $0xFFFFFFFF;
	s15 =	sand.u32 $0x7F, s19;
	p3 =	slt.s32 s20, $0x1  }
0xdd: {  	s18 =	sshra.s32 s20, $0x1F;
	p4 =	sne.s32 s15, $0x0;
	p0 =	por p1, p3  }
0xde: {  	s19 =	sshrl.u32 s18, $0x19;
	p0 =	por !p4, !p0  }
0xdf: {  	s16 =	simm.s32 $0x1;
	s15 =	sadd.s32 s19, s20;
	p0 =	por !p0, !p0  }
0xe0: {  	s15 =	sshra.s32 s15, $0x7;
	s16 =	simm.s32 @!p0 $0x0  }
0xe1: {  	s16 =	ssub.s32 s15, s16  }
0xe2: {  	s15 =	sand.u32 $0x1, s16  }
0xe3: {  	p5 =	slt.s32 s16, $0x1;
	p6 =	seq.s32 s15, $0x1  }
0xe4: {  	s20 =	sshrl.u32 s16, $0x1F;
	p0 =	por !p5, !p6  }
0xe5: {  	s17 =	simm.s32 $0x1;
	s15 =	sadd.s32 s20, s16;
	p0 =	por !p0, !p0  }
0xe6: {  	s15 =	sshra.s32 s15, $0x1;
	s17 =	simm.s32 @!p0 $0x0  }
0xe7: {  	s18 =	ssub.s32 s15, s17  }
0xe8: {  	p1 =	slt.s32 s18, $0x1  }
.Ltmp7:
0xe9: {  	_ = 	snop;
	(pc) =	sbr.rel @p1 .LBB2_15-.Ltmp7, $4  }
0xea: {  	[tilespmem:s3], [sflag:$0x4] =	stream.linear.gather [hbm4b:s12+s3], $0x2810, $0x38;
	[tilespmem:$0x1F200] =	vst v63  }
0xeb: {  	_ =	swait.ge [sflag:s22], $0x2810  }
0xec: {  	[sflag:s22] =	ssyncset.done $0x0  }
0xed: {  	[sflag:s22] =	ssyncadd.s32 $0xFFFFD7F0  }
0xee: {  	s17 =	rddreg [dreg:$0x6]  }
0xef: {  	[tilespmem:s25], [sflag:$0x4] =	stream.linear.gather [hbm4b:s17+s3], $0x80, $0x38;
	[tilespmem:$0x1F200] =	vst v63  }
0xf0: {  	_ =	swait.ge [sflag:s22], $0x80  }
0xf1: {  	[sflag:s22] =	ssyncset.done $0x0  }
0xf2: {  	[sflag:s22] =	ssyncadd.s32 $0xFFFFFF80  }
0xf3: {  	[tilespmem:s28], [sflag:$0x1] =	stream.indirect.gather [hbm4b:s4+s26], $0x80, s3, s26, $0xb8;
	[tilespmem:$0x1F200] =	vst v63  }
0xf4: {  	_ =	swait.ge [sflag:s24], $0x4000  }
0xf5: {  	[sflag:s24] =	ssyncset.done $0x0  }
0xf6: {  	[sflag:s24] =	ssyncadd.s32 $0xFFFFC000  }
0xf7: {  	[spmem:s2] =	stream.indirect.scatter.add.f32 [tilespmem:s28], [sflag:$0x2], $0x80, s25, s26, $0xb8;
	[tilespmem:$0x1F200] =	vst v63  }
0xf8: {  	s20 =	rddreg [dreg:$0x7]  }
0xf9: {  	[tilespmem:s29], [sflag:$0x4] =	stream.linear.gather [hbm4b:s20+s3], $0x80, $0x38;
	[tilespmem:$0x1F200] =	vst v63  }
0xfa: {  	_ =	swait.ge [sflag:s22], $0x80  }
0xfb: {  	[sflag:s22] =	ssyncset.done $0x0  }
0xfc: {  	p1 =	seq.s32 s18, $0x1;
	[sflag:s22] =	ssyncadd.s32 $0xFFFFFF80  }
0xfd: {  	[tilespmem:s30], [sflag:$0x1] =	stream.indirect.gather [hbm4b:s4+s26], $0x80, s26, s26, $0xb8;
	[tilespmem:$0x1F200] =	vst v63  }
.Ltmp8:
0xfe: {  	_ = 	snop;
	(pc) =	sbr.rel @p1 .LBB2_14-.Ltmp8, $4  }
0xff: {  	_ =	swait.ge [sflag:s24], $0x4000  }
0x100: {  	[sflag:s24] =	ssyncset.done $0x0  }
0x101: {  	[sflag:s24] =	ssyncadd.s32 $0xFFFFC000  }
0x102: {  	[spmem:s2] =	stream.indirect.scatter.add.f32 [tilespmem:s30], [sflag:$0x3], $0x80, s29, s26, $0xb8;
	[tilespmem:$0x1F200] =	vst v63  }
0x103: {  	_ =	swait.ge [sflag:s31], $0x4000  }
0x104: {  	s20 =	rddreg [dreg:$0x9]  }
0x105: {  	s17 =	sadd.s32 $0xFFFFFF80, s20  }
0x106: {  	[sflag:s31] =	ssyncset.done $0x0;
	s17 =	sshrl.u32 s17, $0x3  }
0x107: {  	[sflag:s31] =	ssyncadd.s32 $0xFFFFC000;
	s17 =	sadd.s32 s5, s17  }
0x108: {  	[tilespmem:s25], [sflag:$0x4] =	stream.linear.gather [hbm4b:s17+s3], $0x80, $0x38;
	[tilespmem:$0x1F200] =	vst v63  }
0x109: {  	_ =	swait.ge [sflag:s22], $0x80  }
0x10a: {  	[sflag:s22] =	ssyncset.done $0x0  }
0x10b: {  	s19 =	simm.s32 $0x100;
	[sflag:s22] =	ssyncadd.s32 $0xFFFFFF80  }
0x10c: {  	[tilespmem:s28], [sflag:$0x1] =	stream.indirect.gather [hbm4b:s4+s26], $0x80, s19, s26, $0xb8;
	[tilespmem:$0x1F200] =	vst v63  }
0x10d: {  	_ =	swait.ge [sflag:s24], $0x4000  }
0x10e: {  	[sflag:s24] =	ssyncset.done $0x0  }
0x10f: {  	s19 =	simm.s32 $0xFFFFFFFF;
	[sflag:s24] =	ssyncadd.s32 $0xFFFFC000  }
0x110: {  	[spmem:s2] =	stream.indirect.scatter.add.f32 [tilespmem:s28], [sflag:$0x2], $0x80, s25, s26, $0xb8;
	[tilespmem:$0x1F200] =	vst v63  }
0x111: {  	s19 =	simm.s32 @!p0 $0x0;
	_ =	swait.ge [sflag:s0], $0x4000  }
0x112: {  	s17 =	sshrl.u32 s20, $0x3;
	s15 =	sadd.s32 s19, s15;
	[sflag:s0] =	ssyncset.done $0x0  }
0x113: {  	s17 =	sadd.s32 s5, s17;
	s15 =	ssub.s32 $0x1, s15;
	[sflag:s0] =	ssyncadd.s32 $0xFFFFC000  }
0x114: {  	[tilespmem:s29], [sflag:$0x4] =	stream.linear.gather [hbm4b:s17+s3], $0x80, $0x38;
	[tilespmem:$0x1F200] =	vst v63  }
0x115: {  	s15 =	sadd.s32 $0x1, s15;
	_ =	swait.ge [sflag:s22], $0x80  }
0x116: {  	p0 =	seq.s32 s15, $0x0;
	[sflag:s22] =	ssyncset.done $0x0  }
.Ltmp9:
0x117: {  	s19 =	simm.s32 $0x180;
	[sflag:s22] =	ssyncadd.s32 $0xFFFFFF80;
	(pc) =	sbr.rel @p0 .LBB2_13-.Ltmp9, $4  }
0x118: {  	[tilespmem:s30], [sflag:$0x1] =	stream.indirect.gather [hbm4b:s4+s26], $0x80, s19, s26, $0xb8;
	[tilespmem:$0x1F200] =	vst v63  }
0x119: {  	_ =	swait.ge [sflag:s24], $0x4000  }
0x11a: {  	[sflag:s24] =	ssyncset.done $0x0  }
0x11b: {  	s17 =	simm.s32 $0x280;
	s19 =	sadd.s32 $0x100, s20;
	[sflag:s24] =	ssyncadd.s32 $0xFFFFC000  }
.LBB2_12:
0x11c: {  	[spmem:s2] =	stream.indirect.scatter.add.f32 [tilespmem:s30], [sflag:$0x3], $0x80, s29, s26, $0xb8;
	[tilespmem:$0x1F200] =	vst v63  }
0x11d: {  	s20 =	sadd.s32 $0xFFFFFF80, s19;
	s15 =	sadd.s32 $0x1, s15;
	_ =	swait.ge [sflag:s31], $0x4000  }
0x11e: {  	s20 =	sshrl.u32 s20, $0x3;
	p0 =	seq.s32 s15, $0x0;
	[sflag:s31] =	ssyncset.done $0x0  }
0x11f: {  	s20 =	sadd.s32 s5, s20;
	[sflag:s31] =	ssyncadd.s32 $0xFFFFC000  }
0x120: {  	[tilespmem:s25], [sflag:$0x4] =	stream.linear.gather [hbm4b:s20+s3], $0x80, $0x38;
	[tilespmem:$0x1F200] =	vst v63  }
0x121: {  	_ =	swait.ge [sflag:s22], $0x80  }
0x122: {  	[sflag:s22] =	ssyncset.done $0x0  }
0x123: {  	s20 =	sadd.s32 $0xFFFFFF80, s17;
	[sflag:s22] =	ssyncadd.s32 $0xFFFFFF80  }
0x124: {  	[tilespmem:s28], [sflag:$0x1] =	stream.indirect.gather [hbm4b:s4+s26], $0x80, s20, s26, $0xb8;
	[tilespmem:$0x1F200] =	vst v63  }
0x125: {  	_ =	swait.ge [sflag:s24], $0x4000  }
0x126: {  	[sflag:s24] =	ssyncset.done $0x0  }
0x127: {  	[sflag:s24] =	ssyncadd.s32 $0xFFFFC000  }
0x128: {  	[spmem:s2] =	stream.indirect.scatter.add.f32 [tilespmem:s28], [sflag:$0x2], $0x80, s25, s26, $0xb8;
	[tilespmem:$0x1F200] =	vst v63  }
0x129: {  	_ =	swait.ge [sflag:s0], $0x4000  }
0x12a: {  	s20 =	sshrl.u32 s19, $0x3;
	[sflag:s0] =	ssyncset.done $0x0  }
0x12b: {  	s20 =	sadd.s32 s5, s20;
	[sflag:s0] =	ssyncadd.s32 $0xFFFFC000  }
0x12c: {  	[tilespmem:s29], [sflag:$0x4] =	stream.linear.gather [hbm4b:s20+s3], $0x80, $0x38;
	[tilespmem:$0x1F200] =	vst v63  }
0x12d: {  	_ =	swait.ge [sflag:s22], $0x80  }
0x12e: {  	[sflag:s22] =	ssyncset.done $0x0  }
.Ltmp10:
0x12f: {  	[sflag:s22] =	ssyncadd.s32 $0xFFFFFF80;
	(pc) =	sbr.rel @!p0 .LBB2_12-.Ltmp10, $4  }
0x130: {  	[tilespmem:s30], [sflag:$0x1] =	stream.indirect.gather [hbm4b:s4+s26], $0x80, s17, s26, $0xb8;
	[tilespmem:$0x1F200] =	vst v63  }
0x131: {  	_ =	swait.ge [sflag:s24], $0x4000  }
0x132: {  	[sflag:s24] =	ssyncset.done $0x0  }
0x133: {  	s19 =	sadd.s32 $0x100, s19;
	s17 =	sadd.s32 $0x100, s17;
	[sflag:s24] =	ssyncadd.s32 $0xFFFFC000  }
.Ltmp11:
0x134: {  	_ = 	snop;
	(pc) =	sbr.rel .LBB2_13-.Ltmp11, $1  }
0x135: {  	_ =	sdelay $0x3  }
.LBB2_16:
0x136: {  	_ =	sfence.sel $0x180000  }
0x137: {  	[bflag:$0x0] =	sbarrier.arrive $0xFFFF  }
0x138: {  	_ =	strace $0x9000004D  }
0x139: {  	s0 =	stileid.u32;
	[bflag:$0x2] =	sbarrier.arrive $0xFFFF  }
0x13a: {  	p0 =	sne.s32 s0, $0x0;
	s0 =	rddreg [dreg:$0x3]  }
0x13b: {  	s0 =	sadd.s32 @!p0 $0x100000, s0  }
0x13c: {  	[sflag:s0] =	ssyncadd.tile.s32 @!p0 $0x1;
	_ =	shalt  }
.Lfunc_end2:
_tile_overlayer_lowered:
.L_overlay_start_2:
0x13d: {  	(tag) =	ssettag $0x2  }
0x13e: {  	s0 =	rddreg [dreg:$0x0];
	s2 =	stileid.u32  }
0x13f: {  	s1 =	rddreg [dreg:$0x1];
	p0 =	sne.s32 s2, $0x0  }
0x140: {  	s3 =	rddreg [dreg:$0x2];
	[bflag:$0x3] =	sbarrier.arrive $0xFFFF;
	s2 =	simm.s32 @!p0 $0x1C04  }
0x141: {  	[timem:s3], [sflag:s2] =	dma.local @!p0 [hbm:s0], s1  }
0x142: {  	s0 =	simm.s32 @!p0 $0x4  }
0x143: {  	_ =	swait.ge @!p0 [sflag:s0], s1  }
0x144: {  	s1 =	ssub.s32 @!p0 $0x0, s1;
	[sflag:s0] =	ssyncset.done @!p0 $0x0  }
0x145: {  	[sflag:s0] =	ssyncadd.s32 @!p0 s1  }
0x146: {  	[bflag:$0x3] =	sbarrier.arrive $0xFFFF  }
0x147: {  	_ =	shalt  }

// kernel: kernel.18.cloned.1.call-start
scs
__scs_entry_jumppad:
0x0: {  	(pc) =	sbr.rel $0x88, $3  }
0x1: {  	(tag) =	ssettag $0x0;
	lr =	simm.s32 $0x1  }
0x2: {  	[smem:$0x3F92] =	sst lr;
	_ =	strace $0xD0000000  }
0x3: {  	_ = 	snop  }
0x4: {  	_ = 	snop  }
0x5: {  	_ = 	snop  }
0x6: {  	_ = 	snop  }
0x7: {  	_ = 	snop  }
__scs_overlays_trampoline_lowered:
0x8: {  	[smem:$0x3FA1] =	sst s0  }
0x9: {  	[smem:$0x3FA2] =	sst s1  }
0xa: {  	[smem:$0x3FA3] =	sst s2  }
0xb: {  	[smem:$0x3FA4] =	sst s3  }
0xc: {  	[smem:$0x3FA5] =	sst s4  }
0xd: {  	[smem:$0x3FA6] =	sst s5  }
0xe: {  	[smem:$0x3FA7] =	sst s6  }
0xf: {  	[smem:$0x3FA8] =	sst s7  }
0x10: {  	[smem:$0x3FA9] =	sst s8  }
0x11: {  	[smem:$0x3FAA] =	sst s9;
	s0 =	simm.s32 @!p0 $0x0  }
0x12: {  	s1 =	sld [smem:$0x3F90];
	s0 =	simm.s32 @p0 $0x1  }
0x13: {  	[smem:$0x3FAB] =	sst s0;
	s0 =	simm.s32 @!p1 $0x0  }
0x14: {  	s2 =	sld [smem:$0x3F8F];
	s0 =	simm.s32 @p1 $0x1  }
0x15: {  	[smem:$0x3FAC] =	sst s0;
	s0 =	simm.s32 @!p2 $0x0  }
0x16: {  	s3 =	sld [smem:$0x3FDB];
	s0 =	simm.s32 @p2 $0x1  }
0x17: {  	s4 =	simm.s32 $0x1BF5;
	[smem:$0x3FAE] =	sst s0  }
0x18: {  	s0 =	sld [smem:$0x3F91];
	_ =	swait.ge [sflag:s4], $0x0  }
0x19: {  	s7 =	sld [smem:$0x3F92]  }
0x1a: {  	s8 =	sadd.s32 $0xFFFFE003, lr  }
0x1b: {  	s9 =	sadd.s32 $0xFFFFFEF7, lr;
	s5 =	simm.s32 $0xFFFFFFFF;
	p2 =	slt.u32 s8, $0xFFFFF086  }
0x1c: {  	p1 =	slt.u32 s9, $0xF7A;
	s5 =	simm.s32 @!p2 $0x0  }
0x1d: {  	s5 =	simm.s32 @p1 $0x1;
	p0 =	seq.s32 s7, s2  }
0x1e: {  	s7 =	smul.u32 @!p0 $0xF7A, s2;
	p2 =	seq.s32 @!p0 s5, $0x0  }
0x1f: {  	s9 =	smul.u32 $0xF7A, s1;
	s8 =	simm.s32 @!p0 $0x1BF5;
	p2 =	por !p2, p0  }
0x20: {  	[sflag:s8] =	ssyncset.s32 @!p0 $0xFFFFF086;
	s6 =	sadd.s32 @!p0 s3, s7;
	s7 =	simm.s32 @!p0 $0x108  }
0x21: {  	s3 =	sadd.s32 s3, s9;
	s6 =	sadd.s32 @!p0 $0x88, s6;
	s7 =	simm.s32 @p2 $0x1082  }
0x22: {  	[simem:s7], [sflag:s8] =	dma.local @!p0 [hbm:s6], $0xF7A  }
0x23: {  	s9 =	sor.u32 $0xD0000000, s2;
	s6 =	simm.s32 $0x108;
	_ =	swait.ge @!p0 [sflag:s8], $0x0  }
0x24: {  	s3 =	sadd.s32 $0x88, s3;
	s6 =	simm.s32 @!p1 $0x1082;
	[sflag:s4] =	ssyncset.s32 $0xFFFFF086  }
0x25: {  	[simem:s6], [sflag:s4] =	dma.local [hbm:s3], $0xF7A  }
0x26: {  	[smem:$0x3F92] =	sst s1;
	(tag) =	ssettag s2;
	_ =	strace s9  }
0x27: {  	s1 =	sld [smem:$0x3FA2]  }
0x28: {  	s2 =	sld [smem:$0x3FA3]  }
0x29: {  	s4 =	sld [smem:$0x3FA5]  }
0x2a: {  	p0 =	seq.s32 s5, $0x0;
	s5 =	sld [smem:$0x3FA6]  }
0x2b: {  	s6 =	sld [smem:$0x3FA7]  }
0x2c: {  	s7 =	sld [smem:$0x3FA8]  }
0x2d: {  	s3 =	simm.s32 $0x108;
	s8 =	sld [smem:$0x3FA9]  }
0x2e: {  	s3 =	simm.s32 @!p0 $0x1082;
	s9 =	sld [smem:$0x3FAA]  }
0x2f: {  	lr =	sadd.s32 s0, s3;
	s0 =	sld [smem:$0x3FA1]  }
0x30: {  	s3 =	sld [smem:$0x3FA4]  }
0x31: {  	[smem:$0x3FAD] =	sst s10  }
0x32: {  	s10 =	sld [smem:$0x3FAB];
	_ =	sdelay $0x3  }
0x33: {  	p0 =	seq.s32 s10, $0x1;
	s10 =	sld [smem:$0x3FAD];
	_ =	sdelay $0x3  }
0x34: {  	[smem:$0x3FAD] =	sst s10  }
0x35: {  	s10 =	sld [smem:$0x3FAC];
	_ =	sdelay $0x3  }
0x36: {  	p1 =	seq.s32 s10, $0x1;
	s10 =	sld [smem:$0x3FAD];
	_ =	sdelay $0x3  }
0x37: {  	[smem:$0x3FAD] =	sst s10  }
0x38: {  	s10 =	sld [smem:$0x3FAE]  }
0x39: {  	_ = 	snop;
	(pc) =	sbr.ind lr, $3  }
0x3a: {  	_ = 	snop  }
0x3b: {  	_ = 	snop  }
0x3c: {  	p2 =	seq.s32 s10, $0x1;
	s10 =	sld [smem:$0x3FAD]  }
0x3d: {  	_ =	shalt  }
0x3e: {  	_ =	shalt  }
0x3f: {  	_ =	shalt  }
0x40: {  	_ =	shalt  }
0x41: {  	_ =	shalt  }
0x42: {  	_ =	shalt  }
0x43: {  	_ =	shalt  }
0x44: {  	_ =	shalt  }
0x45: {  	_ =	shalt  }
0x46: {  	_ =	shalt  }
0x47: {  	_ =	shalt  }
0x48: {  	_ =	shalt  }
0x49: {  	_ =	shalt  }
0x4a: {  	_ =	shalt  }
0x4b: {  	_ =	shalt  }
0x4c: {  	_ =	shalt  }
0x4d: {  	_ =	shalt  }
0x4e: {  	_ =	shalt  }
0x4f: {  	_ =	shalt  }
0x50: {  	_ =	shalt  }
0x51: {  	_ =	shalt  }
0x52: {  	_ =	shalt  }
0x53: {  	_ =	shalt  }
0x54: {  	_ =	shalt  }
0x55: {  	_ =	shalt  }
0x56: {  	_ =	shalt  }
0x57: {  	_ =	shalt  }
0x58: {  	_ =	shalt  }
0x59: {  	_ =	shalt  }
0x5a: {  	_ =	shalt  }
0x5b: {  	_ =	shalt  }
0x5c: {  	_ =	shalt  }
0x5d: {  	_ =	shalt  }
0x5e: {  	_ =	shalt  }
0x5f: {  	_ =	shalt  }
0x60: {  	_ =	shalt  }
0x61: {  	_ =	shalt  }
0x62: {  	_ =	shalt  }
0x63: {  	_ =	shalt  }
0x64: {  	_ =	shalt  }
0x65: {  	_ =	shalt  }
0x66: {  	_ =	shalt  }
0x67: {  	_ =	shalt  }
0x68: {  	_ =	shalt  }
0x69: {  	_ =	shalt  }
0x6a: {  	_ =	shalt  }
0x6b: {  	_ =	shalt  }
0x6c: {  	_ =	shalt  }
0x6d: {  	_ =	shalt  }
0x6e: {  	_ =	shalt  }
0x6f: {  	_ =	shalt  }
0x70: {  	_ =	shalt  }
0x71: {  	_ =	shalt  }
0x72: {  	_ =	shalt  }
0x73: {  	_ =	shalt  }
0x74: {  	_ =	shalt  }
0x75: {  	_ =	shalt  }
0x76: {  	_ =	shalt  }
0x77: {  	_ =	shalt  }
0x78: {  	_ =	shalt  }
0x79: {  	_ =	shalt  }
0x7a: {  	_ =	shalt  }
0x7b: {  	_ =	shalt  }
0x7c: {  	_ =	shalt  }
0x7d: {  	_ =	shalt  }
0x7e: {  	_ =	shalt  }
0x7f: {  	_ =	shalt  }
0x80: {  	_ =	shalt  }
0x81: {  	_ =	shalt  }
0x82: {  	_ =	shalt  }
0x83: {  	_ =	shalt  }
0x84: {  	_ =	shalt  }
0x85: {  	_ =	shalt  }
0x86: {  	_ =	shalt  }
0x87: {  	_ =	shalt  }
.Lfunc_end0:
.L_simem_size_0:
called_computation.3_lowered:
.L_overlay_start_0:
0x88: {  	s2 =	sld [smem:$0x3FD9]  }
0x89: {  	s3 =	sld [smem:$0x3FFE];
	_ =	sdelay $0x1  }
0x8a: {  	s1 =	srdreg.scid  }
0x8b: {  	s0 =	sand.u32 $0x1, s1  }
0x8c: {  	s17 =	sshll.u32 s0, $0xA;
	s2 =	sadd.s32 s3, s2  }
0x8d: {  	s2 =	sadd.s32 s2, s17  }
0x8e: {  	[smem:$0x3FB9] =	sst s2  }
0x8f: {  	_ = 	snop  }
0x90: {  	s2 =	sld [smem:$0x3FD0];
	(tm) =	ssettm $0x1  }
0x91: {  	s18 =	sld [smem:$0x3FFB];
	_ =	sdelay $0x3  }
0x92: {  	_ =	strace s18  }
0x93: {  	s3 =	sld [smem:$0x3FFC];
	_ =	sdelay $0x3  }
0x94: {  	_ =	strace s3  }
0x95: {  	s3 =	sld [smem:$0x3FFD];
	_ =	sdelay $0x3  }
0x96: {  	_ =	strace s3  }
0x97: {  	_ =	strace $0x8FFFFFFF  }
0x98: {  	s19 =	sld [smem:$0x3FDB];
	_ =	sdelay $0x1  }
0x99: {  	s4 =	simm.s32 $_scs_section_size  }
0x9a: {  	s5 =	simm.s32 $_size__tile_overlayer_lowered;
	s6 =	simm.s32 $_tile_overlayer_lowered  }
0x9b: {  	s22 =	simm.s32 $0x1BFF;
	s21 =	sshll.u32 s6, $0x1;
	s3 =	sadd.s32 s4, s19  }
0x9c: {  	s7 =	simm.s32 $0x0;
	s20 =	sshll.u32 s5, $0x1;
	s5 =	sadd.s32 s21, s3  }
0x9d: {  	[timem:s7], [sflag:s22] =	dma.local [hbm:s5], s20  }
0x9e: {  	_ =	swait.ge [sflag:s22], s20  }
0x9f: {  	s4 =	ssub.s32 $0x0, s20;
	[sflag:s22] =	ssyncset.done $0x0  }
0xa0: {  	[sflag:s22] =	ssyncadd.s32 s4;
	_ =	sdelay $0x1  }
0xa1: {  	s23 =	simm.s32 $0x1B8B  }
0xa2: {  	_ =	swait.ge [sflag:s23], $0x1  }
0xa3: {  	[sflag:s23] =	ssyncset.done $0x0  }
0xa4: {  	s25 =	simm.s32 $0x1B8E;
	s24 =	sld [smem:$0x3FFE];
	[sflag:s23] =	ssyncadd.s32 $0xFFFFFFFF  }
0xa5: {  	s26 =	simm.s32 $execute0_lowered;
	[smem:$0x3FD2] =	sst s25  }
0xa6: {  	s5 =	sshll.u32 s26, $0x1;
	_ =	strace $0x8000004F;
	[dreg:$0x1] =	wrdreg $0xFFFFFFFF  }
0xa7: {  	s28 =	simm.s32 $_size_execute0_lowered;
	s3 =	sadd.s32 s3, s5;
	[dreg:$0x0] =	wrdreg $0x0  }
0xa8: {  	s5 =	sshll.u32 s28, $0x1;
	[dreg:$0x2] =	wrdreg s3  }
0xa9: {  	[dreg:$0x3] =	wrdreg s5  }
0xaa: {  	[dreg:$0x4] =	wrdreg $0xC0  }
0xab: {  	_ =	task [dreg:s7], $0x5FFFF  }
0xac: {  	[dreg:$0x1] =	wrdreg $0xFFFFFFFF  }
0xad: {  	[dreg:$0x0] =	wrdreg $0x60  }
0xae: {  	[dreg:$0x2] =	wrdreg s2  }
0xaf: {  	[dreg:$0x3] =	wrdreg s24  }
0xb0: {  	[dreg:$0x4] =	wrdreg $0x9  }
0xb1: {  	_ =	task.clear_ibuf [dreg:s7], $0x5FFFF;
	_ =	strace $0x9000004F  }
0xb2: {  	s29 =	simm.s32 $0x9;
	_ =	strace $0x80000051  }
0xb3: {  	_ =	swait.ge [sflag:s29], $0x1  }
0xb4: {  	[sflag:s29] =	ssyncadd.s32 $0xFFFFFFFF  }
0xb5: {  	_ =	strace $0x90000051  }
0xb6: {  	_ =	sfence  }
0xb7: {  	s30 =	sld [smem:$0x0];
	_ =	sdelay $0x2  }
0xb8: {  	s31 =	sshll.u32 s1, $0xD;
	s1 =	sshrl.u32 s1, $0x2  }
0xb9: {  	s3 =	sand.u32 $0x4000, s31;
	s1 =	sadd.s32 s1, s30  }
0xba: {  	s0 =	sor.u32 s3, s0;
	s1 =	sshll.u32 s1, $0x11  }
0xbb: {  	s0 =	sor.u32 s1, s0  }
0xbc: {  	s0 =	sadd.s32 $0x8F2B, s0  }
0xbd: {  	[sflag:s0] =	ssyncadd.remote.s32 $0x1  }
0xbe: {  	_ =	sfence.sel $0xFFFF  }
0xbf: {  	[dreg:$0x0] =	wrdreg $0xFFFFFFFF;
	(pc) =	sbr.abs _section_cstart, $3  }
0xc0: {  	[dreg:$0x1] =	wrdreg $0xFFFFFFFF  }
0xc1: {  	_ =	task.clear_ibuf [dreg:s7], $0x2FFFF;
	_ =	strace $0x9FFFFFFF  }
0xc2: {  	(tm) =	ssettm $0x7FFFFFFF  }
0xc3: {  	_ =	shalt  }
tec
execute0_lowered:
.L_overlay_start_1:
0x0: {  	(tag) =	ssettag $0x1  }
0x1: {  	s2 =	rddreg [dreg:$0x0]  }
0x2: {  	s0 =	srdreg.scid;
	s5 =	rddreg [dreg:$0x1]  }
0x3: {  	s3 =	simm.s32 $0x0;
	s9 =	simm.s32 $0x1;
	s4 =	sand.u32 $0x1, s0  }
0x4: {  	s10 =	simm.s32 $0x2780;
	s0 =	stileid.u32;
	s1 =	sshll.u32 s4, $0x4  }
0x5: {  	s11 =	simm.s32 $0x7700;
	s12 =	simm.s32 $0x0;
	s6 =	sor.u32 s0, s1  }
0x6: {  	[smem:$0x7FF] =	sst s3;
	s4 =	ssub.s32 $0x2, s4;
	s7 =	smul.u32 $0x4E2, s6  }
0x7: {  	s1 =	rddreg [dreg:$0x2];
	s8 =	sshrl.u32 s4, $0x1;
	s6 =	smul.u32 $0x500, s6  }
0x8: {  	_ =	strace $0x80000050;
	s8 =	ssub.s32 s4, s8;
	s7 =	sadd.s32 s7, s5  }
0x9: {  	s6 =	sadd.s32 s6, s5;
	s4 =	sadd.s32 $0xCA00, s7;
	s5 =	sadd.s32 $0x2C00, s7  }
0xa: {  	v0 =	vimm.f32 $0.0e+00;
	s6 =	sadd.s32 $0x16800, s6;
	s7 =	smax.u32 s8, $0x1;
	s8 =	simm.s32 $0x4F00  }
.LBB2_1:
0xb: {  	s13 =	simm.s32 $0x40;
	s14 =	simm.s32 $0x0  }
.LBB2_2:
0xc: {  	p0 =	sne.s32 s13, $0x9FC0;
	[tilespmem:s14+$0x7700] =	vst v0;
	s14 =	smov.u32 s13;
	s13 =	sadd.s32 $0x40, s13  }
.Ltmp0:
0xd: {  	(pc) =	sbr.rel @p0 .LBB2_2-.Ltmp0, $2  }
0xe: {  	_ =	sdelay $0x2  }
0xf: {  	s14 =	sshra.s32 s14, $0x2  }
0x10: {  	[tilespmem:s14+$0x7700] =	vst v0;
	s13 =	simm.s32 $0x0  }
0x11: {  	[tilespmem:s8], [sflag:$0x1] =	stream.linear.gather [hbm4b:s2+s13], $0x2710, $0x38;
	[tilespmem:$0x9F00] =	vst v63  }
0x12: {  	_ =	swait.ge [sflag:s9], $0x2710  }
0x13: {  	[sflag:s9] =	ssyncset.done $0x0  }
0x14: {  	[sflag:s9] =	ssyncadd.s32 $0xFFFFD8F0  }
0x15: {  	[tilespmem:s13], [sflag:$0x1] =	stream.linear.gather [hbm4b:s4+s13], $0x2710, $0x38;
	[tilespmem:$0x9F00] =	vst v63  }
0x16: {  	_ =	swait.ge [sflag:s9], $0x2710  }
0x17: {  	[sflag:s9] =	ssyncset.done $0x0  }
0x18: {  	[sflag:s9] =	ssyncadd.s32 $0xFFFFD8F0  }
0x19: {  	[tilespmem:s10], [sflag:$0x1] =	stream.linear.gather [hbm4b:s5+s13], $0x2710, $0x38;
	[tilespmem:$0x9F00] =	vst v63  }
0x1a: {  	_ =	swait.ge [sflag:s9], $0x2710  }
0x1b: {  	[sflag:s9] =	ssyncset.done $0x0  }
0x1c: {  	s14 =	simm.s32 $0x0;
	s13 =	simm.s32 $0x40;
	[sflag:s9] =	ssyncadd.s32 $0xFFFFD8F0  }
.LBB2_4:
0x1d: {  	p0 =	sne.s32 s13, $0x9C00;
	v1 =	vld [tilespmem:s14+$0x0];
	_ =	sdelay $0x5  }
0x1e: {  	v2 =	vld [tilespmem:s14+$0x2780];
	_ =	sdelay $0x1  }
0x1f: {  	v1 =	vld.idx.msk [tilespmem:v1+s8+$0x0], $0xffff;
	_ =	sdelay $0x1  }
.Ltmp1:
0x20: {  	(pc) =	sbr.rel @p0 .LBB2_4-.Ltmp1, $2  }
0x21: {  	_ =	sdelay $0x2  }
0x22: {  	s14 =	sshra.s32 s13, $0x2;
	s13 =	sadd.s32 $0x40, s13;
	[tilespmem:v2+s11+$0x0] =	vst.idx.add.f32.msk $0xffff, v1  }
0x23: {  	v1 =	vld [tilespmem:s14+$0x0];
	_ =	sdelay $0x4  }
0x24: {  	v2 =	vld [tilespmem:s14+$0x2780];
	_ =	sdelay $0x2  }
0x25: {  	v1 =	vld.idx.msk [tilespmem:v1+s8+$0x0], $0xffff;
	_ =	sdelay $0x2  }
0x26: {  	s12 =	sadd.s32 $0x1, s12  }
0x27: {  	p0 =	sne.s32 s12, s7  }
.Ltmp2:
0x28: {  	[tilespmem:v2+s11+$0x0] =	vst.idx.add.f32.msk $0xffff, v1;
	(pc) =	sbr.rel @p0 .LBB2_1-.Ltmp2, $4  }
0x29: {  	[hbm4b:s6+s3] =	stream.linear.scatter [tilespmem:s11], [sflag:$0x1], $0x2800, $0x38;
	[tilespmem:$0x9F00] =	vst v63  }
0x2a: {  	_ =	swait.ge [sflag:s9], $0x2800  }
0x2b: {  	[sflag:s9] =	ssyncset.done $0x0  }
0x2c: {  	[sflag:s9] =	ssyncadd.s32 $0xFFFFD800  }
0x2d: {  	_ =	sfence.sel $0x180000  }
0x2e: {  	[bflag:$0x0] =	sbarrier.arrive $0xFFFF  }
0x2f: {  	p0 =	sne.s32 s0, $0x0;
	_ =	strace $0x90000050  }
0x30: {  	s0 =	sadd.s32 @!p0 $0x100000, s1;
	[bflag:$0x2] =	sbarrier.arrive $0xFFFF  }
0x31: {  	[sflag:s0] =	ssyncadd.tile.s32 @!p0 $0x1;
	_ =	shalt  }
.Lfunc_end2:
_tile_overlayer_lowered:
.L_overlay_start_2:
0x32: {  	(tag) =	ssettag $0x2  }
0x33: {  	s0 =	rddreg [dreg:$0x0];
	s2 =	stileid.u32  }
0x34: {  	s1 =	rddreg [dreg:$0x1];
	p0 =	sne.s32 s2, $0x0  }
0x35: {  	s3 =	rddreg [dreg:$0x2];
	[bflag:$0x3] =	sbarrier.arrive $0xFFFF;
	s2 =	simm.s32 @!p0 $0x1C01  }
0x36: {  	[timem:s3], [sflag:s2] =	dma.local @!p0 [hbm:s0], s1  }
0x37: {  	s0 =	simm.s32 @!p0 $0x1  }
0x38: {  	_ =	swait.ge @!p0 [sflag:s0], s1  }
0x39: {  	s1 =	ssub.s32 @!p0 $0x0, s1;
	[sflag:s0] =	ssyncset.done @!p0 $0x0  }
0x3a: {  	[sflag:s0] =	ssyncadd.s32 @!p0 s1  }
0x3b: {  	[bflag:$0x3] =	sbarrier.arrive $0xFFFF  }
0x3c: {  	_ =	shalt  }

// kernel: kernel.9.cloned.1.call-start
scs
__scs_entry_jumppad:
0x0: {  	(pc) =	sbr.rel $0x88, $3  }
0x1: {  	(tag) =	ssettag $0x0;
	lr =	simm.s32 $0x1  }
0x2: {  	[smem:$0x3F92] =	sst lr;
	_ =	strace $0xD0000000  }
0x3: {  	_ = 	snop  }
0x4: {  	_ = 	snop  }
0x5: {  	_ = 	snop  }
0x6: {  	_ = 	snop  }
0x7: {  	_ = 	snop  }
__scs_overlays_trampoline_lowered:
0x8: {  	[smem:$0x3FA1] =	sst s0  }
0x9: {  	[smem:$0x3FA2] =	sst s1  }
0xa: {  	[smem:$0x3FA3] =	sst s2  }
0xb: {  	[smem:$0x3FA4] =	sst s3  }
0xc: {  	[smem:$0x3FA5] =	sst s4  }
0xd: {  	[smem:$0x3FA6] =	sst s5  }
0xe: {  	[smem:$0x3FA7] =	sst s6  }
0xf: {  	[smem:$0x3FA8] =	sst s7  }
0x10: {  	[smem:$0x3FA9] =	sst s8  }
0x11: {  	[smem:$0x3FAA] =	sst s9;
	s0 =	simm.s32 @!p0 $0x0  }
0x12: {  	s1 =	sld [smem:$0x3F90];
	s0 =	simm.s32 @p0 $0x1  }
0x13: {  	[smem:$0x3FAB] =	sst s0;
	s0 =	simm.s32 @!p1 $0x0  }
0x14: {  	s2 =	sld [smem:$0x3F8F];
	s0 =	simm.s32 @p1 $0x1  }
0x15: {  	[smem:$0x3FAC] =	sst s0;
	s0 =	simm.s32 @!p2 $0x0  }
0x16: {  	s3 =	sld [smem:$0x3FDB];
	s0 =	simm.s32 @p2 $0x1  }
0x17: {  	s4 =	simm.s32 $0x1BF5;
	[smem:$0x3FAE] =	sst s0  }
0x18: {  	s0 =	sld [smem:$0x3F91];
	_ =	swait.ge [sflag:s4], $0x0  }
0x19: {  	s7 =	sld [smem:$0x3F92]  }
0x1a: {  	s8 =	sadd.s32 $0xFFFFE003, lr  }
0x1b: {  	s9 =	sadd.s32 $0xFFFFFEF7, lr;
	s5 =	simm.s32 $0xFFFFFFFF;
	p2 =	slt.u32 s8, $0xFFFFF086  }
0x1c: {  	p1 =	slt.u32 s9, $0xF7A;
	s5 =	simm.s32 @!p2 $0x0  }
0x1d: {  	s5 =	simm.s32 @p1 $0x1;
	p0 =	seq.s32 s7, s2  }
0x1e: {  	s7 =	smul.u32 @!p0 $0xF7A, s2;
	p2 =	seq.s32 @!p0 s5, $0x0  }
0x1f: {  	s9 =	smul.u32 $0xF7A, s1;
	s8 =	simm.s32 @!p0 $0x1BF5;
	p2 =	por !p2, p0  }
0x20: {  	[sflag:s8] =	ssyncset.s32 @!p0 $0xFFFFF086;
	s6 =	sadd.s32 @!p0 s3, s7;
	s7 =	simm.s32 @!p0 $0x108  }
0x21: {  	s3 =	sadd.s32 s3, s9;
	s6 =	sadd.s32 @!p0 $0x88, s6;
	s7 =	simm.s32 @p2 $0x1082  }
0x22: {  	[simem:s7], [sflag:s8] =	dma.local @!p0 [hbm:s6], $0xF7A  }
0x23: {  	s9 =	sor.u32 $0xD0000000, s2;
	s6 =	simm.s32 $0x108;
	_ =	swait.ge @!p0 [sflag:s8], $0x0  }
0x24: {  	s3 =	sadd.s32 $0x88, s3;
	s6 =	simm.s32 @!p1 $0x1082;
	[sflag:s4] =	ssyncset.s32 $0xFFFFF086  }
0x25: {  	[simem:s6], [sflag:s4] =	dma.local [hbm:s3], $0xF7A  }
0x26: {  	[smem:$0x3F92] =	sst s1;
	(tag) =	ssettag s2;
	_ =	strace s9  }
0x27: {  	s1 =	sld [smem:$0x3FA2]  }
0x28: {  	s2 =	sld [smem:$0x3FA3]  }
0x29: {  	s4 =	sld [smem:$0x3FA5]  }
0x2a: {  	p0 =	seq.s32 s5, $0x0;
	s5 =	sld [smem:$0x3FA6]  }
0x2b: {  	s6 =	sld [smem:$0x3FA7]  }
0x2c: {  	s7 =	sld [smem:$0x3FA8]  }
0x2d: {  	s3 =	simm.s32 $0x108;
	s8 =	sld [smem:$0x3FA9]  }
0x2e: {  	s3 =	simm.s32 @!p0 $0x1082;
	s9 =	sld [smem:$0x3FAA]  }
0x2f: {  	lr =	sadd.s32 s0, s3;
	s0 =	sld [smem:$0x3FA1]  }
0x30: {  	s3 =	sld [smem:$0x3FA4]  }
0x31: {  	[smem:$0x3FAD] =	sst s10  }
0x32: {  	s10 =	sld [smem:$0x3FAB];
	_ =	sdelay $0x3  }
0x33: {  	p0 =	seq.s32 s10, $0x1;
	s10 =	sld [smem:$0x3FAD];
	_ =	sdelay $0x3  }
0x34: {  	[smem:$0x3FAD] =	sst s10  }
0x35: {  	s10 =	sld [smem:$0x3FAC];
	_ =	sdelay $0x3  }
0x36: {  	p1 =	seq.s32 s10, $0x1;
	s10 =	sld [smem:$0x3FAD];
	_ =	sdelay $0x3  }
0x37: {  	[smem:$0x3FAD] =	sst s10  }
0x38: {  	s10 =	sld [smem:$0x3FAE]  }
0x39: {  	_ = 	snop;
	(pc) =	sbr.ind lr, $3  }
0x3a: {  	_ = 	snop  }
0x3b: {  	_ = 	snop  }
0x3c: {  	p2 =	seq.s32 s10, $0x1;
	s10 =	sld [smem:$0x3FAD]  }
0x3d: {  	_ =	shalt  }
0x3e: {  	_ =	shalt  }
0x3f: {  	_ =	shalt  }
0x40: {  	_ =	shalt  }
0x41: {  	_ =	shalt  }
0x42: {  	_ =	shalt  }
0x43: {  	_ =	shalt  }
0x44: {  	_ =	shalt  }
0x45: {  	_ =	shalt  }
0x46: {  	_ =	shalt  }
0x47: {  	_ =	shalt  }
0x48: {  	_ =	shalt  }
0x49: {  	_ =	shalt  }
0x4a: {  	_ =	shalt  }
0x4b: {  	_ =	shalt  }
0x4c: {  	_ =	shalt  }
0x4d: {  	_ =	shalt  }
0x4e: {  	_ =	shalt  }
0x4f: {  	_ =	shalt  }
0x50: {  	_ =	shalt  }
0x51: {  	_ =	shalt  }
0x52: {  	_ =	shalt  }
0x53: {  	_ =	shalt  }
0x54: {  	_ =	shalt  }
0x55: {  	_ =	shalt  }
0x56: {  	_ =	shalt  }
0x57: {  	_ =	shalt  }
0x58: {  	_ =	shalt  }
0x59: {  	_ =	shalt  }
0x5a: {  	_ =	shalt  }
0x5b: {  	_ =	shalt  }
0x5c: {  	_ =	shalt  }
0x5d: {  	_ =	shalt  }
0x5e: {  	_ =	shalt  }
0x5f: {  	_ =	shalt  }
0x60: {  	_ =	shalt  }
0x61: {  	_ =	shalt  }
0x62: {  	_ =	shalt  }
0x63: {  	_ =	shalt  }
0x64: {  	_ =	shalt  }
0x65: {  	_ =	shalt  }
0x66: {  	_ =	shalt  }
0x67: {  	_ =	shalt  }
0x68: {  	_ =	shalt  }
0x69: {  	_ =	shalt  }
0x6a: {  	_ =	shalt  }
0x6b: {  	_ =	shalt  }
0x6c: {  	_ =	shalt  }
0x6d: {  	_ =	shalt  }
0x6e: {  	_ =	shalt  }
0x6f: {  	_ =	shalt  }
0x70: {  	_ =	shalt  }
0x71: {  	_ =	shalt  }
0x72: {  	_ =	shalt  }
0x73: {  	_ =	shalt  }
0x74: {  	_ =	shalt  }
0x75: {  	_ =	shalt  }
0x76: {  	_ =	shalt  }
0x77: {  	_ =	shalt  }
0x78: {  	_ =	shalt  }
0x79: {  	_ =	shalt  }
0x7a: {  	_ =	shalt  }
0x7b: {  	_ =	shalt  }
0x7c: {  	_ =	shalt  }
0x7d: {  	_ =	shalt  }
0x7e: {  	_ =	shalt  }
0x7f: {  	_ =	shalt  }
0x80: {  	_ =	shalt  }
0x81: {  	_ =	shalt  }
0x82: {  	_ =	shalt  }
0x83: {  	_ =	shalt  }
0x84: {  	_ =	shalt  }
0x85: {  	_ =	shalt  }
0x86: {  	_ =	shalt  }
0x87: {  	_ =	shalt  }
.Lfunc_end0:
.L_simem_size_0:
called_computation_lowered:
.L_overlay_start_0:
0x88: {  	s2 =	sld [smem:$0x3FD9]  }
0x89: {  	s3 =	sld [smem:$0x3FFE];
	_ =	sdelay $0x1  }
0x8a: {  	s1 =	srdreg.scid  }
0x8b: {  	s0 =	sand.u32 $0x1, s1  }
0x8c: {  	s17 =	sshll.u32 s0, $0xA;
	s2 =	sadd.s32 s3, s2  }
0x8d: {  	s2 =	sadd.s32 s2, s17  }
0x8e: {  	[smem:$0x3FB9] =	sst s2  }
0x8f: {  	_ = 	snop  }
0x90: {  	s2 =	sld [smem:$0x3FD0];
	(tm) =	ssettm $0x1  }
0x91: {  	s18 =	sld [smem:$0x3FFB];
	_ =	sdelay $0x3  }
0x92: {  	_ =	strace s18  }
0x93: {  	s3 =	sld [smem:$0x3FFC];
	_ =	sdelay $0x3  }
0x94: {  	_ =	strace s3  }
0x95: {  	s3 =	sld [smem:$0x3FFD];
	_ =	sdelay $0x3  }
0x96: {  	_ =	strace s3  }
0x97: {  	_ =	strace $0x8FFFFFFF  }
0x98: {  	s19 =	sld [smem:$0x3FDB];
	_ =	sdelay $0x1  }
0x99: {  	s4 =	simm.s32 $_scs_section_size  }
0x9a: {  	s5 =	simm.s32 $_size__tile_overlayer_lowered;
	s6 =	simm.s32 $_tile_overlayer_lowered  }
0x9b: {  	s22 =	simm.s32 $0x1BFF;
	s21 =	sshll.u32 s6, $0x1;
	s3 =	sadd.s32 s4, s19  }
0x9c: {  	s7 =	simm.s32 $0x0;
	s20 =	sshll.u32 s5, $0x1;
	s5 =	sadd.s32 s21, s3  }
0x9d: {  	[timem:s7], [sflag:s22] =	dma.local [hbm:s5], s20  }
0x9e: {  	_ =	swait.ge [sflag:s22], s20  }
0x9f: {  	s4 =	ssub.s32 $0x0, s20;
	[sflag:s22] =	ssyncset.done $0x0  }
0xa0: {  	[sflag:s22] =	ssyncadd.s32 s4;
	_ =	sdelay $0x1  }
0xa1: {  	s23 =	simm.s32 $0x1B8B  }
0xa2: {  	_ =	swait.ge [sflag:s23], $0x1  }
0xa3: {  	[sflag:s23] =	ssyncset.done $0x0  }
0xa4: {  	s25 =	simm.s32 $0x1B8E;
	s24 =	sld [smem:$0x3FFE];
	[sflag:s23] =	ssyncadd.s32 $0xFFFFFFFF  }
0xa5: {  	s26 =	simm.s32 $execute0_lowered;
	[smem:$0x3FD2] =	sst s25  }
0xa6: {  	s5 =	sshll.u32 s26, $0x1;
	_ =	strace $0x80000046;
	[dreg:$0x1] =	wrdreg $0xFFFFFFFF  }
0xa7: {  	s28 =	simm.s32 $_size_execute0_lowered;
	s3 =	sadd.s32 s3, s5;
	[dreg:$0x0] =	wrdreg $0x0  }
0xa8: {  	s5 =	sshll.u32 s28, $0x1;
	[dreg:$0x2] =	wrdreg s3  }
0xa9: {  	[dreg:$0x3] =	wrdreg s5  }
0xaa: {  	[dreg:$0x4] =	wrdreg $0xC0  }
0xab: {  	_ =	task [dreg:s7], $0x5FFFF  }
0xac: {  	[dreg:$0x1] =	wrdreg $0xFFFFFFFF  }
0xad: {  	[dreg:$0x0] =	wrdreg $0x60  }
0xae: {  	[dreg:$0x2] =	wrdreg s24  }
0xaf: {  	[dreg:$0x3] =	wrdreg s2  }
0xb0: {  	[dreg:$0x4] =	wrdreg $0x9  }
0xb1: {  	_ =	task.clear_ibuf [dreg:s7], $0x5FFFF;
	_ =	strace $0x90000046  }
0xb2: {  	s29 =	simm.s32 $0x9;
	_ =	strace $0x80000048  }
0xb3: {  	_ =	swait.ge [sflag:s29], $0x1  }
0xb4: {  	[sflag:s29] =	ssyncadd.s32 $0xFFFFFFFF  }
0xb5: {  	_ =	strace $0x90000048  }
0xb6: {  	_ =	sfence  }
0xb7: {  	s30 =	sld [smem:$0x0];
	_ =	sdelay $0x2  }
0xb8: {  	s31 =	sshll.u32 s1, $0xD;
	s1 =	sshrl.u32 s1, $0x2  }
0xb9: {  	s3 =	sand.u32 $0x4000, s31;
	s1 =	sadd.s32 s1, s30  }
0xba: {  	s0 =	sor.u32 s3, s0;
	s1 =	sshll.u32 s1, $0x11  }
0xbb: {  	s0 =	sor.u32 s1, s0  }
0xbc: {  	s0 =	sadd.s32 $0x8F2B, s0  }
0xbd: {  	[sflag:s0] =	ssyncadd.remote.s32 $0x1  }
0xbe: {  	_ =	sfence.sel $0xFFFF  }
0xbf: {  	[dreg:$0x0] =	wrdreg $0xFFFFFFFF;
	(pc) =	sbr.abs _section_cstart, $3  }
0xc0: {  	[dreg:$0x1] =	wrdreg $0xFFFFFFFF  }
0xc1: {  	_ =	task.clear_ibuf [dreg:s7], $0x2FFFF;
	_ =	strace $0x9FFFFFFF  }
0xc2: {  	(tm) =	ssettm $0x7FFFFFFF  }
0xc3: {  	_ =	shalt  }
tec
execute0_lowered:
.L_overlay_start_1:
0x0: {  	(tag) =	ssettag $0x1  }
0x1: {  	s4 =	rddreg [dreg:$0x0]  }
0x2: {  	s0 =	srdreg.scid;
	s10 =	rddreg [dreg:$0x1];
	s2 =	simm.s32 $0x0  }
0x3: {  	s15 =	simm.s32 $0x7780;
	s16 =	simm.s32 $0xA000;
	s17 =	simm.s32 $0xC880  }
0x4: {  	s18 =	simm.s32 $0xF100;
	s19 =	simm.s32 $0x0;
	s3 =	sand.u32 $0x1, s0  }
0x5: {  	s0 =	stileid.u32;
	[smem:$0x7FF] =	sst s2;
	s7 =	sadd.s32 $0x16800, s4  }
0x6: {  	s9 =	sadd.s32 $0x2AA00, s4;
	s1 =	sshll.u32 s3, $0x4;
	s3 =	ssub.s32 $0x2, s3  }
0x7: {  	s8 =	sor.u32 s0, s1;
	s1 =	rddreg [dreg:$0x2];
	_ =	strace $0x80000047  }
0x8: {  	s31 =	sshrl.u32 s3, $0x1;
	s5 =	smul.u32 $0x4E2, s8;
	s11 =	sor.u32 $0x20, s8  }
0x9: {  	s6 =	smul.u32 $0x502, s8;
	s12 =	ssub.s32 s3, s31;
	s14 =	sshll.u32 s8, $0x1  }
0xa: {  	s13 =	smul.u32 $0x502, s11;
	s11 =	sshll.u32 s11, $0x1;
	s5 =	sadd.s32 s5, s4  }
0xb: {  	s3 =	sadd.s32 $0xCA00, s5;
	s4 =	sadd.s32 $0x2C00, s5;
	s5 =	sadd.s32 s7, s6  }
0xc: {  	s6 =	sadd.s32 s9, s6;
	s7 =	sadd.s32 s7, s13;
	s8 =	sadd.s32 s9, s13  }
0xd: {  	v1 =	vlaneseq.u32;
	s9 =	sadd.s32 s10, s14;
	s10 =	sadd.s32 s10, s11;
	s11 =	smax.u32 s12, $0x1  }
0xe: {  	v0 =	vimm.s32 $0x0;
	v2 =	vimm.s32 $0x1400;
	v1 =	vor.u32 $0x2800, v1;
	s12 =	simm.s32 $0x1;
	s13 =	simm.s32 $0x2780;
	s14 =	simm.s32 $0x4F00  }
.LBB2_1:
0xf: {  	[tilespmem:s2], [sflag:$0x1] =	stream.linear.gather [hbm4b:s3+s2], $0x2710, $0x38;
	[tilespmem:$0xF180] =	vst v63  }
0x10: {  	_ =	swait.ge [sflag:s12], $0x2710  }
0x11: {  	[sflag:s12] =	ssyncset.done $0x0  }
0x12: {  	[sflag:s12] =	ssyncadd.s32 $0xFFFFD8F0  }
0x13: {  	[tilespmem:s13], [sflag:$0x1] =	stream.linear.gather [hbm4b:s4+s2], $0x2710, $0x38;
	[tilespmem:$0xF180] =	vst v63  }
0x14: {  	_ =	swait.ge [sflag:s12], $0x2710  }
0x15: {  	[sflag:s12] =	ssyncset.done $0x0  }
0x16: {  	s20 =	simm.s32 $0x0;
	[sflag:s12] =	ssyncadd.s32 $0xFFFFD8F0  }
0x17: {  	v3 =	vld [tilespmem:s20+$0x2780];
	_ =	sdelay $0x4  }
0x18: {  	vm0 =	vlt.s32 v3, $0x1400  }
0x19: {  	v4 =	vsel vm0, $0x1, v0  }
0x1a: {  	vm1 =	vge.s32 v3, $0x1400;
	(xrf0) =	vadd.scan.msk.s32 $0xffff, v4  }
0x1b: {  	v4 =	vsel vm1, $0x1, v0  }
0x1c: {  	(xrf0) =	vadd.scan.msk.s32 $0xffff, v4;
	_ =	sdelay $0x2  }
0x1d: {  	v4 =	vsel vm0, $0xFFFFFFFF, v0  }
0x1e: {  	v4 =	vadd.s32 s2, v4;
	v5, _, _ =	vpop (xrf0)  }
0x1f: {  	v6 =	vsel vm1, $0xFFFFFFFF, v0;
	v7 =	vadd.s32 v5, v4;
	(v2sf) =	vpush v5, $0xF  }
0x20: {  	s22 =	simm.s32 $0x40;
	v6 =	vadd.s32 s2, v6;
	v8, _, _ =	vpop (xrf0);
	v4 =	vld [tilespmem:s20+$0x0];
	v5 =	vsel vm0, v7, v1  }
0x21: {  	s23 =	simm.s32 $0x80;
	s21 =	simm.s32 $0x0;
	s20 =	simm.s32 $0x0;
	v6 =	vadd.s32 v8, v6;
	(v2sf) =	vpush v8, $0xF  }
.LBB2_2:
0x22: {  	p0 =	sne.s32 s23, $0x9C00;
	v6 =	vsel vm0, v1, v6;
	_ =	sdelay $0x2  }
0x23: {  	[tilespmem:v5+s14+$0x0] =	vst.idx.msk $0xffff, v4  }
0x24: {  	[tilespmem:v5+s15+$0x0] =	vst.idx.msk $0xffff, v3  }
0x25: {  	v3 =	vadd.s32 $0xFFFFEC00, v3;
	[tilespmem:v6+s16+$0x0] =	vst.idx.msk $0xffff, v4  }
0x26: {  	s24 =	sshra.s32 s22, $0x2;
	s22 =	smov.u32 s23;
	[tilespmem:v6+s17+$0x0] =	vst.idx.msk $0xffff, v3  }
0x27: {  	v3 =	vld [tilespmem:s24+$0x2780]  }
0x28: {  	v4 =	vld [tilespmem:s24+$0x0];
	_ =	sdelay $0x3  }
0x29: {  	vm0 =	vlt.s32 v3, $0x1400;
	s24 =	spop (v2sf)  }
0x2a: {  	v5 =	vsel vm0, $0x1, v0;
	s21 =	sadd.s32 s21, s24  }
0x2b: {  	vm1 =	vge.s32 v3, $0x1400;
	(xrf0) =	vadd.scan.msk.s32 $0xffff, v5;
	s24 =	spop (v2sf)  }
0x2c: {  	v5 =	vsel vm1, $0x1, v0;
	s20 =	sadd.s32 s20, s24  }
0x2d: {  	(xrf0) =	vadd.scan.msk.s32 $0xffff, v5;
	_ =	sdelay $0x2  }
.Ltmp0:
0x2e: {  	v5 =	vsel vm0, $0xFFFFFFFF, v0;
	(pc) =	sbr.rel @p0 .LBB2_2-.Ltmp0, $4  }
0x2f: {  	v5 =	vadd.s32 s21, v5;
	v6, _, _ =	vpop (xrf0)  }
0x30: {  	v8 =	vsel vm1, $0xFFFFFFFF, v0;
	v5 =	vadd.s32 v6, v5;
	(v2sf) =	vpush v6, $0xF  }
0x31: {  	v6 =	vadd.s32 s20, v8;
	v5 =	vsel vm0, v5, v1;
	v7, _, _ =	vpop (xrf0)  }
0x32: {  	s23 =	sadd.s32 $0x40, s23;
	v6 =	vadd.s32 v7, v6;
	(v2sf) =	vpush v7, $0xF  }
0x33: {  	_ = 	snop  }
0x34: {  	v6 =	vsel vm0, v1, v6;
	_ =	sdelay $0x2  }
0x35: {  	[tilespmem:v5+s14+$0x0] =	vst.idx.msk $0xffff, v4  }
0x36: {  	[tilespmem:v5+s15+$0x0] =	vst.idx.msk $0xffff, v3  }
0x37: {  	v3 =	vadd.s32 $0xFFFFEC00, v3;
	[tilespmem:v6+s16+$0x0] =	vst.idx.msk $0xffff, v4  }
0x38: {  	s22 =	sshra.s32 s22, $0x2;
	[tilespmem:v6+s17+$0x0] =	vst.idx.msk $0xffff, v3  }
0x39: {  	v3 =	vld [tilespmem:s22+$0x2780];
	_ =	sdelay $0x4  }
0x3a: {  	vm15 =	vlt.s32 v3, $0x1400  }
0x3b: {  	v58 =	vsel vm15, $0x1, v0  }
0x3c: {  	vm1 =	vge.s32 v3, $0x1400;
	(xrf0) =	vadd.scan.msk.s32 $0xffff, v58  }
0x3d: {  	v59 =	vsel vm1, $0x1, v0  }
0x3e: {  	(xrf0) =	vadd.scan.msk.s32 $0xffff, v59;
	_ =	sdelay $0x3  }
0x3f: {  	v60, _, _ =	vpop (xrf0)  }
0x40: {  	(v2sf) =	vpush v60, $0xF  }
0x41: {  	v61, _, _ =	vpop (xrf0)  }
0x42: {  	(v2sf) =	vpush v61, $0xF;
	_ =	sdelay $0x1  }
0x43: {  	s23 =	spop (v2sf)  }
0x44: {  	s21 =	sadd.s32 s21, s23;
	v62 =	vsel vm15, $0xFFFFFFFF, v0  }
0x45: {  	s24 =	spop (v2sf);
	v6 =	vadd.s32 s21, v62  }
0x46: {  	v63 =	vsel vm1, $0xFFFFFFFF, v0;
	s20 =	sadd.s32 s20, s24;
	v4 =	vadd.s32 v60, v6  }
0x47: {  	v7 =	vld [tilespmem:s22+$0x0];
	v6 =	vadd.s32 s20, v63;
	v4 =	vsel vm15, v4, v1  }
0x48: {  	v5 =	vadd.s32 v61, v6  }
0x49: {  	v5 =	vsel vm15, v1, v5;
	_ =	sdelay $0x2  }
0x4a: {  	[tilespmem:v4+s14+$0x0] =	vst.idx.msk $0xffff, v7  }
0x4b: {  	[tilespmem:v4+s15+$0x0] =	vst.idx.msk $0xffff, v3  }
0x4c: {  	v3 =	vadd.s32 $0xFFFFEC00, v3;
	[tilespmem:v5+s16+$0x0] =	vst.idx.msk $0xffff, v7;
	s25 =	spop (v2sf)  }
0x4d: {  	[tilespmem:v5+s17+$0x0] =	vst.idx.msk $0xffff, v3;
	s21 =	sadd.s32 s21, s25  }
0x4e: {  	s26 =	spop (v2sf);
	[tilespmem:s21+$0x4F00] =	vst v0  }
0x4f: {  	s20 =	sadd.s32 s20, s26;
	[tilespmem:s21+$0x7780] =	vst v2  }
0x50: {  	[tilespmem:s20+$0xA000] =	vst v0  }
0x51: {  	[tilespmem:s20+$0xC880] =	vst v2  }
0x52: {  	[tilespmem:s21+$0x4F10] =	vst v0  }
0x53: {  	[tilespmem:s21+$0x7790] =	vst v2  }
0x54: {  	[tilespmem:s20+$0xA010] =	vst v0  }
0x55: {  	[tilespmem:s20+$0xC890] =	vst v2  }
0x56: {  	[tilespmem:s21+$0x4F20] =	vst v0  }
0x57: {  	[tilespmem:s21+$0x77A0] =	vst v2  }
0x58: {  	[tilespmem:s20+$0xA020] =	vst v0  }
0x59: {  	[tilespmem:s20+$0xC8A0] =	vst v2  }
0x5a: {  	[tilespmem:s21+$0x4F30] =	vst v0  }
0x5b: {  	[tilespmem:s21+$0x77B0] =	vst v2  }
0x5c: {  	[tilespmem:s20+$0xA030] =	vst v0  }
0x5d: {  	[tilespmem:s20+$0xC8B0] =	vst v2  }
0x5e: {  	[tilespmem:s21+$0x4F40] =	vst v0  }
0x5f: {  	[tilespmem:s21+$0x77C0] =	vst v2  }
0x60: {  	[tilespmem:s20+$0xA040] =	vst v0  }
0x61: {  	[tilespmem:s20+$0xC8C0] =	vst v2  }
0x62: {  	[tilespmem:s21+$0x4F50] =	vst v0  }
0x63: {  	[tilespmem:s21+$0x77D0] =	vst v2  }
0x64: {  	[tilespmem:s20+$0xA050] =	vst v0  }
0x65: {  	[tilespmem:s20+$0xC8D0] =	vst v2  }
0x66: {  	[tilespmem:s21+$0x4F60] =	vst v0  }
0x67: {  	[tilespmem:s21+$0x77E0] =	vst v2  }
0x68: {  	[tilespmem:s20+$0xA060] =	vst v0  }
0x69: {  	[tilespmem:s20+$0xC8E0] =	vst v2  }
0x6a: {  	[tilespmem:s21+$0x4F70] =	vst v0  }
0x6b: {  	[tilespmem:s21+$0x77F0] =	vst v2  }
0x6c: {  	[tilespmem:s20+$0xA070] =	vst v0  }
0x6d: {  	s21 =	sadd.s32 $0x7F, s21;
	[tilespmem:s20+$0xC8F0] =	vst v2  }
0x6e: {  	[hbm4b:s5+s2] =	stream.linear.scatter [tilespmem:s14], [sflag:$0x1], $0x2810, $0x38;
	[tilespmem:$0xF180] =	vst v63  }
0x6f: {  	s28 =	sand.u32 $0x7F, s21;
	_ =	swait.ge [sflag:s12], $0x2810  }
0x70: {  	s29 =	sshra.s32 s21, $0x1F;
	p1 =	slt.s32 s21, $0x1;
	[sflag:s12] =	ssyncset.done $0x0  }
0x71: {  	s20 =	sadd.s32 $0x7F, s20;
	p0 =	sne.s32 s28, $0x0;
	[sflag:s12] =	ssyncadd.s32 $0xFFFFD7F0  }
0x72: {  	[hbm4b:s6+s2] =	stream.linear.scatter [tilespmem:s15], [sflag:$0x1], $0x2810, $0x38;
	[tilespmem:$0xF180] =	vst v63  }
0x73: {  	s22 =	sshrl.u32 s29, $0x19;
	s30 =	sand.u32 $0x7F, s20;
	_ =	swait.ge [sflag:s12], $0x2810  }
0x74: {  	s31 =	sshra.s32 s20, $0x1F;
	p6 =	slt.s32 s20, $0x1;
	[sflag:s12] =	ssyncset.done $0x0  }
0x75: {  	s21 =	sadd.s32 s22, s21;
	p0 =	por !p1, !p0;
	[sflag:s12] =	ssyncadd.s32 $0xFFFFD7F0  }
0x76: {  	[hbm4b:s7+s2] =	stream.linear.scatter [tilespmem:s16], [sflag:$0x1], $0x2810, $0x38;
	[tilespmem:$0xF180] =	vst v63  }
0x77: {  	s22 =	simm.s32 $0x1;
	p5 =	sne.s32 s30, $0x0;
	_ =	swait.ge [sflag:s12], $0x2810  }
0x78: {  	p0 =	por !p0, !p0;
	s21 =	sshrl.u32 s21, $0x7;
	[sflag:s12] =	ssyncset.done $0x0  }
0x79: {  	s22 =	simm.s32 @!p0 $0x0;
	p0 =	por !p6, !p5;
	[sflag:s12] =	ssyncadd.s32 $0xFFFFD7F0  }
0x7a: {  	[hbm4b:s8+s2] =	stream.linear.scatter [tilespmem:s17], [sflag:$0x1], $0x2810, $0x38;
	[tilespmem:$0xF180] =	vst v63  }
0x7b: {  	s21 =	ssub.s32 s21, s22;
	s22 =	sshrl.u32 s31, $0x19;
	_ =	swait.ge [sflag:s12], $0x2810  }
0x7c: {  	p0 =	por !p0, !p0;
	s21 =	sshll.u32 s21, $0x7;
	[sflag:s12] =	ssyncset.done $0x0  }
0x7d: {  	s20 =	sadd.s32 s22, s20;
	s22 =	simm.s32 $0x1;
	v3 =	vmov s21;
	[sflag:s12] =	ssyncadd.s32 $0xFFFFD7F0  }
0x7e: {  	s20 =	sshrl.u32 s20, $0x7;
	s22 =	simm.s32 @!p0 $0x0;
	[tilespmem:$0xF100] =	vst v3  }
0x7f: {  	[hbm4b:s9+s2] =	stream.linear.scatter [tilespmem:s18], [sflag:$0x1], $0x10, $0x38;
	[tilespmem:$0xF180] =	vst v63  }
0x80: {  	s20 =	ssub.s32 s20, s22;
	_ =	swait.ge [sflag:s12], $0x10  }
0x81: {  	s19 =	sadd.s32 $0x1, s19;
	s20 =	sshll.u32 s20, $0x7;
	[sflag:s12] =	ssyncset.done $0x0  }
0x82: {  	p0 =	sne.s32 s19, s11;
	v3 =	vmov s20;
	[sflag:s12] =	ssyncadd.s32 $0xFFFFFFF0  }
.Ltmp1:
0x83: {  	[tilespmem:$0xF100] =	vst v3;
	(pc) =	sbr.rel @p0 .LBB2_1-.Ltmp1, $4  }
0x84: {  	[hbm4b:s10+s2] =	stream.linear.scatter [tilespmem:s18], [sflag:$0x1], $0x10, $0x38;
	[tilespmem:$0xF180] =	vst v63  }
0x85: {  	_ =	swait.ge [sflag:s12], $0x10  }
0x86: {  	[sflag:s12] =	ssyncset.done $0x0  }
0x87: {  	[sflag:s12] =	ssyncadd.s32 $0xFFFFFFF0  }
0x88: {  	_ =	sfence.sel $0x180000  }
0x89: {  	[bflag:$0x0] =	sbarrier.arrive $0xFFFF  }
0x8a: {  	p0 =	sne.s32 s0, $0x0;
	_ =	strace $0x90000047  }
0x8b: {  	s0 =	sadd.s32 @!p0 $0x100000, s1;
	[bflag:$0x2] =	sbarrier.arrive $0xFFFF  }
0x8c: {  	[sflag:s0] =	ssyncadd.tile.s32 @!p0 $0x1;
	_ =	shalt  }
.Lfunc_end2:
_tile_overlayer_lowered:
.L_overlay_start_2:
0x8d: {  	(tag) =	ssettag $0x2  }
0x8e: {  	s0 =	rddreg [dreg:$0x0];
	s2 =	stileid.u32  }
0x8f: {  	s1 =	rddreg [dreg:$0x1];
	p0 =	sne.s32 s2, $0x0  }
0x90: {  	s3 =	rddreg [dreg:$0x2];
	[bflag:$0x3] =	sbarrier.arrive $0xFFFF;
	s2 =	simm.s32 @!p0 $0x1C01  }
0x91: {  	[timem:s3], [sflag:s2] =	dma.local @!p0 [hbm:s0], s1  }
0x92: {  	s0 =	simm.s32 @!p0 $0x1  }
0x93: {  	_ =	swait.ge @!p0 [sflag:s0], s1  }
0x94: {  	s1 =	ssub.s32 @!p0 $0x0, s1;
	[sflag:s0] =	ssyncset.done @!p0 $0x0  }
0x95: {  	[sflag:s0] =	ssyncadd.s32 @!p0 s1  }
0x96: {  	[bflag:$0x3] =	sbarrier.arrive $0xFFFF  }
0x97: {  	_ =	shalt  }

</sc_bundles>
